<compile_context>
chip_gen: v7x
topology: tpu7x:2x2x1
jax: 0.10.2.dev20260603
libtpu: 0.0.44.dev20260713+nightly
codegen_flags: <defaults>
</compile_context>

<pallas_src>
import jax
import jax.numpy as jnp
from jax import lax
from jax.experimental import pallas as pl
from jax.experimental.pallas import tpu as pltpu
from jax.experimental.pallas import tpu_sc as plsc

N = 10000
E = 320000
D = 128
OUT = 2

NC = 2
NS = 16
NW = NC * NS

CE = E // NW
B = 80
EP = 10240
K = EP // B
KP = K // 2
BC = 80
KC = CE // BC
NP = 10240
RPT = NP // NS
CPT = NP // NS


_MESH = plsc.VectorSubcoreMesh(core_axis_name="c", subcore_axis_name="s")


def _seg_body(h_hbm, src2, dst2, p_out, idx_s, idx_d, rows_a, rows_b,
              acc, sem_a, sem_b):
  cid = lax.axis_index("c")
  sid = lax.axis_index("s")
  wid = cid * NS + sid

  z16 = jnp.zeros((16,), jnp.float32)

  def zstore(i, _):
    rows_a[i // 8, pl.ds((i % 8) * 16, 16)] = z16
    return _

  lax.fori_loop(0, B * 8, zstore, None)
  for q in range(RPT // B):
    pltpu.sync_copy(rows_a, acc.at[pl.ds(sid * RPT + q * B, B), :])
  plsc.subcore_barrier()

  def gather(c, buf, sem):
    return pltpu.async_copy(h_hbm.at[idx_s.at[c]], buf, sem)

  def gwait(c, buf, sem):
    pltpu.make_async_copy(h_hbm.at[idx_s.at[c]], buf, sem).wait()

  def scatter(c, buf):
    pltpu.sync_copy(buf, acc.at[idx_d.at[c]], add=True)

  def pair(t, _):
    i = 2 * t
    gather(i + 1, rows_b, sem_b)
    gwait(i, rows_a, sem_a)
    scatter(i, rows_a)
    gather(i + 2, rows_a, sem_a)
    gwait(i + 1, rows_b, sem_b)
    scatter(i + 1, rows_b)
    return _

  for p in range(K // KP):
    pltpu.sync_copy(src2.at[wid, pl.ds(p * KP, KP), :], idx_s)
    pltpu.sync_copy(dst2.at[wid, pl.ds(p * KP, KP), :], idx_d)
    gather(0, rows_a, sem_a)
    lax.fori_loop(0, KP // 2 - 1, pair, None)
    gather(KP - 1, rows_b, sem_b)
    gwait(KP - 2, rows_a, sem_a)
    scatter(KP - 2, rows_a)
    gwait(KP - 1, rows_b, sem_b)
    scatter(KP - 1, rows_b)

  plsc.subcore_barrier()
  pltpu.sync_copy(acc.at[pl.ds(sid * RPT, RPT), :],
                  p_out.at[cid, pl.ds(sid * RPT, RPT), :])


_sc_seg = pl.kernel(
    _seg_body,
    out_type=(jax.ShapeDtypeStruct((NC, NP, D), jnp.float32),),
    mesh=_MESH,
    scratch_types=[
        pltpu.VMEM((KP, B), jnp.int32),
        pltpu.VMEM((KP, B), jnp.int32),
        pltpu.VMEM((B, D), jnp.float32),
        pltpu.VMEM((B, D), jnp.float32),
        pltpu.VMEM_SHARED((NP, D), jnp.float32),
        pltpu.SemaphoreType.DMA,
        pltpu.SemaphoreType.DMA,
    ])


WNC = 8


def _cnt_body(dst2, zrows, ones_hbm, c_out, idx_d, ones_v, cacc, sem):
  cid = lax.axis_index("c")
  sid = lax.axis_index("s")
  wid = cid * NS + sid

  pltpu.sync_copy(dst2.at[wid], idx_d)
  pltpu.sync_copy(zrows, cacc.at[pl.ds(sid * RPT, RPT), :])
  pltpu.sync_copy(ones_hbm, ones_v)
  plsc.subcore_barrier()

  def fire(c, _):
    pltpu.async_copy(ones_v, cacc.at[idx_d.at[c]], sem, add=True)
    return _

  def fire_drain(c, _):
    pltpu.async_copy(ones_v, cacc.at[idx_d.at[c + WNC]], sem, add=True)
    pltpu.make_async_copy(ones_v, cacc.at[idx_d.at[c]], sem).wait()
    return _

  def drain(c, _):
    pltpu.make_async_copy(ones_v, cacc.at[idx_d.at[c]], sem).wait()
    return _

  lax.fori_loop(0, WNC, fire, None)
  lax.fori_loop(0, KC - WNC, fire_drain, None)
  lax.fori_loop(KC - WNC, KC, drain, None)
  plsc.subcore_barrier()

  pltpu.sync_copy(cacc.at[pl.ds(sid * RPT, RPT), :],
                  c_out.at[cid, pl.ds(sid * RPT, RPT), :])


_sc_counts = pl.kernel(
    _cnt_body,
    out_type=(jax.ShapeDtypeStruct((NC, NP, D), jnp.float32),),
    mesh=_MESH,
    scratch_types=[
        pltpu.VMEM((KC, BC), jnp.int32),
        pltpu.VMEM((BC, D), jnp.float32),
        pltpu.VMEM_SHARED((NP, D), jnp.float32),
        pltpu.SemaphoreType.DMA,
    ])

R = 1024


def _dense0_body(p_ref, c_ref, h_ref, wl_ref, bl_ref, wr_ref, o_ref, inv_ref):
  cnt = c_ref[0][:, 0:1] + c_ref[1][:, 0:1]
  inv = 1.0 / jnp.maximum(cnt, 1.0)
  inv_ref[...] = inv
  agg = (p_ref[0] + p_ref[1]) * inv
  dn = (((1,), (1,)), ((), ()))
  acc = lax.dot_general(agg, wl_ref[...], dn,
                        precision=lax.Precision.HIGHEST,
                        preferred_element_type=jnp.float32)
  acc += lax.dot_general(h_ref[...], wr_ref[...], dn,
                         precision=lax.Precision.HIGHEST,
                         preferred_element_type=jnp.float32)
  acc += bl_ref[...]
  o_ref[...] = jnp.maximum(acc, 0.0)


def _dense_body(p_ref, inv_ref, h_ref, wl_ref, bl_ref, wr_ref, o_ref):
  agg = (p_ref[0] + p_ref[1]) * inv_ref[...]
  dn = (((1,), (1,)), ((), ()))
  acc = lax.dot_general(agg, wl_ref[...], dn,
                        precision=lax.Precision.HIGHEST,
                        preferred_element_type=jnp.float32)
  acc += lax.dot_general(h_ref[...], wr_ref[...], dn,
                         precision=lax.Precision.HIGHEST,
                         preferred_element_type=jnp.float32)
  acc += bl_ref[...]
  o_ref[...] = jnp.maximum(acc, 0.0)


def _final_body(p_ref, inv_ref, h_ref, wl_ref, bl_ref, wr_ref, wo_ref, bo_ref,
                o_ref):
  agg = (p_ref[0] + p_ref[1]) * inv_ref[...]
  dn = (((1,), (1,)), ((), ()))
  acc = lax.dot_general(agg, wl_ref[...], dn,
                        precision=lax.Precision.HIGHEST,
                        preferred_element_type=jnp.float32)
  acc += lax.dot_general(h_ref[...], wr_ref[...], dn,
                         precision=lax.Precision.HIGHEST,
                         preferred_element_type=jnp.float32)
  acc += bl_ref[...]
  o_ref[...] = lax.dot_general(acc, wo_ref[...], dn,
                               precision=lax.Precision.HIGHEST,
                               preferred_element_type=jnp.float32) + bo_ref[...]


_W_SPEC = pl.BlockSpec((D, D), lambda i: (0, 0))
_B_SPEC = pl.BlockSpec((1, D), lambda i: (0, 0))
_P_SPEC = pl.BlockSpec((NC, R, D), lambda i: (0, i, 0))
_C_SPEC = pl.BlockSpec((NC, R, D), lambda i: (0, i, 0))
_H_SPEC = pl.BlockSpec((R, D), lambda i: (i, 0))
_INV_SPEC = pl.BlockSpec((R, 1), lambda i: (i, 0))


def _dense0_layer(P, C, h, Wl, bl, Wr):
  return pl.pallas_call(
      _dense0_body,
      grid=(NP // R,),
      in_specs=[_P_SPEC, _C_SPEC, _H_SPEC, _W_SPEC, _B_SPEC, _W_SPEC],
      out_specs=[_H_SPEC, _INV_SPEC],
      out_shape=[jax.ShapeDtypeStruct((NP, D), jnp.float32),
                 jax.ShapeDtypeStruct((NP, 1), jnp.float32)],
  )(P, C, h, Wl, bl, Wr)


def _dense_layer(P, inv, h, Wl, bl, Wr):
  return pl.pallas_call(
      _dense_body,
      grid=(NP // R,),
      in_specs=[_P_SPEC, _INV_SPEC, _H_SPEC, _W_SPEC, _B_SPEC, _W_SPEC],
      out_specs=_H_SPEC,
      out_shape=jax.ShapeDtypeStruct((NP, D), jnp.float32),
  )(P, inv, h, Wl, bl, Wr)


def _final_layer(P, inv, h, Wl, bl, Wr, Wo, bo):
  return pl.pallas_call(
      _final_body,
      grid=(NP // R,),
      in_specs=[_P_SPEC, _INV_SPEC, _H_SPEC, _W_SPEC, _B_SPEC, _W_SPEC,
                pl.BlockSpec((OUT, D), lambda i: (0, 0)),
                pl.BlockSpec((1, OUT), lambda i: (0, 0))],
      out_specs=pl.BlockSpec((R, OUT), lambda i: (i, 0)),
      out_shape=jax.ShapeDtypeStruct((NP, OUT), jnp.float32),
  )(P, inv, h, Wl, bl, Wr, Wo, bo)


@jax.jit
def kernel(x, edge_index, Wl0, bl0, Wr0, Wl1, bl1, Wr1, Wl2, bl2, Wr2, Wo, bo):
  srcw = edge_index[0].reshape(NW, CE)
  dstw = edge_index[1].reshape(NW, CE)
  pad_iota = jnp.arange(EP - CE, dtype=jnp.int32)
  pad_src = jnp.broadcast_to(pad_iota[None, :] * 41 % N, (NW, EP - CE))
  pad_dst = jnp.broadcast_to(N + pad_iota[None, :], (NW, EP - CE))
  src2 = jnp.concatenate([srcw, pad_src], axis=1).reshape(NW, K, B)
  dst2 = jnp.concatenate([dstw, pad_dst], axis=1).reshape(NW, K, B)
  dst2c = edge_index[1].reshape(NW, KC, BC)
  zrows = jnp.zeros((RPT, D), jnp.float32)
  ones = jnp.ones((BC, D), jnp.float32)
  bl0r, bl1r, bl2r = bl0.reshape(1, D), bl1.reshape(1, D), bl2.reshape(1, D)
  bor = bo.reshape(1, OUT)
  xp = jnp.concatenate([x, jnp.zeros((NP - N, D), jnp.float32)], axis=0)

  (C,) = _sc_counts(dst2c, zrows, ones)
  (P0,) = _sc_seg(xp, src2, dst2)
  h1, inv = _dense0_layer(P0, C, xp, Wl0, bl0r, Wr0)
  (P1,) = _sc_seg(h1, src2, dst2)
  h2 = _dense_layer(P1, inv, h1, Wl1, bl1r, Wr1)
  (P2,) = _sc_seg(h2, src2, dst2)
  return _final_layer(P2, inv, h2, Wl2, bl2r, Wr2, Wo, bor)[:N]

# --- scband reference (transcript-rebuilt; emitter-appended) ---
"""Pipeline reference for scband-graph-sage1-69286412419425 (READ-ONLY COPY).

The authoritative reference and input builder live on the scoring server;
editing this copy changes nothing except your own understanding.
"""

import jax, jax.numpy as jnp
import numpy as np

N = 10000
E = 320000
D = 128
H = 128
EMB = 128
OUT = 2


def setup_inputs(seed: int = 0) -> dict:
    key = jax.random.key(seed)
    ks = jax.random.split(key, 14)
    x = jax.random.normal(ks[0], (N, D), dtype=jnp.float32)
    edge_index = jax.random.randint(ks[1], (2, E), 0, N, dtype=jnp.int32)
    s = 0.05
    return {
        'x': x,
        'edge_index': edge_index,
        'Wl0': jax.random.normal(ks[2], (H, D), dtype=jnp.float32) * s,
        'bl0': jnp.zeros((H,), dtype=jnp.float32),
        'Wr0': jax.random.normal(ks[3], (H, D), dtype=jnp.float32) * s,
        'Wl1': jax.random.normal(ks[4], (H, H), dtype=jnp.float32) * s,
        'bl1': jnp.zeros((H,), dtype=jnp.float32),
        'Wr1': jax.random.normal(ks[5], (H, H), dtype=jnp.float32) * s,
        'Wl2': jax.random.normal(ks[6], (EMB, H), dtype=jnp.float32) * s,
        'bl2': jnp.zeros((EMB,), dtype=jnp.float32),
        'Wr2': jax.random.normal(ks[7], (EMB, H), dtype=jnp.float32) * s,
        'Wo': jax.random.normal(ks[8], (OUT, EMB), dtype=jnp.float32) * s,
        'bo': jnp.zeros((OUT,), dtype=jnp.float32),
    }


def _sage_conv(h, edge_index, Wl, bl, Wr):
    # PyG SAGEConv (aggr='mean', root_weight=True):
    #   out = lin_l(mean_{j in N(i)} x_j) + lin_r(x_i)
    src = edge_index[0]
    dst = edge_index[1]
    msg = h[src]  # gather source-node features per edge
    agg_sum = jax.ops.segment_sum(msg, dst, num_segments=N)
    cnt = jax.ops.segment_sum(jnp.ones((msg.shape[0], 1), dtype=jnp.float32), dst, num_segments=N)
    agg = agg_sum / jnp.maximum(cnt, 1.0)
    return agg @ Wl.T + bl + h @ Wr.T


def reference(x, edge_index, Wl0, bl0, Wr0, Wl1, bl1, Wr1, Wl2, bl2, Wr2, Wo, bo):
    # x_dict = {'transaction': x}; edge_index_dict = {'transaction': edge_index}
    # dropout_rate = 0.0 -> identity
    h = _sage_conv(x, edge_index, Wl0, bl0, Wr0)
    h = jax.nn.relu(h)
    h = _sage_conv(h, edge_index, Wl1, bl1, Wr1)
    h = jax.nn.relu(h)
    h = _sage_conv(h, edge_index, Wl2, bl2, Wr2)
    out = h @ Wo.T + bo
    return out

if __name__ == "__main__":
    import jax
    _d = setup_inputs()
    print(jax.jit(kernel)(*tuple(_d.values())))

</pallas_src>

<mosaic_0001>
#map = affine_map<(d0, d1) -> (0, 0)>
#map1 = affine_map<(d0, d1) -> (0, 0, 0)>
module attributes {stable_mosaic.version = 14 : i64} {
  func.func @_seg_body(%arg0: i32, %arg1: i32, %arg2: memref<10240x128xf32, #tpu.memory_space<hbm>>, %arg3: memref<32x128x80xi32, #tpu.memory_space<hbm>>, %arg4: memref<32x128x80xi32, #tpu.memory_space<hbm>>, %arg5: memref<2x10240x128xf32, #tpu.memory_space<hbm>>, %arg6: memref<64x80xi32, #tpu.memory_space<vmem>>, %arg7: memref<64x80xi32, #tpu.memory_space<vmem>>, %arg8: memref<80x128xf32, #tpu.memory_space<vmem>>, %arg9: memref<80x128xf32, #tpu.memory_space<vmem>>, %arg10: memref<10240x128xf32, #tpu.memory_space<vmem_shared>>, %arg11: memref<!tpu.dma_semaphore, #tpu.memory_space<semaphore_mem>>, %arg12: memref<!tpu.dma_semaphore, #tpu.memory_space<semaphore_mem>>) attributes {dimension_semantics = [#tpu.dimension_semantics<core_parallel>, #tpu.dimension_semantics<subcore_parallel>], iteration_bounds = array<i64: 2, 16>, scalar_prefetch = 0 : i64, scratch_operands = 7 : i64, tpu.core_type = #tpu.core_type<sc_vector_subcore>, window_params = [{transform_indices = #map}, {transform_indices = #map1}, {transform_indices = #map1}, {transform_indices = #map1}]} {
    %mul3A = arith.constant 16 : i32
    %mul3A_0 = arith.muli %arg0, %mul3A : i32
    %add3A = arith.addi %mul3A_0, %arg1 : i32
    %broadcast_in_dim3A = arith.constant 0.000000e+00 : f32
    %broadcast_in_dim3A_1 = vector.broadcast %broadcast_in_dim3A : f32 to vector<16xf32>
    %scan3A = arith.constant 0 : i32
    %scan3A_2 = arith.constant 640 : i32
    %scan3A_3 = arith.addi %scan3A, %scan3A_2 : i32
    %scan3A_4 = arith.constant 1 : i32
    scf.for %scan3A_110 = %scan3A to %scan3A_3 step %scan3A_4  : i32 {
      %jit3A = arith.constant 8 : i32
      %div3A = arith.divsi %scan3A_110, %jit3A : i32
      %sign3A = arith.constant 0 : i32
      %sign3A_111 = arith.cmpi sgt, %scan3A_110, %sign3A : i32
      %sign3A_112 = arith.extui %sign3A_111 : i1 to i32
      %sign3A_113 = arith.constant 0 : i32
      %sign3A_114 = arith.cmpi slt, %scan3A_110, %sign3A_113 : i32
      %sign3A_115 = arith.extui %sign3A_114 : i1 to i32
      %sign3A_116 = arith.subi %sign3A_112, %sign3A_115 : i32
      %sign3A_117 = arith.constant 0 : i32
      %sign3A_118 = arith.cmpi sgt, %jit3A, %sign3A_117 : i32
      %sign3A_119 = arith.extui %sign3A_118 : i1 to i32
      %sign3A_120 = arith.constant 0 : i32
      %sign3A_121 = arith.cmpi slt, %jit3A, %sign3A_120 : i32
      %sign3A_122 = arith.extui %sign3A_121 : i1 to i32
      %sign3A_123 = arith.subi %sign3A_119, %sign3A_122 : i32
      %ne3A = arith.cmpi ne, %sign3A_116, %sign3A_123 : i32
      %rem3A = arith.remsi %scan3A_110, %jit3A : i32
      %ne3A_124 = arith.constant 0 : i32
      %ne3A_125 = arith.cmpi ne, %rem3A, %ne3A_124 : i32
      %and3A = arith.andi %ne3A, %ne3A_125 : i1
      %sub3A = arith.constant 1 : i32
      %sub3A_126 = arith.subi %div3A, %sub3A : i32
      %select_n3A = arith.select %and3A, %sub3A_126, %div3A : i32
      %jit3A_127 = arith.constant 8 : i32
      %eq3A = arith.constant 0 : i32
      %eq3A_128 = arith.cmpi eq, %jit3A_127, %eq3A : i32
      %jit3A_129 = arith.constant 1 : i32
      %select_n3A_130 = arith.select %eq3A_128, %jit3A_129, %jit3A_127 : i32
      %rem3A_131 = arith.remsi %scan3A_110, %select_n3A_130 : i32
      %ne3A_132 = arith.constant 0 : i32
      %ne3A_133 = arith.cmpi ne, %rem3A_131, %ne3A_132 : i32
      %lt3A = arith.constant 0 : i32
      %lt3A_134 = arith.cmpi slt, %rem3A_131, %lt3A : i32
      %lt3A_135 = arith.constant 0 : i32
      %lt3A_136 = arith.cmpi slt, %select_n3A_130, %lt3A_135 : i32
      %ne3A_137 = arith.xori %lt3A_134, %lt3A_136 : i1
      %and3A_138 = arith.andi %ne3A_137, %ne3A_133 : i1
      %add3A_139 = arith.addi %rem3A_131, %select_n3A_130 : i32
      %select_n3A_140 = arith.select %and3A_138, %add3A_139, %rem3A_131 : i32
      %mul3A_141 = arith.constant 16 : i32
      %mul3A_142 = arith.muli %select_n3A_140, %mul3A_141 : i32
      %swap3A = arith.index_cast %select_n3A : i32 to index
      %swap3A_143 = arith.index_cast %mul3A_142 : i32 to index
      %swap3A_144 = tpu.vector_load %arg8[%swap3A, %swap3A_143] {strides = array<i32>} : memref<80x128xf32, #tpu.memory_space<vmem>>, vector<1x16xf32>,
      %swap3A_145 = vector.shape_cast %swap3A_144 : vector<1x16xf32> to vector<16xf32>
      %swap3A_146 = vector.shape_cast %broadcast_in_dim3A_1 : vector<16xf32> to vector<1x16xf32>
      tpu.vector_store %arg8[%swap3A, %swap3A_143], %swap3A_146 {strides = array<i32>} : memref<80x128xf32, #tpu.memory_space<vmem>>, vector<1x16xf32>,
    }
    %scan3A_5 = arith.constant 640 : i32
    %mul3A_6 = arith.constant 640 : i32
    %mul3A_7 = arith.muli %arg1, %mul3A_6 : i32
    %add3A_8 = arith.constant 0 : i32
    %add3A_9 = arith.addi %mul3A_7, %add3A_8 : i32
    "tpu.region"() ({
      %run_scoped3A_110 = tpu.sem_alloc : memref<!tpu.dma_semaphore, #tpu.memory_space<semaphore_mem>>
      %dma_start3A_111 = arith.constant 0 : i32
      %dma_start3A_112 = tpu.memref_slice %arg10[%add3A_9, %dma_start3A_111] : memref<10240x128xf32, #tpu.memory_space<vmem_shared>> -> memref<80x128xf32, #tpu.memory_space<vmem_shared>>
      %dma_start3A_113 = arith.constant 0 : i32
      %dma_start3A_114 = tpu.memref_slice %arg10[%add3A_9, %dma_start3A_113] : memref<10240x128xf32, #tpu.memory_space<vmem_shared>> -> memref<80x128xf32, #tpu.memory_space<vmem_shared>>
      tpu.enqueue_dma source(%arg8 : memref<80x128xf32, #tpu.memory_space<vmem>>) target(%dma_start3A_114 : memref<80x128xf32, #tpu.memory_space<vmem_shared>>) target_semaphore(%run_scoped3A_110 : memref<!tpu.dma_semaphore, #tpu.memory_space<semaphore_mem>>)
      %dma_wait3A_115 = arith.constant 0 : i32
      %dma_wait3A_116 = tpu.memref_slice %arg10[%add3A_9, %dma_wait3A_115] : memref<10240x128xf32, #tpu.memory_space<vmem_shared>> -> memref<80x128xf32, #tpu.memory_space<vmem_shared>>
      %dma_wait3A_117 = arith.constant 0 : i32
      %dma_wait3A_118 = tpu.memref_slice %arg10[%add3A_9, %dma_wait3A_117] : memref<10240x128xf32, #tpu.memory_space<vmem_shared>> -> memref<80x128xf32, #tpu.memory_space<vmem_shared>>
      tpu.wait_dma2 semaphore(%run_scoped3A_110 : memref<!tpu.dma_semaphore, #tpu.memory_space<semaphore_mem>>) src(%arg8 : memref<80x128xf32, #tpu.memory_space<vmem>>) dst(%dma_wait3A_118 : memref<80x128xf32, #tpu.memory_space<vmem_shared>>)
      tpu.yield
    }) : () -> ()
    %mul3A_10 = arith.constant 640 : i32
    %mul3A_11 = arith.muli %arg1, %mul3A_10 : i32
    %add3A_12 = arith.constant 80 : i32
    %add3A_13 = arith.addi %mul3A_11, %add3A_12 : i32
    "tpu.region"() ({
      %run_scoped3A_110 = tpu.sem_alloc : memref<!tpu.dma_semaphore, #tpu.memory_space<semaphore_mem>>
      %dma_start3A_111 = arith.constant 0 : i32
      %dma_start3A_112 = tpu.memref_slice %arg10[%add3A_13, %dma_start3A_111] : memref<10240x128xf32, #tpu.memory_space<vmem_shared>> -> memref<80x128xf32, #tpu.memory_space<vmem_shared>>
      %dma_start3A_113 = arith.constant 0 : i32
      %dma_start3A_114 = tpu.memref_slice %arg10[%add3A_13, %dma_start3A_113] : memref<10240x128xf32, #tpu.memory_space<vmem_shared>> -> memref<80x128xf32, #tpu.memory_space<vmem_shared>>
      tpu.enqueue_dma source(%arg8 : memref<80x128xf32, #tpu.memory_space<vmem>>) target(%dma_start3A_114 : memref<80x128xf32, #tpu.memory_space<vmem_shared>>) target_semaphore(%run_scoped3A_110 : memref<!tpu.dma_semaphore, #tpu.memory_space<semaphore_mem>>)
      %dma_wait3A_115 = arith.constant 0 : i32
      %dma_wait3A_116 = tpu.memref_slice %arg10[%add3A_13, %dma_wait3A_115] : memref<10240x128xf32, #tpu.memory_space<vmem_shared>> -> memref<80x128xf32, #tpu.memory_space<vmem_shared>>
      %dma_wait3A_117 = arith.constant 0 : i32
      %dma_wait3A_118 = tpu.memref_slice %arg10[%add3A_13, %dma_wait3A_117] : memref<10240x128xf32, #tpu.memory_space<vmem_shared>> -> memref<80x128xf32, #tpu.memory_space<vmem_shared>>
      tpu.wait_dma2 semaphore(%run_scoped3A_110 : memref<!tpu.dma_semaphore, #tpu.memory_space<semaphore_mem>>) src(%arg8 : memref<80x128xf32, #tpu.memory_space<vmem>>) dst(%dma_wait3A_118 : memref<80x128xf32, #tpu.memory_space<vmem_shared>>)
      tpu.yield
    }) : () -> ()
    %mul3A_14 = arith.constant 640 : i32
    %mul3A_15 = arith.muli %arg1, %mul3A_14 : i32
    %add3A_16 = arith.constant 160 : i32
    %add3A_17 = arith.addi %mul3A_15, %add3A_16 : i32
    "tpu.region"() ({
      %run_scoped3A_110 = tpu.sem_alloc : memref<!tpu.dma_semaphore, #tpu.memory_space<semaphore_mem>>
      %dma_start3A_111 = arith.constant 0 : i32
      %dma_start3A_112 = tpu.memref_slice %arg10[%add3A_17, %dma_start3A_111] : memref<10240x128xf32, #tpu.memory_space<vmem_shared>> -> memref<80x128xf32, #tpu.memory_space<vmem_shared>>
      %dma_start3A_113 = arith.constant 0 : i32
      %dma_start3A_114 = tpu.memref_slice %arg10[%add3A_17, %dma_start3A_113] : memref<10240x128xf32, #tpu.memory_space<vmem_shared>> -> memref<80x128xf32, #tpu.memory_space<vmem_shared>>
      tpu.enqueue_dma source(%arg8 : memref<80x128xf32, #tpu.memory_space<vmem>>) target(%dma_start3A_114 : memref<80x128xf32, #tpu.memory_space<vmem_shared>>) target_semaphore(%run_scoped3A_110 : memref<!tpu.dma_semaphore, #tpu.memory_space<semaphore_mem>>)
      %dma_wait3A_115 = arith.constant 0 : i32
      %dma_wait3A_116 = tpu.memref_slice %arg10[%add3A_17, %dma_wait3A_115] : memref<10240x128xf32, #tpu.memory_space<vmem_shared>> -> memref<80x128xf32, #tpu.memory_space<vmem_shared>>
      %dma_wait3A_117 = arith.constant 0 : i32
      %dma_wait3A_118 = tpu.memref_slice %arg10[%add3A_17, %dma_wait3A_117] : memref<10240x128xf32, #tpu.memory_space<vmem_shared>> -> memref<80x128xf32, #tpu.memory_space<vmem_shared>>
      tpu.wait_dma2 semaphore(%run_scoped3A_110 : memref<!tpu.dma_semaphore, #tpu.memory_space<semaphore_mem>>) src(%arg8 : memref<80x128xf32, #tpu.memory_space<vmem>>) dst(%dma_wait3A_118 : memref<80x128xf32, #tpu.memory_space<vmem_shared>>)
      tpu.yield
    }) : () -> ()
    %mul3A_18 = arith.constant 640 : i32
    %mul3A_19 = arith.muli %arg1, %mul3A_18 : i32
    %add3A_20 = arith.constant 240 : i32
    %add3A_21 = arith.addi %mul3A_19, %add3A_20 : i32
    "tpu.region"() ({
      %run_scoped3A_110 = tpu.sem_alloc : memref<!tpu.dma_semaphore, #tpu.memory_space<semaphore_mem>>
      %dma_start3A_111 = arith.constant 0 : i32
      %dma_start3A_112 = tpu.memref_slice %arg10[%add3A_21, %dma_start3A_111] : memref<10240x128xf32, #tpu.memory_space<vmem_shared>> -> memref<80x128xf32, #tpu.memory_space<vmem_shared>>
      %dma_start3A_113 = arith.constant 0 : i32
      %dma_start3A_114 = tpu.memref_slice %arg10[%add3A_21, %dma_start3A_113] : memref<10240x128xf32, #tpu.memory_space<vmem_shared>> -> memref<80x128xf32, #tpu.memory_space<vmem_shared>>
      tpu.enqueue_dma source(%arg8 : memref<80x128xf32, #tpu.memory_space<vmem>>) target(%dma_start3A_114 : memref<80x128xf32, #tpu.memory_space<vmem_shared>>) target_semaphore(%run_scoped3A_110 : memref<!tpu.dma_semaphore, #tpu.memory_space<semaphore_mem>>)
      %dma_wait3A_115 = arith.constant 0 : i32
      %dma_wait3A_116 = tpu.memref_slice %arg10[%add3A_21, %dma_wait3A_115] : memref<10240x128xf32, #tpu.memory_space<vmem_shared>> -> memref<80x128xf32, #tpu.memory_space<vmem_shared>>
      %dma_wait3A_117 = arith.constant 0 : i32
      %dma_wait3A_118 = tpu.memref_slice %arg10[%add3A_21, %dma_wait3A_117] : memref<10240x128xf32, #tpu.memory_space<vmem_shared>> -> memref<80x128xf32, #tpu.memory_space<vmem_shared>>
      tpu.wait_dma2 semaphore(%run_scoped3A_110 : memref<!tpu.dma_semaphore, #tpu.memory_space<semaphore_mem>>) src(%arg8 : memref<80x128xf32, #tpu.memory_space<vmem>>) dst(%dma_wait3A_118 : memref<80x128xf32, #tpu.memory_space<vmem_shared>>)
      tpu.yield
    }) : () -> ()
    %mul3A_22 = arith.constant 640 : i32
    %mul3A_23 = arith.muli %arg1, %mul3A_22 : i32
    %add3A_24 = arith.constant 320 : i32
    %add3A_25 = arith.addi %mul3A_23, %add3A_24 : i32
    "tpu.region"() ({
      %run_scoped3A_110 = tpu.sem_alloc : memref<!tpu.dma_semaphore, #tpu.memory_space<semaphore_mem>>
      %dma_start3A_111 = arith.constant 0 : i32
      %dma_start3A_112 = tpu.memref_slice %arg10[%add3A_25, %dma_start3A_111] : memref<10240x128xf32, #tpu.memory_space<vmem_shared>> -> memref<80x128xf32, #tpu.memory_space<vmem_shared>>
      %dma_start3A_113 = arith.constant 0 : i32
      %dma_start3A_114 = tpu.memref_slice %arg10[%add3A_25, %dma_start3A_113] : memref<10240x128xf32, #tpu.memory_space<vmem_shared>> -> memref<80x128xf32, #tpu.memory_space<vmem_shared>>
      tpu.enqueue_dma source(%arg8 : memref<80x128xf32, #tpu.memory_space<vmem>>) target(%dma_start3A_114 : memref<80x128xf32, #tpu.memory_space<vmem_shared>>) target_semaphore(%run_scoped3A_110 : memref<!tpu.dma_semaphore, #tpu.memory_space<semaphore_mem>>)
      %dma_wait3A_115 = arith.constant 0 : i32
      %dma_wait3A_116 = tpu.memref_slice %arg10[%add3A_25, %dma_wait3A_115] : memref<10240x128xf32, #tpu.memory_space<vmem_shared>> -> memref<80x128xf32, #tpu.memory_space<vmem_shared>>
      %dma_wait3A_117 = arith.constant 0 : i32
      %dma_wait3A_118 = tpu.memref_slice %arg10[%add3A_25, %dma_wait3A_117] : memref<10240x128xf32, #tpu.memory_space<vmem_shared>> -> memref<80x128xf32, #tpu.memory_space<vmem_shared>>
      tpu.wait_dma2 semaphore(%run_scoped3A_110 : memref<!tpu.dma_semaphore, #tpu.memory_space<semaphore_mem>>) src(%arg8 : memref<80x128xf32, #tpu.memory_space<vmem>>) dst(%dma_wait3A_118 : memref<80x128xf32, #tpu.memory_space<vmem_shared>>)
      tpu.yield
    }) : () -> ()
    %mul3A_26 = arith.constant 640 : i32
    %mul3A_27 = arith.muli %arg1, %mul3A_26 : i32
    %add3A_28 = arith.constant 400 : i32
    %add3A_29 = arith.addi %mul3A_27, %add3A_28 : i32
    "tpu.region"() ({
      %run_scoped3A_110 = tpu.sem_alloc : memref<!tpu.dma_semaphore, #tpu.memory_space<semaphore_mem>>
      %dma_start3A_111 = arith.constant 0 : i32
      %dma_start3A_112 = tpu.memref_slice %arg10[%add3A_29, %dma_start3A_111] : memref<10240x128xf32, #tpu.memory_space<vmem_shared>> -> memref<80x128xf32, #tpu.memory_space<vmem_shared>>
      %dma_start3A_113 = arith.constant 0 : i32
      %dma_start3A_114 = tpu.memref_slice %arg10[%add3A_29, %dma_start3A_113] : memref<10240x128xf32, #tpu.memory_space<vmem_shared>> -> memref<80x128xf32, #tpu.memory_space<vmem_shared>>
      tpu.enqueue_dma source(%arg8 : memref<80x128xf32, #tpu.memory_space<vmem>>) target(%dma_start3A_114 : memref<80x128xf32, #tpu.memory_space<vmem_shared>>) target_semaphore(%run_scoped3A_110 : memref<!tpu.dma_semaphore, #tpu.memory_space<semaphore_mem>>)
      %dma_wait3A_115 = arith.constant 0 : i32
      %dma_wait3A_116 = tpu.memref_slice %arg10[%add3A_29, %dma_wait3A_115] : memref<10240x128xf32, #tpu.memory_space<vmem_shared>> -> memref<80x128xf32, #tpu.memory_space<vmem_shared>>
      %dma_wait3A_117 = arith.constant 0 : i32
      %dma_wait3A_118 = tpu.memref_slice %arg10[%add3A_29, %dma_wait3A_117] : memref<10240x128xf32, #tpu.memory_space<vmem_shared>> -> memref<80x128xf32, #tpu.memory_space<vmem_shared>>
      tpu.wait_dma2 semaphore(%run_scoped3A_110 : memref<!tpu.dma_semaphore, #tpu.memory_space<semaphore_mem>>) src(%arg8 : memref<80x128xf32, #tpu.memory_space<vmem>>) dst(%dma_wait3A_118 : memref<80x128xf32, #tpu.memory_space<vmem_shared>>)
      tpu.yield
    }) : () -> ()
    %mul3A_30 = arith.constant 640 : i32
    %mul3A_31 = arith.muli %arg1, %mul3A_30 : i32
    %add3A_32 = arith.constant 480 : i32
    %add3A_33 = arith.addi %mul3A_31, %add3A_32 : i32
    "tpu.region"() ({
      %run_scoped3A_110 = tpu.sem_alloc : memref<!tpu.dma_semaphore, #tpu.memory_space<semaphore_mem>>
      %dma_start3A_111 = arith.constant 0 : i32
      %dma_start3A_112 = tpu.memref_slice %arg10[%add3A_33, %dma_start3A_111] : memref<10240x128xf32, #tpu.memory_space<vmem_shared>> -> memref<80x128xf32, #tpu.memory_space<vmem_shared>>
      %dma_start3A_113 = arith.constant 0 : i32
      %dma_start3A_114 = tpu.memref_slice %arg10[%add3A_33, %dma_start3A_113] : memref<10240x128xf32, #tpu.memory_space<vmem_shared>> -> memref<80x128xf32, #tpu.memory_space<vmem_shared>>
      tpu.enqueue_dma source(%arg8 : memref<80x128xf32, #tpu.memory_space<vmem>>) target(%dma_start3A_114 : memref<80x128xf32, #tpu.memory_space<vmem_shared>>) target_semaphore(%run_scoped3A_110 : memref<!tpu.dma_semaphore, #tpu.memory_space<semaphore_mem>>)
      %dma_wait3A_115 = arith.constant 0 : i32
      %dma_wait3A_116 = tpu.memref_slice %arg10[%add3A_33, %dma_wait3A_115] : memref<10240x128xf32, #tpu.memory_space<vmem_shared>> -> memref<80x128xf32, #tpu.memory_space<vmem_shared>>
      %dma_wait3A_117 = arith.constant 0 : i32
      %dma_wait3A_118 = tpu.memref_slice %arg10[%add3A_33, %dma_wait3A_117] : memref<10240x128xf32, #tpu.memory_space<vmem_shared>> -> memref<80x128xf32, #tpu.memory_space<vmem_shared>>
      tpu.wait_dma2 semaphore(%run_scoped3A_110 : memref<!tpu.dma_semaphore, #tpu.memory_space<semaphore_mem>>) src(%arg8 : memref<80x128xf32, #tpu.memory_space<vmem>>) dst(%dma_wait3A_118 : memref<80x128xf32, #tpu.memory_space<vmem_shared>>)
      tpu.yield
    }) : () -> ()
    %mul3A_34 = arith.constant 640 : i32
    %mul3A_35 = arith.muli %arg1, %mul3A_34 : i32
    %add3A_36 = arith.constant 560 : i32
    %add3A_37 = arith.addi %mul3A_35, %add3A_36 : i32
    "tpu.region"() ({
      %run_scoped3A_110 = tpu.sem_alloc : memref<!tpu.dma_semaphore, #tpu.memory_space<semaphore_mem>>
      %dma_start3A_111 = arith.constant 0 : i32
      %dma_start3A_112 = tpu.memref_slice %arg10[%add3A_37, %dma_start3A_111] : memref<10240x128xf32, #tpu.memory_space<vmem_shared>> -> memref<80x128xf32, #tpu.memory_space<vmem_shared>>
      %dma_start3A_113 = arith.constant 0 : i32
      %dma_start3A_114 = tpu.memref_slice %arg10[%add3A_37, %dma_start3A_113] : memref<10240x128xf32, #tpu.memory_space<vmem_shared>> -> memref<80x128xf32, #tpu.memory_space<vmem_shared>>
      tpu.enqueue_dma source(%arg8 : memref<80x128xf32, #tpu.memory_space<vmem>>) target(%dma_start3A_114 : memref<80x128xf32, #tpu.memory_space<vmem_shared>>) target_semaphore(%run_scoped3A_110 : memref<!tpu.dma_semaphore, #tpu.memory_space<semaphore_mem>>)
      %dma_wait3A_115 = arith.constant 0 : i32
      %dma_wait3A_116 = tpu.memref_slice %arg10[%add3A_37, %dma_wait3A_115] : memref<10240x128xf32, #tpu.memory_space<vmem_shared>> -> memref<80x128xf32, #tpu.memory_space<vmem_shared>>
      %dma_wait3A_117 = arith.constant 0 : i32
      %dma_wait3A_118 = tpu.memref_slice %arg10[%add3A_37, %dma_wait3A_117] : memref<10240x128xf32, #tpu.memory_space<vmem_shared>> -> memref<80x128xf32, #tpu.memory_space<vmem_shared>>
      tpu.wait_dma2 semaphore(%run_scoped3A_110 : memref<!tpu.dma_semaphore, #tpu.memory_space<semaphore_mem>>) src(%arg8 : memref<80x128xf32, #tpu.memory_space<vmem>>) dst(%dma_wait3A_118 : memref<80x128xf32, #tpu.memory_space<vmem_shared>>)
      tpu.yield
    }) : () -> ()
    %barrier3A = arith.constant 0 : index
    tpu.barrier barrier_id(%barrier3A)
    "tpu.region"() ({
      %run_scoped3A_110 = tpu.sem_alloc : memref<!tpu.dma_semaphore, #tpu.memory_space<semaphore_mem>>
      %dma_start3A_111 = arith.constant 0 : i32
      %dma_start3A_112 = arith.constant 0 : i32
      %dma_start3A_113 = tpu.memref_slice %arg3[%add3A, %dma_start3A_111, %dma_start3A_112] : memref<32x128x80xi32, #tpu.memory_space<hbm>> -> memref<1x64x80xi32, #tpu.memory_space<hbm>>
      %dma_start3A_114 = tpu.memref_squeeze %dma_start3A_113 : memref<1x64x80xi32, #tpu.memory_space<hbm>> -> memref<64x80xi32, #tpu.memory_space<hbm>>
      %dma_start3A_115 = arith.constant 0 : i32
      %dma_start3A_116 = arith.constant 0 : i32
      %dma_start3A_117 = tpu.memref_slice %arg3[%add3A, %dma_start3A_115, %dma_start3A_116] : memref<32x128x80xi32, #tpu.memory_space<hbm>> -> memref<1x64x80xi32, #tpu.memory_space<hbm>>
      %dma_start3A_118 = tpu.memref_squeeze %dma_start3A_117 : memref<1x64x80xi32, #tpu.memory_space<hbm>> -> memref<64x80xi32, #tpu.memory_space<hbm>>
      tpu.enqueue_dma source(%dma_start3A_118 : memref<64x80xi32, #tpu.memory_space<hbm>>) target(%arg6 : memref<64x80xi32, #tpu.memory_space<vmem>>) target_semaphore(%run_scoped3A_110 : memref<!tpu.dma_semaphore, #tpu.memory_space<semaphore_mem>>)
      %dma_wait3A_119 = arith.constant 0 : i32
      %dma_wait3A_120 = arith.constant 0 : i32
      %dma_wait3A_121 = tpu.memref_slice %arg3[%add3A, %dma_wait3A_119, %dma_wait3A_120] : memref<32x128x80xi32, #tpu.memory_space<hbm>> -> memref<1x64x80xi32, #tpu.memory_space<hbm>>
      %dma_wait3A_122 = tpu.memref_squeeze %dma_wait3A_121 : memref<1x64x80xi32, #tpu.memory_space<hbm>> -> memref<64x80xi32, #tpu.memory_space<hbm>>
      %dma_wait3A_123 = arith.constant 0 : i32
      %dma_wait3A_124 = arith.constant 0 : i32
      %dma_wait3A_125 = tpu.memref_slice %arg3[%add3A, %dma_wait3A_123, %dma_wait3A_124] : memref<32x128x80xi32, #tpu.memory_space<hbm>> -> memref<1x64x80xi32, #tpu.memory_space<hbm>>
      %dma_wait3A_126 = tpu.memref_squeeze %dma_wait3A_125 : memref<1x64x80xi32, #tpu.memory_space<hbm>> -> memref<64x80xi32, #tpu.memory_space<hbm>>
      tpu.wait_dma2 semaphore(%run_scoped3A_110 : memref<!tpu.dma_semaphore, #tpu.memory_space<semaphore_mem>>) src(%dma_wait3A_126 : memref<64x80xi32, #tpu.memory_space<hbm>>) dst(%arg6 : memref<64x80xi32, #tpu.memory_space<vmem>>)
      tpu.yield
    }) : () -> ()
    "tpu.region"() ({
      %run_scoped3A_110 = tpu.sem_alloc : memref<!tpu.dma_semaphore, #tpu.memory_space<semaphore_mem>>
      %dma_start3A_111 = arith.constant 0 : i32
      %dma_start3A_112 = arith.constant 0 : i32
      %dma_start3A_113 = tpu.memref_slice %arg4[%add3A, %dma_start3A_111, %dma_start3A_112] : memref<32x128x80xi32, #tpu.memory_space<hbm>> -> memref<1x64x80xi32, #tpu.memory_space<hbm>>
      %dma_start3A_114 = tpu.memref_squeeze %dma_start3A_113 : memref<1x64x80xi32, #tpu.memory_space<hbm>> -> memref<64x80xi32, #tpu.memory_space<hbm>>
      %dma_start3A_115 = arith.constant 0 : i32
      %dma_start3A_116 = arith.constant 0 : i32
      %dma_start3A_117 = tpu.memref_slice %arg4[%add3A, %dma_start3A_115, %dma_start3A_116] : memref<32x128x80xi32, #tpu.memory_space<hbm>> -> memref<1x64x80xi32, #tpu.memory_space<hbm>>
      %dma_start3A_118 = tpu.memref_squeeze %dma_start3A_117 : memref<1x64x80xi32, #tpu.memory_space<hbm>> -> memref<64x80xi32, #tpu.memory_space<hbm>>
      tpu.enqueue_dma source(%dma_start3A_118 : memref<64x80xi32, #tpu.memory_space<hbm>>) target(%arg7 : memref<64x80xi32, #tpu.memory_space<vmem>>) target_semaphore(%run_scoped3A_110 : memref<!tpu.dma_semaphore, #tpu.memory_space<semaphore_mem>>)
      %dma_wait3A_119 = arith.constant 0 : i32
      %dma_wait3A_120 = arith.constant 0 : i32
      %dma_wait3A_121 = tpu.memref_slice %arg4[%add3A, %dma_wait3A_119, %dma_wait3A_120] : memref<32x128x80xi32, #tpu.memory_space<hbm>> -> memref<1x64x80xi32, #tpu.memory_space<hbm>>
      %dma_wait3A_122 = tpu.memref_squeeze %dma_wait3A_121 : memref<1x64x80xi32, #tpu.memory_space<hbm>> -> memref<64x80xi32, #tpu.memory_space<hbm>>
      %dma_wait3A_123 = arith.constant 0 : i32
      %dma_wait3A_124 = arith.constant 0 : i32
      %dma_wait3A_125 = tpu.memref_slice %arg4[%add3A, %dma_wait3A_123, %dma_wait3A_124] : memref<32x128x80xi32, #tpu.memory_space<hbm>> -> memref<1x64x80xi32, #tpu.memory_space<hbm>>
      %dma_wait3A_126 = tpu.memref_squeeze %dma_wait3A_125 : memref<1x64x80xi32, #tpu.memory_space<hbm>> -> memref<64x80xi32, #tpu.memory_space<hbm>>
      tpu.wait_dma2 semaphore(%run_scoped3A_110 : memref<!tpu.dma_semaphore, #tpu.memory_space<semaphore_mem>>) src(%dma_wait3A_126 : memref<64x80xi32, #tpu.memory_space<hbm>>) dst(%arg7 : memref<64x80xi32, #tpu.memory_space<vmem>>)
      tpu.yield
    }) : () -> ()
    %dma_start3A = arith.constant 0 : i32
    %dma_start3A_38 = arith.constant 0 : i32
    %dma_start3A_39 = tpu.memref_slice %arg6[%dma_start3A, %dma_start3A_38] : memref<64x80xi32, #tpu.memory_space<vmem>> -> memref<1x80xi32, #tpu.memory_space<vmem>>
    %dma_start3A_40 = tpu.memref_squeeze %dma_start3A_39 : memref<1x80xi32, #tpu.memory_space<vmem>> -> memref<80xi32, #tpu.memory_space<vmem>>
    %dma_start3A_41 = arith.constant 0 : i32
    %dma_start3A_42 = arith.constant 0 : i32
    %dma_start3A_43 = tpu.memref_slice %arg2[%dma_start3A_41, %dma_start3A_42] : memref<10240x128xf32, #tpu.memory_space<hbm>> -> memref<10240x128xf32, #tpu.memory_space<hbm>>
    tpu.enqueue_indirect_dma source(%dma_start3A_43 : memref<10240x128xf32, #tpu.memory_space<hbm>>) target(%arg8 : memref<80x128xf32, #tpu.memory_space<vmem>>) offsets(%dma_start3A_40 : memref<80xi32, #tpu.memory_space<vmem>>) semaphore(%arg11 : memref<!tpu.dma_semaphore, #tpu.memory_space<semaphore_mem>>)
    %scan3A_44 = arith.constant 0 : i32
    %scan3A_45 = arith.constant 31 : i32
    %scan3A_46 = arith.addi %scan3A_44, %scan3A_45 : i32
    %scan3A_47 = arith.constant 1 : i32
    scf.for %scan3A_110 = %scan3A_44 to %scan3A_46 step %scan3A_47  : i32 {
      %mul3A_111 = arith.constant 2 : i32
      %mul3A_112 = arith.muli %mul3A_111, %scan3A_110 : i32
      %add3A_113 = arith.constant 1 : i32
      %add3A_114 = arith.addi %mul3A_112, %add3A_113 : i32
      %dma_start3A_115 = arith.constant 0 : i32
      %dma_start3A_116 = tpu.memref_slice %arg6[%add3A_114, %dma_start3A_115] : memref<64x80xi32, #tpu.memory_space<vmem>> -> memref<1x80xi32, #tpu.memory_space<vmem>>
      %dma_start3A_117 = tpu.memref_squeeze %dma_start3A_116 : memref<1x80xi32, #tpu.memory_space<vmem>> -> memref<80xi32, #tpu.memory_space<vmem>>
      %dma_start3A_118 = arith.constant 0 : i32
      %dma_start3A_119 = arith.constant 0 : i32
      %dma_start3A_120 = tpu.memref_slice %arg2[%dma_start3A_118, %dma_start3A_119] : memref<10240x128xf32, #tpu.memory_space<hbm>> -> memref<10240x128xf32, #tpu.memory_space<hbm>>
      tpu.enqueue_indirect_dma source(%dma_start3A_120 : memref<10240x128xf32, #tpu.memory_space<hbm>>) target(%arg9 : memref<80x128xf32, #tpu.memory_space<vmem>>) offsets(%dma_start3A_117 : memref<80xi32, #tpu.memory_space<vmem>>) semaphore(%arg12 : memref<!tpu.dma_semaphore, #tpu.memory_space<semaphore_mem>>)
      %dma_wait3A_121 = arith.constant 0 : i32
      %dma_wait3A_122 = tpu.memref_slice %arg6[%mul3A_112, %dma_wait3A_121] : memref<64x80xi32, #tpu.memory_space<vmem>> -> memref<1x80xi32, #tpu.memory_space<vmem>>
      %dma_wait3A_123 = tpu.memref_squeeze %dma_wait3A_122 : memref<1x80xi32, #tpu.memory_space<vmem>> -> memref<80xi32, #tpu.memory_space<vmem>>
      %dma_wait3A_124 = arith.constant 0 : i32
      %dma_wait3A_125 = arith.constant 0 : i32
      %dma_wait3A_126 = tpu.memref_slice %arg2[%dma_wait3A_124, %dma_wait3A_125] : memref<10240x128xf32, #tpu.memory_space<hbm>> -> memref<10240x128xf32, #tpu.memory_space<hbm>>
      tpu.wait_indirect_dma semaphore(%arg11 : memref<!tpu.dma_semaphore, #tpu.memory_space<semaphore_mem>>) src(%dma_wait3A_126 : memref<10240x128xf32, #tpu.memory_space<hbm>>) dst(%arg8 : memref<80x128xf32, #tpu.memory_space<vmem>>)
      "tpu.region"() ({
        %run_scoped3A_145 = tpu.sem_alloc : memref<!tpu.dma_semaphore, #tpu.memory_space<semaphore_mem>>
        %dma_start3A_146 = arith.constant 0 : i32
        %dma_start3A_147 = tpu.memref_slice %arg7[%mul3A_112, %dma_start3A_146] : memref<64x80xi32, #tpu.memory_space<vmem>> -> memref<1x80xi32, #tpu.memory_space<vmem>>
        %dma_start3A_148 = tpu.memref_squeeze %dma_start3A_147 : memref<1x80xi32, #tpu.memory_space<vmem>> -> memref<80xi32, #tpu.memory_space<vmem>>
        %dma_start3A_149 = arith.constant 0 : i32
        %dma_start3A_150 = arith.constant 0 : i32
        %dma_start3A_151 = tpu.memref_slice %arg10[%dma_start3A_149, %dma_start3A_150] : memref<10240x128xf32, #tpu.memory_space<vmem_shared>> -> memref<10240x128xf32, #tpu.memory_space<vmem_shared>>
        tpu.enqueue_indirect_dma source(%arg8 : memref<80x128xf32, #tpu.memory_space<vmem>>) target(%dma_start3A_151 : memref<10240x128xf32, #tpu.memory_space<vmem_shared>>) offsets(%dma_start3A_148 : memref<80xi32, #tpu.memory_space<vmem>>) semaphore(%run_scoped3A_145 : memref<!tpu.dma_semaphore, #tpu.memory_space<semaphore_mem>>) {add = true}
        %dma_wait3A_152 = arith.constant 0 : i32
        %dma_wait3A_153 = tpu.memref_slice %arg7[%mul3A_112, %dma_wait3A_152] : memref<64x80xi32, #tpu.memory_space<vmem>> -> memref<1x80xi32, #tpu.memory_space<vmem>>
        %dma_wait3A_154 = tpu.memref_squeeze %dma_wait3A_153 : memref<1x80xi32, #tpu.memory_space<vmem>> -> memref<80xi32, #tpu.memory_space<vmem>>
        %dma_wait3A_155 = arith.constant 0 : i32
        %dma_wait3A_156 = arith.constant 0 : i32
        %dma_wait3A_157 = tpu.memref_slice %arg10[%dma_wait3A_155, %dma_wait3A_156] : memref<10240x128xf32, #tpu.memory_space<vmem_shared>> -> memref<10240x128xf32, #tpu.memory_space<vmem_shared>>
        tpu.wait_indirect_dma semaphore(%run_scoped3A_145 : memref<!tpu.dma_semaphore, #tpu.memory_space<semaphore_mem>>) src(%arg8 : memref<80x128xf32, #tpu.memory_space<vmem>>) dst(%dma_wait3A_157 : memref<10240x128xf32, #tpu.memory_space<vmem_shared>>)
        tpu.yield
      }) : () -> ()
      %add3A_127 = arith.constant 2 : i32
      %add3A_128 = arith.addi %mul3A_112, %add3A_127 : i32
      %dma_start3A_129 = arith.constant 0 : i32
      %dma_start3A_130 = tpu.memref_slice %arg6[%add3A_128, %dma_start3A_129] : memref<64x80xi32, #tpu.memory_space<vmem>> -> memref<1x80xi32, #tpu.memory_space<vmem>>
      %dma_start3A_131 = tpu.memref_squeeze %dma_start3A_130 : memref<1x80xi32, #tpu.memory_space<vmem>> -> memref<80xi32, #tpu.memory_space<vmem>>
      %dma_start3A_132 = arith.constant 0 : i32
      %dma_start3A_133 = arith.constant 0 : i32
      %dma_start3A_134 = tpu.memref_slice %arg2[%dma_start3A_132, %dma_start3A_133] : memref<10240x128xf32, #tpu.memory_space<hbm>> -> memref<10240x128xf32, #tpu.memory_space<hbm>>
      tpu.enqueue_indirect_dma source(%dma_start3A_134 : memref<10240x128xf32, #tpu.memory_space<hbm>>) target(%arg8 : memref<80x128xf32, #tpu.memory_space<vmem>>) offsets(%dma_start3A_131 : memref<80xi32, #tpu.memory_space<vmem>>) semaphore(%arg11 : memref<!tpu.dma_semaphore, #tpu.memory_space<semaphore_mem>>)
      %add3A_135 = arith.constant 1 : i32
      %add3A_136 = arith.addi %mul3A_112, %add3A_135 : i32
      %dma_wait3A_137 = arith.constant 0 : i32
      %dma_wait3A_138 = tpu.memref_slice %arg6[%add3A_136, %dma_wait3A_137] : memref<64x80xi32, #tpu.memory_space<vmem>> -> memref<1x80xi32, #tpu.memory_space<vmem>>
      %dma_wait3A_139 = tpu.memref_squeeze %dma_wait3A_138 : memref<1x80xi32, #tpu.memory_space<vmem>> -> memref<80xi32, #tpu.memory_space<vmem>>
      %dma_wait3A_140 = arith.constant 0 : i32
      %dma_wait3A_141 = arith.constant 0 : i32
      %dma_wait3A_142 = tpu.memref_slice %arg2[%dma_wait3A_140, %dma_wait3A_141] : memref<10240x128xf32, #tpu.memory_space<hbm>> -> memref<10240x128xf32, #tpu.memory_space<hbm>>
      tpu.wait_indirect_dma semaphore(%arg12 : memref<!tpu.dma_semaphore, #tpu.memory_space<semaphore_mem>>) src(%dma_wait3A_142 : memref<10240x128xf32, #tpu.memory_space<hbm>>) dst(%arg9 : memref<80x128xf32, #tpu.memory_space<vmem>>)
      %add3A_143 = arith.constant 1 : i32
      %add3A_144 = arith.addi %mul3A_112, %add3A_143 : i32
      "tpu.region"() ({
        %run_scoped3A_145 = tpu.sem_alloc : memref<!tpu.dma_semaphore, #tpu.memory_space<semaphore_mem>>
        %dma_start3A_146 = arith.constant 0 : i32
        %dma_start3A_147 = tpu.memref_slice %arg7[%add3A_144, %dma_start3A_146] : memref<64x80xi32, #tpu.memory_space<vmem>> -> memref<1x80xi32, #tpu.memory_space<vmem>>
        %dma_start3A_148 = tpu.memref_squeeze %dma_start3A_147 : memref<1x80xi32, #tpu.memory_space<vmem>> -> memref<80xi32, #tpu.memory_space<vmem>>
        %dma_start3A_149 = arith.constant 0 : i32
        %dma_start3A_150 = arith.constant 0 : i32
        %dma_start3A_151 = tpu.memref_slice %arg10[%dma_start3A_149, %dma_start3A_150] : memref<10240x128xf32, #tpu.memory_space<vmem_shared>> -> memref<10240x128xf32, #tpu.memory_space<vmem_shared>>
        tpu.enqueue_indirect_dma source(%arg9 : memref<80x128xf32, #tpu.memory_space<vmem>>) target(%dma_start3A_151 : memref<10240x128xf32, #tpu.memory_space<vmem_shared>>) offsets(%dma_start3A_148 : memref<80xi32, #tpu.memory_space<vmem>>) semaphore(%run_scoped3A_145 : memref<!tpu.dma_semaphore, #tpu.memory_space<semaphore_mem>>) {add = true}
        %dma_wait3A_152 = arith.constant 0 : i32
        %dma_wait3A_153 = tpu.memref_slice %arg7[%add3A_144, %dma_wait3A_152] : memref<64x80xi32, #tpu.memory_space<vmem>> -> memref<1x80xi32, #tpu.memory_space<vmem>>
        %dma_wait3A_154 = tpu.memref_squeeze %dma_wait3A_153 : memref<1x80xi32, #tpu.memory_space<vmem>> -> memref<80xi32, #tpu.memory_space<vmem>>
        %dma_wait3A_155 = arith.constant 0 : i32
        %dma_wait3A_156 = arith.constant 0 : i32
        %dma_wait3A_157 = tpu.memref_slice %arg10[%dma_wait3A_155, %dma_wait3A_156] : memref<10240x128xf32, #tpu.memory_space<vmem_shared>> -> memref<10240x128xf32, #tpu.memory_space<vmem_shared>>
        tpu.wait_indirect_dma semaphore(%run_scoped3A_145 : memref<!tpu.dma_semaphore, #tpu.memory_space<semaphore_mem>>) src(%arg9 : memref<80x128xf32, #tpu.memory_space<vmem>>) dst(%dma_wait3A_157 : memref<10240x128xf32, #tpu.memory_space<vmem_shared>>)
        tpu.yield
      }) : () -> ()
    }
    %scan3A_48 = arith.constant 31 : i32
    %dma_start3A_49 = arith.constant 63 : i32
    %dma_start3A_50 = arith.constant 0 : i32
    %dma_start3A_51 = tpu.memref_slice %arg6[%dma_start3A_49, %dma_start3A_50] : memref<64x80xi32, #tpu.memory_space<vmem>> -> memref<1x80xi32, #tpu.memory_space<vmem>>
    %dma_start3A_52 = tpu.memref_squeeze %dma_start3A_51 : memref<1x80xi32, #tpu.memory_space<vmem>> -> memref<80xi32, #tpu.memory_space<vmem>>
    %dma_start3A_53 = arith.constant 0 : i32
    %dma_start3A_54 = arith.constant 0 : i32
    %dma_start3A_55 = tpu.memref_slice %arg2[%dma_start3A_53, %dma_start3A_54] : memref<10240x128xf32, #tpu.memory_space<hbm>> -> memref<10240x128xf32, #tpu.memory_space<hbm>>
    tpu.enqueue_indirect_dma source(%dma_start3A_55 : memref<10240x128xf32, #tpu.memory_space<hbm>>) target(%arg9 : memref<80x128xf32, #tpu.memory_space<vmem>>) offsets(%dma_start3A_52 : memref<80xi32, #tpu.memory_space<vmem>>) semaphore(%arg12 : memref<!tpu.dma_semaphore, #tpu.memory_space<semaphore_mem>>)
    %dma_wait3A = arith.constant 62 : i32
    %dma_wait3A_56 = arith.constant 0 : i32
    %dma_wait3A_57 = tpu.memref_slice %arg6[%dma_wait3A, %dma_wait3A_56] : memref<64x80xi32, #tpu.memory_space<vmem>> -> memref<1x80xi32, #tpu.memory_space<vmem>>
    %dma_wait3A_58 = tpu.memref_squeeze %dma_wait3A_57 : memref<1x80xi32, #tpu.memory_space<vmem>> -> memref<80xi32, #tpu.memory_space<vmem>>
    %dma_wait3A_59 = arith.constant 0 : i32
    %dma_wait3A_60 = arith.constant 0 : i32
    %dma_wait3A_61 = tpu.memref_slice %arg2[%dma_wait3A_59, %dma_wait3A_60] : memref<10240x128xf32, #tpu.memory_space<hbm>> -> memref<10240x128xf32, #tpu.memory_space<hbm>>
    tpu.wait_indirect_dma semaphore(%arg11 : memref<!tpu.dma_semaphore, #tpu.memory_space<semaphore_mem>>) src(%dma_wait3A_61 : memref<10240x128xf32, #tpu.memory_space<hbm>>) dst(%arg8 : memref<80x128xf32, #tpu.memory_space<vmem>>)
    %run_scoped3A = arith.constant 62 : i32
    "tpu.region"() ({
      %run_scoped3A_110 = tpu.sem_alloc : memref<!tpu.dma_semaphore, #tpu.memory_space<semaphore_mem>>
      %dma_start3A_111 = arith.constant 0 : i32
      %dma_start3A_112 = tpu.memref_slice %arg7[%run_scoped3A, %dma_start3A_111] : memref<64x80xi32, #tpu.memory_space<vmem>> -> memref<1x80xi32, #tpu.memory_space<vmem>>
      %dma_start3A_113 = tpu.memref_squeeze %dma_start3A_112 : memref<1x80xi32, #tpu.memory_space<vmem>> -> memref<80xi32, #tpu.memory_space<vmem>>
      %dma_start3A_114 = arith.constant 0 : i32
      %dma_start3A_115 = arith.constant 0 : i32
      %dma_start3A_116 = tpu.memref_slice %arg10[%dma_start3A_114, %dma_start3A_115] : memref<10240x128xf32, #tpu.memory_space<vmem_shared>> -> memref<10240x128xf32, #tpu.memory_space<vmem_shared>>
      tpu.enqueue_indirect_dma source(%arg8 : memref<80x128xf32, #tpu.memory_space<vmem>>) target(%dma_start3A_116 : memref<10240x128xf32, #tpu.memory_space<vmem_shared>>) offsets(%dma_start3A_113 : memref<80xi32, #tpu.memory_space<vmem>>) semaphore(%run_scoped3A_110 : memref<!tpu.dma_semaphore, #tpu.memory_space<semaphore_mem>>) {add = true}
      %dma_wait3A_117 = arith.constant 0 : i32
      %dma_wait3A_118 = tpu.memref_slice %arg7[%run_scoped3A, %dma_wait3A_117] : memref<64x80xi32, #tpu.memory_space<vmem>> -> memref<1x80xi32, #tpu.memory_space<vmem>>
      %dma_wait3A_119 = tpu.memref_squeeze %dma_wait3A_118 : memref<1x80xi32, #tpu.memory_space<vmem>> -> memref<80xi32, #tpu.memory_space<vmem>>
      %dma_wait3A_120 = arith.constant 0 : i32
      %dma_wait3A_121 = arith.constant 0 : i32
      %dma_wait3A_122 = tpu.memref_slice %arg10[%dma_wait3A_120, %dma_wait3A_121] : memref<10240x128xf32, #tpu.memory_space<vmem_shared>> -> memref<10240x128xf32, #tpu.memory_space<vmem_shared>>
      tpu.wait_indirect_dma semaphore(%run_scoped3A_110 : memref<!tpu.dma_semaphore, #tpu.memory_space<semaphore_mem>>) src(%arg8 : memref<80x128xf32, #tpu.memory_space<vmem>>) dst(%dma_wait3A_122 : memref<10240x128xf32, #tpu.memory_space<vmem_shared>>)
      tpu.yield
    }) : () -> ()
    %dma_wait3A_62 = arith.constant 63 : i32
    %dma_wait3A_63 = arith.constant 0 : i32
    %dma_wait3A_64 = tpu.memref_slice %arg6[%dma_wait3A_62, %dma_wait3A_63] : memref<64x80xi32, #tpu.memory_space<vmem>> -> memref<1x80xi32, #tpu.memory_space<vmem>>
    %dma_wait3A_65 = tpu.memref_squeeze %dma_wait3A_64 : memref<1x80xi32, #tpu.memory_space<vmem>> -> memref<80xi32, #tpu.memory_space<vmem>>
    %dma_wait3A_66 = arith.constant 0 : i32
    %dma_wait3A_67 = arith.constant 0 : i32
    %dma_wait3A_68 = tpu.memref_slice %arg2[%dma_wait3A_66, %dma_wait3A_67] : memref<10240x128xf32, #tpu.memory_space<hbm>> -> memref<10240x128xf32, #tpu.memory_space<hbm>>
    tpu.wait_indirect_dma semaphore(%arg12 : memref<!tpu.dma_semaphore, #tpu.memory_space<semaphore_mem>>) src(%dma_wait3A_68 : memref<10240x128xf32, #tpu.memory_space<hbm>>) dst(%arg9 : memref<80x128xf32, #tpu.memory_space<vmem>>)
    %run_scoped3A_69 = arith.constant 63 : i32
    "tpu.region"() ({
      %run_scoped3A_110 = tpu.sem_alloc : memref<!tpu.dma_semaphore, #tpu.memory_space<semaphore_mem>>
      %dma_start3A_111 = arith.constant 0 : i32
      %dma_start3A_112 = tpu.memref_slice %arg7[%run_scoped3A_69, %dma_start3A_111] : memref<64x80xi32, #tpu.memory_space<vmem>> -> memref<1x80xi32, #tpu.memory_space<vmem>>
      %dma_start3A_113 = tpu.memref_squeeze %dma_start3A_112 : memref<1x80xi32, #tpu.memory_space<vmem>> -> memref<80xi32, #tpu.memory_space<vmem>>
      %dma_start3A_114 = arith.constant 0 : i32
      %dma_start3A_115 = arith.constant 0 : i32
      %dma_start3A_116 = tpu.memref_slice %arg10[%dma_start3A_114, %dma_start3A_115] : memref<10240x128xf32, #tpu.memory_space<vmem_shared>> -> memref<10240x128xf32, #tpu.memory_space<vmem_shared>>
      tpu.enqueue_indirect_dma source(%arg9 : memref<80x128xf32, #tpu.memory_space<vmem>>) target(%dma_start3A_116 : memref<10240x128xf32, #tpu.memory_space<vmem_shared>>) offsets(%dma_start3A_113 : memref<80xi32, #tpu.memory_space<vmem>>) semaphore(%run_scoped3A_110 : memref<!tpu.dma_semaphore, #tpu.memory_space<semaphore_mem>>) {add = true}
      %dma_wait3A_117 = arith.constant 0 : i32
      %dma_wait3A_118 = tpu.memref_slice %arg7[%run_scoped3A_69, %dma_wait3A_117] : memref<64x80xi32, #tpu.memory_space<vmem>> -> memref<1x80xi32, #tpu.memory_space<vmem>>
      %dma_wait3A_119 = tpu.memref_squeeze %dma_wait3A_118 : memref<1x80xi32, #tpu.memory_space<vmem>> -> memref<80xi32, #tpu.memory_space<vmem>>
      %dma_wait3A_120 = arith.constant 0 : i32
      %dma_wait3A_121 = arith.constant 0 : i32
      %dma_wait3A_122 = tpu.memref_slice %arg10[%dma_wait3A_120, %dma_wait3A_121] : memref<10240x128xf32, #tpu.memory_space<vmem_shared>> -> memref<10240x128xf32, #tpu.memory_space<vmem_shared>>
      tpu.wait_indirect_dma semaphore(%run_scoped3A_110 : memref<!tpu.dma_semaphore, #tpu.memory_space<semaphore_mem>>) src(%arg9 : memref<80x128xf32, #tpu.memory_space<vmem>>) dst(%dma_wait3A_122 : memref<10240x128xf32, #tpu.memory_space<vmem_shared>>)
      tpu.yield
    }) : () -> ()
    "tpu.region"() ({
      %run_scoped3A_110 = tpu.sem_alloc : memref<!tpu.dma_semaphore, #tpu.memory_space<semaphore_mem>>
      %dma_start3A_111 = arith.constant 64 : i32
      %dma_start3A_112 = arith.constant 0 : i32
      %dma_start3A_113 = tpu.memref_slice %arg3[%add3A, %dma_start3A_111, %dma_start3A_112] : memref<32x128x80xi32, #tpu.memory_space<hbm>> -> memref<1x64x80xi32, #tpu.memory_space<hbm>>
      %dma_start3A_114 = tpu.memref_squeeze %dma_start3A_113 : memref<1x64x80xi32, #tpu.memory_space<hbm>> -> memref<64x80xi32, #tpu.memory_space<hbm>>
      %dma_start3A_115 = arith.constant 64 : i32
      %dma_start3A_116 = arith.constant 0 : i32
      %dma_start3A_117 = tpu.memref_slice %arg3[%add3A, %dma_start3A_115, %dma_start3A_116] : memref<32x128x80xi32, #tpu.memory_space<hbm>> -> memref<1x64x80xi32, #tpu.memory_space<hbm>>
      %dma_start3A_118 = tpu.memref_squeeze %dma_start3A_117 : memref<1x64x80xi32, #tpu.memory_space<hbm>> -> memref<64x80xi32, #tpu.memory_space<hbm>>
      tpu.enqueue_dma source(%dma_start3A_118 : memref<64x80xi32, #tpu.memory_space<hbm>>) target(%arg6 : memref<64x80xi32, #tpu.memory_space<vmem>>) target_semaphore(%run_scoped3A_110 : memref<!tpu.dma_semaphore, #tpu.memory_space<semaphore_mem>>)
      %dma_wait3A_119 = arith.constant 64 : i32
      %dma_wait3A_120 = arith.constant 0 : i32
      %dma_wait3A_121 = tpu.memref_slice %arg3[%add3A, %dma_wait3A_119, %dma_wait3A_120] : memref<32x128x80xi32, #tpu.memory_space<hbm>> -> memref<1x64x80xi32, #tpu.memory_space<hbm>>
      %dma_wait3A_122 = tpu.memref_squeeze %dma_wait3A_121 : memref<1x64x80xi32, #tpu.memory_space<hbm>> -> memref<64x80xi32, #tpu.memory_space<hbm>>
      %dma_wait3A_123 = arith.constant 64 : i32
      %dma_wait3A_124 = arith.constant 0 : i32
      %dma_wait3A_125 = tpu.memref_slice %arg3[%add3A, %dma_wait3A_123, %dma_wait3A_124] : memref<32x128x80xi32, #tpu.memory_space<hbm>> -> memref<1x64x80xi32, #tpu.memory_space<hbm>>
      %dma_wait3A_126 = tpu.memref_squeeze %dma_wait3A_125 : memref<1x64x80xi32, #tpu.memory_space<hbm>> -> memref<64x80xi32, #tpu.memory_space<hbm>>
      tpu.wait_dma2 semaphore(%run_scoped3A_110 : memref<!tpu.dma_semaphore, #tpu.memory_space<semaphore_mem>>) src(%dma_wait3A_126 : memref<64x80xi32, #tpu.memory_space<hbm>>) dst(%arg6 : memref<64x80xi32, #tpu.memory_space<vmem>>)
      tpu.yield
    }) : () -> ()
    "tpu.region"() ({
      %run_scoped3A_110 = tpu.sem_alloc : memref<!tpu.dma_semaphore, #tpu.memory_space<semaphore_mem>>
      %dma_start3A_111 = arith.constant 64 : i32
      %dma_start3A_112 = arith.constant 0 : i32
      %dma_start3A_113 = tpu.memref_slice %arg4[%add3A, %dma_start3A_111, %dma_start3A_112] : memref<32x128x80xi32, #tpu.memory_space<hbm>> -> memref<1x64x80xi32, #tpu.memory_space<hbm>>
      %dma_start3A_114 = tpu.memref_squeeze %dma_start3A_113 : memref<1x64x80xi32, #tpu.memory_space<hbm>> -> memref<64x80xi32, #tpu.memory_space<hbm>>
      %dma_start3A_115 = arith.constant 64 : i32
      %dma_start3A_116 = arith.constant 0 : i32
      %dma_start3A_117 = tpu.memref_slice %arg4[%add3A, %dma_start3A_115, %dma_start3A_116] : memref<32x128x80xi32, #tpu.memory_space<hbm>> -> memref<1x64x80xi32, #tpu.memory_space<hbm>>
      %dma_start3A_118 = tpu.memref_squeeze %dma_start3A_117 : memref<1x64x80xi32, #tpu.memory_space<hbm>> -> memref<64x80xi32, #tpu.memory_space<hbm>>
      tpu.enqueue_dma source(%dma_start3A_118 : memref<64x80xi32, #tpu.memory_space<hbm>>) target(%arg7 : memref<64x80xi32, #tpu.memory_space<vmem>>) target_semaphore(%run_scoped3A_110 : memref<!tpu.dma_semaphore, #tpu.memory_space<semaphore_mem>>)
      %dma_wait3A_119 = arith.constant 64 : i32
      %dma_wait3A_120 = arith.constant 0 : i32
      %dma_wait3A_121 = tpu.memref_slice %arg4[%add3A, %dma_wait3A_119, %dma_wait3A_120] : memref<32x128x80xi32, #tpu.memory_space<hbm>> -> memref<1x64x80xi32, #tpu.memory_space<hbm>>
      %dma_wait3A_122 = tpu.memref_squeeze %dma_wait3A_121 : memref<1x64x80xi32, #tpu.memory_space<hbm>> -> memref<64x80xi32, #tpu.memory_space<hbm>>
      %dma_wait3A_123 = arith.constant 64 : i32
      %dma_wait3A_124 = arith.constant 0 : i32
      %dma_wait3A_125 = tpu.memref_slice %arg4[%add3A, %dma_wait3A_123, %dma_wait3A_124] : memref<32x128x80xi32, #tpu.memory_space<hbm>> -> memref<1x64x80xi32, #tpu.memory_space<hbm>>
      %dma_wait3A_126 = tpu.memref_squeeze %dma_wait3A_125 : memref<1x64x80xi32, #tpu.memory_space<hbm>> -> memref<64x80xi32, #tpu.memory_space<hbm>>
      tpu.wait_dma2 semaphore(%run_scoped3A_110 : memref<!tpu.dma_semaphore, #tpu.memory_space<semaphore_mem>>) src(%dma_wait3A_126 : memref<64x80xi32, #tpu.memory_space<hbm>>) dst(%arg7 : memref<64x80xi32, #tpu.memory_space<vmem>>)
      tpu.yield
    }) : () -> ()
    %dma_start3A_70 = arith.constant 0 : i32
    %dma_start3A_71 = arith.constant 0 : i32
    %dma_start3A_72 = tpu.memref_slice %arg6[%dma_start3A_70, %dma_start3A_71] : memref<64x80xi32, #tpu.memory_space<vmem>> -> memref<1x80xi32, #tpu.memory_space<vmem>>
    %dma_start3A_73 = tpu.memref_squeeze %dma_start3A_72 : memref<1x80xi32, #tpu.memory_space<vmem>> -> memref<80xi32, #tpu.memory_space<vmem>>
    %dma_start3A_74 = arith.constant 0 : i32
    %dma_start3A_75 = arith.constant 0 : i32
    %dma_start3A_76 = tpu.memref_slice %arg2[%dma_start3A_74, %dma_start3A_75] : memref<10240x128xf32, #tpu.memory_space<hbm>> -> memref<10240x128xf32, #tpu.memory_space<hbm>>
    tpu.enqueue_indirect_dma source(%dma_start3A_76 : memref<10240x128xf32, #tpu.memory_space<hbm>>) target(%arg8 : memref<80x128xf32, #tpu.memory_space<vmem>>) offsets(%dma_start3A_73 : memref<80xi32, #tpu.memory_space<vmem>>) semaphore(%arg11 : memref<!tpu.dma_semaphore, #tpu.memory_space<semaphore_mem>>)
    %scan3A_77 = arith.constant 0 : i32
    %scan3A_78 = arith.constant 31 : i32
    %scan3A_79 = arith.addi %scan3A_77, %scan3A_78 : i32
    %scan3A_80 = arith.constant 1 : i32
    scf.for %scan3A_110 = %scan3A_77 to %scan3A_79 step %scan3A_80  : i32 {
      %mul3A_111 = arith.constant 2 : i32
      %mul3A_112 = arith.muli %mul3A_111, %scan3A_110 : i32
      %add3A_113 = arith.constant 1 : i32
      %add3A_114 = arith.addi %mul3A_112, %add3A_113 : i32
      %dma_start3A_115 = arith.constant 0 : i32
      %dma_start3A_116 = tpu.memref_slice %arg6[%add3A_114, %dma_start3A_115] : memref<64x80xi32, #tpu.memory_space<vmem>> -> memref<1x80xi32, #tpu.memory_space<vmem>>
      %dma_start3A_117 = tpu.memref_squeeze %dma_start3A_116 : memref<1x80xi32, #tpu.memory_space<vmem>> -> memref<80xi32, #tpu.memory_space<vmem>>
      %dma_start3A_118 = arith.constant 0 : i32
      %dma_start3A_119 = arith.constant 0 : i32
      %dma_start3A_120 = tpu.memref_slice %arg2[%dma_start3A_118, %dma_start3A_119] : memref<10240x128xf32, #tpu.memory_space<hbm>> -> memref<10240x128xf32, #tpu.memory_space<hbm>>
      tpu.enqueue_indirect_dma source(%dma_start3A_120 : memref<10240x128xf32, #tpu.memory_space<hbm>>) target(%arg9 : memref<80x128xf32, #tpu.memory_space<vmem>>) offsets(%dma_start3A_117 : memref<80xi32, #tpu.memory_space<vmem>>) semaphore(%arg12 : memref<!tpu.dma_semaphore, #tpu.memory_space<semaphore_mem>>)
      %dma_wait3A_121 = arith.constant 0 : i32
      %dma_wait3A_122 = tpu.memref_slice %arg6[%mul3A_112, %dma_wait3A_121] : memref<64x80xi32, #tpu.memory_space<vmem>> -> memref<1x80xi32, #tpu.memory_space<vmem>>
      %dma_wait3A_123 = tpu.memref_squeeze %dma_wait3A_122 : memref<1x80xi32, #tpu.memory_space<vmem>> -> memref<80xi32, #tpu.memory_space<vmem>>
      %dma_wait3A_124 = arith.constant 0 : i32
      %dma_wait3A_125 = arith.constant 0 : i32
      %dma_wait3A_126 = tpu.memref_slice %arg2[%dma_wait3A_124, %dma_wait3A_125] : memref<10240x128xf32, #tpu.memory_space<hbm>> -> memref<10240x128xf32, #tpu.memory_space<hbm>>
      tpu.wait_indirect_dma semaphore(%arg11 : memref<!tpu.dma_semaphore, #tpu.memory_space<semaphore_mem>>) src(%dma_wait3A_126 : memref<10240x128xf32, #tpu.memory_space<hbm>>) dst(%arg8 : memref<80x128xf32, #tpu.memory_space<vmem>>)
      "tpu.region"() ({
        %run_scoped3A_145 = tpu.sem_alloc : memref<!tpu.dma_semaphore, #tpu.memory_space<semaphore_mem>>
        %dma_start3A_146 = arith.constant 0 : i32
        %dma_start3A_147 = tpu.memref_slice %arg7[%mul3A_112, %dma_start3A_146] : memref<64x80xi32, #tpu.memory_space<vmem>> -> memref<1x80xi32, #tpu.memory_space<vmem>>
        %dma_start3A_148 = tpu.memref_squeeze %dma_start3A_147 : memref<1x80xi32, #tpu.memory_space<vmem>> -> memref<80xi32, #tpu.memory_space<vmem>>
        %dma_start3A_149 = arith.constant 0 : i32
        %dma_start3A_150 = arith.constant 0 : i32
        %dma_start3A_151 = tpu.memref_slice %arg10[%dma_start3A_149, %dma_start3A_150] : memref<10240x128xf32, #tpu.memory_space<vmem_shared>> -> memref<10240x128xf32, #tpu.memory_space<vmem_shared>>
        tpu.enqueue_indirect_dma source(%arg8 : memref<80x128xf32, #tpu.memory_space<vmem>>) target(%dma_start3A_151 : memref<10240x128xf32, #tpu.memory_space<vmem_shared>>) offsets(%dma_start3A_148 : memref<80xi32, #tpu.memory_space<vmem>>) semaphore(%run_scoped3A_145 : memref<!tpu.dma_semaphore, #tpu.memory_space<semaphore_mem>>) {add = true}
        %dma_wait3A_152 = arith.constant 0 : i32
        %dma_wait3A_153 = tpu.memref_slice %arg7[%mul3A_112, %dma_wait3A_152] : memref<64x80xi32, #tpu.memory_space<vmem>> -> memref<1x80xi32, #tpu.memory_space<vmem>>
        %dma_wait3A_154 = tpu.memref_squeeze %dma_wait3A_153 : memref<1x80xi32, #tpu.memory_space<vmem>> -> memref<80xi32, #tpu.memory_space<vmem>>
        %dma_wait3A_155 = arith.constant 0 : i32
        %dma_wait3A_156 = arith.constant 0 : i32
        %dma_wait3A_157 = tpu.memref_slice %arg10[%dma_wait3A_155, %dma_wait3A_156] : memref<10240x128xf32, #tpu.memory_space<vmem_shared>> -> memref<10240x128xf32, #tpu.memory_space<vmem_shared>>
        tpu.wait_indirect_dma semaphore(%run_scoped3A_145 : memref<!tpu.dma_semaphore, #tpu.memory_space<semaphore_mem>>) src(%arg8 : memref<80x128xf32, #tpu.memory_space<vmem>>) dst(%dma_wait3A_157 : memref<10240x128xf32, #tpu.memory_space<vmem_shared>>)
        tpu.yield
      }) : () -> ()
      %add3A_127 = arith.constant 2 : i32
      %add3A_128 = arith.addi %mul3A_112, %add3A_127 : i32
      %dma_start3A_129 = arith.constant 0 : i32
      %dma_start3A_130 = tpu.memref_slice %arg6[%add3A_128, %dma_start3A_129] : memref<64x80xi32, #tpu.memory_space<vmem>> -> memref<1x80xi32, #tpu.memory_space<vmem>>
      %dma_start3A_131 = tpu.memref_squeeze %dma_start3A_130 : memref<1x80xi32, #tpu.memory_space<vmem>> -> memref<80xi32, #tpu.memory_space<vmem>>
      %dma_start3A_132 = arith.constant 0 : i32
      %dma_start3A_133 = arith.constant 0 : i32
      %dma_start3A_134 = tpu.memref_slice %arg2[%dma_start3A_132, %dma_start3A_133] : memref<10240x128xf32, #tpu.memory_space<hbm>> -> memref<10240x128xf32, #tpu.memory_space<hbm>>
      tpu.enqueue_indirect_dma source(%dma_start3A_134 : memref<10240x128xf32, #tpu.memory_space<hbm>>) target(%arg8 : memref<80x128xf32, #tpu.memory_space<vmem>>) offsets(%dma_start3A_131 : memref<80xi32, #tpu.memory_space<vmem>>) semaphore(%arg11 : memref<!tpu.dma_semaphore, #tpu.memory_space<semaphore_mem>>)
      %add3A_135 = arith.constant 1 : i32
      %add3A_136 = arith.addi %mul3A_112, %add3A_135 : i32
      %dma_wait3A_137 = arith.constant 0 : i32
      %dma_wait3A_138 = tpu.memref_slice %arg6[%add3A_136, %dma_wait3A_137] : memref<64x80xi32, #tpu.memory_space<vmem>> -> memref<1x80xi32, #tpu.memory_space<vmem>>
      %dma_wait3A_139 = tpu.memref_squeeze %dma_wait3A_138 : memref<1x80xi32, #tpu.memory_space<vmem>> -> memref<80xi32, #tpu.memory_space<vmem>>
      %dma_wait3A_140 = arith.constant 0 : i32
      %dma_wait3A_141 = arith.constant 0 : i32
      %dma_wait3A_142 = tpu.memref_slice %arg2[%dma_wait3A_140, %dma_wait3A_141] : memref<10240x128xf32, #tpu.memory_space<hbm>> -> memref<10240x128xf32, #tpu.memory_space<hbm>>
      tpu.wait_indirect_dma semaphore(%arg12 : memref<!tpu.dma_semaphore, #tpu.memory_space<semaphore_mem>>) src(%dma_wait3A_142 : memref<10240x128xf32, #tpu.memory_space<hbm>>) dst(%arg9 : memref<80x128xf32, #tpu.memory_space<vmem>>)
      %add3A_143 = arith.constant 1 : i32
      %add3A_144 = arith.addi %mul3A_112, %add3A_143 : i32
      "tpu.region"() ({
        %run_scoped3A_145 = tpu.sem_alloc : memref<!tpu.dma_semaphore, #tpu.memory_space<semaphore_mem>>
        %dma_start3A_146 = arith.constant 0 : i32
        %dma_start3A_147 = tpu.memref_slice %arg7[%add3A_144, %dma_start3A_146] : memref<64x80xi32, #tpu.memory_space<vmem>> -> memref<1x80xi32, #tpu.memory_space<vmem>>
        %dma_start3A_148 = tpu.memref_squeeze %dma_start3A_147 : memref<1x80xi32, #tpu.memory_space<vmem>> -> memref<80xi32, #tpu.memory_space<vmem>>
        %dma_start3A_149 = arith.constant 0 : i32
        %dma_start3A_150 = arith.constant 0 : i32
        %dma_start3A_151 = tpu.memref_slice %arg10[%dma_start3A_149, %dma_start3A_150] : memref<10240x128xf32, #tpu.memory_space<vmem_shared>> -> memref<10240x128xf32, #tpu.memory_space<vmem_shared>>
        tpu.enqueue_indirect_dma source(%arg9 : memref<80x128xf32, #tpu.memory_space<vmem>>) target(%dma_start3A_151 : memref<10240x128xf32, #tpu.memory_space<vmem_shared>>) offsets(%dma_start3A_148 : memref<80xi32, #tpu.memory_space<vmem>>) semaphore(%run_scoped3A_145 : memref<!tpu.dma_semaphore, #tpu.memory_space<semaphore_mem>>) {add = true}
        %dma_wait3A_152 = arith.constant 0 : i32
        %dma_wait3A_153 = tpu.memref_slice %arg7[%add3A_144, %dma_wait3A_152] : memref<64x80xi32, #tpu.memory_space<vmem>> -> memref<1x80xi32, #tpu.memory_space<vmem>>
        %dma_wait3A_154 = tpu.memref_squeeze %dma_wait3A_153 : memref<1x80xi32, #tpu.memory_space<vmem>> -> memref<80xi32, #tpu.memory_space<vmem>>
        %dma_wait3A_155 = arith.constant 0 : i32
        %dma_wait3A_156 = arith.constant 0 : i32
        %dma_wait3A_157 = tpu.memref_slice %arg10[%dma_wait3A_155, %dma_wait3A_156] : memref<10240x128xf32, #tpu.memory_space<vmem_shared>> -> memref<10240x128xf32, #tpu.memory_space<vmem_shared>>
        tpu.wait_indirect_dma semaphore(%run_scoped3A_145 : memref<!tpu.dma_semaphore, #tpu.memory_space<semaphore_mem>>) src(%arg9 : memref<80x128xf32, #tpu.memory_space<vmem>>) dst(%dma_wait3A_157 : memref<10240x128xf32, #tpu.memory_space<vmem_shared>>)
        tpu.yield
      }) : () -> ()
    }
    %scan3A_81 = arith.constant 31 : i32
    %dma_start3A_82 = arith.constant 63 : i32
    %dma_start3A_83 = arith.constant 0 : i32
    %dma_start3A_84 = tpu.memref_slice %arg6[%dma_start3A_82, %dma_start3A_83] : memref<64x80xi32, #tpu.memory_space<vmem>> -> memref<1x80xi32, #tpu.memory_space<vmem>>
    %dma_start3A_85 = tpu.memref_squeeze %dma_start3A_84 : memref<1x80xi32, #tpu.memory_space<vmem>> -> memref<80xi32, #tpu.memory_space<vmem>>
    %dma_start3A_86 = arith.constant 0 : i32
    %dma_start3A_87 = arith.constant 0 : i32
    %dma_start3A_88 = tpu.memref_slice %arg2[%dma_start3A_86, %dma_start3A_87] : memref<10240x128xf32, #tpu.memory_space<hbm>> -> memref<10240x128xf32, #tpu.memory_space<hbm>>
    tpu.enqueue_indirect_dma source(%dma_start3A_88 : memref<10240x128xf32, #tpu.memory_space<hbm>>) target(%arg9 : memref<80x128xf32, #tpu.memory_space<vmem>>) offsets(%dma_start3A_85 : memref<80xi32, #tpu.memory_space<vmem>>) semaphore(%arg12 : memref<!tpu.dma_semaphore, #tpu.memory_space<semaphore_mem>>)
    %dma_wait3A_89 = arith.constant 62 : i32
    %dma_wait3A_90 = arith.constant 0 : i32
    %dma_wait3A_91 = tpu.memref_slice %arg6[%dma_wait3A_89, %dma_wait3A_90] : memref<64x80xi32, #tpu.memory_space<vmem>> -> memref<1x80xi32, #tpu.memory_space<vmem>>
    %dma_wait3A_92 = tpu.memref_squeeze %dma_wait3A_91 : memref<1x80xi32, #tpu.memory_space<vmem>> -> memref<80xi32, #tpu.memory_space<vmem>>
    %dma_wait3A_93 = arith.constant 0 : i32
    %dma_wait3A_94 = arith.constant 0 : i32
    %dma_wait3A_95 = tpu.memref_slice %arg2[%dma_wait3A_93, %dma_wait3A_94] : memref<10240x128xf32, #tpu.memory_space<hbm>> -> memref<10240x128xf32, #tpu.memory_space<hbm>>
    tpu.wait_indirect_dma semaphore(%arg11 : memref<!tpu.dma_semaphore, #tpu.memory_space<semaphore_mem>>) src(%dma_wait3A_95 : memref<10240x128xf32, #tpu.memory_space<hbm>>) dst(%arg8 : memref<80x128xf32, #tpu.memory_space<vmem>>)
    %run_scoped3A_96 = arith.constant 62 : i32
    "tpu.region"() ({
      %run_scoped3A_110 = tpu.sem_alloc : memref<!tpu.dma_semaphore, #tpu.memory_space<semaphore_mem>>
      %dma_start3A_111 = arith.constant 0 : i32
      %dma_start3A_112 = tpu.memref_slice %arg7[%run_scoped3A_96, %dma_start3A_111] : memref<64x80xi32, #tpu.memory_space<vmem>> -> memref<1x80xi32, #tpu.memory_space<vmem>>
      %dma_start3A_113 = tpu.memref_squeeze %dma_start3A_112 : memref<1x80xi32, #tpu.memory_space<vmem>> -> memref<80xi32, #tpu.memory_space<vmem>>
      %dma_start3A_114 = arith.constant 0 : i32
      %dma_start3A_115 = arith.constant 0 : i32
      %dma_start3A_116 = tpu.memref_slice %arg10[%dma_start3A_114, %dma_start3A_115] : memref<10240x128xf32, #tpu.memory_space<vmem_shared>> -> memref<10240x128xf32, #tpu.memory_space<vmem_shared>>
      tpu.enqueue_indirect_dma source(%arg8 : memref<80x128xf32, #tpu.memory_space<vmem>>) target(%dma_start3A_116 : memref<10240x128xf32, #tpu.memory_space<vmem_shared>>) offsets(%dma_start3A_113 : memref<80xi32, #tpu.memory_space<vmem>>) semaphore(%run_scoped3A_110 : memref<!tpu.dma_semaphore, #tpu.memory_space<semaphore_mem>>) {add = true}
      %dma_wait3A_117 = arith.constant 0 : i32
      %dma_wait3A_118 = tpu.memref_slice %arg7[%run_scoped3A_96, %dma_wait3A_117] : memref<64x80xi32, #tpu.memory_space<vmem>> -> memref<1x80xi32, #tpu.memory_space<vmem>>
      %dma_wait3A_119 = tpu.memref_squeeze %dma_wait3A_118 : memref<1x80xi32, #tpu.memory_space<vmem>> -> memref<80xi32, #tpu.memory_space<vmem>>
      %dma_wait3A_120 = arith.constant 0 : i32
      %dma_wait3A_121 = arith.constant 0 : i32
      %dma_wait3A_122 = tpu.memref_slice %arg10[%dma_wait3A_120, %dma_wait3A_121] : memref<10240x128xf32, #tpu.memory_space<vmem_shared>> -> memref<10240x128xf32, #tpu.memory_space<vmem_shared>>
      tpu.wait_indirect_dma semaphore(%run_scoped3A_110 : memref<!tpu.dma_semaphore, #tpu.memory_space<semaphore_mem>>) src(%arg8 : memref<80x128xf32, #tpu.memory_space<vmem>>) dst(%dma_wait3A_122 : memref<10240x128xf32, #tpu.memory_space<vmem_shared>>)
      tpu.yield
    }) : () -> ()
    %dma_wait3A_97 = arith.constant 63 : i32
    %dma_wait3A_98 = arith.constant 0 : i32
    %dma_wait3A_99 = tpu.memref_slice %arg6[%dma_wait3A_97, %dma_wait3A_98] : memref<64x80xi32, #tpu.memory_space<vmem>> -> memref<1x80xi32, #tpu.memory_space<vmem>>
    %dma_wait3A_100 = tpu.memref_squeeze %dma_wait3A_99 : memref<1x80xi32, #tpu.memory_space<vmem>> -> memref<80xi32, #tpu.memory_space<vmem>>
    %dma_wait3A_101 = arith.constant 0 : i32
    %dma_wait3A_102 = arith.constant 0 : i32
    %dma_wait3A_103 = tpu.memref_slice %arg2[%dma_wait3A_101, %dma_wait3A_102] : memref<10240x128xf32, #tpu.memory_space<hbm>> -> memref<10240x128xf32, #tpu.memory_space<hbm>>
    tpu.wait_indirect_dma semaphore(%arg12 : memref<!tpu.dma_semaphore, #tpu.memory_space<semaphore_mem>>) src(%dma_wait3A_103 : memref<10240x128xf32, #tpu.memory_space<hbm>>) dst(%arg9 : memref<80x128xf32, #tpu.memory_space<vmem>>)
    %run_scoped3A_104 = arith.constant 63 : i32
    "tpu.region"() ({
      %run_scoped3A_110 = tpu.sem_alloc : memref<!tpu.dma_semaphore, #tpu.memory_space<semaphore_mem>>
      %dma_start3A_111 = arith.constant 0 : i32
      %dma_start3A_112 = tpu.memref_slice %arg7[%run_scoped3A_104, %dma_start3A_111] : memref<64x80xi32, #tpu.memory_space<vmem>> -> memref<1x80xi32, #tpu.memory_space<vmem>>
      %dma_start3A_113 = tpu.memref_squeeze %dma_start3A_112 : memref<1x80xi32, #tpu.memory_space<vmem>> -> memref<80xi32, #tpu.memory_space<vmem>>
      %dma_start3A_114 = arith.constant 0 : i32
      %dma_start3A_115 = arith.constant 0 : i32
      %dma_start3A_116 = tpu.memref_slice %arg10[%dma_start3A_114, %dma_start3A_115] : memref<10240x128xf32, #tpu.memory_space<vmem_shared>> -> memref<10240x128xf32, #tpu.memory_space<vmem_shared>>
      tpu.enqueue_indirect_dma source(%arg9 : memref<80x128xf32, #tpu.memory_space<vmem>>) target(%dma_start3A_116 : memref<10240x128xf32, #tpu.memory_space<vmem_shared>>) offsets(%dma_start3A_113 : memref<80xi32, #tpu.memory_space<vmem>>) semaphore(%run_scoped3A_110 : memref<!tpu.dma_semaphore, #tpu.memory_space<semaphore_mem>>) {add = true}
      %dma_wait3A_117 = arith.constant 0 : i32
      %dma_wait3A_118 = tpu.memref_slice %arg7[%run_scoped3A_104, %dma_wait3A_117] : memref<64x80xi32, #tpu.memory_space<vmem>> -> memref<1x80xi32, #tpu.memory_space<vmem>>
      %dma_wait3A_119 = tpu.memref_squeeze %dma_wait3A_118 : memref<1x80xi32, #tpu.memory_space<vmem>> -> memref<80xi32, #tpu.memory_space<vmem>>
      %dma_wait3A_120 = arith.constant 0 : i32
      %dma_wait3A_121 = arith.constant 0 : i32
      %dma_wait3A_122 = tpu.memref_slice %arg10[%dma_wait3A_120, %dma_wait3A_121] : memref<10240x128xf32, #tpu.memory_space<vmem_shared>> -> memref<10240x128xf32, #tpu.memory_space<vmem_shared>>
      tpu.wait_indirect_dma semaphore(%run_scoped3A_110 : memref<!tpu.dma_semaphore, #tpu.memory_space<semaphore_mem>>) src(%arg9 : memref<80x128xf32, #tpu.memory_space<vmem>>) dst(%dma_wait3A_122 : memref<10240x128xf32, #tpu.memory_space<vmem_shared>>)
      tpu.yield
    }) : () -> ()
    %barrier3A_105 = arith.constant 0 : index
    tpu.barrier barrier_id(%barrier3A_105)
    %mul3A_106 = arith.constant 640 : i32
    %mul3A_107 = arith.muli %arg1, %mul3A_106 : i32
    %mul3A_108 = arith.constant 640 : i32
    %mul3A_109 = arith.muli %arg1, %mul3A_108 : i32
    "tpu.region"() ({
      %run_scoped3A_110 = tpu.sem_alloc : memref<!tpu.dma_semaphore, #tpu.memory_space<semaphore_mem>>
      %dma_start3A_111 = arith.constant 0 : i32
      %dma_start3A_112 = tpu.memref_slice %arg5[%arg0, %mul3A_109, %dma_start3A_111] : memref<2x10240x128xf32, #tpu.memory_space<hbm>> -> memref<1x640x128xf32, #tpu.memory_space<hbm>>
      %dma_start3A_113 = tpu.memref_squeeze %dma_start3A_112 : memref<1x640x128xf32, #tpu.memory_space<hbm>> -> memref<640x128xf32, #tpu.memory_space<hbm>>
      %dma_start3A_114 = arith.constant 0 : i32
      %dma_start3A_115 = tpu.memref_slice %arg10[%mul3A_107, %dma_start3A_114] : memref<10240x128xf32, #tpu.memory_space<vmem_shared>> -> memref<640x128xf32, #tpu.memory_space<vmem_shared>>
      tpu.enqueue_dma source(%dma_start3A_115 : memref<640x128xf32, #tpu.memory_space<vmem_shared>>) target(%dma_start3A_113 : memref<640x128xf32, #tpu.memory_space<hbm>>) target_semaphore(%run_scoped3A_110 : memref<!tpu.dma_semaphore, #tpu.memory_space<semaphore_mem>>)
      %dma_wait3A_116 = arith.constant 0 : i32
      %dma_wait3A_117 = tpu.memref_slice %arg5[%arg0, %mul3A_109, %dma_wait3A_116] : memref<2x10240x128xf32, #tpu.memory_space<hbm>> -> memref<1x640x128xf32, #tpu.memory_space<hbm>>
      %dma_wait3A_118 = tpu.memref_squeeze %dma_wait3A_117 : memref<1x640x128xf32, #tpu.memory_space<hbm>> -> memref<640x128xf32, #tpu.memory_space<hbm>>
      %dma_wait3A_119 = arith.constant 0 : i32
      %dma_wait3A_120 = tpu.memref_slice %arg10[%mul3A_107, %dma_wait3A_119] : memref<10240x128xf32, #tpu.memory_space<vmem_shared>> -> memref<640x128xf32, #tpu.memory_space<vmem_shared>>
      tpu.wait_dma2 semaphore(%run_scoped3A_110 : memref<!tpu.dma_semaphore, #tpu.memory_space<semaphore_mem>>) src(%dma_wait3A_120 : memref<640x128xf32, #tpu.memory_space<vmem_shared>>) dst(%dma_wait3A_118 : memref<640x128xf32, #tpu.memory_space<hbm>>)
      tpu.yield
    }) : () -> ()
    return
  }
}

#map = affine_map<(d0, d1) -> (0, 0)>
#map1 = affine_map<(d0, d1) -> (0, 0, 0)>
module attributes {stable_mosaic.version = 14 : i64} {
  func.func @_seg_body(%arg0: i32, %arg1: i32, %arg2: memref<10240x128xf32, #tpu.memory_space<hbm>>, %arg3: memref<32x128x80xi32, #tpu.memory_space<hbm>>, %arg4: memref<32x128x80xi32, #tpu.memory_space<hbm>>, %arg5: memref<2x10240x128xf32, #tpu.memory_space<hbm>>, %arg6: memref<64x80xi32, #tpu.memory_space<vmem>>, %arg7: memref<64x80xi32, #tpu.memory_space<vmem>>, %arg8: memref<80x128xf32, #tpu.memory_space<vmem>>, %arg9: memref<80x128xf32, #tpu.memory_space<vmem>>, %arg10: memref<10240x128xf32, #tpu.memory_space<vmem_shared>>, %arg11: memref<!tpu.dma_semaphore, #tpu.memory_space<semaphore_mem>>, %arg12: memref<!tpu.dma_semaphore, #tpu.memory_space<semaphore_mem>>) attributes {dimension_semantics = [#tpu.dimension_semantics<core_parallel>, #tpu.dimension_semantics<subcore_parallel>], iteration_bounds = array<i64: 2, 16>, scalar_prefetch = 0 : i64, scratch_operands = 7 : i64, tpu.core_type = #tpu.core_type<sc_vector_subcore>, window_params = [{transform_indices = #map}, {transform_indices = #map1}, {transform_indices = #map1}, {transform_indices = #map1}]} {
    %mul3A = arith.constant 16 : i32
    %mul3A_0 = arith.muli %arg0, %mul3A : i32
    %add3A = arith.addi %mul3A_0, %arg1 : i32
    %broadcast_in_dim3A = arith.constant 0.000000e+00 : f32
    %broadcast_in_dim3A_1 = vector.broadcast %broadcast_in_dim3A : f32 to vector<16xf32>
    %scan3A = arith.constant 0 : i32
    %scan3A_2 = arith.constant 640 : i32
    %scan3A_3 = arith.addi %scan3A, %scan3A_2 : i32
    %scan3A_4 = arith.constant 1 : i32
    scf.for %scan3A_110 = %scan3A to %scan3A_3 step %scan3A_4  : i32 {
      %jit3A = arith.constant 8 : i32
      %div3A = arith.divsi %scan3A_110, %jit3A : i32
      %sign3A = arith.constant 0 : i32
      %sign3A_111 = arith.cmpi sgt, %scan3A_110, %sign3A : i32
      %sign3A_112 = arith.extui %sign3A_111 : i1 to i32
      %sign3A_113 = arith.constant 0 : i32
      %sign3A_114 = arith.cmpi slt, %scan3A_110, %sign3A_113 : i32
      %sign3A_115 = arith.extui %sign3A_114 : i1 to i32
      %sign3A_116 = arith.subi %sign3A_112, %sign3A_115 : i32
      %sign3A_117 = arith.constant 0 : i32
      %sign3A_118 = arith.cmpi sgt, %jit3A, %sign3A_117 : i32
      %sign3A_119 = arith.extui %sign3A_118 : i1 to i32
      %sign3A_120 = arith.constant 0 : i32
      %sign3A_121 = arith.cmpi slt, %jit3A, %sign3A_120 : i32
      %sign3A_122 = arith.extui %sign3A_121 : i1 to i32
      %sign3A_123 = arith.subi %sign3A_119, %sign3A_122 : i32
      %ne3A = arith.cmpi ne, %sign3A_116, %sign3A_123 : i32
      %rem3A = arith.remsi %scan3A_110, %jit3A : i32
      %ne3A_124 = arith.constant 0 : i32
      %ne3A_125 = arith.cmpi ne, %rem3A, %ne3A_124 : i32
      %and3A = arith.andi %ne3A, %ne3A_125 : i1
      %sub3A = arith.constant 1 : i32
      %sub3A_126 = arith.subi %div3A, %sub3A : i32
      %select_n3A = arith.select %and3A, %sub3A_126, %div3A : i32
      %jit3A_127 = arith.constant 8 : i32
      %eq3A = arith.constant 0 : i32
      %eq3A_128 = arith.cmpi eq, %jit3A_127, %eq3A : i32
      %jit3A_129 = arith.constant 1 : i32
      %select_n3A_130 = arith.select %eq3A_128, %jit3A_129, %jit3A_127 : i32
      %rem3A_131 = arith.remsi %scan3A_110, %select_n3A_130 : i32
      %ne3A_132 = arith.constant 0 : i32
      %ne3A_133 = arith.cmpi ne, %rem3A_131, %ne3A_132 : i32
      %lt3A = arith.constant 0 : i32
      %lt3A_134 = arith.cmpi slt, %rem3A_131, %lt3A : i32
      %lt3A_135 = arith.constant 0 : i32
      %lt3A_136 = arith.cmpi slt, %select_n3A_130, %lt3A_135 : i32
      %ne3A_137 = arith.xori %lt3A_134, %lt3A_136 : i1
      %and3A_138 = arith.andi %ne3A_137, %ne3A_133 : i1
      %add3A_139 = arith.addi %rem3A_131, %select_n3A_130 : i32
      %select_n3A_140 = arith.select %and3A_138, %add3A_139, %rem3A_131 : i32
      %mul3A_141 = arith.constant 16 : i32
      %mul3A_142 = arith.muli %select_n3A_140, %mul3A_141 : i32
      %swap3A = arith.index_cast %select_n3A : i32 to index
      %swap3A_143 = arith.index_cast %mul3A_142 : i32 to index
      %swap3A_144 = tpu.vector_load %arg8[%swap3A, %swap3A_143] {strides = array<i32>} : memref<80x128xf32, #tpu.memory_space<vmem>>, vector<1x16xf32>,
      %swap3A_145 = vector.shape_cast %swap3A_144 : vector<1x16xf32> to vector<16xf32>
      %swap3A_146 = vector.shape_cast %broadcast_in_dim3A_1 : vector<16xf32> to vector<1x16xf32>
      tpu.vector_store %arg8[%swap3A, %swap3A_143], %swap3A_146 {strides = array<i32>} : memref<80x128xf32, #tpu.memory_space<vmem>>, vector<1x16xf32>,
    }
    %scan3A_5 = arith.constant 640 : i32
    %mul3A_6 = arith.constant 640 : i32
    %mul3A_7 = arith.muli %arg1, %mul3A_6 : i32
    %add3A_8 = arith.constant 0 : i32
    %add3A_9 = arith.addi %mul3A_7, %add3A_8 : i32
    "tpu.region"() ({
      %run_scoped3A_110 = tpu.sem_alloc : memref<!tpu.dma_semaphore, #tpu.memory_space<semaphore_mem>>
      %dma_start3A_111 = arith.constant 0 : i32
      %dma_start3A_112 = tpu.memref_slice %arg10[%add3A_9, %dma_start3A_111] : memref<10240x128xf32, #tpu.memory_space<vmem_shared>> -> memref<80x128xf32, #tpu.memory_space<vmem_shared>>
      %dma_start3A_113 = arith.constant 0 : i32
      %dma_start3A_114 = tpu.memref_slice %arg10[%add3A_9, %dma_start3A_113] : memref<10240x128xf32, #tpu.memory_space<vmem_shared>> -> memref<80x128xf32, #tpu.memory_space<vmem_shared>>
      tpu.enqueue_dma source(%arg8 : memref<80x128xf32, #tpu.memory_space<vmem>>) target(%dma_start3A_114 : memref<80x128xf32, #tpu.memory_space<vmem_shared>>) target_semaphore(%run_scoped3A_110 : memref<!tpu.dma_semaphore, #tpu.memory_space<semaphore_mem>>)
      %dma_wait3A_115 = arith.constant 0 : i32
      %dma_wait3A_116 = tpu.memref_slice %arg10[%add3A_9, %dma_wait3A_115] : memref<10240x128xf32, #tpu.memory_space<vmem_shared>> -> memref<80x128xf32, #tpu.memory_space<vmem_shared>>
      %dma_wait3A_117 = arith.constant 0 : i32
      %dma_wait3A_118 = tpu.memref_slice %arg10[%add3A_9, %dma_wait3A_117] : memref<10240x128xf32, #tpu.memory_space<vmem_shared>> -> memref<80x128xf32, #tpu.memory_space<vmem_shared>>
      tpu.wait_dma2 semaphore(%run_scoped3A_110 : memref<!tpu.dma_semaphore, #tpu.memory_space<semaphore_mem>>) src(%arg8 : memref<80x128xf32, #tpu.memory_space<vmem>>) dst(%dma_wait3A_118 : memref<80x128xf32, #tpu.memory_space<vmem_shared>>)
      tpu.yield
    }) : () -> ()
    %mul3A_10 = arith.constant 640 : i32
    %mul3A_11 = arith.muli %arg1, %mul3A_10 : i32
    %add3A_12 = arith.constant 80 : i32
    %add3A_13 = arith.addi %mul3A_11, %add3A_12 : i32
    "tpu.region"() ({
      %run_scoped3A_110 = tpu.sem_alloc : memref<!tpu.dma_semaphore, #tpu.memory_space<semaphore_mem>>
      %dma_start3A_111 = arith.constant 0 : i32
      %dma_start3A_112 = tpu.memref_slice %arg10[%add3A_13, %dma_start3A_111] : memref<10240x128xf32, #tpu.memory_space<vmem_shared>> -> memref<80x128xf32, #tpu.memory_space<vmem_shared>>
      %dma_start3A_113 = arith.constant 0 : i32
      %dma_start3A_114 = tpu.memref_slice %arg10[%add3A_13, %dma_start3A_113] : memref<10240x128xf32, #tpu.memory_space<vmem_shared>> -> memref<80x128xf32, #tpu.memory_space<vmem_shared>>
      tpu.enqueue_dma source(%arg8 : memref<80x128xf32, #tpu.memory_space<vmem>>) target(%dma_start3A_114 : memref<80x128xf32, #tpu.memory_space<vmem_shared>>) target_semaphore(%run_scoped3A_110 : memref<!tpu.dma_semaphore, #tpu.memory_space<semaphore_mem>>)
      %dma_wait3A_115 = arith.constant 0 : i32
      %dma_wait3A_116 = tpu.memref_slice %arg10[%add3A_13, %dma_wait3A_115] : memref<10240x128xf32, #tpu.memory_space<vmem_shared>> -> memref<80x128xf32, #tpu.memory_space<vmem_shared>>
      %dma_wait3A_117 = arith.constant 0 : i32
      %dma_wait3A_118 = tpu.memref_slice %arg10[%add3A_13, %dma_wait3A_117] : memref<10240x128xf32, #tpu.memory_space<vmem_shared>> -> memref<80x128xf32, #tpu.memory_space<vmem_shared>>
      tpu.wait_dma2 semaphore(%run_scoped3A_110 : memref<!tpu.dma_semaphore, #tpu.memory_space<semaphore_mem>>) src(%arg8 : memref<80x128xf32, #tpu.memory_space<vmem>>) dst(%dma_wait3A_118 : memref<80x128xf32, #tpu.memory_space<vmem_shared>>)
      tpu.yield
    }) : () -> ()
    %mul3A_14 = arith.constant 640 : i32
    %mul3A_15 = arith.muli %arg1, %mul3A_14 : i32
    %add3A_16 = arith.constant 160 : i32
    %add3A_17 = arith.addi %mul3A_15, %add3A_16 : i32
    "tpu.region"() ({
      %run_scoped3A_110 = tpu.sem_alloc : memref<!tpu.dma_semaphore, #tpu.memory_space<semaphore_mem>>
      %dma_start3A_111 = arith.constant 0 : i32
      %dma_start3A_112 = tpu.memref_slice %arg10[%add3A_17, %dma_start3A_111] : memref<10240x128xf32, #tpu.memory_space<vmem_shared>> -> memref<80x128xf32, #tpu.memory_space<vmem_shared>>
      %dma_start3A_113 = arith.constant 0 : i32
      %dma_start3A_114 = tpu.memref_slice %arg10[%add3A_17, %dma_start3A_113] : memref<10240x128xf32, #tpu.memory_space<vmem_shared>> -> memref<80x128xf32, #tpu.memory_space<vmem_shared>>
      tpu.enqueue_dma source(%arg8 : memref<80x128xf32, #tpu.memory_space<vmem>>) target(%dma_start3A_114 : memref<80x128xf32, #tpu.memory_space<vmem_shared>>) target_semaphore(%run_scoped3A_110 : memref<!tpu.dma_semaphore, #tpu.memory_space<semaphore_mem>>)
      %dma_wait3A_115 = arith.constant 0 : i32
      %dma_wait3A_116 = tpu.memref_slice %arg10[%add3A_17, %dma_wait3A_115] : memref<10240x128xf32, #tpu.memory_space<vmem_shared>> -> memref<80x128xf32, #tpu.memory_space<vmem_shared>>
      %dma_wait3A_117 = arith.constant 0 : i32
      %dma_wait3A_118 = tpu.memref_slice %arg10[%add3A_17, %dma_wait3A_117] : memref<10240x128xf32, #tpu.memory_space<vmem_shared>> -> memref<80x128xf32, #tpu.memory_space<vmem_shared>>
      tpu.wait_dma2 semaphore(%run_scoped3A_110 : memref<!tpu.dma_semaphore, #tpu.memory_space<semaphore_mem>>) src(%arg8 : memref<80x128xf32, #tpu.memory_space<vmem>>) dst(%dma_wait3A_118 : memref<80x128xf32, #tpu.memory_space<vmem_shared>>)
      tpu.yield
    }) : () -> ()
    %mul3A_18 = arith.constant 640 : i32
    %mul3A_19 = arith.muli %arg1, %mul3A_18 : i32
    %add3A_20 = arith.constant 240 : i32
    %add3A_21 = arith.addi %mul3A_19, %add3A_20 : i32
    "tpu.region"() ({
      %run_scoped3A_110 = tpu.sem_alloc : memref<!tpu.dma_semaphore, #tpu.memory_space<semaphore_mem>>
      %dma_start3A_111 = arith.constant 0 : i32
      %dma_start3A_112 = tpu.memref_slice %arg10[%add3A_21, %dma_start3A_111] : memref<10240x128xf32, #tpu.memory_space<vmem_shared>> -> memref<80x128xf32, #tpu.memory_space<vmem_shared>>
      %dma_start3A_113 = arith.constant 0 : i32
      %dma_start3A_114 = tpu.memref_slice %arg10[%add3A_21, %dma_start3A_113] : memref<10240x128xf32, #tpu.memory_space<vmem_shared>> -> memref<80x128xf32, #tpu.memory_space<vmem_shared>>
      tpu.enqueue_dma source(%arg8 : memref<80x128xf32, #tpu.memory_space<vmem>>) target(%dma_start3A_114 : memref<80x128xf32, #tpu.memory_space<vmem_shared>>) target_semaphore(%run_scoped3A_110 : memref<!tpu.dma_semaphore, #tpu.memory_space<semaphore_mem>>)
      %dma_wait3A_115 = arith.constant 0 : i32
      %dma_wait3A_116 = tpu.memref_slice %arg10[%add3A_21, %dma_wait3A_115] : memref<10240x128xf32, #tpu.memory_space<vmem_shared>> -> memref<80x128xf32, #tpu.memory_space<vmem_shared>>
      %dma_wait3A_117 = arith.constant 0 : i32
      %dma_wait3A_118 = tpu.memref_slice %arg10[%add3A_21, %dma_wait3A_117] : memref<10240x128xf32, #tpu.memory_space<vmem_shared>> -> memref<80x128xf32, #tpu.memory_space<vmem_shared>>
      tpu.wait_dma2 semaphore(%run_scoped3A_110 : memref<!tpu.dma_semaphore, #tpu.memory_space<semaphore_mem>>) src(%arg8 : memref<80x128xf32, #tpu.memory_space<vmem>>) dst(%dma_wait3A_118 : memref<80x128xf32, #tpu.memory_space<vmem_shared>>)
      tpu.yield
    }) : () -> ()
    %mul3A_22 = arith.constant 640 : i32
    %mul3A_23 = arith.muli %arg1, %mul3A_22 : i32
    %add3A_24 = arith.constant 320 : i32
    %add3A_25 = arith.addi %mul3A_23, %add3A_24 : i32
    "tpu.region"() ({
      %run_scoped3A_110 = tpu.sem_alloc : memref<!tpu.dma_semaphore, #tpu.memory_space<semaphore_mem>>
      %dma_start3A_111 = arith.constant 0 : i32
      %dma_start3A_112 = tpu.memref_slice %arg10[%add3A_25, %dma_start3A_111] : memref<10240x128xf32, #tpu.memory_space<vmem_shared>> -> memref<80x128xf32, #tpu.memory_space<vmem_shared>>
      %dma_start3A_113 = arith.constant 0 : i32
      %dma_start3A_114 = tpu.memref_slice %arg10[%add3A_25, %dma_start3A_113] : memref<10240x128xf32, #tpu.memory_space<vmem_shared>> -> memref<80x128xf32, #tpu.memory_space<vmem_shared>>
      tpu.enqueue_dma source(%arg8 : memref<80x128xf32, #tpu.memory_space<vmem>>) target(%dma_start3A_114 : memref<80x128xf32, #tpu.memory_space<vmem_shared>>) target_semaphore(%run_scoped3A_110 : memref<!tpu.dma_semaphore, #tpu.memory_space<semaphore_mem>>)
      %dma_wait3A_115 = arith.constant 0 : i32
      %dma_wait3A_116 = tpu.memref_slice %arg10[%add3A_25, %dma_wait3A_115] : memref<10240x128xf32, #tpu.memory_space<vmem_shared>> -> memref<80x128xf32, #tpu.memory_space<vmem_shared>>
      %dma_wait3A_117 = arith.constant 0 : i32
      %dma_wait3A_118 = tpu.memref_slice %arg10[%add3A_25, %dma_wait3A_117] : memref<10240x128xf32, #tpu.memory_space<vmem_shared>> -> memref<80x128xf32, #tpu.memory_space<vmem_shared>>
      tpu.wait_dma2 semaphore(%run_scoped3A_110 : memref<!tpu.dma_semaphore, #tpu.memory_space<semaphore_mem>>) src(%arg8 : memref<80x128xf32, #tpu.memory_space<vmem>>) dst(%dma_wait3A_118 : memref<80x128xf32, #tpu.memory_space<vmem_shared>>)
      tpu.yield
    }) : () -> ()
    %mul3A_26 = arith.constant 640 : i32
    %mul3A_27 = arith.muli %arg1, %mul3A_26 : i32
    %add3A_28 = arith.constant 400 : i32
    %add3A_29 = arith.addi %mul3A_27, %add3A_28 : i32
    "tpu.region"() ({
      %run_scoped3A_110 = tpu.sem_alloc : memref<!tpu.dma_semaphore, #tpu.memory_space<semaphore_mem>>
      %dma_start3A_111 = arith.constant 0 : i32
      %dma_start3A_112 = tpu.memref_slice %arg10[%add3A_29, %dma_start3A_111] : memref<10240x128xf32, #tpu.memory_space<vmem_shared>> -> memref<80x128xf32, #tpu.memory_space<vmem_shared>>
      %dma_start3A_113 = arith.constant 0 : i32
      %dma_start3A_114 = tpu.memref_slice %arg10[%add3A_29, %dma_start3A_113] : memref<10240x128xf32, #tpu.memory_space<vmem_shared>> -> memref<80x128xf32, #tpu.memory_space<vmem_shared>>
      tpu.enqueue_dma source(%arg8 : memref<80x128xf32, #tpu.memory_space<vmem>>) target(%dma_start3A_114 : memref<80x128xf32, #tpu.memory_space<vmem_shared>>) target_semaphore(%run_scoped3A_110 : memref<!tpu.dma_semaphore, #tpu.memory_space<semaphore_mem>>)
      %dma_wait3A_115 = arith.constant 0 : i32
      %dma_wait3A_116 = tpu.memref_slice %arg10[%add3A_29, %dma_wait3A_115] : memref<10240x128xf32, #tpu.memory_space<vmem_shared>> -> memref<80x128xf32, #tpu.memory_space<vmem_shared>>
      %dma_wait3A_117 = arith.constant 0 : i32
      %dma_wait3A_118 = tpu.memref_slice %arg10[%add3A_29, %dma_wait3A_117] : memref<10240x128xf32, #tpu.memory_space<vmem_shared>> -> memref<80x128xf32, #tpu.memory_space<vmem_shared>>
      tpu.wait_dma2 semaphore(%run_scoped3A_110 : memref<!tpu.dma_semaphore, #tpu.memory_space<semaphore_mem>>) src(%arg8 : memref<80x128xf32, #tpu.memory_space<vmem>>) dst(%dma_wait3A_118 : memref<80x128xf32, #tpu.memory_space<vmem_shared>>)
      tpu.yield
    }) : () -> ()
    %mul3A_30 = arith.constant 640 : i32
    %mul3A_31 = arith.muli %arg1, %mul3A_30 : i32
    %add3A_32 = arith.constant 480 : i32
    %add3A_33 = arith.addi %mul3A_31, %add3A_32 : i32
    "tpu.region"() ({
      %run_scoped3A_110 = tpu.sem_alloc : memref<!tpu.dma_semaphore, #tpu.memory_space<semaphore_mem>>
      %dma_start3A_111 = arith.constant 0 : i32
      %dma_start3A_112 = tpu.memref_slice %arg10[%add3A_33, %dma_start3A_111] : memref<10240x128xf32, #tpu.memory_space<vmem_shared>> -> memref<80x128xf32, #tpu.memory_space<vmem_shared>>
      %dma_start3A_113 = arith.constant 0 : i32
      %dma_start3A_114 = tpu.memref_slice %arg10[%add3A_33, %dma_start3A_113] : memref<10240x128xf32, #tpu.memory_space<vmem_shared>> -> memref<80x128xf32, #tpu.memory_space<vmem_shared>>
      tpu.enqueue_dma source(%arg8 : memref<80x128xf32, #tpu.memory_space<vmem>>) target(%dma_start3A_114 : memref<80x128xf32, #tpu.memory_space<vmem_shared>>) target_semaphore(%run_scoped3A_110 : memref<!tpu.dma_semaphore, #tpu.memory_space<semaphore_mem>>)
      %dma_wait3A_115 = arith.constant 0 : i32
      %dma_wait3A_116 = tpu.memref_slice %arg10[%add3A_33, %dma_wait3A_115] : memref<10240x128xf32, #tpu.memory_space<vmem_shared>> -> memref<80x128xf32, #tpu.memory_space<vmem_shared>>
      %dma_wait3A_117 = arith.constant 0 : i32
      %dma_wait3A_118 = tpu.memref_slice %arg10[%add3A_33, %dma_wait3A_117] : memref<10240x128xf32, #tpu.memory_space<vmem_shared>> -> memref<80x128xf32, #tpu.memory_space<vmem_shared>>
      tpu.wait_dma2 semaphore(%run_scoped3A_110 : memref<!tpu.dma_semaphore, #tpu.memory_space<semaphore_mem>>) src(%arg8 : memref<80x128xf32, #tpu.memory_space<vmem>>) dst(%dma_wait3A_118 : memref<80x128xf32, #tpu.memory_space<vmem_shared>>)
      tpu.yield
    }) : () -> ()
    %mul3A_34 = arith.constant 640 : i32
    %mul3A_35 = arith.muli %arg1, %mul3A_34 : i32
    %add3A_36 = arith.constant 560 : i32
    %add3A_37 = arith.addi %mul3A_35, %add3A_36 : i32
    "tpu.region"() ({
      %run_scoped3A_110 = tpu.sem_alloc : memref<!tpu.dma_semaphore, #tpu.memory_space<semaphore_mem>>
      %dma_start3A_111 = arith.constant 0 : i32
      %dma_start3A_112 = tpu.memref_slice %arg10[%add3A_37, %dma_start3A_111] : memref<10240x128xf32, #tpu.memory_space<vmem_shared>> -> memref<80x128xf32, #tpu.memory_space<vmem_shared>>
      %dma_start3A_113 = arith.constant 0 : i32
      %dma_start3A_114 = tpu.memref_slice %arg10[%add3A_37, %dma_start3A_113] : memref<10240x128xf32, #tpu.memory_space<vmem_shared>> -> memref<80x128xf32, #tpu.memory_space<vmem_shared>>
      tpu.enqueue_dma source(%arg8 : memref<80x128xf32, #tpu.memory_space<vmem>>) target(%dma_start3A_114 : memref<80x128xf32, #tpu.memory_space<vmem_shared>>) target_semaphore(%run_scoped3A_110 : memref<!tpu.dma_semaphore, #tpu.memory_space<semaphore_mem>>)
      %dma_wait3A_115 = arith.constant 0 : i32
      %dma_wait3A_116 = tpu.memref_slice %arg10[%add3A_37, %dma_wait3A_115] : memref<10240x128xf32, #tpu.memory_space<vmem_shared>> -> memref<80x128xf32, #tpu.memory_space<vmem_shared>>
      %dma_wait3A_117 = arith.constant 0 : i32
      %dma_wait3A_118 = tpu.memref_slice %arg10[%add3A_37, %dma_wait3A_117] : memref<10240x128xf32, #tpu.memory_space<vmem_shared>> -> memref<80x128xf32, #tpu.memory_space<vmem_shared>>
      tpu.wait_dma2 semaphore(%run_scoped3A_110 : memref<!tpu.dma_semaphore, #tpu.memory_space<semaphore_mem>>) src(%arg8 : memref<80x128xf32, #tpu.memory_space<vmem>>) dst(%dma_wait3A_118 : memref<80x128xf32, #tpu.memory_space<vmem_shared>>)
      tpu.yield
    }) : () -> ()
    %barrier3A = arith.constant 0 : index
    tpu.barrier barrier_id(%barrier3A)
    "tpu.region"() ({
      %run_scoped3A_110 = tpu.sem_alloc : memref<!tpu.dma_semaphore, #tpu.memory_space<semaphore_mem>>
      %dma_start3A_111 = arith.constant 0 : i32
      %dma_start3A_112 = arith.constant 0 : i32
      %dma_start3A_113 = tpu.memref_slice %arg3[%add3A, %dma_start3A_111, %dma_start3A_112] : memref<32x128x80xi32, #tpu.memory_space<hbm>> -> memref<1x64x80xi32, #tpu.memory_space<hbm>>
      %dma_start3A_114 = tpu.memref_squeeze %dma_start3A_113 : memref<1x64x80xi32, #tpu.memory_space<hbm>> -> memref<64x80xi32, #tpu.memory_space<hbm>>
      %dma_start3A_115 = arith.constant 0 : i32
      %dma_start3A_116 = arith.constant 0 : i32
      %dma_start3A_117 = tpu.memref_slice %arg3[%add3A, %dma_start3A_115, %dma_start3A_116] : memref<32x128x80xi32, #tpu.memory_space<hbm>> -> memref<1x64x80xi32, #tpu.memory_space<hbm>>
      %dma_start3A_118 = tpu.memref_squeeze %dma_start3A_117 : memref<1x64x80xi32, #tpu.memory_space<hbm>> -> memref<64x80xi32, #tpu.memory_space<hbm>>
      tpu.enqueue_dma source(%dma_start3A_118 : memref<64x80xi32, #tpu.memory_space<hbm>>) target(%arg6 : memref<64x80xi32, #tpu.memory_space<vmem>>) target_semaphore(%run_scoped3A_110 : memref<!tpu.dma_semaphore, #tpu.memory_space<semaphore_mem>>)
      %dma_wait3A_119 = arith.constant 0 : i32
      %dma_wait3A_120 = arith.constant 0 : i32
      %dma_wait3A_121 = tpu.memref_slice %arg3[%add3A, %dma_wait3A_119, %dma_wait3A_120] : memref<32x128x80xi32, #tpu.memory_space<hbm>> -> memref<1x64x80xi32, #tpu.memory_space<hbm>>
      %dma_wait3A_122 = tpu.memref_squeeze %dma_wait3A_121 : memref<1x64x80xi32, #tpu.memory_space<hbm>> -> memref<64x80xi32, #tpu.memory_space<hbm>>
      %dma_wait3A_123 = arith.constant 0 : i32
      %dma_wait3A_124 = arith.constant 0 : i32
      %dma_wait3A_125 = tpu.memref_slice %arg3[%add3A, %dma_wait3A_123, %dma_wait3A_124] : memref<32x128x80xi32, #tpu.memory_space<hbm>> -> memref<1x64x80xi32, #tpu.memory_space<hbm>>
      %dma_wait3A_126 = tpu.memref_squeeze %dma_wait3A_125 : memref<1x64x80xi32, #tpu.memory_space<hbm>> -> memref<64x80xi32, #tpu.memory_space<hbm>>
      tpu.wait_dma2 semaphore(%run_scoped3A_110 : memref<!tpu.dma_semaphore, #tpu.memory_space<semaphore_mem>>) src(%dma_wait3A_126 : memref<64x80xi32, #tpu.memory_space<hbm>>) dst(%arg6 : memref<64x80xi32, #tpu.memory_space<vmem>>)
      tpu.yield
    }) : () -> ()
    "tpu.region"() ({
      %run_scoped3A_110 = tpu.sem_alloc : memref<!tpu.dma_semaphore, #tpu.memory_space<semaphore_mem>>
      %dma_start3A_111 = arith.constant 0 : i32
      %dma_start3A_112 = arith.constant 0 : i32
      %dma_start3A_113 = tpu.memref_slice %arg4[%add3A, %dma_start3A_111, %dma_start3A_112] : memref<32x128x80xi32, #tpu.memory_space<hbm>> -> memref<1x64x80xi32, #tpu.memory_space<hbm>>
      %dma_start3A_114 = tpu.memref_squeeze %dma_start3A_113 : memref<1x64x80xi32, #tpu.memory_space<hbm>> -> memref<64x80xi32, #tpu.memory_space<hbm>>
      %dma_start3A_115 = arith.constant 0 : i32
      %dma_start3A_116 = arith.constant 0 : i32
      %dma_start3A_117 = tpu.memref_slice %arg4[%add3A, %dma_start3A_115, %dma_start3A_116] : memref<32x128x80xi32, #tpu.memory_space<hbm>> -> memref<1x64x80xi32, #tpu.memory_space<hbm>>
      %dma_start3A_118 = tpu.memref_squeeze %dma_start3A_117 : memref<1x64x80xi32, #tpu.memory_space<hbm>> -> memref<64x80xi32, #tpu.memory_space<hbm>>
      tpu.enqueue_dma source(%dma_start3A_118 : memref<64x80xi32, #tpu.memory_space<hbm>>) target(%arg7 : memref<64x80xi32, #tpu.memory_space<vmem>>) target_semaphore(%run_scoped3A_110 : memref<!tpu.dma_semaphore, #tpu.memory_space<semaphore_mem>>)
      %dma_wait3A_119 = arith.constant 0 : i32
      %dma_wait3A_120 = arith.constant 0 : i32
      %dma_wait3A_121 = tpu.memref_slice %arg4[%add3A, %dma_wait3A_119, %dma_wait3A_120] : memref<32x128x80xi32, #tpu.memory_space<hbm>> -> memref<1x64x80xi32, #tpu.memory_space<hbm>>
      %dma_wait3A_122 = tpu.memref_squeeze %dma_wait3A_121 : memref<1x64x80xi32, #tpu.memory_space<hbm>> -> memref<64x80xi32, #tpu.memory_space<hbm>>
      %dma_wait3A_123 = arith.constant 0 : i32
      %dma_wait3A_124 = arith.constant 0 : i32
      %dma_wait3A_125 = tpu.memref_slice %arg4[%add3A, %dma_wait3A_123, %dma_wait3A_124] : memref<32x128x80xi32, #tpu.memory_space<hbm>> -> memref<1x64x80xi32, #tpu.memory_space<hbm>>
      %dma_wait3A_126 = tpu.memref_squeeze %dma_wait3A_125 : memref<1x64x80xi32, #tpu.memory_space<hbm>> -> memref<64x80xi32, #tpu.memory_space<hbm>>
      tpu.wait_dma2 semaphore(%run_scoped3A_110 : memref<!tpu.dma_semaphore, #tpu.memory_space<semaphore_mem>>) src(%dma_wait3A_126 : memref<64x80xi32, #tpu.memory_space<hbm>>) dst(%arg7 : memref<64x80xi32, #tpu.memory_space<vmem>>)
      tpu.yield
    }) : () -> ()
    %dma_start3A = arith.constant 0 : i32
    %dma_start3A_38 = arith.constant 0 : i32
    %dma_start3A_39 = tpu.memref_slice %arg6[%dma_start3A, %dma_start3A_38] : memref<64x80xi32, #tpu.memory_space<vmem>> -> memref<1x80xi32, #tpu.memory_space<vmem>>
    %dma_start3A_40 = tpu.memref_squeeze %dma_start3A_39 : memref<1x80xi32, #tpu.memory_space<vmem>> -> memref<80xi32, #tpu.memory_space<vmem>>
    %dma_start3A_41 = arith.constant 0 : i32
    %dma_start3A_42 = arith.constant 0 : i32
    %dma_start3A_43 = tpu.memref_slice %arg2[%dma_start3A_41, %dma_start3A_42] : memref<10240x128xf32, #tpu.memory_space<hbm>> -> memref<10240x128xf32, #tpu.memory_space<hbm>>
    tpu.enqueue_indirect_dma source(%dma_start3A_43 : memref<10240x128xf32, #tpu.memory_space<hbm>>) target(%arg8 : memref<80x128xf32, #tpu.memory_space<vmem>>) offsets(%dma_start3A_40 : memref<80xi32, #tpu.memory_space<vmem>>) semaphore(%arg11 : memref<!tpu.dma_semaphore, #tpu.memory_space<semaphore_mem>>)
    %scan3A_44 = arith.constant 0 : i32
    %scan3A_45 = arith.constant 31 : i32
    %scan3A_46 = arith.addi %scan3A_44, %scan3A_45 : i32
    %scan3A_47 = arith.constant 1 : i32
    scf.for %scan3A_110 = %scan3A_44 to %scan3A_46 step %scan3A_47  : i32 {
      %mul3A_111 = arith.constant 2 : i32
      %mul3A_112 = arith.muli %mul3A_111, %scan3A_110 : i32
      %add3A_113 = arith.constant 1 : i32
      %add3A_114 = arith.addi %mul3A_112, %add3A_113 : i32
      %dma_start3A_115 = arith.constant 0 : i32
      %dma_start3A_116 = tpu.memref_slice %arg6[%add3A_114, %dma_start3A_115] : memref<64x80xi32, #tpu.memory_space<vmem>> -> memref<1x80xi32, #tpu.memory_space<vmem>>
      %dma_start3A_117 = tpu.memref_squeeze %dma_start3A_116 : memref<1x80xi32, #tpu.memory_space<vmem>> -> memref<80xi32, #tpu.memory_space<vmem>>
      %dma_start3A_118 = arith.constant 0 : i32
      %dma_start3A_119 = arith.constant 0 : i32
      %dma_start3A_120 = tpu.memref_slice %arg2[%dma_start3A_118, %dma_start3A_119] : memref<10240x128xf32, #tpu.memory_space<hbm>> -> memref<10240x128xf32, #tpu.memory_space<hbm>>
      tpu.enqueue_indirect_dma source(%dma_start3A_120 : memref<10240x128xf32, #tpu.memory_space<hbm>>) target(%arg9 : memref<80x128xf32, #tpu.memory_space<vmem>>) offsets(%dma_start3A_117 : memref<80xi32, #tpu.memory_space<vmem>>) semaphore(%arg12 : memref<!tpu.dma_semaphore, #tpu.memory_space<semaphore_mem>>)
      %dma_wait3A_121 = arith.constant 0 : i32
      %dma_wait3A_122 = tpu.memref_slice %arg6[%mul3A_112, %dma_wait3A_121] : memref<64x80xi32, #tpu.memory_space<vmem>> -> memref<1x80xi32, #tpu.memory_space<vmem>>
      %dma_wait3A_123 = tpu.memref_squeeze %dma_wait3A_122 : memref<1x80xi32, #tpu.memory_space<vmem>> -> memref<80xi32, #tpu.memory_space<vmem>>
      %dma_wait3A_124 = arith.constant 0 : i32
      %dma_wait3A_125 = arith.constant 0 : i32
      %dma_wait3A_126 = tpu.memref_slice %arg2[%dma_wait3A_124, %dma_wait3A_125] : memref<10240x128xf32, #tpu.memory_space<hbm>> -> memref<10240x128xf32, #tpu.memory_space<hbm>>
      tpu.wait_indirect_dma semaphore(%arg11 : memref<!tpu.dma_semaphore, #tpu.memory_space<semaphore_mem>>) src(%dma_wait3A_126 : memref<10240x128xf32, #tpu.memory_space<hbm>>) dst(%arg8 : memref<80x128xf32, #tpu.memory_space<vmem>>)
      "tpu.region"() ({
        %run_scoped3A_145 = tpu.sem_alloc : memref<!tpu.dma_semaphore, #tpu.memory_space<semaphore_mem>>
        %dma_start3A_146 = arith.constant 0 : i32
        %dma_start3A_147 = tpu.memref_slice %arg7[%mul3A_112, %dma_start3A_146] : memref<64x80xi32, #tpu.memory_space<vmem>> -> memref<1x80xi32, #tpu.memory_space<vmem>>
        %dma_start3A_148 = tpu.memref_squeeze %dma_start3A_147 : memref<1x80xi32, #tpu.memory_space<vmem>> -> memref<80xi32, #tpu.memory_space<vmem>>
        %dma_start3A_149 = arith.constant 0 : i32
        %dma_start3A_150 = arith.constant 0 : i32
        %dma_start3A_151 = tpu.memref_slice %arg10[%dma_start3A_149, %dma_start3A_150] : memref<10240x128xf32, #tpu.memory_space<vmem_shared>> -> memref<10240x128xf32, #tpu.memory_space<vmem_shared>>
        tpu.enqueue_indirect_dma source(%arg8 : memref<80x128xf32, #tpu.memory_space<vmem>>) target(%dma_start3A_151 : memref<10240x128xf32, #tpu.memory_space<vmem_shared>>) offsets(%dma_start3A_148 : memref<80xi32, #tpu.memory_space<vmem>>) semaphore(%run_scoped3A_145 : memref<!tpu.dma_semaphore, #tpu.memory_space<semaphore_mem>>) {add = true}
        %dma_wait3A_152 = arith.constant 0 : i32
        %dma_wait3A_153 = tpu.memref_slice %arg7[%mul3A_112, %dma_wait3A_152] : memref<64x80xi32, #tpu.memory_space<vmem>> -> memref<1x80xi32, #tpu.memory_space<vmem>>
        %dma_wait3A_154 = tpu.memref_squeeze %dma_wait3A_153 : memref<1x80xi32, #tpu.memory_space<vmem>> -> memref<80xi32, #tpu.memory_space<vmem>>
        %dma_wait3A_155 = arith.constant 0 : i32
        %dma_wait3A_156 = arith.constant 0 : i32
        %dma_wait3A_157 = tpu.memref_slice %arg10[%dma_wait3A_155, %dma_wait3A_156] : memref<10240x128xf32, #tpu.memory_space<vmem_shared>> -> memref<10240x128xf32, #tpu.memory_space<vmem_shared>>
        tpu.wait_indirect_dma semaphore(%run_scoped3A_145 : memref<!tpu.dma_semaphore, #tpu.memory_space<semaphore_mem>>) src(%arg8 : memref<80x128xf32, #tpu.memory_space<vmem>>) dst(%dma_wait3A_157 : memref<10240x128xf32, #tpu.memory_space<vmem_shared>>)
        tpu.yield
      }) : () -> ()
      %add3A_127 = arith.constant 2 : i32
      %add3A_128 = arith.addi %mul3A_112, %add3A_127 : i32
      %dma_start3A_129 = arith.constant 0 : i32
      %dma_start3A_130 = tpu.memref_slice %arg6[%add3A_128, %dma_start3A_129] : memref<64x80xi32, #tpu.memory_space<vmem>> -> memref<1x80xi32, #tpu.memory_space<vmem>>
      %dma_start3A_131 = tpu.memref_squeeze %dma_start3A_130 : memref<1x80xi32, #tpu.memory_space<vmem>> -> memref<80xi32, #tpu.memory_space<vmem>>
      %dma_start3A_132 = arith.constant 0 : i32
      %dma_start3A_133 = arith.constant 0 : i32
      %dma_start3A_134 = tpu.memref_slice %arg2[%dma_start3A_132, %dma_start3A_133] : memref<10240x128xf32, #tpu.memory_space<hbm>> -> memref<10240x128xf32, #tpu.memory_space<hbm>>
      tpu.enqueue_indirect_dma source(%dma_start3A_134 : memref<10240x128xf32, #tpu.memory_space<hbm>>) target(%arg8 : memref<80x128xf32, #tpu.memory_space<vmem>>) offsets(%dma_start3A_131 : memref<80xi32, #tpu.memory_space<vmem>>) semaphore(%arg11 : memref<!tpu.dma_semaphore, #tpu.memory_space<semaphore_mem>>)
      %add3A_135 = arith.constant 1 : i32
      %add3A_136 = arith.addi %mul3A_112, %add3A_135 : i32
      %dma_wait3A_137 = arith.constant 0 : i32
      %dma_wait3A_138 = tpu.memref_slice %arg6[%add3A_136, %dma_wait3A_137] : memref<64x80xi32, #tpu.memory_space<vmem>> -> memref<1x80xi32, #tpu.memory_space<vmem>>
      %dma_wait3A_139 = tpu.memref_squeeze %dma_wait3A_138 : memref<1x80xi32, #tpu.memory_space<vmem>> -> memref<80xi32, #tpu.memory_space<vmem>>
      %dma_wait3A_140 = arith.constant 0 : i32
      %dma_wait3A_141 = arith.constant 0 : i32
      %dma_wait3A_142 = tpu.memref_slice %arg2[%dma_wait3A_140, %dma_wait3A_141] : memref<10240x128xf32, #tpu.memory_space<hbm>> -> memref<10240x128xf32, #tpu.memory_space<hbm>>
      tpu.wait_indirect_dma semaphore(%arg12 : memref<!tpu.dma_semaphore, #tpu.memory_space<semaphore_mem>>) src(%dma_wait3A_142 : memref<10240x128xf32, #tpu.memory_space<hbm>>) dst(%arg9 : memref<80x128xf32, #tpu.memory_space<vmem>>)
      %add3A_143 = arith.constant 1 : i32
      %add3A_144 = arith.addi %mul3A_112, %add3A_143 : i32
      "tpu.region"() ({
        %run_scoped3A_145 = tpu.sem_alloc : memref<!tpu.dma_semaphore, #tpu.memory_space<semaphore_mem>>
        %dma_start3A_146 = arith.constant 0 : i32
        %dma_start3A_147 = tpu.memref_slice %arg7[%add3A_144, %dma_start3A_146] : memref<64x80xi32, #tpu.memory_space<vmem>> -> memref<1x80xi32, #tpu.memory_space<vmem>>
        %dma_start3A_148 = tpu.memref_squeeze %dma_start3A_147 : memref<1x80xi32, #tpu.memory_space<vmem>> -> memref<80xi32, #tpu.memory_space<vmem>>
        %dma_start3A_149 = arith.constant 0 : i32
        %dma_start3A_150 = arith.constant 0 : i32
        %dma_start3A_151 = tpu.memref_slice %arg10[%dma_start3A_149, %dma_start3A_150] : memref<10240x128xf32, #tpu.memory_space<vmem_shared>> -> memref<10240x128xf32, #tpu.memory_space<vmem_shared>>
        tpu.enqueue_indirect_dma source(%arg9 : memref<80x128xf32, #tpu.memory_space<vmem>>) target(%dma_start3A_151 : memref<10240x128xf32, #tpu.memory_space<vmem_shared>>) offsets(%dma_start3A_148 : memref<80xi32, #tpu.memory_space<vmem>>) semaphore(%run_scoped3A_145 : memref<!tpu.dma_semaphore, #tpu.memory_space<semaphore_mem>>) {add = true}
        %dma_wait3A_152 = arith.constant 0 : i32
        %dma_wait3A_153 = tpu.memref_slice %arg7[%add3A_144, %dma_wait3A_152] : memref<64x80xi32, #tpu.memory_space<vmem>> -> memref<1x80xi32, #tpu.memory_space<vmem>>
        %dma_wait3A_154 = tpu.memref_squeeze %dma_wait3A_153 : memref<1x80xi32, #tpu.memory_space<vmem>> -> memref<80xi32, #tpu.memory_space<vmem>>
        %dma_wait3A_155 = arith.constant 0 : i32
        %dma_wait3A_156 = arith.constant 0 : i32
        %dma_wait3A_157 = tpu.memref_slice %arg10[%dma_wait3A_155, %dma_wait3A_156] : memref<10240x128xf32, #tpu.memory_space<vmem_shared>> -> memref<10240x128xf32, #tpu.memory_space<vmem_shared>>
        tpu.wait_indirect_dma semaphore(%run_scoped3A_145 : memref<!tpu.dma_semaphore, #tpu.memory_space<semaphore_mem>>) src(%arg9 : memref<80x128xf32, #tpu.memory_space<vmem>>) dst(%dma_wait3A_157 : memref<10240x128xf32, #tpu.memory_space<vmem_shared>>)
        tpu.yield
      }) : () -> ()
    }
    %scan3A_48 = arith.constant 31 : i32
    %dma_start3A_49 = arith.constant 63 : i32
    %dma_start3A_50 = arith.constant 0 : i32
    %dma_start3A_51 = tpu.memref_slice %arg6[%dma_start3A_49, %dma_start3A_50] : memref<64x80xi32, #tpu.memory_space<vmem>> -> memref<1x80xi32, #tpu.memory_space<vmem>>
    %dma_start3A_52 = tpu.memref_squeeze %dma_start3A_51 : memref<1x80xi32, #tpu.memory_space<vmem>> -> memref<80xi32, #tpu.memory_space<vmem>>
    %dma_start3A_53 = arith.constant 0 : i32
    %dma_start3A_54 = arith.constant 0 : i32
    %dma_start3A_55 = tpu.memref_slice %arg2[%dma_start3A_53, %dma_start3A_54] : memref<10240x128xf32, #tpu.memory_space<hbm>> -> memref<10240x128xf32, #tpu.memory_space<hbm>>
    tpu.enqueue_indirect_dma source(%dma_start3A_55 : memref<10240x128xf32, #tpu.memory_space<hbm>>) target(%arg9 : memref<80x128xf32, #tpu.memory_space<vmem>>) offsets(%dma_start3A_52 : memref<80xi32, #tpu.memory_space<vmem>>) semaphore(%arg12 : memref<!tpu.dma_semaphore, #tpu.memory_space<semaphore_mem>>)
    %dma_wait3A = arith.constant 62 : i32
    %dma_wait3A_56 = arith.constant 0 : i32
    %dma_wait3A_57 = tpu.memref_slice %arg6[%dma_wait3A, %dma_wait3A_56] : memref<64x80xi32, #tpu.memory_space<vmem>> -> memref<1x80xi32, #tpu.memory_space<vmem>>
    %dma_wait3A_58 = tpu.memref_squeeze %dma_wait3A_57 : memref<1x80xi32, #tpu.memory_space<vmem>> -> memref<80xi32, #tpu.memory_space<vmem>>
    %dma_wait3A_59 = arith.constant 0 : i32
    %dma_wait3A_60 = arith.constant 0 : i32
    %dma_wait3A_61 = tpu.memref_slice %arg2[%dma_wait3A_59, %dma_wait3A_60] : memref<10240x128xf32, #tpu.memory_space<hbm>> -> memref<10240x128xf32, #tpu.memory_space<hbm>>
    tpu.wait_indirect_dma semaphore(%arg11 : memref<!tpu.dma_semaphore, #tpu.memory_space<semaphore_mem>>) src(%dma_wait3A_61 : memref<10240x128xf32, #tpu.memory_space<hbm>>) dst(%arg8 : memref<80x128xf32, #tpu.memory_space<vmem>>)
    %run_scoped3A = arith.constant 62 : i32
    "tpu.region"() ({
      %run_scoped3A_110 = tpu.sem_alloc : memref<!tpu.dma_semaphore, #tpu.memory_space<semaphore_mem>>
      %dma_start3A_111 = arith.constant 0 : i32
      %dma_start3A_112 = tpu.memref_slice %arg7[%run_scoped3A, %dma_start3A_111] : memref<64x80xi32, #tpu.memory_space<vmem>> -> memref<1x80xi32, #tpu.memory_space<vmem>>
      %dma_start3A_113 = tpu.memref_squeeze %dma_start3A_112 : memref<1x80xi32, #tpu.memory_space<vmem>> -> memref<80xi32, #tpu.memory_space<vmem>>
      %dma_start3A_114 = arith.constant 0 : i32
      %dma_start3A_115 = arith.constant 0 : i32
      %dma_start3A_116 = tpu.memref_slice %arg10[%dma_start3A_114, %dma_start3A_115] : memref<10240x128xf32, #tpu.memory_space<vmem_shared>> -> memref<10240x128xf32, #tpu.memory_space<vmem_shared>>
      tpu.enqueue_indirect_dma source(%arg8 : memref<80x128xf32, #tpu.memory_space<vmem>>) target(%dma_start3A_116 : memref<10240x128xf32, #tpu.memory_space<vmem_shared>>) offsets(%dma_start3A_113 : memref<80xi32, #tpu.memory_space<vmem>>) semaphore(%run_scoped3A_110 : memref<!tpu.dma_semaphore, #tpu.memory_space<semaphore_mem>>) {add = true}
      %dma_wait3A_117 = arith.constant 0 : i32
      %dma_wait3A_118 = tpu.memref_slice %arg7[%run_scoped3A, %dma_wait3A_117] : memref<64x80xi32, #tpu.memory_space<vmem>> -> memref<1x80xi32, #tpu.memory_space<vmem>>
      %dma_wait3A_119 = tpu.memref_squeeze %dma_wait3A_118 : memref<1x80xi32, #tpu.memory_space<vmem>> -> memref<80xi32, #tpu.memory_space<vmem>>
      %dma_wait3A_120 = arith.constant 0 : i32
      %dma_wait3A_121 = arith.constant 0 : i32
      %dma_wait3A_122 = tpu.memref_slice %arg10[%dma_wait3A_120, %dma_wait3A_121] : memref<10240x128xf32, #tpu.memory_space<vmem_shared>> -> memref<10240x128xf32, #tpu.memory_space<vmem_shared>>
      tpu.wait_indirect_dma semaphore(%run_scoped3A_110 : memref<!tpu.dma_semaphore, #tpu.memory_space<semaphore_mem>>) src(%arg8 : memref<80x128xf32, #tpu.memory_space<vmem>>) dst(%dma_wait3A_122 : memref<10240x128xf32, #tpu.memory_space<vmem_shared>>)
      tpu.yield
    }) : () -> ()
    %dma_wait3A_62 = arith.constant 63 : i32
    %dma_wait3A_63 = arith.constant 0 : i32
    %dma_wait3A_64 = tpu.memref_slice %arg6[%dma_wait3A_62, %dma_wait3A_63] : memref<64x80xi32, #tpu.memory_space<vmem>> -> memref<1x80xi32, #tpu.memory_space<vmem>>
    %dma_wait3A_65 = tpu.memref_squeeze %dma_wait3A_64 : memref<1x80xi32, #tpu.memory_space<vmem>> -> memref<80xi32, #tpu.memory_space<vmem>>
    %dma_wait3A_66 = arith.constant 0 : i32
    %dma_wait3A_67 = arith.constant 0 : i32
    %dma_wait3A_68 = tpu.memref_slice %arg2[%dma_wait3A_66, %dma_wait3A_67] : memref<10240x128xf32, #tpu.memory_space<hbm>> -> memref<10240x128xf32, #tpu.memory_space<hbm>>
    tpu.wait_indirect_dma semaphore(%arg12 : memref<!tpu.dma_semaphore, #tpu.memory_space<semaphore_mem>>) src(%dma_wait3A_68 : memref<10240x128xf32, #tpu.memory_space<hbm>>) dst(%arg9 : memref<80x128xf32, #tpu.memory_space<vmem>>)
    %run_scoped3A_69 = arith.constant 63 : i32
    "tpu.region"() ({
      %run_scoped3A_110 = tpu.sem_alloc : memref<!tpu.dma_semaphore, #tpu.memory_space<semaphore_mem>>
      %dma_start3A_111 = arith.constant 0 : i32
      %dma_start3A_112 = tpu.memref_slice %arg7[%run_scoped3A_69, %dma_start3A_111] : memref<64x80xi32, #tpu.memory_space<vmem>> -> memref<1x80xi32, #tpu.memory_space<vmem>>
      %dma_start3A_113 = tpu.memref_squeeze %dma_start3A_112 : memref<1x80xi32, #tpu.memory_space<vmem>> -> memref<80xi32, #tpu.memory_space<vmem>>
      %dma_start3A_114 = arith.constant 0 : i32
      %dma_start3A_115 = arith.constant 0 : i32
      %dma_start3A_116 = tpu.memref_slice %arg10[%dma_start3A_114, %dma_start3A_115] : memref<10240x128xf32, #tpu.memory_space<vmem_shared>> -> memref<10240x128xf32, #tpu.memory_space<vmem_shared>>
      tpu.enqueue_indirect_dma source(%arg9 : memref<80x128xf32, #tpu.memory_space<vmem>>) target(%dma_start3A_116 : memref<10240x128xf32, #tpu.memory_space<vmem_shared>>) offsets(%dma_start3A_113 : memref<80xi32, #tpu.memory_space<vmem>>) semaphore(%run_scoped3A_110 : memref<!tpu.dma_semaphore, #tpu.memory_space<semaphore_mem>>) {add = true}
      %dma_wait3A_117 = arith.constant 0 : i32
      %dma_wait3A_118 = tpu.memref_slice %arg7[%run_scoped3A_69, %dma_wait3A_117] : memref<64x80xi32, #tpu.memory_space<vmem>> -> memref<1x80xi32, #tpu.memory_space<vmem>>
      %dma_wait3A_119 = tpu.memref_squeeze %dma_wait3A_118 : memref<1x80xi32, #tpu.memory_space<vmem>> -> memref<80xi32, #tpu.memory_space<vmem>>
      %dma_wait3A_120 = arith.constant 0 : i32
      %dma_wait3A_121 = arith.constant 0 : i32
      %dma_wait3A_122 = tpu.memref_slice %arg10[%dma_wait3A_120, %dma_wait3A_121] : memref<10240x128xf32, #tpu.memory_space<vmem_shared>> -> memref<10240x128xf32, #tpu.memory_space<vmem_shared>>
      tpu.wait_indirect_dma semaphore(%run_scoped3A_110 : memref<!tpu.dma_semaphore, #tpu.memory_space<semaphore_mem>>) src(%arg9 : memref<80x128xf32, #tpu.memory_space<vmem>>) dst(%dma_wait3A_122 : memref<10240x128xf32, #tpu.memory_space<vmem_shared>>)
      tpu.yield
    }) : () -> ()
    "tpu.region"() ({
      %run_scoped3A_110 = tpu.sem_alloc : memref<!tpu.dma_semaphore, #tpu.memory_space<semaphore_mem>>
      %dma_start3A_111 = arith.constant 64 : i32
      %dma_start3A_112 = arith.constant 0 : i32
      %dma_start3A_113 = tpu.memref_slice %arg3[%add3A, %dma_start3A_111, %dma_start3A_112] : memref<32x128x80xi32, #tpu.memory_space<hbm>> -> memref<1x64x80xi32, #tpu.memory_space<hbm>>
      %dma_start3A_114 = tpu.memref_squeeze %dma_start3A_113 : memref<1x64x80xi32, #tpu.memory_space<hbm>> -> memref<64x80xi32, #tpu.memory_space<hbm>>
      %dma_start3A_115 = arith.constant 64 : i32
      %dma_start3A_116 = arith.constant 0 : i32
      %dma_start3A_117 = tpu.memref_slice %arg3[%add3A, %dma_start3A_115, %dma_start3A_116] : memref<32x128x80xi32, #tpu.memory_space<hbm>> -> memref<1x64x80xi32, #tpu.memory_space<hbm>>
      %dma_start3A_118 = tpu.memref_squeeze %dma_start3A_117 : memref<1x64x80xi32, #tpu.memory_space<hbm>> -> memref<64x80xi32, #tpu.memory_space<hbm>>
      tpu.enqueue_dma source(%dma_start3A_118 : memref<64x80xi32, #tpu.memory_space<hbm>>) target(%arg6 : memref<64x80xi32, #tpu.memory_space<vmem>>) target_semaphore(%run_scoped3A_110 : memref<!tpu.dma_semaphore, #tpu.memory_space<semaphore_mem>>)
      %dma_wait3A_119 = arith.constant 64 : i32
      %dma_wait3A_120 = arith.constant 0 : i32
      %dma_wait3A_121 = tpu.memref_slice %arg3[%add3A, %dma_wait3A_119, %dma_wait3A_120] : memref<32x128x80xi32, #tpu.memory_space<hbm>> -> memref<1x64x80xi32, #tpu.memory_space<hbm>>
      %dma_wait3A_122 = tpu.memref_squeeze %dma_wait3A_121 : memref<1x64x80xi32, #tpu.memory_space<hbm>> -> memref<64x80xi32, #tpu.memory_space<hbm>>
      %dma_wait3A_123 = arith.constant 64 : i32
      %dma_wait3A_124 = arith.constant 0 : i32
      %dma_wait3A_125 = tpu.memref_slice %arg3[%add3A, %dma_wait3A_123, %dma_wait3A_124] : memref<32x128x80xi32, #tpu.memory_space<hbm>> -> memref<1x64x80xi32, #tpu.memory_space<hbm>>
      %dma_wait3A_126 = tpu.memref_squeeze %dma_wait3A_125 : memref<1x64x80xi32, #tpu.memory_space<hbm>> -> memref<64x80xi32, #tpu.memory_space<hbm>>
      tpu.wait_dma2 semaphore(%run_scoped3A_110 : memref<!tpu.dma_semaphore, #tpu.memory_space<semaphore_mem>>) src(%dma_wait3A_126 : memref<64x80xi32, #tpu.memory_space<hbm>>) dst(%arg6 : memref<64x80xi32, #tpu.memory_space<vmem>>)
      tpu.yield
    }) : () -> ()
    "tpu.region"() ({
      %run_scoped3A_110 = tpu.sem_alloc : memref<!tpu.dma_semaphore, #tpu.memory_space<semaphore_mem>>
      %dma_start3A_111 = arith.constant 64 : i32
      %dma_start3A_112 = arith.constant 0 : i32
      %dma_start3A_113 = tpu.memref_slice %arg4[%add3A, %dma_start3A_111, %dma_start3A_112] : memref<32x128x80xi32, #tpu.memory_space<hbm>> -> memref<1x64x80xi32, #tpu.memory_space<hbm>>
      %dma_start3A_114 = tpu.memref_squeeze %dma_start3A_113 : memref<1x64x80xi32, #tpu.memory_space<hbm>> -> memref<64x80xi32, #tpu.memory_space<hbm>>
      %dma_start3A_115 = arith.constant 64 : i32
      %dma_start3A_116 = arith.constant 0 : i32
      %dma_start3A_117 = tpu.memref_slice %arg4[%add3A, %dma_start3A_115, %dma_start3A_116] : memref<32x128x80xi32, #tpu.memory_space<hbm>> -> memref<1x64x80xi32, #tpu.memory_space<hbm>>
      %dma_start3A_118 = tpu.memref_squeeze %dma_start3A_117 : memref<1x64x80xi32, #tpu.memory_space<hbm>> -> memref<64x80xi32, #tpu.memory_space<hbm>>
      tpu.enqueue_dma source(%dma_start3A_118 : memref<64x80xi32, #tpu.memory_space<hbm>>) target(%arg7 : memref<64x80xi32, #tpu.memory_space<vmem>>) target_semaphore(%run_scoped3A_110 : memref<!tpu.dma_semaphore, #tpu.memory_space<semaphore_mem>>)
      %dma_wait3A_119 = arith.constant 64 : i32
      %dma_wait3A_120 = arith.constant 0 : i32
      %dma_wait3A_121 = tpu.memref_slice %arg4[%add3A, %dma_wait3A_119, %dma_wait3A_120] : memref<32x128x80xi32, #tpu.memory_space<hbm>> -> memref<1x64x80xi32, #tpu.memory_space<hbm>>
      %dma_wait3A_122 = tpu.memref_squeeze %dma_wait3A_121 : memref<1x64x80xi32, #tpu.memory_space<hbm>> -> memref<64x80xi32, #tpu.memory_space<hbm>>
      %dma_wait3A_123 = arith.constant 64 : i32
      %dma_wait3A_124 = arith.constant 0 : i32
      %dma_wait3A_125 = tpu.memref_slice %arg4[%add3A, %dma_wait3A_123, %dma_wait3A_124] : memref<32x128x80xi32, #tpu.memory_space<hbm>> -> memref<1x64x80xi32, #tpu.memory_space<hbm>>
      %dma_wait3A_126 = tpu.memref_squeeze %dma_wait3A_125 : memref<1x64x80xi32, #tpu.memory_space<hbm>> -> memref<64x80xi32, #tpu.memory_space<hbm>>
      tpu.wait_dma2 semaphore(%run_scoped3A_110 : memref<!tpu.dma_semaphore, #tpu.memory_space<semaphore_mem>>) src(%dma_wait3A_126 : memref<64x80xi32, #tpu.memory_space<hbm>>) dst(%arg7 : memref<64x80xi32, #tpu.memory_space<vmem>>)
      tpu.yield
    }) : () -> ()
    %dma_start3A_70 = arith.constant 0 : i32
    %dma_start3A_71 = arith.constant 0 : i32
    %dma_start3A_72 = tpu.memref_slice %arg6[%dma_start3A_70, %dma_start3A_71] : memref<64x80xi32, #tpu.memory_space<vmem>> -> memref<1x80xi32, #tpu.memory_space<vmem>>
    %dma_start3A_73 = tpu.memref_squeeze %dma_start3A_72 : memref<1x80xi32, #tpu.memory_space<vmem>> -> memref<80xi32, #tpu.memory_space<vmem>>
    %dma_start3A_74 = arith.constant 0 : i32
    %dma_start3A_75 = arith.constant 0 : i32
    %dma_start3A_76 = tpu.memref_slice %arg2[%dma_start3A_74, %dma_start3A_75] : memref<10240x128xf32, #tpu.memory_space<hbm>> -> memref<10240x128xf32, #tpu.memory_space<hbm>>
    tpu.enqueue_indirect_dma source(%dma_start3A_76 : memref<10240x128xf32, #tpu.memory_space<hbm>>) target(%arg8 : memref<80x128xf32, #tpu.memory_space<vmem>>) offsets(%dma_start3A_73 : memref<80xi32, #tpu.memory_space<vmem>>) semaphore(%arg11 : memref<!tpu.dma_semaphore, #tpu.memory_space<semaphore_mem>>)
    %scan3A_77 = arith.constant 0 : i32
    %scan3A_78 = arith.constant 31 : i32
    %scan3A_79 = arith.addi %scan3A_77, %scan3A_78 : i32
    %scan3A_80 = arith.constant 1 : i32
    scf.for %scan3A_110 = %scan3A_77 to %scan3A_79 step %scan3A_80  : i32 {
      %mul3A_111 = arith.constant 2 : i32
      %mul3A_112 = arith.muli %mul3A_111, %scan3A_110 : i32
      %add3A_113 = arith.constant 1 : i32
      %add3A_114 = arith.addi %mul3A_112, %add3A_113 : i32
      %dma_start3A_115 = arith.constant 0 : i32
      %dma_start3A_116 = tpu.memref_slice %arg6[%add3A_114, %dma_start3A_115] : memref<64x80xi32, #tpu.memory_space<vmem>> -> memref<1x80xi32, #tpu.memory_space<vmem>>
      %dma_start3A_117 = tpu.memref_squeeze %dma_start3A_116 : memref<1x80xi32, #tpu.memory_space<vmem>> -> memref<80xi32, #tpu.memory_space<vmem>>
      %dma_start3A_118 = arith.constant 0 : i32
      %dma_start3A_119 = arith.constant 0 : i32
      %dma_start3A_120 = tpu.memref_slice %arg2[%dma_start3A_118, %dma_start3A_119] : memref<10240x128xf32, #tpu.memory_space<hbm>> -> memref<10240x128xf32, #tpu.memory_space<hbm>>
      tpu.enqueue_indirect_dma source(%dma_start3A_120 : memref<10240x128xf32, #tpu.memory_space<hbm>>) target(%arg9 : memref<80x128xf32, #tpu.memory_space<vmem>>) offsets(%dma_start3A_117 : memref<80xi32, #tpu.memory_space<vmem>>) semaphore(%arg12 : memref<!tpu.dma_semaphore, #tpu.memory_space<semaphore_mem>>)
      %dma_wait3A_121 = arith.constant 0 : i32
      %dma_wait3A_122 = tpu.memref_slice %arg6[%mul3A_112, %dma_wait3A_121] : memref<64x80xi32, #tpu.memory_space<vmem>> -> memref<1x80xi32, #tpu.memory_space<vmem>>
      %dma_wait3A_123 = tpu.memref_squeeze %dma_wait3A_122 : memref<1x80xi32, #tpu.memory_space<vmem>> -> memref<80xi32, #tpu.memory_space<vmem>>
      %dma_wait3A_124 = arith.constant 0 : i32
      %dma_wait3A_125 = arith.constant 0 : i32
      %dma_wait3A_126 = tpu.memref_slice %arg2[%dma_wait3A_124, %dma_wait3A_125] : memref<10240x128xf32, #tpu.memory_space<hbm>> -> memref<10240x128xf32, #tpu.memory_space<hbm>>
      tpu.wait_indirect_dma semaphore(%arg11 : memref<!tpu.dma_semaphore, #tpu.memory_space<semaphore_mem>>) src(%dma_wait3A_126 : memref<10240x128xf32, #tpu.memory_space<hbm>>) dst(%arg8 : memref<80x128xf32, #tpu.memory_space<vmem>>)
      "tpu.region"() ({
        %run_scoped3A_145 = tpu.sem_alloc : memref<!tpu.dma_semaphore, #tpu.memory_space<semaphore_mem>>
        %dma_start3A_146 = arith.constant 0 : i32
        %dma_start3A_147 = tpu.memref_slice %arg7[%mul3A_112, %dma_start3A_146] : memref<64x80xi32, #tpu.memory_space<vmem>> -> memref<1x80xi32, #tpu.memory_space<vmem>>
        %dma_start3A_148 = tpu.memref_squeeze %dma_start3A_147 : memref<1x80xi32, #tpu.memory_space<vmem>> -> memref<80xi32, #tpu.memory_space<vmem>>
        %dma_start3A_149 = arith.constant 0 : i32
        %dma_start3A_150 = arith.constant 0 : i32
        %dma_start3A_151 = tpu.memref_slice %arg10[%dma_start3A_149, %dma_start3A_150] : memref<10240x128xf32, #tpu.memory_space<vmem_shared>> -> memref<10240x128xf32, #tpu.memory_space<vmem_shared>>
        tpu.enqueue_indirect_dma source(%arg8 : memref<80x128xf32, #tpu.memory_space<vmem>>) target(%dma_start3A_151 : memref<10240x128xf32, #tpu.memory_space<vmem_shared>>) offsets(%dma_start3A_148 : memref<80xi32, #tpu.memory_space<vmem>>) semaphore(%run_scoped3A_145 : memref<!tpu.dma_semaphore, #tpu.memory_space<semaphore_mem>>) {add = true}
        %dma_wait3A_152 = arith.constant 0 : i32
        %dma_wait3A_153 = tpu.memref_slice %arg7[%mul3A_112, %dma_wait3A_152] : memref<64x80xi32, #tpu.memory_space<vmem>> -> memref<1x80xi32, #tpu.memory_space<vmem>>
        %dma_wait3A_154 = tpu.memref_squeeze %dma_wait3A_153 : memref<1x80xi32, #tpu.memory_space<vmem>> -> memref<80xi32, #tpu.memory_space<vmem>>
        %dma_wait3A_155 = arith.constant 0 : i32
        %dma_wait3A_156 = arith.constant 0 : i32
        %dma_wait3A_157 = tpu.memref_slice %arg10[%dma_wait3A_155, %dma_wait3A_156] : memref<10240x128xf32, #tpu.memory_space<vmem_shared>> -> memref<10240x128xf32, #tpu.memory_space<vmem_shared>>
        tpu.wait_indirect_dma semaphore(%run_scoped3A_145 : memref<!tpu.dma_semaphore, #tpu.memory_space<semaphore_mem>>) src(%arg8 : memref<80x128xf32, #tpu.memory_space<vmem>>) dst(%dma_wait3A_157 : memref<10240x128xf32, #tpu.memory_space<vmem_shared>>)
        tpu.yield
      }) : () -> ()
      %add3A_127 = arith.constant 2 : i32
      %add3A_128 = arith.addi %mul3A_112, %add3A_127 : i32
      %dma_start3A_129 = arith.constant 0 : i32
      %dma_start3A_130 = tpu.memref_slice %arg6[%add3A_128, %dma_start3A_129] : memref<64x80xi32, #tpu.memory_space<vmem>> -> memref<1x80xi32, #tpu.memory_space<vmem>>
      %dma_start3A_131 = tpu.memref_squeeze %dma_start3A_130 : memref<1x80xi32, #tpu.memory_space<vmem>> -> memref<80xi32, #tpu.memory_space<vmem>>
      %dma_start3A_132 = arith.constant 0 : i32
      %dma_start3A_133 = arith.constant 0 : i32
      %dma_start3A_134 = tpu.memref_slice %arg2[%dma_start3A_132, %dma_start3A_133] : memref<10240x128xf32, #tpu.memory_space<hbm>> -> memref<10240x128xf32, #tpu.memory_space<hbm>>
      tpu.enqueue_indirect_dma source(%dma_start3A_134 : memref<10240x128xf32, #tpu.memory_space<hbm>>) target(%arg8 : memref<80x128xf32, #tpu.memory_space<vmem>>) offsets(%dma_start3A_131 : memref<80xi32, #tpu.memory_space<vmem>>) semaphore(%arg11 : memref<!tpu.dma_semaphore, #tpu.memory_space<semaphore_mem>>)
      %add3A_135 = arith.constant 1 : i32
      %add3A_136 = arith.addi %mul3A_112, %add3A_135 : i32
      %dma_wait3A_137 = arith.constant 0 : i32
      %dma_wait3A_138 = tpu.memref_slice %arg6[%add3A_136, %dma_wait3A_137] : memref<64x80xi32, #tpu.memory_space<vmem>> -> memref<1x80xi32, #tpu.memory_space<vmem>>
      %dma_wait3A_139 = tpu.memref_squeeze %dma_wait3A_138 : memref<1x80xi32, #tpu.memory_space<vmem>> -> memref<80xi32, #tpu.memory_space<vmem>>
      %dma_wait3A_140 = arith.constant 0 : i32
      %dma_wait3A_141 = arith.constant 0 : i32
      %dma_wait3A_142 = tpu.memref_slice %arg2[%dma_wait3A_140, %dma_wait3A_141] : memref<10240x128xf32, #tpu.memory_space<hbm>> -> memref<10240x128xf32, #tpu.memory_space<hbm>>
      tpu.wait_indirect_dma semaphore(%arg12 : memref<!tpu.dma_semaphore, #tpu.memory_space<semaphore_mem>>) src(%dma_wait3A_142 : memref<10240x128xf32, #tpu.memory_space<hbm>>) dst(%arg9 : memref<80x128xf32, #tpu.memory_space<vmem>>)
      %add3A_143 = arith.constant 1 : i32
      %add3A_144 = arith.addi %mul3A_112, %add3A_143 : i32
      "tpu.region"() ({
        %run_scoped3A_145 = tpu.sem_alloc : memref<!tpu.dma_semaphore, #tpu.memory_space<semaphore_mem>>
        %dma_start3A_146 = arith.constant 0 : i32
        %dma_start3A_147 = tpu.memref_slice %arg7[%add3A_144, %dma_start3A_146] : memref<64x80xi32, #tpu.memory_space<vmem>> -> memref<1x80xi32, #tpu.memory_space<vmem>>
        %dma_start3A_148 = tpu.memref_squeeze %dma_start3A_147 : memref<1x80xi32, #tpu.memory_space<vmem>> -> memref<80xi32, #tpu.memory_space<vmem>>
        %dma_start3A_149 = arith.constant 0 : i32
        %dma_start3A_150 = arith.constant 0 : i32
        %dma_start3A_151 = tpu.memref_slice %arg10[%dma_start3A_149, %dma_start3A_150] : memref<10240x128xf32, #tpu.memory_space<vmem_shared>> -> memref<10240x128xf32, #tpu.memory_space<vmem_shared>>
        tpu.enqueue_indirect_dma source(%arg9 : memref<80x128xf32, #tpu.memory_space<vmem>>) target(%dma_start3A_151 : memref<10240x128xf32, #tpu.memory_space<vmem_shared>>) offsets(%dma_start3A_148 : memref<80xi32, #tpu.memory_space<vmem>>) semaphore(%run_scoped3A_145 : memref<!tpu.dma_semaphore, #tpu.memory_space<semaphore_mem>>) {add = true}
        %dma_wait3A_152 = arith.constant 0 : i32
        %dma_wait3A_153 = tpu.memref_slice %arg7[%add3A_144, %dma_wait3A_152] : memref<64x80xi32, #tpu.memory_space<vmem>> -> memref<1x80xi32, #tpu.memory_space<vmem>>
        %dma_wait3A_154 = tpu.memref_squeeze %dma_wait3A_153 : memref<1x80xi32, #tpu.memory_space<vmem>> -> memref<80xi32, #tpu.memory_space<vmem>>
        %dma_wait3A_155 = arith.constant 0 : i32
        %dma_wait3A_156 = arith.constant 0 : i32
        %dma_wait3A_157 = tpu.memref_slice %arg10[%dma_wait3A_155, %dma_wait3A_156] : memref<10240x128xf32, #tpu.memory_space<vmem_shared>> -> memref<10240x128xf32, #tpu.memory_space<vmem_shared>>
        tpu.wait_indirect_dma semaphore(%run_scoped3A_145 : memref<!tpu.dma_semaphore, #tpu.memory_space<semaphore_mem>>) src(%arg9 : memref<80x128xf32, #tpu.memory_space<vmem>>) dst(%dma_wait3A_157 : memref<10240x128xf32, #tpu.memory_space<vmem_shared>>)
        tpu.yield
      }) : () -> ()
    }
    %scan3A_81 = arith.constant 31 : i32
    %dma_start3A_82 = arith.constant 63 : i32
    %dma_start3A_83 = arith.constant 0 : i32
    %dma_start3A_84 = tpu.memref_slice %arg6[%dma_start3A_82, %dma_start3A_83] : memref<64x80xi32, #tpu.memory_space<vmem>> -> memref<1x80xi32, #tpu.memory_space<vmem>>
    %dma_start3A_85 = tpu.memref_squeeze %dma_start3A_84 : memref<1x80xi32, #tpu.memory_space<vmem>> -> memref<80xi32, #tpu.memory_space<vmem>>
    %dma_start3A_86 = arith.constant 0 : i32
    %dma_start3A_87 = arith.constant 0 : i32
    %dma_start3A_88 = tpu.memref_slice %arg2[%dma_start3A_86, %dma_start3A_87] : memref<10240x128xf32, #tpu.memory_space<hbm>> -> memref<10240x128xf32, #tpu.memory_space<hbm>>
    tpu.enqueue_indirect_dma source(%dma_start3A_88 : memref<10240x128xf32, #tpu.memory_space<hbm>>) target(%arg9 : memref<80x128xf32, #tpu.memory_space<vmem>>) offsets(%dma_start3A_85 : memref<80xi32, #tpu.memory_space<vmem>>) semaphore(%arg12 : memref<!tpu.dma_semaphore, #tpu.memory_space<semaphore_mem>>)
    %dma_wait3A_89 = arith.constant 62 : i32
    %dma_wait3A_90 = arith.constant 0 : i32
    %dma_wait3A_91 = tpu.memref_slice %arg6[%dma_wait3A_89, %dma_wait3A_90] : memref<64x80xi32, #tpu.memory_space<vmem>> -> memref<1x80xi32, #tpu.memory_space<vmem>>
    %dma_wait3A_92 = tpu.memref_squeeze %dma_wait3A_91 : memref<1x80xi32, #tpu.memory_space<vmem>> -> memref<80xi32, #tpu.memory_space<vmem>>
    %dma_wait3A_93 = arith.constant 0 : i32
    %dma_wait3A_94 = arith.constant 0 : i32
    %dma_wait3A_95 = tpu.memref_slice %arg2[%dma_wait3A_93, %dma_wait3A_94] : memref<10240x128xf32, #tpu.memory_space<hbm>> -> memref<10240x128xf32, #tpu.memory_space<hbm>>
    tpu.wait_indirect_dma semaphore(%arg11 : memref<!tpu.dma_semaphore, #tpu.memory_space<semaphore_mem>>) src(%dma_wait3A_95 : memref<10240x128xf32, #tpu.memory_space<hbm>>) dst(%arg8 : memref<80x128xf32, #tpu.memory_space<vmem>>)
    %run_scoped3A_96 = arith.constant 62 : i32
    "tpu.region"() ({
      %run_scoped3A_110 = tpu.sem_alloc : memref<!tpu.dma_semaphore, #tpu.memory_space<semaphore_mem>>
      %dma_start3A_111 = arith.constant 0 : i32
      %dma_start3A_112 = tpu.memref_slice %arg7[%run_scoped3A_96, %dma_start3A_111] : memref<64x80xi32, #tpu.memory_space<vmem>> -> memref<1x80xi32, #tpu.memory_space<vmem>>
      %dma_start3A_113 = tpu.memref_squeeze %dma_start3A_112 : memref<1x80xi32, #tpu.memory_space<vmem>> -> memref<80xi32, #tpu.memory_space<vmem>>
      %dma_start3A_114 = arith.constant 0 : i32
      %dma_start3A_115 = arith.constant 0 : i32
      %dma_start3A_116 = tpu.memref_slice %arg10[%dma_start3A_114, %dma_start3A_115] : memref<10240x128xf32, #tpu.memory_space<vmem_shared>> -> memref<10240x128xf32, #tpu.memory_space<vmem_shared>>
      tpu.enqueue_indirect_dma source(%arg8 : memref<80x128xf32, #tpu.memory_space<vmem>>) target(%dma_start3A_116 : memref<10240x128xf32, #tpu.memory_space<vmem_shared>>) offsets(%dma_start3A_113 : memref<80xi32, #tpu.memory_space<vmem>>) semaphore(%run_scoped3A_110 : memref<!tpu.dma_semaphore, #tpu.memory_space<semaphore_mem>>) {add = true}
      %dma_wait3A_117 = arith.constant 0 : i32
      %dma_wait3A_118 = tpu.memref_slice %arg7[%run_scoped3A_96, %dma_wait3A_117] : memref<64x80xi32, #tpu.memory_space<vmem>> -> memref<1x80xi32, #tpu.memory_space<vmem>>
      %dma_wait3A_119 = tpu.memref_squeeze %dma_wait3A_118 : memref<1x80xi32, #tpu.memory_space<vmem>> -> memref<80xi32, #tpu.memory_space<vmem>>
      %dma_wait3A_120 = arith.constant 0 : i32
      %dma_wait3A_121 = arith.constant 0 : i32
      %dma_wait3A_122 = tpu.memref_slice %arg10[%dma_wait3A_120, %dma_wait3A_121] : memref<10240x128xf32, #tpu.memory_space<vmem_shared>> -> memref<10240x128xf32, #tpu.memory_space<vmem_shared>>
      tpu.wait_indirect_dma semaphore(%run_scoped3A_110 : memref<!tpu.dma_semaphore, #tpu.memory_space<semaphore_mem>>) src(%arg8 : memref<80x128xf32, #tpu.memory_space<vmem>>) dst(%dma_wait3A_122 : memref<10240x128xf32, #tpu.memory_space<vmem_shared>>)
      tpu.yield
    }) : () -> ()
    %dma_wait3A_97 = arith.constant 63 : i32
    %dma_wait3A_98 = arith.constant 0 : i32
    %dma_wait3A_99 = tpu.memref_slice %arg6[%dma_wait3A_97, %dma_wait3A_98] : memref<64x80xi32, #tpu.memory_space<vmem>> -> memref<1x80xi32, #tpu.memory_space<vmem>>
    %dma_wait3A_100 = tpu.memref_squeeze %dma_wait3A_99 : memref<1x80xi32, #tpu.memory_space<vmem>> -> memref<80xi32, #tpu.memory_space<vmem>>
    %dma_wait3A_101 = arith.constant 0 : i32
    %dma_wait3A_102 = arith.constant 0 : i32
    %dma_wait3A_103 = tpu.memref_slice %arg2[%dma_wait3A_101, %dma_wait3A_102] : memref<10240x128xf32, #tpu.memory_space<hbm>> -> memref<10240x128xf32, #tpu.memory_space<hbm>>
    tpu.wait_indirect_dma semaphore(%arg12 : memref<!tpu.dma_semaphore, #tpu.memory_space<semaphore_mem>>) src(%dma_wait3A_103 : memref<10240x128xf32, #tpu.memory_space<hbm>>) dst(%arg9 : memref<80x128xf32, #tpu.memory_space<vmem>>)
    %run_scoped3A_104 = arith.constant 63 : i32
    "tpu.region"() ({
      %run_scoped3A_110 = tpu.sem_alloc : memref<!tpu.dma_semaphore, #tpu.memory_space<semaphore_mem>>
      %dma_start3A_111 = arith.constant 0 : i32
      %dma_start3A_112 = tpu.memref_slice %arg7[%run_scoped3A_104, %dma_start3A_111] : memref<64x80xi32, #tpu.memory_space<vmem>> -> memref<1x80xi32, #tpu.memory_space<vmem>>
      %dma_start3A_113 = tpu.memref_squeeze %dma_start3A_112 : memref<1x80xi32, #tpu.memory_space<vmem>> -> memref<80xi32, #tpu.memory_space<vmem>>
      %dma_start3A_114 = arith.constant 0 : i32
      %dma_start3A_115 = arith.constant 0 : i32
      %dma_start3A_116 = tpu.memref_slice %arg10[%dma_start3A_114, %dma_start3A_115] : memref<10240x128xf32, #tpu.memory_space<vmem_shared>> -> memref<10240x128xf32, #tpu.memory_space<vmem_shared>>
      tpu.enqueue_indirect_dma source(%arg9 : memref<80x128xf32, #tpu.memory_space<vmem>>) target(%dma_start3A_116 : memref<10240x128xf32, #tpu.memory_space<vmem_shared>>) offsets(%dma_start3A_113 : memref<80xi32, #tpu.memory_space<vmem>>) semaphore(%run_scoped3A_110 : memref<!tpu.dma_semaphore, #tpu.memory_space<semaphore_mem>>) {add = true}
      %dma_wait3A_117 = arith.constant 0 : i32
      %dma_wait3A_118 = tpu.memref_slice %arg7[%run_scoped3A_104, %dma_wait3A_117] : memref<64x80xi32, #tpu.memory_space<vmem>> -> memref<1x80xi32, #tpu.memory_space<vmem>>
      %dma_wait3A_119 = tpu.memref_squeeze %dma_wait3A_118 : memref<1x80xi32, #tpu.memory_space<vmem>> -> memref<80xi32, #tpu.memory_space<vmem>>
      %dma_wait3A_120 = arith.constant 0 : i32
      %dma_wait3A_121 = arith.constant 0 : i32
      %dma_wait3A_122 = tpu.memref_slice %arg10[%dma_wait3A_120, %dma_wait3A_121] : memref<10240x128xf32, #tpu.memory_space<vmem_shared>> -> memref<10240x128xf32, #tpu.memory_space<vmem_shared>>
      tpu.wait_indirect_dma semaphore(%run_scoped3A_110 : memref<!tpu.dma_semaphore, #tpu.memory_space<semaphore_mem>>) src(%arg9 : memref<80x128xf32, #tpu.memory_space<vmem>>) dst(%dma_wait3A_122 : memref<10240x128xf32, #tpu.memory_space<vmem_shared>>)
      tpu.yield
    }) : () -> ()
    %barrier3A_105 = arith.constant 0 : index
    tpu.barrier barrier_id(%barrier3A_105)
    %mul3A_106 = arith.constant 640 : i32
    %mul3A_107 = arith.muli %arg1, %mul3A_106 : i32
    %mul3A_108 = arith.constant 640 : i32
    %mul3A_109 = arith.muli %arg1, %mul3A_108 : i32
    "tpu.region"() ({
      %run_scoped3A_110 = tpu.sem_alloc : memref<!tpu.dma_semaphore, #tpu.memory_space<semaphore_mem>>
      %dma_start3A_111 = arith.constant 0 : i32
      %dma_start3A_112 = tpu.memref_slice %arg5[%arg0, %mul3A_109, %dma_start3A_111] : memref<2x10240x128xf32, #tpu.memory_space<hbm>> -> memref<1x640x128xf32, #tpu.memory_space<hbm>>
      %dma_start3A_113 = tpu.memref_squeeze %dma_start3A_112 : memref<1x640x128xf32, #tpu.memory_space<hbm>> -> memref<640x128xf32, #tpu.memory_space<hbm>>
      %dma_start3A_114 = arith.constant 0 : i32
      %dma_start3A_115 = tpu.memref_slice %arg10[%mul3A_107, %dma_start3A_114] : memref<10240x128xf32, #tpu.memory_space<vmem_shared>> -> memref<640x128xf32, #tpu.memory_space<vmem_shared>>
      tpu.enqueue_dma source(%dma_start3A_115 : memref<640x128xf32, #tpu.memory_space<vmem_shared>>) target(%dma_start3A_113 : memref<640x128xf32, #tpu.memory_space<hbm>>) target_semaphore(%run_scoped3A_110 : memref<!tpu.dma_semaphore, #tpu.memory_space<semaphore_mem>>)
      %dma_wait3A_116 = arith.constant 0 : i32
      %dma_wait3A_117 = tpu.memref_slice %arg5[%arg0, %mul3A_109, %dma_wait3A_116] : memref<2x10240x128xf32, #tpu.memory_space<hbm>> -> memref<1x640x128xf32, #tpu.memory_space<hbm>>
      %dma_wait3A_118 = tpu.memref_squeeze %dma_wait3A_117 : memref<1x640x128xf32, #tpu.memory_space<hbm>> -> memref<640x128xf32, #tpu.memory_space<hbm>>
      %dma_wait3A_119 = arith.constant 0 : i32
      %dma_wait3A_120 = tpu.memref_slice %arg10[%mul3A_107, %dma_wait3A_119] : memref<10240x128xf32, #tpu.memory_space<vmem_shared>> -> memref<640x128xf32, #tpu.memory_space<vmem_shared>>
      tpu.wait_dma2 semaphore(%run_scoped3A_110 : memref<!tpu.dma_semaphore, #tpu.memory_space<semaphore_mem>>) src(%dma_wait3A_120 : memref<640x128xf32, #tpu.memory_space<vmem_shared>>) dst(%dma_wait3A_118 : memref<640x128xf32, #tpu.memory_space<hbm>>)
      tpu.yield
    }) : () -> ()
    return
  }
}

#map = affine_map<(d0, d1) -> (0, 0)>
#map1 = affine_map<(d0, d1) -> (0, 0, 0)>
module attributes {stable_mosaic.version = 14 : i64} {
  func.func @_seg_body(%arg0: i32, %arg1: i32, %arg2: memref<10240x128xf32, #tpu.memory_space<hbm>>, %arg3: memref<32x128x80xi32, #tpu.memory_space<hbm>>, %arg4: memref<32x128x80xi32, #tpu.memory_space<hbm>>, %arg5: memref<2x10240x128xf32, #tpu.memory_space<hbm>>, %arg6: memref<64x80xi32, #tpu.memory_space<vmem>>, %arg7: memref<64x80xi32, #tpu.memory_space<vmem>>, %arg8: memref<80x128xf32, #tpu.memory_space<vmem>>, %arg9: memref<80x128xf32, #tpu.memory_space<vmem>>, %arg10: memref<10240x128xf32, #tpu.memory_space<vmem_shared>>, %arg11: memref<!tpu.dma_semaphore, #tpu.memory_space<semaphore_mem>>, %arg12: memref<!tpu.dma_semaphore, #tpu.memory_space<semaphore_mem>>) attributes {dimension_semantics = [#tpu.dimension_semantics<core_parallel>, #tpu.dimension_semantics<subcore_parallel>], iteration_bounds = array<i64: 2, 16>, scalar_prefetch = 0 : i64, scratch_operands = 7 : i64, tpu.core_type = #tpu.core_type<sc_vector_subcore>, window_params = [{transform_indices = #map}, {transform_indices = #map1}, {transform_indices = #map1}, {transform_indices = #map1}]} {
    %mul3A = arith.constant 16 : i32
    %mul3A_0 = arith.muli %arg0, %mul3A : i32
    %add3A = arith.addi %mul3A_0, %arg1 : i32
    %broadcast_in_dim3A = arith.constant 0.000000e+00 : f32
    %broadcast_in_dim3A_1 = vector.broadcast %broadcast_in_dim3A : f32 to vector<16xf32>
    %scan3A = arith.constant 0 : i32
    %scan3A_2 = arith.constant 640 : i32
    %scan3A_3 = arith.addi %scan3A, %scan3A_2 : i32
    %scan3A_4 = arith.constant 1 : i32
    scf.for %scan3A_110 = %scan3A to %scan3A_3 step %scan3A_4  : i32 {
      %jit3A = arith.constant 8 : i32
      %div3A = arith.divsi %scan3A_110, %jit3A : i32
      %sign3A = arith.constant 0 : i32
      %sign3A_111 = arith.cmpi sgt, %scan3A_110, %sign3A : i32
      %sign3A_112 = arith.extui %sign3A_111 : i1 to i32
      %sign3A_113 = arith.constant 0 : i32
      %sign3A_114 = arith.cmpi slt, %scan3A_110, %sign3A_113 : i32
      %sign3A_115 = arith.extui %sign3A_114 : i1 to i32
      %sign3A_116 = arith.subi %sign3A_112, %sign3A_115 : i32
      %sign3A_117 = arith.constant 0 : i32
      %sign3A_118 = arith.cmpi sgt, %jit3A, %sign3A_117 : i32
      %sign3A_119 = arith.extui %sign3A_118 : i1 to i32
      %sign3A_120 = arith.constant 0 : i32
      %sign3A_121 = arith.cmpi slt, %jit3A, %sign3A_120 : i32
      %sign3A_122 = arith.extui %sign3A_121 : i1 to i32
      %sign3A_123 = arith.subi %sign3A_119, %sign3A_122 : i32
      %ne3A = arith.cmpi ne, %sign3A_116, %sign3A_123 : i32
      %rem3A = arith.remsi %scan3A_110, %jit3A : i32
      %ne3A_124 = arith.constant 0 : i32
      %ne3A_125 = arith.cmpi ne, %rem3A, %ne3A_124 : i32
      %and3A = arith.andi %ne3A, %ne3A_125 : i1
      %sub3A = arith.constant 1 : i32
      %sub3A_126 = arith.subi %div3A, %sub3A : i32
      %select_n3A = arith.select %and3A, %sub3A_126, %div3A : i32
      %jit3A_127 = arith.constant 8 : i32
      %eq3A = arith.constant 0 : i32
      %eq3A_128 = arith.cmpi eq, %jit3A_127, %eq3A : i32
      %jit3A_129 = arith.constant 1 : i32
      %select_n3A_130 = arith.select %eq3A_128, %jit3A_129, %jit3A_127 : i32
      %rem3A_131 = arith.remsi %scan3A_110, %select_n3A_130 : i32
      %ne3A_132 = arith.constant 0 : i32
      %ne3A_133 = arith.cmpi ne, %rem3A_131, %ne3A_132 : i32
      %lt3A = arith.constant 0 : i32
      %lt3A_134 = arith.cmpi slt, %rem3A_131, %lt3A : i32
      %lt3A_135 = arith.constant 0 : i32
      %lt3A_136 = arith.cmpi slt, %select_n3A_130, %lt3A_135 : i32
      %ne3A_137 = arith.xori %lt3A_134, %lt3A_136 : i1
      %and3A_138 = arith.andi %ne3A_137, %ne3A_133 : i1
      %add3A_139 = arith.addi %rem3A_131, %select_n3A_130 : i32
      %select_n3A_140 = arith.select %and3A_138, %add3A_139, %rem3A_131 : i32
      %mul3A_141 = arith.constant 16 : i32
      %mul3A_142 = arith.muli %select_n3A_140, %mul3A_141 : i32
      %swap3A = arith.index_cast %select_n3A : i32 to index
      %swap3A_143 = arith.index_cast %mul3A_142 : i32 to index
      %swap3A_144 = tpu.vector_load %arg8[%swap3A, %swap3A_143] {strides = array<i32>} : memref<80x128xf32, #tpu.memory_space<vmem>>, vector<1x16xf32>,
      %swap3A_145 = vector.shape_cast %swap3A_144 : vector<1x16xf32> to vector<16xf32>
      %swap3A_146 = vector.shape_cast %broadcast_in_dim3A_1 : vector<16xf32> to vector<1x16xf32>
      tpu.vector_store %arg8[%swap3A, %swap3A_143], %swap3A_146 {strides = array<i32>} : memref<80x128xf32, #tpu.memory_space<vmem>>, vector<1x16xf32>,
    }
    %scan3A_5 = arith.constant 640 : i32
    %mul3A_6 = arith.constant 640 : i32
    %mul3A_7 = arith.muli %arg1, %mul3A_6 : i32
    %add3A_8 = arith.constant 0 : i32
    %add3A_9 = arith.addi %mul3A_7, %add3A_8 : i32
    "tpu.region"() ({
      %run_scoped3A_110 = tpu.sem_alloc : memref<!tpu.dma_semaphore, #tpu.memory_space<semaphore_mem>>
      %dma_start3A_111 = arith.constant 0 : i32
      %dma_start3A_112 = tpu.memref_slice %arg10[%add3A_9, %dma_start3A_111] : memref<10240x128xf32, #tpu.memory_space<vmem_shared>> -> memref<80x128xf32, #tpu.memory_space<vmem_shared>>
      %dma_start3A_113 = arith.constant 0 : i32
      %dma_start3A_114 = tpu.memref_slice %arg10[%add3A_9, %dma_start3A_113] : memref<10240x128xf32, #tpu.memory_space<vmem_shared>> -> memref<80x128xf32, #tpu.memory_space<vmem_shared>>
      tpu.enqueue_dma source(%arg8 : memref<80x128xf32, #tpu.memory_space<vmem>>) target(%dma_start3A_114 : memref<80x128xf32, #tpu.memory_space<vmem_shared>>) target_semaphore(%run_scoped3A_110 : memref<!tpu.dma_semaphore, #tpu.memory_space<semaphore_mem>>)
      %dma_wait3A_115 = arith.constant 0 : i32
      %dma_wait3A_116 = tpu.memref_slice %arg10[%add3A_9, %dma_wait3A_115] : memref<10240x128xf32, #tpu.memory_space<vmem_shared>> -> memref<80x128xf32, #tpu.memory_space<vmem_shared>>
      %dma_wait3A_117 = arith.constant 0 : i32
      %dma_wait3A_118 = tpu.memref_slice %arg10[%add3A_9, %dma_wait3A_117] : memref<10240x128xf32, #tpu.memory_space<vmem_shared>> -> memref<80x128xf32, #tpu.memory_space<vmem_shared>>
      tpu.wait_dma2 semaphore(%run_scoped3A_110 : memref<!tpu.dma_semaphore, #tpu.memory_space<semaphore_mem>>) src(%arg8 : memref<80x128xf32, #tpu.memory_space<vmem>>) dst(%dma_wait3A_118 : memref<80x128xf32, #tpu.memory_space<vmem_shared>>)
      tpu.yield
    }) : () -> ()
    %mul3A_10 = arith.constant 640 : i32
    %mul3A_11 = arith.muli %arg1, %mul3A_10 : i32
    %add3A_12 = arith.constant 80 : i32
    %add3A_13 = arith.addi %mul3A_11, %add3A_12 : i32
    "tpu.region"() ({
      %run_scoped3A_110 = tpu.sem_alloc : memref<!tpu.dma_semaphore, #tpu.memory_space<semaphore_mem>>
      %dma_start3A_111 = arith.constant 0 : i32
      %dma_start3A_112 = tpu.memref_slice %arg10[%add3A_13, %dma_start3A_111] : memref<10240x128xf32, #tpu.memory_space<vmem_shared>> -> memref<80x128xf32, #tpu.memory_space<vmem_shared>>
      %dma_start3A_113 = arith.constant 0 : i32
      %dma_start3A_114 = tpu.memref_slice %arg10[%add3A_13, %dma_start3A_113] : memref<10240x128xf32, #tpu.memory_space<vmem_shared>> -> memref<80x128xf32, #tpu.memory_space<vmem_shared>>
      tpu.enqueue_dma source(%arg8 : memref<80x128xf32, #tpu.memory_space<vmem>>) target(%dma_start3A_114 : memref<80x128xf32, #tpu.memory_space<vmem_shared>>) target_semaphore(%run_scoped3A_110 : memref<!tpu.dma_semaphore, #tpu.memory_space<semaphore_mem>>)
      %dma_wait3A_115 = arith.constant 0 : i32
      %dma_wait3A_116 = tpu.memref_slice %arg10[%add3A_13, %dma_wait3A_115] : memref<10240x128xf32, #tpu.memory_space<vmem_shared>> -> memref<80x128xf32, #tpu.memory_space<vmem_shared>>
      %dma_wait3A_117 = arith.constant 0 : i32
      %dma_wait3A_118 = tpu.memref_slice %arg10[%add3A_13, %dma_wait3A_117] : memref<10240x128xf32, #tpu.memory_space<vmem_shared>> -> memref<80x128xf32, #tpu.memory_space<vmem_shared>>
      tpu.wait_dma2 semaphore(%run_scoped3A_110 : memref<!tpu.dma_semaphore, #tpu.memory_space<semaphore_mem>>) src(%arg8 : memref<80x128xf32, #tpu.memory_space<vmem>>) dst(%dma_wait3A_118 : memref<80x128xf32, #tpu.memory_space<vmem_shared>>)
      tpu.yield
    }) : () -> ()
    %mul3A_14 = arith.constant 640 : i32
    %mul3A_15 = arith.muli %arg1, %mul3A_14 : i32
    %add3A_16 = arith.constant 160 : i32
    %add3A_17 = arith.addi %mul3A_15, %add3A_16 : i32
    "tpu.region"() ({
      %run_scoped3A_110 = tpu.sem_alloc : memref<!tpu.dma_semaphore, #tpu.memory_space<semaphore_mem>>
      %dma_start3A_111 = arith.constant 0 : i32
      %dma_start3A_112 = tpu.memref_slice %arg10[%add3A_17, %dma_start3A_111] : memref<10240x128xf32, #tpu.memory_space<vmem_shared>> -> memref<80x128xf32, #tpu.memory_space<vmem_shared>>
      %dma_start3A_113 = arith.constant 0 : i32
      %dma_start3A_114 = tpu.memref_slice %arg10[%add3A_17, %dma_start3A_113] : memref<10240x128xf32, #tpu.memory_space<vmem_shared>> -> memref<80x128xf32, #tpu.memory_space<vmem_shared>>
      tpu.enqueue_dma source(%arg8 : memref<80x128xf32, #tpu.memory_space<vmem>>) target(%dma_start3A_114 : memref<80x128xf32, #tpu.memory_space<vmem_shared>>) target_semaphore(%run_scoped3A_110 : memref<!tpu.dma_semaphore, #tpu.memory_space<semaphore_mem>>)
      %dma_wait3A_115 = arith.constant 0 : i32
      %dma_wait3A_116 = tpu.memref_slice %arg10[%add3A_17, %dma_wait3A_115] : memref<10240x128xf32, #tpu.memory_space<vmem_shared>> -> memref<80x128xf32, #tpu.memory_space<vmem_shared>>
      %dma_wait3A_117 = arith.constant 0 : i32
      %dma_wait3A_118 = tpu.memref_slice %arg10[%add3A_17, %dma_wait3A_117] : memref<10240x128xf32, #tpu.memory_space<vmem_shared>> -> memref<80x128xf32, #tpu.memory_space<vmem_shared>>
      tpu.wait_dma2 semaphore(%run_scoped3A_110 : memref<!tpu.dma_semaphore, #tpu.memory_space<semaphore_mem>>) src(%arg8 : memref<80x128xf32, #tpu.memory_space<vmem>>) dst(%dma_wait3A_118 : memref<80x128xf32, #tpu.memory_space<vmem_shared>>)
      tpu.yield
    }) : () -> ()
    %mul3A_18 = arith.constant 640 : i32
    %mul3A_19 = arith.muli %arg1, %mul3A_18 : i32
    %add3A_20 = arith.constant 240 : i32
    %add3A_21 = arith.addi %mul3A_19, %add3A_20 : i32
    "tpu.region"() ({
      %run_scoped3A_110 = tpu.sem_alloc : memref<!tpu.dma_semaphore, #tpu.memory_space<semaphore_mem>>
      %dma_start3A_111 = arith.constant 0 : i32
      %dma_start3A_112 = tpu.memref_slice %arg10[%add3A_21, %dma_start3A_111] : memref<10240x128xf32, #tpu.memory_space<vmem_shared>> -> memref<80x128xf32, #tpu.memory_space<vmem_shared>>
      %dma_start3A_113 = arith.constant 0 : i32
      %dma_start3A_114 = tpu.memref_slice %arg10[%add3A_21, %dma_start3A_113] : memref<10240x128xf32, #tpu.memory_space<vmem_shared>> -> memref<80x128xf32, #tpu.memory_space<vmem_shared>>
      tpu.enqueue_dma source(%arg8 : memref<80x128xf32, #tpu.memory_space<vmem>>) target(%dma_start3A_114 : memref<80x128xf32, #tpu.memory_space<vmem_shared>>) target_semaphore(%run_scoped3A_110 : memref<!tpu.dma_semaphore, #tpu.memory_space<semaphore_mem>>)
      %dma_wait3A_115 = arith.constant 0 : i32
      %dma_wait3A_116 = tpu.memref_slice %arg10[%add3A_21, %dma_wait3A_115] : memref<10240x128xf32, #tpu.memory_space<vmem_shared>> -> memref<80x128xf32, #tpu.memory_space<vmem_shared>>
      %dma_wait3A_117 = arith.constant 0 : i32
      %dma_wait3A_118 = tpu.memref_slice %arg10[%add3A_21, %dma_wait3A_117] : memref<10240x128xf32, #tpu.memory_space<vmem_shared>> -> memref<80x128xf32, #tpu.memory_space<vmem_shared>>
      tpu.wait_dma2 semaphore(%run_scoped3A_110 : memref<!tpu.dma_semaphore, #tpu.memory_space<semaphore_mem>>) src(%arg8 : memref<80x128xf32, #tpu.memory_space<vmem>>) dst(%dma_wait3A_118 : memref<80x128xf32, #tpu.memory_space<vmem_shared>>)
      tpu.yield
    }) : () -> ()
    %mul3A_22 = arith.constant 640 : i32
    %mul3A_23 = arith.muli %arg1, %mul3A_22 : i32
    %add3A_24 = arith.constant 320 : i32
    %add3A_25 = arith.addi %mul3A_23, %add3A_24 : i32
    "tpu.region"() ({
      %run_scoped3A_110 = tpu.sem_alloc : memref<!tpu.dma_semaphore, #tpu.memory_space<semaphore_mem>>
      %dma_start3A_111 = arith.constant 0 : i32
      %dma_start3A_112 = tpu.memref_slice %arg10[%add3A_25, %dma_start3A_111] : memref<10240x128xf32, #tpu.memory_space<vmem_shared>> -> memref<80x128xf32, #tpu.memory_space<vmem_shared>>
      %dma_start3A_113 = arith.constant 0 : i32
      %dma_start3A_114 = tpu.memref_slice %arg10[%add3A_25, %dma_start3A_113] : memref<10240x128xf32, #tpu.memory_space<vmem_shared>> -> memref<80x128xf32, #tpu.memory_space<vmem_shared>>
      tpu.enqueue_dma source(%arg8 : memref<80x128xf32, #tpu.memory_space<vmem>>) target(%dma_start3A_114 : memref<80x128xf32, #tpu.memory_space<vmem_shared>>) target_semaphore(%run_scoped3A_110 : memref<!tpu.dma_semaphore, #tpu.memory_space<semaphore_mem>>)
      %dma_wait3A_115 = arith.constant 0 : i32
      %dma_wait3A_116 = tpu.memref_slice %arg10[%add3A_25, %dma_wait3A_115] : memref<10240x128xf32, #tpu.memory_space<vmem_shared>> -> memref<80x128xf32, #tpu.memory_space<vmem_shared>>
      %dma_wait3A_117 = arith.constant 0 : i32
      %dma_wait3A_118 = tpu.memref_slice %arg10[%add3A_25, %dma_wait3A_117] : memref<10240x128xf32, #tpu.memory_space<vmem_shared>> -> memref<80x128xf32, #tpu.memory_space<vmem_shared>>
      tpu.wait_dma2 semaphore(%run_scoped3A_110 : memref<!tpu.dma_semaphore, #tpu.memory_space<semaphore_mem>>) src(%arg8 : memref<80x128xf32, #tpu.memory_space<vmem>>) dst(%dma_wait3A_118 : memref<80x128xf32, #tpu.memory_space<vmem_shared>>)
      tpu.yield
    }) : () -> ()
    %mul3A_26 = arith.constant 640 : i32
    %mul3A_27 = arith.muli %arg1, %mul3A_26 : i32
    %add3A_28 = arith.constant 400 : i32
    %add3A_29 = arith.addi %mul3A_27, %add3A_28 : i32
    "tpu.region"() ({
      %run_scoped3A_110 = tpu.sem_alloc : memref<!tpu.dma_semaphore, #tpu.memory_space<semaphore_mem>>
      %dma_start3A_111 = arith.constant 0 : i32
      %dma_start3A_112 = tpu.memref_slice %arg10[%add3A_29, %dma_start3A_111] : memref<10240x128xf32, #tpu.memory_space<vmem_shared>> -> memref<80x128xf32, #tpu.memory_space<vmem_shared>>
      %dma_start3A_113 = arith.constant 0 : i32
      %dma_start3A_114 = tpu.memref_slice %arg10[%add3A_29, %dma_start3A_113] : memref<10240x128xf32, #tpu.memory_space<vmem_shared>> -> memref<80x128xf32, #tpu.memory_space<vmem_shared>>
      tpu.enqueue_dma source(%arg8 : memref<80x128xf32, #tpu.memory_space<vmem>>) target(%dma_start3A_114 : memref<80x128xf32, #tpu.memory_space<vmem_shared>>) target_semaphore(%run_scoped3A_110 : memref<!tpu.dma_semaphore, #tpu.memory_space<semaphore_mem>>)
      %dma_wait3A_115 = arith.constant 0 : i32
      %dma_wait3A_116 = tpu.memref_slice %arg10[%add3A_29, %dma_wait3A_115] : memref<10240x128xf32, #tpu.memory_space<vmem_shared>> -> memref<80x128xf32, #tpu.memory_space<vmem_shared>>
      %dma_wait3A_117 = arith.constant 0 : i32
      %dma_wait3A_118 = tpu.memref_slice %arg10[%add3A_29, %dma_wait3A_117] : memref<10240x128xf32, #tpu.memory_space<vmem_shared>> -> memref<80x128xf32, #tpu.memory_space<vmem_shared>>
      tpu.wait_dma2 semaphore(%run_scoped3A_110 : memref<!tpu.dma_semaphore, #tpu.memory_space<semaphore_mem>>) src(%arg8 : memref<80x128xf32, #tpu.memory_space<vmem>>) dst(%dma_wait3A_118 : memref<80x128xf32, #tpu.memory_space<vmem_shared>>)
      tpu.yield
    }) : () -> ()
    %mul3A_30 = arith.constant 640 : i32
    %mul3A_31 = arith.muli %arg1, %mul3A_30 : i32
    %add3A_32 = arith.constant 480 : i32
    %add3A_33 = arith.addi %mul3A_31, %add3A_32 : i32
    "tpu.region"() ({
      %run_scoped3A_110 = tpu.sem_alloc : memref<!tpu.dma_semaphore, #tpu.memory_space<semaphore_mem>>
      %dma_start3A_111 = arith.constant 0 : i32
      %dma_start3A_112 = tpu.memref_slice %arg10[%add3A_33, %dma_start3A_111] : memref<10240x128xf32, #tpu.memory_space<vmem_shared>> -> memref<80x128xf32, #tpu.memory_space<vmem_shared>>
      %dma_start3A_113 = arith.constant 0 : i32
      %dma_start3A_114 = tpu.memref_slice %arg10[%add3A_33, %dma_start3A_113] : memref<10240x128xf32, #tpu.memory_space<vmem_shared>> -> memref<80x128xf32, #tpu.memory_space<vmem_shared>>
      tpu.enqueue_dma source(%arg8 : memref<80x128xf32, #tpu.memory_space<vmem>>) target(%dma_start3A_114 : memref<80x128xf32, #tpu.memory_space<vmem_shared>>) target_semaphore(%run_scoped3A_110 : memref<!tpu.dma_semaphore, #tpu.memory_space<semaphore_mem>>)
      %dma_wait3A_115 = arith.constant 0 : i32
      %dma_wait3A_116 = tpu.memref_slice %arg10[%add3A_33, %dma_wait3A_115] : memref<10240x128xf32, #tpu.memory_space<vmem_shared>> -> memref<80x128xf32, #tpu.memory_space<vmem_shared>>
      %dma_wait3A_117 = arith.constant 0 : i32
      %dma_wait3A_118 = tpu.memref_slice %arg10[%add3A_33, %dma_wait3A_117] : memref<10240x128xf32, #tpu.memory_space<vmem_shared>> -> memref<80x128xf32, #tpu.memory_space<vmem_shared>>
      tpu.wait_dma2 semaphore(%run_scoped3A_110 : memref<!tpu.dma_semaphore, #tpu.memory_space<semaphore_mem>>) src(%arg8 : memref<80x128xf32, #tpu.memory_space<vmem>>) dst(%dma_wait3A_118 : memref<80x128xf32, #tpu.memory_space<vmem_shared>>)
      tpu.yield
    }) : () -> ()
    %mul3A_34 = arith.constant 640 : i32
    %mul3A_35 = arith.muli %arg1, %mul3A_34 : i32
    %add3A_36 = arith.constant 560 : i32
    %add3A_37 = arith.addi %mul3A_35, %add3A_36 : i32
    "tpu.region"() ({
      %run_scoped3A_110 = tpu.sem_alloc : memref<!tpu.dma_semaphore, #tpu.memory_space<semaphore_mem>>
      %dma_start3A_111 = arith.constant 0 : i32
      %dma_start3A_112 = tpu.memref_slice %arg10[%add3A_37, %dma_start3A_111] : memref<10240x128xf32, #tpu.memory_space<vmem_shared>> -> memref<80x128xf32, #tpu.memory_space<vmem_shared>>
      %dma_start3A_113 = arith.constant 0 : i32
      %dma_start3A_114 = tpu.memref_slice %arg10[%add3A_37, %dma_start3A_113] : memref<10240x128xf32, #tpu.memory_space<vmem_shared>> -> memref<80x128xf32, #tpu.memory_space<vmem_shared>>
      tpu.enqueue_dma source(%arg8 : memref<80x128xf32, #tpu.memory_space<vmem>>) target(%dma_start3A_114 : memref<80x128xf32, #tpu.memory_space<vmem_shared>>) target_semaphore(%run_scoped3A_110 : memref<!tpu.dma_semaphore, #tpu.memory_space<semaphore_mem>>)
      %dma_wait3A_115 = arith.constant 0 : i32
      %dma_wait3A_116 = tpu.memref_slice %arg10[%add3A_37, %dma_wait3A_115] : memref<10240x128xf32, #tpu.memory_space<vmem_shared>> -> memref<80x128xf32, #tpu.memory_space<vmem_shared>>
      %dma_wait3A_117 = arith.constant 0 : i32
      %dma_wait3A_118 = tpu.memref_slice %arg10[%add3A_37, %dma_wait3A_117] : memref<10240x128xf32, #tpu.memory_space<vmem_shared>> -> memref<80x128xf32, #tpu.memory_space<vmem_shared>>
      tpu.wait_dma2 semaphore(%run_scoped3A_110 : memref<!tpu.dma_semaphore, #tpu.memory_space<semaphore_mem>>) src(%arg8 : memref<80x128xf32, #tpu.memory_space<vmem>>) dst(%dma_wait3A_118 : memref<80x128xf32, #tpu.memory_space<vmem_shared>>)
      tpu.yield
    }) : () -> ()
    %barrier3A = arith.constant 0 : index
    tpu.barrier barrier_id(%barrier3A)
    "tpu.region"() ({
      %run_scoped3A_110 = tpu.sem_alloc : memref<!tpu.dma_semaphore, #tpu.memory_space<semaphore_mem>>
      %dma_start3A_111 = arith.constant 0 : i32
      %dma_start3A_112 = arith.constant 0 : i32
      %dma_start3A_113 = tpu.memref_slice %arg3[%add3A, %dma_start3A_111, %dma_start3A_112] : memref<32x128x80xi32, #tpu.memory_space<hbm>> -> memref<1x64x80xi32, #tpu.memory_space<hbm>>
      %dma_start3A_114 = tpu.memref_squeeze %dma_start3A_113 : memref<1x64x80xi32, #tpu.memory_space<hbm>> -> memref<64x80xi32, #tpu.memory_space<hbm>>
      %dma_start3A_115 = arith.constant 0 : i32
      %dma_start3A_116 = arith.constant 0 : i32
      %dma_start3A_117 = tpu.memref_slice %arg3[%add3A, %dma_start3A_115, %dma_start3A_116] : memref<32x128x80xi32, #tpu.memory_space<hbm>> -> memref<1x64x80xi32, #tpu.memory_space<hbm>>
      %dma_start3A_118 = tpu.memref_squeeze %dma_start3A_117 : memref<1x64x80xi32, #tpu.memory_space<hbm>> -> memref<64x80xi32, #tpu.memory_space<hbm>>
      tpu.enqueue_dma source(%dma_start3A_118 : memref<64x80xi32, #tpu.memory_space<hbm>>) target(%arg6 : memref<64x80xi32, #tpu.memory_space<vmem>>) target_semaphore(%run_scoped3A_110 : memref<!tpu.dma_semaphore, #tpu.memory_space<semaphore_mem>>)
      %dma_wait3A_119 = arith.constant 0 : i32
      %dma_wait3A_120 = arith.constant 0 : i32
      %dma_wait3A_121 = tpu.memref_slice %arg3[%add3A, %dma_wait3A_119, %dma_wait3A_120] : memref<32x128x80xi32, #tpu.memory_space<hbm>> -> memref<1x64x80xi32, #tpu.memory_space<hbm>>
      %dma_wait3A_122 = tpu.memref_squeeze %dma_wait3A_121 : memref<1x64x80xi32, #tpu.memory_space<hbm>> -> memref<64x80xi32, #tpu.memory_space<hbm>>
      %dma_wait3A_123 = arith.constant 0 : i32
      %dma_wait3A_124 = arith.constant 0 : i32
      %dma_wait3A_125 = tpu.memref_slice %arg3[%add3A, %dma_wait3A_123, %dma_wait3A_124] : memref<32x128x80xi32, #tpu.memory_space<hbm>> -> memref<1x64x80xi32, #tpu.memory_space<hbm>>
      %dma_wait3A_126 = tpu.memref_squeeze %dma_wait3A_125 : memref<1x64x80xi32, #tpu.memory_space<hbm>> -> memref<64x80xi32, #tpu.memory_space<hbm>>
      tpu.wait_dma2 semaphore(%run_scoped3A_110 : memref<!tpu.dma_semaphore, #tpu.memory_space<semaphore_mem>>) src(%dma_wait3A_126 : memref<64x80xi32, #tpu.memory_space<hbm>>) dst(%arg6 : memref<64x80xi32, #tpu.memory_space<vmem>>)
      tpu.yield
    }) : () -> ()
    "tpu.region"() ({
      %run_scoped3A_110 = tpu.sem_alloc : memref<!tpu.dma_semaphore, #tpu.memory_space<semaphore_mem>>
      %dma_start3A_111 = arith.constant 0 : i32
      %dma_start3A_112 = arith.constant 0 : i32
      %dma_start3A_113 = tpu.memref_slice %arg4[%add3A, %dma_start3A_111, %dma_start3A_112] : memref<32x128x80xi32, #tpu.memory_space<hbm>> -> memref<1x64x80xi32, #tpu.memory_space<hbm>>
      %dma_start3A_114 = tpu.memref_squeeze %dma_start3A_113 : memref<1x64x80xi32, #tpu.memory_space<hbm>> -> memref<64x80xi32, #tpu.memory_space<hbm>>
      %dma_start3A_115 = arith.constant 0 : i32
      %dma_start3A_116 = arith.constant 0 : i32
      %dma_start3A_117 = tpu.memref_slice %arg4[%add3A, %dma_start3A_115, %dma_start3A_116] : memref<32x128x80xi32, #tpu.memory_space<hbm>> -> memref<1x64x80xi32, #tpu.memory_space<hbm>>
      %dma_start3A_118 = tpu.memref_squeeze %dma_start3A_117 : memref<1x64x80xi32, #tpu.memory_space<hbm>> -> memref<64x80xi32, #tpu.memory_space<hbm>>
      tpu.enqueue_dma source(%dma_start3A_118 : memref<64x80xi32, #tpu.memory_space<hbm>>) target(%arg7 : memref<64x80xi32, #tpu.memory_space<vmem>>) target_semaphore(%run_scoped3A_110 : memref<!tpu.dma_semaphore, #tpu.memory_space<semaphore_mem>>)
      %dma_wait3A_119 = arith.constant 0 : i32
      %dma_wait3A_120 = arith.constant 0 : i32
      %dma_wait3A_121 = tpu.memref_slice %arg4[%add3A, %dma_wait3A_119, %dma_wait3A_120] : memref<32x128x80xi32, #tpu.memory_space<hbm>> -> memref<1x64x80xi32, #tpu.memory_space<hbm>>
      %dma_wait3A_122 = tpu.memref_squeeze %dma_wait3A_121 : memref<1x64x80xi32, #tpu.memory_space<hbm>> -> memref<64x80xi32, #tpu.memory_space<hbm>>
      %dma_wait3A_123 = arith.constant 0 : i32
      %dma_wait3A_124 = arith.constant 0 : i32
      %dma_wait3A_125 = tpu.memref_slice %arg4[%add3A, %dma_wait3A_123, %dma_wait3A_124] : memref<32x128x80xi32, #tpu.memory_space<hbm>> -> memref<1x64x80xi32, #tpu.memory_space<hbm>>
      %dma_wait3A_126 = tpu.memref_squeeze %dma_wait3A_125 : memref<1x64x80xi32, #tpu.memory_space<hbm>> -> memref<64x80xi32, #tpu.memory_space<hbm>>
      tpu.wait_dma2 semaphore(%run_scoped3A_110 : memref<!tpu.dma_semaphore, #tpu.memory_space<semaphore_mem>>) src(%dma_wait3A_126 : memref<64x80xi32, #tpu.memory_space<hbm>>) dst(%arg7 : memref<64x80xi32, #tpu.memory_space<vmem>>)
      tpu.yield
    }) : () -> ()
    %dma_start3A = arith.constant 0 : i32
    %dma_start3A_38 = arith.constant 0 : i32
    %dma_start3A_39 = tpu.memref_slice %arg6[%dma_start3A, %dma_start3A_38] : memref<64x80xi32, #tpu.memory_space<vmem>> -> memref<1x80xi32, #tpu.memory_space<vmem>>
    %dma_start3A_40 = tpu.memref_squeeze %dma_start3A_39 : memref<1x80xi32, #tpu.memory_space<vmem>> -> memref<80xi32, #tpu.memory_space<vmem>>
    %dma_start3A_41 = arith.constant 0 : i32
    %dma_start3A_42 = arith.constant 0 : i32
    %dma_start3A_43 = tpu.memref_slice %arg2[%dma_start3A_41, %dma_start3A_42] : memref<10240x128xf32, #tpu.memory_space<hbm>> -> memref<10240x128xf32, #tpu.memory_space<hbm>>
    tpu.enqueue_indirect_dma source(%dma_start3A_43 : memref<10240x128xf32, #tpu.memory_space<hbm>>) target(%arg8 : memref<80x128xf32, #tpu.memory_space<vmem>>) offsets(%dma_start3A_40 : memref<80xi32, #tpu.memory_space<vmem>>) semaphore(%arg11 : memref<!tpu.dma_semaphore, #tpu.memory_space<semaphore_mem>>)
    %scan3A_44 = arith.constant 0 : i32
    %scan3A_45 = arith.constant 31 : i32
    %scan3A_46 = arith.addi %scan3A_44, %scan3A_45 : i32
    %scan3A_47 = arith.constant 1 : i32
    scf.for %scan3A_110 = %scan3A_44 to %scan3A_46 step %scan3A_47  : i32 {
      %mul3A_111 = arith.constant 2 : i32
      %mul3A_112 = arith.muli %mul3A_111, %scan3A_110 : i32
      %add3A_113 = arith.constant 1 : i32
      %add3A_114 = arith.addi %mul3A_112, %add3A_113 : i32
      %dma_start3A_115 = arith.constant 0 : i32
      %dma_start3A_116 = tpu.memref_slice %arg6[%add3A_114, %dma_start3A_115] : memref<64x80xi32, #tpu.memory_space<vmem>> -> memref<1x80xi32, #tpu.memory_space<vmem>>
      %dma_start3A_117 = tpu.memref_squeeze %dma_start3A_116 : memref<1x80xi32, #tpu.memory_space<vmem>> -> memref<80xi32, #tpu.memory_space<vmem>>
      %dma_start3A_118 = arith.constant 0 : i32
      %dma_start3A_119 = arith.constant 0 : i32
      %dma_start3A_120 = tpu.memref_slice %arg2[%dma_start3A_118, %dma_start3A_119] : memref<10240x128xf32, #tpu.memory_space<hbm>> -> memref<10240x128xf32, #tpu.memory_space<hbm>>
      tpu.enqueue_indirect_dma source(%dma_start3A_120 : memref<10240x128xf32, #tpu.memory_space<hbm>>) target(%arg9 : memref<80x128xf32, #tpu.memory_space<vmem>>) offsets(%dma_start3A_117 : memref<80xi32, #tpu.memory_space<vmem>>) semaphore(%arg12 : memref<!tpu.dma_semaphore, #tpu.memory_space<semaphore_mem>>)
      %dma_wait3A_121 = arith.constant 0 : i32
      %dma_wait3A_122 = tpu.memref_slice %arg6[%mul3A_112, %dma_wait3A_121] : memref<64x80xi32, #tpu.memory_space<vmem>> -> memref<1x80xi32, #tpu.memory_space<vmem>>
      %dma_wait3A_123 = tpu.memref_squeeze %dma_wait3A_122 : memref<1x80xi32, #tpu.memory_space<vmem>> -> memref<80xi32, #tpu.memory_space<vmem>>
      %dma_wait3A_124 = arith.constant 0 : i32
      %dma_wait3A_125 = arith.constant 0 : i32
      %dma_wait3A_126 = tpu.memref_slice %arg2[%dma_wait3A_124, %dma_wait3A_125] : memref<10240x128xf32, #tpu.memory_space<hbm>> -> memref<10240x128xf32, #tpu.memory_space<hbm>>
      tpu.wait_indirect_dma semaphore(%arg11 : memref<!tpu.dma_semaphore, #tpu.memory_space<semaphore_mem>>) src(%dma_wait3A_126 : memref<10240x128xf32, #tpu.memory_space<hbm>>) dst(%arg8 : memref<80x128xf32, #tpu.memory_space<vmem>>)
      "tpu.region"() ({
        %run_scoped3A_145 = tpu.sem_alloc : memref<!tpu.dma_semaphore, #tpu.memory_space<semaphore_mem>>
        %dma_start3A_146 = arith.constant 0 : i32
        %dma_start3A_147 = tpu.memref_slice %arg7[%mul3A_112, %dma_start3A_146] : memref<64x80xi32, #tpu.memory_space<vmem>> -> memref<1x80xi32, #tpu.memory_space<vmem>>
        %dma_start3A_148 = tpu.memref_squeeze %dma_start3A_147 : memref<1x80xi32, #tpu.memory_space<vmem>> -> memref<80xi32, #tpu.memory_space<vmem>>
        %dma_start3A_149 = arith.constant 0 : i32
        %dma_start3A_150 = arith.constant 0 : i32
        %dma_start3A_151 = tpu.memref_slice %arg10[%dma_start3A_149, %dma_start3A_150] : memref<10240x128xf32, #tpu.memory_space<vmem_shared>> -> memref<10240x128xf32, #tpu.memory_space<vmem_shared>>
        tpu.enqueue_indirect_dma source(%arg8 : memref<80x128xf32, #tpu.memory_space<vmem>>) target(%dma_start3A_151 : memref<10240x128xf32, #tpu.memory_space<vmem_shared>>) offsets(%dma_start3A_148 : memref<80xi32, #tpu.memory_space<vmem>>) semaphore(%run_scoped3A_145 : memref<!tpu.dma_semaphore, #tpu.memory_space<semaphore_mem>>) {add = true}
        %dma_wait3A_152 = arith.constant 0 : i32
        %dma_wait3A_153 = tpu.memref_slice %arg7[%mul3A_112, %dma_wait3A_152] : memref<64x80xi32, #tpu.memory_space<vmem>> -> memref<1x80xi32, #tpu.memory_space<vmem>>
        %dma_wait3A_154 = tpu.memref_squeeze %dma_wait3A_153 : memref<1x80xi32, #tpu.memory_space<vmem>> -> memref<80xi32, #tpu.memory_space<vmem>>
        %dma_wait3A_155 = arith.constant 0 : i32
        %dma_wait3A_156 = arith.constant 0 : i32
        %dma_wait3A_157 = tpu.memref_slice %arg10[%dma_wait3A_155, %dma_wait3A_156] : memref<10240x128xf32, #tpu.memory_space<vmem_shared>> -> memref<10240x128xf32, #tpu.memory_space<vmem_shared>>
        tpu.wait_indirect_dma semaphore(%run_scoped3A_145 : memref<!tpu.dma_semaphore, #tpu.memory_space<semaphore_mem>>) src(%arg8 : memref<80x128xf32, #tpu.memory_space<vmem>>) dst(%dma_wait3A_157 : memref<10240x128xf32, #tpu.memory_space<vmem_shared>>)
        tpu.yield
      }) : () -> ()
      %add3A_127 = arith.constant 2 : i32
      %add3A_128 = arith.addi %mul3A_112, %add3A_127 : i32
      %dma_start3A_129 = arith.constant 0 : i32
      %dma_start3A_130 = tpu.memref_slice %arg6[%add3A_128, %dma_start3A_129] : memref<64x80xi32, #tpu.memory_space<vmem>> -> memref<1x80xi32, #tpu.memory_space<vmem>>
      %dma_start3A_131 = tpu.memref_squeeze %dma_start3A_130 : memref<1x80xi32, #tpu.memory_space<vmem>> -> memref<80xi32, #tpu.memory_space<vmem>>
      %dma_start3A_132 = arith.constant 0 : i32
      %dma_start3A_133 = arith.constant 0 : i32
      %dma_start3A_134 = tpu.memref_slice %arg2[%dma_start3A_132, %dma_start3A_133] : memref<10240x128xf32, #tpu.memory_space<hbm>> -> memref<10240x128xf32, #tpu.memory_space<hbm>>
      tpu.enqueue_indirect_dma source(%dma_start3A_134 : memref<10240x128xf32, #tpu.memory_space<hbm>>) target(%arg8 : memref<80x128xf32, #tpu.memory_space<vmem>>) offsets(%dma_start3A_131 : memref<80xi32, #tpu.memory_space<vmem>>) semaphore(%arg11 : memref<!tpu.dma_semaphore, #tpu.memory_space<semaphore_mem>>)
      %add3A_135 = arith.constant 1 : i32
      %add3A_136 = arith.addi %mul3A_112, %add3A_135 : i32
      %dma_wait3A_137 = arith.constant 0 : i32
      %dma_wait3A_138 = tpu.memref_slice %arg6[%add3A_136, %dma_wait3A_137] : memref<64x80xi32, #tpu.memory_space<vmem>> -> memref<1x80xi32, #tpu.memory_space<vmem>>
      %dma_wait3A_139 = tpu.memref_squeeze %dma_wait3A_138 : memref<1x80xi32, #tpu.memory_space<vmem>> -> memref<80xi32, #tpu.memory_space<vmem>>
      %dma_wait3A_140 = arith.constant 0 : i32
      %dma_wait3A_141 = arith.constant 0 : i32
      %dma_wait3A_142 = tpu.memref_slice %arg2[%dma_wait3A_140, %dma_wait3A_141] : memref<10240x128xf32, #tpu.memory_space<hbm>> -> memref<10240x128xf32, #tpu.memory_space<hbm>>
      tpu.wait_indirect_dma semaphore(%arg12 : memref<!tpu.dma_semaphore, #tpu.memory_space<semaphore_mem>>) src(%dma_wait3A_142 : memref<10240x128xf32, #tpu.memory_space<hbm>>) dst(%arg9 : memref<80x128xf32, #tpu.memory_space<vmem>>)
      %add3A_143 = arith.constant 1 : i32
      %add3A_144 = arith.addi %mul3A_112, %add3A_143 : i32
      "tpu.region"() ({
        %run_scoped3A_145 = tpu.sem_alloc : memref<!tpu.dma_semaphore, #tpu.memory_space<semaphore_mem>>
        %dma_start3A_146 = arith.constant 0 : i32
        %dma_start3A_147 = tpu.memref_slice %arg7[%add3A_144, %dma_start3A_146] : memref<64x80xi32, #tpu.memory_space<vmem>> -> memref<1x80xi32, #tpu.memory_space<vmem>>
        %dma_start3A_148 = tpu.memref_squeeze %dma_start3A_147 : memref<1x80xi32, #tpu.memory_space<vmem>> -> memref<80xi32, #tpu.memory_space<vmem>>
        %dma_start3A_149 = arith.constant 0 : i32
        %dma_start3A_150 = arith.constant 0 : i32
        %dma_start3A_151 = tpu.memref_slice %arg10[%dma_start3A_149, %dma_start3A_150] : memref<10240x128xf32, #tpu.memory_space<vmem_shared>> -> memref<10240x128xf32, #tpu.memory_space<vmem_shared>>
        tpu.enqueue_indirect_dma source(%arg9 : memref<80x128xf32, #tpu.memory_space<vmem>>) target(%dma_start3A_151 : memref<10240x128xf32, #tpu.memory_space<vmem_shared>>) offsets(%dma_start3A_148 : memref<80xi32, #tpu.memory_space<vmem>>) semaphore(%run_scoped3A_145 : memref<!tpu.dma_semaphore, #tpu.memory_space<semaphore_mem>>) {add = true}
        %dma_wait3A_152 = arith.constant 0 : i32
        %dma_wait3A_153 = tpu.memref_slice %arg7[%add3A_144, %dma_wait3A_152] : memref<64x80xi32, #tpu.memory_space<vmem>> -> memref<1x80xi32, #tpu.memory_space<vmem>>
        %dma_wait3A_154 = tpu.memref_squeeze %dma_wait3A_153 : memref<1x80xi32, #tpu.memory_space<vmem>> -> memref<80xi32, #tpu.memory_space<vmem>>
        %dma_wait3A_155 = arith.constant 0 : i32
        %dma_wait3A_156 = arith.constant 0 : i32
        %dma_wait3A_157 = tpu.memref_slice %arg10[%dma_wait3A_155, %dma_wait3A_156] : memref<10240x128xf32, #tpu.memory_space<vmem_shared>> -> memref<10240x128xf32, #tpu.memory_space<vmem_shared>>
        tpu.wait_indirect_dma semaphore(%run_scoped3A_145 : memref<!tpu.dma_semaphore, #tpu.memory_space<semaphore_mem>>) src(%arg9 : memref<80x128xf32, #tpu.memory_space<vmem>>) dst(%dma_wait3A_157 : memref<10240x128xf32, #tpu.memory_space<vmem_shared>>)
        tpu.yield
      }) : () -> ()
    }
    %scan3A_48 = arith.constant 31 : i32
    %dma_start3A_49 = arith.constant 63 : i32
    %dma_start3A_50 = arith.constant 0 : i32
    %dma_start3A_51 = tpu.memref_slice %arg6[%dma_start3A_49, %dma_start3A_50] : memref<64x80xi32, #tpu.memory_space<vmem>> -> memref<1x80xi32, #tpu.memory_space<vmem>>
    %dma_start3A_52 = tpu.memref_squeeze %dma_start3A_51 : memref<1x80xi32, #tpu.memory_space<vmem>> -> memref<80xi32, #tpu.memory_space<vmem>>
    %dma_start3A_53 = arith.constant 0 : i32
    %dma_start3A_54 = arith.constant 0 : i32
    %dma_start3A_55 = tpu.memref_slice %arg2[%dma_start3A_53, %dma_start3A_54] : memref<10240x128xf32, #tpu.memory_space<hbm>> -> memref<10240x128xf32, #tpu.memory_space<hbm>>
    tpu.enqueue_indirect_dma source(%dma_start3A_55 : memref<10240x128xf32, #tpu.memory_space<hbm>>) target(%arg9 : memref<80x128xf32, #tpu.memory_space<vmem>>) offsets(%dma_start3A_52 : memref<80xi32, #tpu.memory_space<vmem>>) semaphore(%arg12 : memref<!tpu.dma_semaphore, #tpu.memory_space<semaphore_mem>>)
    %dma_wait3A = arith.constant 62 : i32
    %dma_wait3A_56 = arith.constant 0 : i32
    %dma_wait3A_57 = tpu.memref_slice %arg6[%dma_wait3A, %dma_wait3A_56] : memref<64x80xi32, #tpu.memory_space<vmem>> -> memref<1x80xi32, #tpu.memory_space<vmem>>
    %dma_wait3A_58 = tpu.memref_squeeze %dma_wait3A_57 : memref<1x80xi32, #tpu.memory_space<vmem>> -> memref<80xi32, #tpu.memory_space<vmem>>
    %dma_wait3A_59 = arith.constant 0 : i32
    %dma_wait3A_60 = arith.constant 0 : i32
    %dma_wait3A_61 = tpu.memref_slice %arg2[%dma_wait3A_59, %dma_wait3A_60] : memref<10240x128xf32, #tpu.memory_space<hbm>> -> memref<10240x128xf32, #tpu.memory_space<hbm>>
    tpu.wait_indirect_dma semaphore(%arg11 : memref<!tpu.dma_semaphore, #tpu.memory_space<semaphore_mem>>) src(%dma_wait3A_61 : memref<10240x128xf32, #tpu.memory_space<hbm>>) dst(%arg8 : memref<80x128xf32, #tpu.memory_space<vmem>>)
    %run_scoped3A = arith.constant 62 : i32
    "tpu.region"() ({
      %run_scoped3A_110 = tpu.sem_alloc : memref<!tpu.dma_semaphore, #tpu.memory_space<semaphore_mem>>
      %dma_start3A_111 = arith.constant 0 : i32
      %dma_start3A_112 = tpu.memref_slice %arg7[%run_scoped3A, %dma_start3A_111] : memref<64x80xi32, #tpu.memory_space<vmem>> -> memref<1x80xi32, #tpu.memory_space<vmem>>
      %dma_start3A_113 = tpu.memref_squeeze %dma_start3A_112 : memref<1x80xi32, #tpu.memory_space<vmem>> -> memref<80xi32, #tpu.memory_space<vmem>>
      %dma_start3A_114 = arith.constant 0 : i32
      %dma_start3A_115 = arith.constant 0 : i32
      %dma_start3A_116 = tpu.memref_slice %arg10[%dma_start3A_114, %dma_start3A_115] : memref<10240x128xf32, #tpu.memory_space<vmem_shared>> -> memref<10240x128xf32, #tpu.memory_space<vmem_shared>>
      tpu.enqueue_indirect_dma source(%arg8 : memref<80x128xf32, #tpu.memory_space<vmem>>) target(%dma_start3A_116 : memref<10240x128xf32, #tpu.memory_space<vmem_shared>>) offsets(%dma_start3A_113 : memref<80xi32, #tpu.memory_space<vmem>>) semaphore(%run_scoped3A_110 : memref<!tpu.dma_semaphore, #tpu.memory_space<semaphore_mem>>) {add = true}
      %dma_wait3A_117 = arith.constant 0 : i32
      %dma_wait3A_118 = tpu.memref_slice %arg7[%run_scoped3A, %dma_wait3A_117] : memref<64x80xi32, #tpu.memory_space<vmem>> -> memref<1x80xi32, #tpu.memory_space<vmem>>
      %dma_wait3A_119 = tpu.memref_squeeze %dma_wait3A_118 : memref<1x80xi32, #tpu.memory_space<vmem>> -> memref<80xi32, #tpu.memory_space<vmem>>
      %dma_wait3A_120 = arith.constant 0 : i32
      %dma_wait3A_121 = arith.constant 0 : i32
      %dma_wait3A_122 = tpu.memref_slice %arg10[%dma_wait3A_120, %dma_wait3A_121] : memref<10240x128xf32, #tpu.memory_space<vmem_shared>> -> memref<10240x128xf32, #tpu.memory_space<vmem_shared>>
      tpu.wait_indirect_dma semaphore(%run_scoped3A_110 : memref<!tpu.dma_semaphore, #tpu.memory_space<semaphore_mem>>) src(%arg8 : memref<80x128xf32, #tpu.memory_space<vmem>>) dst(%dma_wait3A_122 : memref<10240x128xf32, #tpu.memory_space<vmem_shared>>)
      tpu.yield
    }) : () -> ()
    %dma_wait3A_62 = arith.constant 63 : i32
    %dma_wait3A_63 = arith.constant 0 : i32
    %dma_wait3A_64 = tpu.memref_slice %arg6[%dma_wait3A_62, %dma_wait3A_63] : memref<64x80xi32, #tpu.memory_space<vmem>> -> memref<1x80xi32, #tpu.memory_space<vmem>>
    %dma_wait3A_65 = tpu.memref_squeeze %dma_wait3A_64 : memref<1x80xi32, #tpu.memory_space<vmem>> -> memref<80xi32, #tpu.memory_space<vmem>>
    %dma_wait3A_66 = arith.constant 0 : i32
    %dma_wait3A_67 = arith.constant 0 : i32
    %dma_wait3A_68 = tpu.memref_slice %arg2[%dma_wait3A_66, %dma_wait3A_67] : memref<10240x128xf32, #tpu.memory_space<hbm>> -> memref<10240x128xf32, #tpu.memory_space<hbm>>
    tpu.wait_indirect_dma semaphore(%arg12 : memref<!tpu.dma_semaphore, #tpu.memory_space<semaphore_mem>>) src(%dma_wait3A_68 : memref<10240x128xf32, #tpu.memory_space<hbm>>) dst(%arg9 : memref<80x128xf32, #tpu.memory_space<vmem>>)
    %run_scoped3A_69 = arith.constant 63 : i32
    "tpu.region"() ({
      %run_scoped3A_110 = tpu.sem_alloc : memref<!tpu.dma_semaphore, #tpu.memory_space<semaphore_mem>>
      %dma_start3A_111 = arith.constant 0 : i32
      %dma_start3A_112 = tpu.memref_slice %arg7[%run_scoped3A_69, %dma_start3A_111] : memref<64x80xi32, #tpu.memory_space<vmem>> -> memref<1x80xi32, #tpu.memory_space<vmem>>
      %dma_start3A_113 = tpu.memref_squeeze %dma_start3A_112 : memref<1x80xi32, #tpu.memory_space<vmem>> -> memref<80xi32, #tpu.memory_space<vmem>>
      %dma_start3A_114 = arith.constant 0 : i32
      %dma_start3A_115 = arith.constant 0 : i32
      %dma_start3A_116 = tpu.memref_slice %arg10[%dma_start3A_114, %dma_start3A_115] : memref<10240x128xf32, #tpu.memory_space<vmem_shared>> -> memref<10240x128xf32, #tpu.memory_space<vmem_shared>>
      tpu.enqueue_indirect_dma source(%arg9 : memref<80x128xf32, #tpu.memory_space<vmem>>) target(%dma_start3A_116 : memref<10240x128xf32, #tpu.memory_space<vmem_shared>>) offsets(%dma_start3A_113 : memref<80xi32, #tpu.memory_space<vmem>>) semaphore(%run_scoped3A_110 : memref<!tpu.dma_semaphore, #tpu.memory_space<semaphore_mem>>) {add = true}
      %dma_wait3A_117 = arith.constant 0 : i32
      %dma_wait3A_118 = tpu.memref_slice %arg7[%run_scoped3A_69, %dma_wait3A_117] : memref<64x80xi32, #tpu.memory_space<vmem>> -> memref<1x80xi32, #tpu.memory_space<vmem>>
      %dma_wait3A_119 = tpu.memref_squeeze %dma_wait3A_118 : memref<1x80xi32, #tpu.memory_space<vmem>> -> memref<80xi32, #tpu.memory_space<vmem>>
      %dma_wait3A_120 = arith.constant 0 : i32
      %dma_wait3A_121 = arith.constant 0 : i32
      %dma_wait3A_122 = tpu.memref_slice %arg10[%dma_wait3A_120, %dma_wait3A_121] : memref<10240x128xf32, #tpu.memory_space<vmem_shared>> -> memref<10240x128xf32, #tpu.memory_space<vmem_shared>>
      tpu.wait_indirect_dma semaphore(%run_scoped3A_110 : memref<!tpu.dma_semaphore, #tpu.memory_space<semaphore_mem>>) src(%arg9 : memref<80x128xf32, #tpu.memory_space<vmem>>) dst(%dma_wait3A_122 : memref<10240x128xf32, #tpu.memory_space<vmem_shared>>)
      tpu.yield
    }) : () -> ()
    "tpu.region"() ({
      %run_scoped3A_110 = tpu.sem_alloc : memref<!tpu.dma_semaphore, #tpu.memory_space<semaphore_mem>>
      %dma_start3A_111 = arith.constant 64 : i32
      %dma_start3A_112 = arith.constant 0 : i32
      %dma_start3A_113 = tpu.memref_slice %arg3[%add3A, %dma_start3A_111, %dma_start3A_112] : memref<32x128x80xi32, #tpu.memory_space<hbm>> -> memref<1x64x80xi32, #tpu.memory_space<hbm>>
      %dma_start3A_114 = tpu.memref_squeeze %dma_start3A_113 : memref<1x64x80xi32, #tpu.memory_space<hbm>> -> memref<64x80xi32, #tpu.memory_space<hbm>>
      %dma_start3A_115 = arith.constant 64 : i32
      %dma_start3A_116 = arith.constant 0 : i32
      %dma_start3A_117 = tpu.memref_slice %arg3[%add3A, %dma_start3A_115, %dma_start3A_116] : memref<32x128x80xi32, #tpu.memory_space<hbm>> -> memref<1x64x80xi32, #tpu.memory_space<hbm>>
      %dma_start3A_118 = tpu.memref_squeeze %dma_start3A_117 : memref<1x64x80xi32, #tpu.memory_space<hbm>> -> memref<64x80xi32, #tpu.memory_space<hbm>>
      tpu.enqueue_dma source(%dma_start3A_118 : memref<64x80xi32, #tpu.memory_space<hbm>>) target(%arg6 : memref<64x80xi32, #tpu.memory_space<vmem>>) target_semaphore(%run_scoped3A_110 : memref<!tpu.dma_semaphore, #tpu.memory_space<semaphore_mem>>)
      %dma_wait3A_119 = arith.constant 64 : i32
      %dma_wait3A_120 = arith.constant 0 : i32
      %dma_wait3A_121 = tpu.memref_slice %arg3[%add3A, %dma_wait3A_119, %dma_wait3A_120] : memref<32x128x80xi32, #tpu.memory_space<hbm>> -> memref<1x64x80xi32, #tpu.memory_space<hbm>>
      %dma_wait3A_122 = tpu.memref_squeeze %dma_wait3A_121 : memref<1x64x80xi32, #tpu.memory_space<hbm>> -> memref<64x80xi32, #tpu.memory_space<hbm>>
      %dma_wait3A_123 = arith.constant 64 : i32
      %dma_wait3A_124 = arith.constant 0 : i32
      %dma_wait3A_125 = tpu.memref_slice %arg3[%add3A, %dma_wait3A_123, %dma_wait3A_124] : memref<32x128x80xi32, #tpu.memory_space<hbm>> -> memref<1x64x80xi32, #tpu.memory_space<hbm>>
      %dma_wait3A_126 = tpu.memref_squeeze %dma_wait3A_125 : memref<1x64x80xi32, #tpu.memory_space<hbm>> -> memref<64x80xi32, #tpu.memory_space<hbm>>
      tpu.wait_dma2 semaphore(%run_scoped3A_110 : memref<!tpu.dma_semaphore, #tpu.memory_space<semaphore_mem>>) src(%dma_wait3A_126 : memref<64x80xi32, #tpu.memory_space<hbm>>) dst(%arg6 : memref<64x80xi32, #tpu.memory_space<vmem>>)
      tpu.yield
    }) : () -> ()
    "tpu.region"() ({
      %run_scoped3A_110 = tpu.sem_alloc : memref<!tpu.dma_semaphore, #tpu.memory_space<semaphore_mem>>
      %dma_start3A_111 = arith.constant 64 : i32
      %dma_start3A_112 = arith.constant 0 : i32
      %dma_start3A_113 = tpu.memref_slice %arg4[%add3A, %dma_start3A_111, %dma_start3A_112] : memref<32x128x80xi32, #tpu.memory_space<hbm>> -> memref<1x64x80xi32, #tpu.memory_space<hbm>>
      %dma_start3A_114 = tpu.memref_squeeze %dma_start3A_113 : memref<1x64x80xi32, #tpu.memory_space<hbm>> -> memref<64x80xi32, #tpu.memory_space<hbm>>
      %dma_start3A_115 = arith.constant 64 : i32
      %dma_start3A_116 = arith.constant 0 : i32
      %dma_start3A_117 = tpu.memref_slice %arg4[%add3A, %dma_start3A_115, %dma_start3A_116] : memref<32x128x80xi32, #tpu.memory_space<hbm>> -> memref<1x64x80xi32, #tpu.memory_space<hbm>>
      %dma_start3A_118 = tpu.memref_squeeze %dma_start3A_117 : memref<1x64x80xi32, #tpu.memory_space<hbm>> -> memref<64x80xi32, #tpu.memory_space<hbm>>
      tpu.enqueue_dma source(%dma_start3A_118 : memref<64x80xi32, #tpu.memory_space<hbm>>) target(%arg7 : memref<64x80xi32, #tpu.memory_space<vmem>>) target_semaphore(%run_scoped3A_110 : memref<!tpu.dma_semaphore, #tpu.memory_space<semaphore_mem>>)
      %dma_wait3A_119 = arith.constant 64 : i32
      %dma_wait3A_120 = arith.constant 0 : i32
      %dma_wait3A_121 = tpu.memref_slice %arg4[%add3A, %dma_wait3A_119, %dma_wait3A_120] : memref<32x128x80xi32, #tpu.memory_space<hbm>> -> memref<1x64x80xi32, #tpu.memory_space<hbm>>
      %dma_wait3A_122 = tpu.memref_squeeze %dma_wait3A_121 : memref<1x64x80xi32, #tpu.memory_space<hbm>> -> memref<64x80xi32, #tpu.memory_space<hbm>>
      %dma_wait3A_123 = arith.constant 64 : i32
      %dma_wait3A_124 = arith.constant 0 : i32
      %dma_wait3A_125 = tpu.memref_slice %arg4[%add3A, %dma_wait3A_123, %dma_wait3A_124] : memref<32x128x80xi32, #tpu.memory_space<hbm>> -> memref<1x64x80xi32, #tpu.memory_space<hbm>>
      %dma_wait3A_126 = tpu.memref_squeeze %dma_wait3A_125 : memref<1x64x80xi32, #tpu.memory_space<hbm>> -> memref<64x80xi32, #tpu.memory_space<hbm>>
      tpu.wait_dma2 semaphore(%run_scoped3A_110 : memref<!tpu.dma_semaphore, #tpu.memory_space<semaphore_mem>>) src(%dma_wait3A_126 : memref<64x80xi32, #tpu.memory_space<hbm>>) dst(%arg7 : memref<64x80xi32, #tpu.memory_space<vmem>>)
      tpu.yield
    }) : () -> ()
    %dma_start3A_70 = arith.constant 0 : i32
    %dma_start3A_71 = arith.constant 0 : i32
    %dma_start3A_72 = tpu.memref_slice %arg6[%dma_start3A_70, %dma_start3A_71] : memref<64x80xi32, #tpu.memory_space<vmem>> -> memref<1x80xi32, #tpu.memory_space<vmem>>
    %dma_start3A_73 = tpu.memref_squeeze %dma_start3A_72 : memref<1x80xi32, #tpu.memory_space<vmem>> -> memref<80xi32, #tpu.memory_space<vmem>>
    %dma_start3A_74 = arith.constant 0 : i32
    %dma_start3A_75 = arith.constant 0 : i32
    %dma_start3A_76 = tpu.memref_slice %arg2[%dma_start3A_74, %dma_start3A_75] : memref<10240x128xf32, #tpu.memory_space<hbm>> -> memref<10240x128xf32, #tpu.memory_space<hbm>>
    tpu.enqueue_indirect_dma source(%dma_start3A_76 : memref<10240x128xf32, #tpu.memory_space<hbm>>) target(%arg8 : memref<80x128xf32, #tpu.memory_space<vmem>>) offsets(%dma_start3A_73 : memref<80xi32, #tpu.memory_space<vmem>>) semaphore(%arg11 : memref<!tpu.dma_semaphore, #tpu.memory_space<semaphore_mem>>)
    %scan3A_77 = arith.constant 0 : i32
    %scan3A_78 = arith.constant 31 : i32
    %scan3A_79 = arith.addi %scan3A_77, %scan3A_78 : i32
    %scan3A_80 = arith.constant 1 : i32
    scf.for %scan3A_110 = %scan3A_77 to %scan3A_79 step %scan3A_80  : i32 {
      %mul3A_111 = arith.constant 2 : i32
      %mul3A_112 = arith.muli %mul3A_111, %scan3A_110 : i32
      %add3A_113 = arith.constant 1 : i32
      %add3A_114 = arith.addi %mul3A_112, %add3A_113 : i32
      %dma_start3A_115 = arith.constant 0 : i32
      %dma_start3A_116 = tpu.memref_slice %arg6[%add3A_114, %dma_start3A_115] : memref<64x80xi32, #tpu.memory_space<vmem>> -> memref<1x80xi32, #tpu.memory_space<vmem>>
      %dma_start3A_117 = tpu.memref_squeeze %dma_start3A_116 : memref<1x80xi32, #tpu.memory_space<vmem>> -> memref<80xi32, #tpu.memory_space<vmem>>
      %dma_start3A_118 = arith.constant 0 : i32
      %dma_start3A_119 = arith.constant 0 : i32
      %dma_start3A_120 = tpu.memref_slice %arg2[%dma_start3A_118, %dma_start3A_119] : memref<10240x128xf32, #tpu.memory_space<hbm>> -> memref<10240x128xf32, #tpu.memory_space<hbm>>
      tpu.enqueue_indirect_dma source(%dma_start3A_120 : memref<10240x128xf32, #tpu.memory_space<hbm>>) target(%arg9 : memref<80x128xf32, #tpu.memory_space<vmem>>) offsets(%dma_start3A_117 : memref<80xi32, #tpu.memory_space<vmem>>) semaphore(%arg12 : memref<!tpu.dma_semaphore, #tpu.memory_space<semaphore_mem>>)
      %dma_wait3A_121 = arith.constant 0 : i32
      %dma_wait3A_122 = tpu.memref_slice %arg6[%mul3A_112, %dma_wait3A_121] : memref<64x80xi32, #tpu.memory_space<vmem>> -> memref<1x80xi32, #tpu.memory_space<vmem>>
      %dma_wait3A_123 = tpu.memref_squeeze %dma_wait3A_122 : memref<1x80xi32, #tpu.memory_space<vmem>> -> memref<80xi32, #tpu.memory_space<vmem>>
      %dma_wait3A_124 = arith.constant 0 : i32
      %dma_wait3A_125 = arith.constant 0 : i32
      %dma_wait3A_126 = tpu.memref_slice %arg2[%dma_wait3A_124, %dma_wait3A_125] : memref<10240x128xf32, #tpu.memory_space<hbm>> -> memref<10240x128xf32, #tpu.memory_space<hbm>>
      tpu.wait_indirect_dma semaphore(%arg11 : memref<!tpu.dma_semaphore, #tpu.memory_space<semaphore_mem>>) src(%dma_wait3A_126 : memref<10240x128xf32, #tpu.memory_space<hbm>>) dst(%arg8 : memref<80x128xf32, #tpu.memory_space<vmem>>)
      "tpu.region"() ({
        %run_scoped3A_145 = tpu.sem_alloc : memref<!tpu.dma_semaphore, #tpu.memory_space<semaphore_mem>>
        %dma_start3A_146 = arith.constant 0 : i32
        %dma_start3A_147 = tpu.memref_slice %arg7[%mul3A_112, %dma_start3A_146] : memref<64x80xi32, #tpu.memory_space<vmem>> -> memref<1x80xi32, #tpu.memory_space<vmem>>
        %dma_start3A_148 = tpu.memref_squeeze %dma_start3A_147 : memref<1x80xi32, #tpu.memory_space<vmem>> -> memref<80xi32, #tpu.memory_space<vmem>>
        %dma_start3A_149 = arith.constant 0 : i32
        %dma_start3A_150 = arith.constant 0 : i32
        %dma_start3A_151 = tpu.memref_slice %arg10[%dma_start3A_149, %dma_start3A_150] : memref<10240x128xf32, #tpu.memory_space<vmem_shared>> -> memref<10240x128xf32, #tpu.memory_space<vmem_shared>>
        tpu.enqueue_indirect_dma source(%arg8 : memref<80x128xf32, #tpu.memory_space<vmem>>) target(%dma_start3A_151 : memref<10240x128xf32, #tpu.memory_space<vmem_shared>>) offsets(%dma_start3A_148 : memref<80xi32, #tpu.memory_space<vmem>>) semaphore(%run_scoped3A_145 : memref<!tpu.dma_semaphore, #tpu.memory_space<semaphore_mem>>) {add = true}
        %dma_wait3A_152 = arith.constant 0 : i32
        %dma_wait3A_153 = tpu.memref_slice %arg7[%mul3A_112, %dma_wait3A_152] : memref<64x80xi32, #tpu.memory_space<vmem>> -> memref<1x80xi32, #tpu.memory_space<vmem>>
        %dma_wait3A_154 = tpu.memref_squeeze %dma_wait3A_153 : memref<1x80xi32, #tpu.memory_space<vmem>> -> memref<80xi32, #tpu.memory_space<vmem>>
        %dma_wait3A_155 = arith.constant 0 : i32
        %dma_wait3A_156 = arith.constant 0 : i32
        %dma_wait3A_157 = tpu.memref_slice %arg10[%dma_wait3A_155, %dma_wait3A_156] : memref<10240x128xf32, #tpu.memory_space<vmem_shared>> -> memref<10240x128xf32, #tpu.memory_space<vmem_shared>>
        tpu.wait_indirect_dma semaphore(%run_scoped3A_145 : memref<!tpu.dma_semaphore, #tpu.memory_space<semaphore_mem>>) src(%arg8 : memref<80x128xf32, #tpu.memory_space<vmem>>) dst(%dma_wait3A_157 : memref<10240x128xf32, #tpu.memory_space<vmem_shared>>)
        tpu.yield
      }) : () -> ()
      %add3A_127 = arith.constant 2 : i32
      %add3A_128 = arith.addi %mul3A_112, %add3A_127 : i32
      %dma_start3A_129 = arith.constant 0 : i32
      %dma_start3A_130 = tpu.memref_slice %arg6[%add3A_128, %dma_start3A_129] : memref<64x80xi32, #tpu.memory_space<vmem>> -> memref<1x80xi32, #tpu.memory_space<vmem>>
      %dma_start3A_131 = tpu.memref_squeeze %dma_start3A_130 : memref<1x80xi32, #tpu.memory_space<vmem>> -> memref<80xi32, #tpu.memory_space<vmem>>
      %dma_start3A_132 = arith.constant 0 : i32
      %dma_start3A_133 = arith.constant 0 : i32
      %dma_start3A_134 = tpu.memref_slice %arg2[%dma_start3A_132, %dma_start3A_133] : memref<10240x128xf32, #tpu.memory_space<hbm>> -> memref<10240x128xf32, #tpu.memory_space<hbm>>
      tpu.enqueue_indirect_dma source(%dma_start3A_134 : memref<10240x128xf32, #tpu.memory_space<hbm>>) target(%arg8 : memref<80x128xf32, #tpu.memory_space<vmem>>) offsets(%dma_start3A_131 : memref<80xi32, #tpu.memory_space<vmem>>) semaphore(%arg11 : memref<!tpu.dma_semaphore, #tpu.memory_space<semaphore_mem>>)
      %add3A_135 = arith.constant 1 : i32
      %add3A_136 = arith.addi %mul3A_112, %add3A_135 : i32
      %dma_wait3A_137 = arith.constant 0 : i32
      %dma_wait3A_138 = tpu.memref_slice %arg6[%add3A_136, %dma_wait3A_137] : memref<64x80xi32, #tpu.memory_space<vmem>> -> memref<1x80xi32, #tpu.memory_space<vmem>>
      %dma_wait3A_139 = tpu.memref_squeeze %dma_wait3A_138 : memref<1x80xi32, #tpu.memory_space<vmem>> -> memref<80xi32, #tpu.memory_space<vmem>>
      %dma_wait3A_140 = arith.constant 0 : i32
      %dma_wait3A_141 = arith.constant 0 : i32
      %dma_wait3A_142 = tpu.memref_slice %arg2[%dma_wait3A_140, %dma_wait3A_141] : memref<10240x128xf32, #tpu.memory_space<hbm>> -> memref<10240x128xf32, #tpu.memory_space<hbm>>
      tpu.wait_indirect_dma semaphore(%arg12 : memref<!tpu.dma_semaphore, #tpu.memory_space<semaphore_mem>>) src(%dma_wait3A_142 : memref<10240x128xf32, #tpu.memory_space<hbm>>) dst(%arg9 : memref<80x128xf32, #tpu.memory_space<vmem>>)
      %add3A_143 = arith.constant 1 : i32
      %add3A_144 = arith.addi %mul3A_112, %add3A_143 : i32
      "tpu.region"() ({
        %run_scoped3A_145 = tpu.sem_alloc : memref<!tpu.dma_semaphore, #tpu.memory_space<semaphore_mem>>
        %dma_start3A_146 = arith.constant 0 : i32
        %dma_start3A_147 = tpu.memref_slice %arg7[%add3A_144, %dma_start3A_146] : memref<64x80xi32, #tpu.memory_space<vmem>> -> memref<1x80xi32, #tpu.memory_space<vmem>>
        %dma_start3A_148 = tpu.memref_squeeze %dma_start3A_147 : memref<1x80xi32, #tpu.memory_space<vmem>> -> memref<80xi32, #tpu.memory_space<vmem>>
        %dma_start3A_149 = arith.constant 0 : i32
        %dma_start3A_150 = arith.constant 0 : i32
        %dma_start3A_151 = tpu.memref_slice %arg10[%dma_start3A_149, %dma_start3A_150] : memref<10240x128xf32, #tpu.memory_space<vmem_shared>> -> memref<10240x128xf32, #tpu.memory_space<vmem_shared>>
        tpu.enqueue_indirect_dma source(%arg9 : memref<80x128xf32, #tpu.memory_space<vmem>>) target(%dma_start3A_151 : memref<10240x128xf32, #tpu.memory_space<vmem_shared>>) offsets(%dma_start3A_148 : memref<80xi32, #tpu.memory_space<vmem>>) semaphore(%run_scoped3A_145 : memref<!tpu.dma_semaphore, #tpu.memory_space<semaphore_mem>>) {add = true}
        %dma_wait3A_152 = arith.constant 0 : i32
        %dma_wait3A_153 = tpu.memref_slice %arg7[%add3A_144, %dma_wait3A_152] : memref<64x80xi32, #tpu.memory_space<vmem>> -> memref<1x80xi32, #tpu.memory_space<vmem>>
        %dma_wait3A_154 = tpu.memref_squeeze %dma_wait3A_153 : memref<1x80xi32, #tpu.memory_space<vmem>> -> memref<80xi32, #tpu.memory_space<vmem>>
        %dma_wait3A_155 = arith.constant 0 : i32
        %dma_wait3A_156 = arith.constant 0 : i32
        %dma_wait3A_157 = tpu.memref_slice %arg10[%dma_wait3A_155, %dma_wait3A_156] : memref<10240x128xf32, #tpu.memory_space<vmem_shared>> -> memref<10240x128xf32, #tpu.memory_space<vmem_shared>>
        tpu.wait_indirect_dma semaphore(%run_scoped3A_145 : memref<!tpu.dma_semaphore, #tpu.memory_space<semaphore_mem>>) src(%arg9 : memref<80x128xf32, #tpu.memory_space<vmem>>) dst(%dma_wait3A_157 : memref<10240x128xf32, #tpu.memory_space<vmem_shared>>)
        tpu.yield
      }) : () -> ()
    }
    %scan3A_81 = arith.constant 31 : i32
    %dma_start3A_82 = arith.constant 63 : i32
    %dma_start3A_83 = arith.constant 0 : i32
    %dma_start3A_84 = tpu.memref_slice %arg6[%dma_start3A_82, %dma_start3A_83] : memref<64x80xi32, #tpu.memory_space<vmem>> -> memref<1x80xi32, #tpu.memory_space<vmem>>
    %dma_start3A_85 = tpu.memref_squeeze %dma_start3A_84 : memref<1x80xi32, #tpu.memory_space<vmem>> -> memref<80xi32, #tpu.memory_space<vmem>>
    %dma_start3A_86 = arith.constant 0 : i32
    %dma_start3A_87 = arith.constant 0 : i32
    %dma_start3A_88 = tpu.memref_slice %arg2[%dma_start3A_86, %dma_start3A_87] : memref<10240x128xf32, #tpu.memory_space<hbm>> -> memref<10240x128xf32, #tpu.memory_space<hbm>>
    tpu.enqueue_indirect_dma source(%dma_start3A_88 : memref<10240x128xf32, #tpu.memory_space<hbm>>) target(%arg9 : memref<80x128xf32, #tpu.memory_space<vmem>>) offsets(%dma_start3A_85 : memref<80xi32, #tpu.memory_space<vmem>>) semaphore(%arg12 : memref<!tpu.dma_semaphore, #tpu.memory_space<semaphore_mem>>)
    %dma_wait3A_89 = arith.constant 62 : i32
    %dma_wait3A_90 = arith.constant 0 : i32
    %dma_wait3A_91 = tpu.memref_slice %arg6[%dma_wait3A_89, %dma_wait3A_90] : memref<64x80xi32, #tpu.memory_space<vmem>> -> memref<1x80xi32, #tpu.memory_space<vmem>>
    %dma_wait3A_92 = tpu.memref_squeeze %dma_wait3A_91 : memref<1x80xi32, #tpu.memory_space<vmem>> -> memref<80xi32, #tpu.memory_space<vmem>>
    %dma_wait3A_93 = arith.constant 0 : i32
    %dma_wait3A_94 = arith.constant 0 : i32
    %dma_wait3A_95 = tpu.memref_slice %arg2[%dma_wait3A_93, %dma_wait3A_94] : memref<10240x128xf32, #tpu.memory_space<hbm>> -> memref<10240x128xf32, #tpu.memory_space<hbm>>
    tpu.wait_indirect_dma semaphore(%arg11 : memref<!tpu.dma_semaphore, #tpu.memory_space<semaphore_mem>>) src(%dma_wait3A_95 : memref<10240x128xf32, #tpu.memory_space<hbm>>) dst(%arg8 : memref<80x128xf32, #tpu.memory_space<vmem>>)
    %run_scoped3A_96 = arith.constant 62 : i32
    "tpu.region"() ({
      %run_scoped3A_110 = tpu.sem_alloc : memref<!tpu.dma_semaphore, #tpu.memory_space<semaphore_mem>>
      %dma_start3A_111 = arith.constant 0 : i32
      %dma_start3A_112 = tpu.memref_slice %arg7[%run_scoped3A_96, %dma_start3A_111] : memref<64x80xi32, #tpu.memory_space<vmem>> -> memref<1x80xi32, #tpu.memory_space<vmem>>
      %dma_start3A_113 = tpu.memref_squeeze %dma_start3A_112 : memref<1x80xi32, #tpu.memory_space<vmem>> -> memref<80xi32, #tpu.memory_space<vmem>>
      %dma_start3A_114 = arith.constant 0 : i32
      %dma_start3A_115 = arith.constant 0 : i32
      %dma_start3A_116 = tpu.memref_slice %arg10[%dma_start3A_114, %dma_start3A_115] : memref<10240x128xf32, #tpu.memory_space<vmem_shared>> -> memref<10240x128xf32, #tpu.memory_space<vmem_shared>>
      tpu.enqueue_indirect_dma source(%arg8 : memref<80x128xf32, #tpu.memory_space<vmem>>) target(%dma_start3A_116 : memref<10240x128xf32, #tpu.memory_space<vmem_shared>>) offsets(%dma_start3A_113 : memref<80xi32, #tpu.memory_space<vmem>>) semaphore(%run_scoped3A_110 : memref<!tpu.dma_semaphore, #tpu.memory_space<semaphore_mem>>) {add = true}
      %dma_wait3A_117 = arith.constant 0 : i32
      %dma_wait3A_118 = tpu.memref_slice %arg7[%run_scoped3A_96, %dma_wait3A_117] : memref<64x80xi32, #tpu.memory_space<vmem>> -> memref<1x80xi32, #tpu.memory_space<vmem>>
      %dma_wait3A_119 = tpu.memref_squeeze %dma_wait3A_118 : memref<1x80xi32, #tpu.memory_space<vmem>> -> memref<80xi32, #tpu.memory_space<vmem>>
      %dma_wait3A_120 = arith.constant 0 : i32
      %dma_wait3A_121 = arith.constant 0 : i32
      %dma_wait3A_122 = tpu.memref_slice %arg10[%dma_wait3A_120, %dma_wait3A_121] : memref<10240x128xf32, #tpu.memory_space<vmem_shared>> -> memref<10240x128xf32, #tpu.memory_space<vmem_shared>>
      tpu.wait_indirect_dma semaphore(%run_scoped3A_110 : memref<!tpu.dma_semaphore, #tpu.memory_space<semaphore_mem>>) src(%arg8 : memref<80x128xf32, #tpu.memory_space<vmem>>) dst(%dma_wait3A_122 : memref<10240x128xf32, #tpu.memory_space<vmem_shared>>)
      tpu.yield
    }) : () -> ()
    %dma_wait3A_97 = arith.constant 63 : i32
    %dma_wait3A_98 = arith.constant 0 : i32
    %dma_wait3A_99 = tpu.memref_slice %arg6[%dma_wait3A_97, %dma_wait3A_98] : memref<64x80xi32, #tpu.memory_space<vmem>> -> memref<1x80xi32, #tpu.memory_space<vmem>>
    %dma_wait3A_100 = tpu.memref_squeeze %dma_wait3A_99 : memref<1x80xi32, #tpu.memory_space<vmem>> -> memref<80xi32, #tpu.memory_space<vmem>>
    %dma_wait3A_101 = arith.constant 0 : i32
    %dma_wait3A_102 = arith.constant 0 : i32
    %dma_wait3A_103 = tpu.memref_slice %arg2[%dma_wait3A_101, %dma_wait3A_102] : memref<10240x128xf32, #tpu.memory_space<hbm>> -> memref<10240x128xf32, #tpu.memory_space<hbm>>
    tpu.wait_indirect_dma semaphore(%arg12 : memref<!tpu.dma_semaphore, #tpu.memory_space<semaphore_mem>>) src(%dma_wait3A_103 : memref<10240x128xf32, #tpu.memory_space<hbm>>) dst(%arg9 : memref<80x128xf32, #tpu.memory_space<vmem>>)
    %run_scoped3A_104 = arith.constant 63 : i32
    "tpu.region"() ({
      %run_scoped3A_110 = tpu.sem_alloc : memref<!tpu.dma_semaphore, #tpu.memory_space<semaphore_mem>>
      %dma_start3A_111 = arith.constant 0 : i32
      %dma_start3A_112 = tpu.memref_slice %arg7[%run_scoped3A_104, %dma_start3A_111] : memref<64x80xi32, #tpu.memory_space<vmem>> -> memref<1x80xi32, #tpu.memory_space<vmem>>
      %dma_start3A_113 = tpu.memref_squeeze %dma_start3A_112 : memref<1x80xi32, #tpu.memory_space<vmem>> -> memref<80xi32, #tpu.memory_space<vmem>>
      %dma_start3A_114 = arith.constant 0 : i32
      %dma_start3A_115 = arith.constant 0 : i32
      %dma_start3A_116 = tpu.memref_slice %arg10[%dma_start3A_114, %dma_start3A_115] : memref<10240x128xf32, #tpu.memory_space<vmem_shared>> -> memref<10240x128xf32, #tpu.memory_space<vmem_shared>>
      tpu.enqueue_indirect_dma source(%arg9 : memref<80x128xf32, #tpu.memory_space<vmem>>) target(%dma_start3A_116 : memref<10240x128xf32, #tpu.memory_space<vmem_shared>>) offsets(%dma_start3A_113 : memref<80xi32, #tpu.memory_space<vmem>>) semaphore(%run_scoped3A_110 : memref<!tpu.dma_semaphore, #tpu.memory_space<semaphore_mem>>) {add = true}
      %dma_wait3A_117 = arith.constant 0 : i32
      %dma_wait3A_118 = tpu.memref_slice %arg7[%run_scoped3A_104, %dma_wait3A_117] : memref<64x80xi32, #tpu.memory_space<vmem>> -> memref<1x80xi32, #tpu.memory_space<vmem>>
      %dma_wait3A_119 = tpu.memref_squeeze %dma_wait3A_118 : memref<1x80xi32, #tpu.memory_space<vmem>> -> memref<80xi32, #tpu.memory_space<vmem>>
      %dma_wait3A_120 = arith.constant 0 : i32
      %dma_wait3A_121 = arith.constant 0 : i32
      %dma_wait3A_122 = tpu.memref_slice %arg10[%dma_wait3A_120, %dma_wait3A_121] : memref<10240x128xf32, #tpu.memory_space<vmem_shared>> -> memref<10240x128xf32, #tpu.memory_space<vmem_shared>>
      tpu.wait_indirect_dma semaphore(%run_scoped3A_110 : memref<!tpu.dma_semaphore, #tpu.memory_space<semaphore_mem>>) src(%arg9 : memref<80x128xf32, #tpu.memory_space<vmem>>) dst(%dma_wait3A_122 : memref<10240x128xf32, #tpu.memory_space<vmem_shared>>)
      tpu.yield
    }) : () -> ()
    %barrier3A_105 = arith.constant 0 : index
    tpu.barrier barrier_id(%barrier3A_105)
    %mul3A_106 = arith.constant 640 : i32
    %mul3A_107 = arith.muli %arg1, %mul3A_106 : i32
    %mul3A_108 = arith.constant 640 : i32
    %mul3A_109 = arith.muli %arg1, %mul3A_108 : i32
    "tpu.region"() ({
      %run_scoped3A_110 = tpu.sem_alloc : memref<!tpu.dma_semaphore, #tpu.memory_space<semaphore_mem>>
      %dma_start3A_111 = arith.constant 0 : i32
      %dma_start3A_112 = tpu.memref_slice %arg5[%arg0, %mul3A_109, %dma_start3A_111] : memref<2x10240x128xf32, #tpu.memory_space<hbm>> -> memref<1x640x128xf32, #tpu.memory_space<hbm>>
      %dma_start3A_113 = tpu.memref_squeeze %dma_start3A_112 : memref<1x640x128xf32, #tpu.memory_space<hbm>> -> memref<640x128xf32, #tpu.memory_space<hbm>>
      %dma_start3A_114 = arith.constant 0 : i32
      %dma_start3A_115 = tpu.memref_slice %arg10[%mul3A_107, %dma_start3A_114] : memref<10240x128xf32, #tpu.memory_space<vmem_shared>> -> memref<640x128xf32, #tpu.memory_space<vmem_shared>>
      tpu.enqueue_dma source(%dma_start3A_115 : memref<640x128xf32, #tpu.memory_space<vmem_shared>>) target(%dma_start3A_113 : memref<640x128xf32, #tpu.memory_space<hbm>>) target_semaphore(%run_scoped3A_110 : memref<!tpu.dma_semaphore, #tpu.memory_space<semaphore_mem>>)
      %dma_wait3A_116 = arith.constant 0 : i32
      %dma_wait3A_117 = tpu.memref_slice %arg5[%arg0, %mul3A_109, %dma_wait3A_116] : memref<2x10240x128xf32, #tpu.memory_space<hbm>> -> memref<1x640x128xf32, #tpu.memory_space<hbm>>
      %dma_wait3A_118 = tpu.memref_squeeze %dma_wait3A_117 : memref<1x640x128xf32, #tpu.memory_space<hbm>> -> memref<640x128xf32, #tpu.memory_space<hbm>>
      %dma_wait3A_119 = arith.constant 0 : i32
      %dma_wait3A_120 = tpu.memref_slice %arg10[%mul3A_107, %dma_wait3A_119] : memref<10240x128xf32, #tpu.memory_space<vmem_shared>> -> memref<640x128xf32, #tpu.memory_space<vmem_shared>>
      tpu.wait_dma2 semaphore(%run_scoped3A_110 : memref<!tpu.dma_semaphore, #tpu.memory_space<semaphore_mem>>) src(%dma_wait3A_120 : memref<640x128xf32, #tpu.memory_space<vmem_shared>>) dst(%dma_wait3A_118 : memref<640x128xf32, #tpu.memory_space<hbm>>)
      tpu.yield
    }) : () -> ()
    return
  }
}

#map = affine_map<(d0, d1) -> (0, 0, 0)>
#map1 = affine_map<(d0, d1) -> (0, 0)>
module attributes {stable_mosaic.version = 14 : i64} {
  func.func @_cnt_body(%arg0: i32, %arg1: i32, %arg2: memref<32x125x80xi32, #tpu.memory_space<hbm>>, %arg3: memref<640x128xf32, #tpu.memory_space<hbm>>, %arg4: memref<80x128xf32, #tpu.memory_space<hbm>>, %arg5: memref<2x10240x128xf32, #tpu.memory_space<hbm>>, %arg6: memref<125x80xi32, #tpu.memory_space<vmem>>, %arg7: memref<80x128xf32, #tpu.memory_space<vmem>>, %arg8: memref<10240x128xf32, #tpu.memory_space<vmem_shared>>, %arg9: memref<!tpu.dma_semaphore, #tpu.memory_space<semaphore_mem>>) attributes {dimension_semantics = [#tpu.dimension_semantics<core_parallel>, #tpu.dimension_semantics<subcore_parallel>], iteration_bounds = array<i64: 2, 16>, scalar_prefetch = 0 : i64, scratch_operands = 4 : i64, tpu.core_type = #tpu.core_type<sc_vector_subcore>, window_params = [{transform_indices = #map}, {transform_indices = #map1}, {transform_indices = #map1}, {transform_indices = #map}]} {
    %mul3A = arith.constant 16 : i32
    %mul3A_0 = arith.muli %arg0, %mul3A : i32
    %add3A = arith.addi %mul3A_0, %arg1 : i32
    "tpu.region"() ({
      %run_scoped3A = tpu.sem_alloc : memref<!tpu.dma_semaphore, #tpu.memory_space<semaphore_mem>>
      %dma_start3A = arith.constant 0 : i32
      %dma_start3A_22 = arith.constant 0 : i32
      %dma_start3A_23 = tpu.memref_slice %arg2[%add3A, %dma_start3A, %dma_start3A_22] : memref<32x125x80xi32, #tpu.memory_space<hbm>> -> memref<1x125x80xi32, #tpu.memory_space<hbm>>
      %dma_start3A_24 = tpu.memref_squeeze %dma_start3A_23 : memref<1x125x80xi32, #tpu.memory_space<hbm>> -> memref<125x80xi32, #tpu.memory_space<hbm>>
      %dma_start3A_25 = arith.constant 0 : i32
      %dma_start3A_26 = arith.constant 0 : i32
      %dma_start3A_27 = tpu.memref_slice %arg2[%add3A, %dma_start3A_25, %dma_start3A_26] : memref<32x125x80xi32, #tpu.memory_space<hbm>> -> memref<1x125x80xi32, #tpu.memory_space<hbm>>
      %dma_start3A_28 = tpu.memref_squeeze %dma_start3A_27 : memref<1x125x80xi32, #tpu.memory_space<hbm>> -> memref<125x80xi32, #tpu.memory_space<hbm>>
      tpu.enqueue_dma source(%dma_start3A_28 : memref<125x80xi32, #tpu.memory_space<hbm>>) target(%arg6 : memref<125x80xi32, #tpu.memory_space<vmem>>) target_semaphore(%run_scoped3A : memref<!tpu.dma_semaphore, #tpu.memory_space<semaphore_mem>>)
      %dma_wait3A = arith.constant 0 : i32
      %dma_wait3A_29 = arith.constant 0 : i32
      %dma_wait3A_30 = tpu.memref_slice %arg2[%add3A, %dma_wait3A, %dma_wait3A_29] : memref<32x125x80xi32, #tpu.memory_space<hbm>> -> memref<1x125x80xi32, #tpu.memory_space<hbm>>
      %dma_wait3A_31 = tpu.memref_squeeze %dma_wait3A_30 : memref<1x125x80xi32, #tpu.memory_space<hbm>> -> memref<125x80xi32, #tpu.memory_space<hbm>>
      %dma_wait3A_32 = arith.constant 0 : i32
      %dma_wait3A_33 = arith.constant 0 : i32
      %dma_wait3A_34 = tpu.memref_slice %arg2[%add3A, %dma_wait3A_32, %dma_wait3A_33] : memref<32x125x80xi32, #tpu.memory_space<hbm>> -> memref<1x125x80xi32, #tpu.memory_space<hbm>>
      %dma_wait3A_35 = tpu.memref_squeeze %dma_wait3A_34 : memref<1x125x80xi32, #tpu.memory_space<hbm>> -> memref<125x80xi32, #tpu.memory_space<hbm>>
      tpu.wait_dma2 semaphore(%run_scoped3A : memref<!tpu.dma_semaphore, #tpu.memory_space<semaphore_mem>>) src(%dma_wait3A_35 : memref<125x80xi32, #tpu.memory_space<hbm>>) dst(%arg6 : memref<125x80xi32, #tpu.memory_space<vmem>>)
      tpu.yield
    }) : () -> ()
    %mul3A_1 = arith.constant 640 : i32
    %mul3A_2 = arith.muli %arg1, %mul3A_1 : i32
    "tpu.region"() ({
      %run_scoped3A = tpu.sem_alloc : memref<!tpu.dma_semaphore, #tpu.memory_space<semaphore_mem>>
      %dma_start3A = arith.constant 0 : i32
      %dma_start3A_22 = tpu.memref_slice %arg8[%mul3A_2, %dma_start3A] : memref<10240x128xf32, #tpu.memory_space<vmem_shared>> -> memref<640x128xf32, #tpu.memory_space<vmem_shared>>
      tpu.enqueue_dma source(%arg3 : memref<640x128xf32, #tpu.memory_space<hbm>>) target(%dma_start3A_22 : memref<640x128xf32, #tpu.memory_space<vmem_shared>>) target_semaphore(%run_scoped3A : memref<!tpu.dma_semaphore, #tpu.memory_space<semaphore_mem>>)
      %dma_wait3A = arith.constant 0 : i32
      %dma_wait3A_23 = tpu.memref_slice %arg8[%mul3A_2, %dma_wait3A] : memref<10240x128xf32, #tpu.memory_space<vmem_shared>> -> memref<640x128xf32, #tpu.memory_space<vmem_shared>>
      tpu.wait_dma2 semaphore(%run_scoped3A : memref<!tpu.dma_semaphore, #tpu.memory_space<semaphore_mem>>) src(%arg3 : memref<640x128xf32, #tpu.memory_space<hbm>>) dst(%dma_wait3A_23 : memref<640x128xf32, #tpu.memory_space<vmem_shared>>)
      tpu.yield
    }) : () -> ()
    "tpu.region"() ({
      %run_scoped3A = tpu.sem_alloc : memref<!tpu.dma_semaphore, #tpu.memory_space<semaphore_mem>>
      tpu.enqueue_dma source(%arg4 : memref<80x128xf32, #tpu.memory_space<hbm>>) target(%arg7 : memref<80x128xf32, #tpu.memory_space<vmem>>) target_semaphore(%run_scoped3A : memref<!tpu.dma_semaphore, #tpu.memory_space<semaphore_mem>>)
      tpu.wait_dma2 semaphore(%run_scoped3A : memref<!tpu.dma_semaphore, #tpu.memory_space<semaphore_mem>>) src(%arg4 : memref<80x128xf32, #tpu.memory_space<hbm>>) dst(%arg7 : memref<80x128xf32, #tpu.memory_space<vmem>>)
      tpu.yield
    }) : () -> ()
    %barrier3A = arith.constant 0 : index
    tpu.barrier barrier_id(%barrier3A)
    %scan3A = arith.constant 0 : i32
    %scan3A_3 = arith.constant 8 : i32
    %scan3A_4 = arith.addi %scan3A, %scan3A_3 : i32
    %scan3A_5 = arith.constant 1 : i32
    scf.for %scan3A_22 = %scan3A to %scan3A_4 step %scan3A_5  : i32 {
      %dma_start3A = arith.constant 0 : i32
      %dma_start3A_23 = tpu.memref_slice %arg6[%scan3A_22, %dma_start3A] : memref<125x80xi32, #tpu.memory_space<vmem>> -> memref<1x80xi32, #tpu.memory_space<vmem>>
      %dma_start3A_24 = tpu.memref_squeeze %dma_start3A_23 : memref<1x80xi32, #tpu.memory_space<vmem>> -> memref<80xi32, #tpu.memory_space<vmem>>
      %dma_start3A_25 = arith.constant 0 : i32
      %dma_start3A_26 = arith.constant 0 : i32
      %dma_start3A_27 = tpu.memref_slice %arg8[%dma_start3A_25, %dma_start3A_26] : memref<10240x128xf32, #tpu.memory_space<vmem_shared>> -> memref<10240x128xf32, #tpu.memory_space<vmem_shared>>
      tpu.enqueue_indirect_dma source(%arg7 : memref<80x128xf32, #tpu.memory_space<vmem>>) target(%dma_start3A_27 : memref<10240x128xf32, #tpu.memory_space<vmem_shared>>) offsets(%dma_start3A_24 : memref<80xi32, #tpu.memory_space<vmem>>) semaphore(%arg9 : memref<!tpu.dma_semaphore, #tpu.memory_space<semaphore_mem>>) {add = true}
    }
    %scan3A_6 = arith.constant 8 : i32
    %scan3A_7 = arith.constant 0 : i32
    %scan3A_8 = arith.constant 117 : i32
    %scan3A_9 = arith.addi %scan3A_7, %scan3A_8 : i32
    %scan3A_10 = arith.constant 1 : i32
    scf.for %scan3A_22 = %scan3A_7 to %scan3A_9 step %scan3A_10  : i32 {
      %add3A_23 = arith.constant 8 : i32
      %add3A_24 = arith.addi %scan3A_22, %add3A_23 : i32
      %dma_start3A = arith.constant 0 : i32
      %dma_start3A_25 = tpu.memref_slice %arg6[%add3A_24, %dma_start3A] : memref<125x80xi32, #tpu.memory_space<vmem>> -> memref<1x80xi32, #tpu.memory_space<vmem>>
      %dma_start3A_26 = tpu.memref_squeeze %dma_start3A_25 : memref<1x80xi32, #tpu.memory_space<vmem>> -> memref<80xi32, #tpu.memory_space<vmem>>
      %dma_start3A_27 = arith.constant 0 : i32
      %dma_start3A_28 = arith.constant 0 : i32
      %dma_start3A_29 = tpu.memref_slice %arg8[%dma_start3A_27, %dma_start3A_28] : memref<10240x128xf32, #tpu.memory_space<vmem_shared>> -> memref<10240x128xf32, #tpu.memory_space<vmem_shared>>
      tpu.enqueue_indirect_dma source(%arg7 : memref<80x128xf32, #tpu.memory_space<vmem>>) target(%dma_start3A_29 : memref<10240x128xf32, #tpu.memory_space<vmem_shared>>) offsets(%dma_start3A_26 : memref<80xi32, #tpu.memory_space<vmem>>) semaphore(%arg9 : memref<!tpu.dma_semaphore, #tpu.memory_space<semaphore_mem>>) {add = true}
      %dma_wait3A = arith.constant 0 : i32
      %dma_wait3A_30 = tpu.memref_slice %arg6[%scan3A_22, %dma_wait3A] : memref<125x80xi32, #tpu.memory_space<vmem>> -> memref<1x80xi32, #tpu.memory_space<vmem>>
      %dma_wait3A_31 = tpu.memref_squeeze %dma_wait3A_30 : memref<1x80xi32, #tpu.memory_space<vmem>> -> memref<80xi32, #tpu.memory_space<vmem>>
      %dma_wait3A_32 = arith.constant 0 : i32
      %dma_wait3A_33 = arith.constant 0 : i32
      %dma_wait3A_34 = tpu.memref_slice %arg8[%dma_wait3A_32, %dma_wait3A_33] : memref<10240x128xf32, #tpu.memory_space<vmem_shared>> -> memref<10240x128xf32, #tpu.memory_space<vmem_shared>>
      tpu.wait_indirect_dma semaphore(%arg9 : memref<!tpu.dma_semaphore, #tpu.memory_space<semaphore_mem>>) src(%arg7 : memref<80x128xf32, #tpu.memory_space<vmem>>) dst(%dma_wait3A_34 : memref<10240x128xf32, #tpu.memory_space<vmem_shared>>)
    }
    %scan3A_11 = arith.constant 117 : i32
    %scan3A_12 = arith.constant 117 : i32
    %scan3A_13 = arith.constant 8 : i32
    %scan3A_14 = arith.addi %scan3A_12, %scan3A_13 : i32
    %scan3A_15 = arith.constant 1 : i32
    scf.for %scan3A_22 = %scan3A_12 to %scan3A_14 step %scan3A_15  : i32 {
      %dma_wait3A = arith.constant 0 : i32
      %dma_wait3A_23 = tpu.memref_slice %arg6[%scan3A_22, %dma_wait3A] : memref<125x80xi32, #tpu.memory_space<vmem>> -> memref<1x80xi32, #tpu.memory_space<vmem>>
      %dma_wait3A_24 = tpu.memref_squeeze %dma_wait3A_23 : memref<1x80xi32, #tpu.memory_space<vmem>> -> memref<80xi32, #tpu.memory_space<vmem>>
      %dma_wait3A_25 = arith.constant 0 : i32
      %dma_wait3A_26 = arith.constant 0 : i32
      %dma_wait3A_27 = tpu.memref_slice %arg8[%dma_wait3A_25, %dma_wait3A_26] : memref<10240x128xf32, #tpu.memory_space<vmem_shared>> -> memref<10240x128xf32, #tpu.memory_space<vmem_shared>>
      tpu.wait_indirect_dma semaphore(%arg9 : memref<!tpu.dma_semaphore, #tpu.memory_space<semaphore_mem>>) src(%arg7 : memref<80x128xf32, #tpu.memory_space<vmem>>) dst(%dma_wait3A_27 : memref<10240x128xf32, #tpu.memory_space<vmem_shared>>)
    }
    %scan3A_16 = arith.constant 8 : i32
    %barrier3A_17 = arith.constant 0 : index
    tpu.barrier barrier_id(%barrier3A_17)
    %mul3A_18 = arith.constant 640 : i32
    %mul3A_19 = arith.muli %arg1, %mul3A_18 : i32
    %mul3A_20 = arith.constant 640 : i32
    %mul3A_21 = arith.muli %arg1, %mul3A_20 : i32
    "tpu.region"() ({
      %run_scoped3A = tpu.sem_alloc : memref<!tpu.dma_semaphore, #tpu.memory_space<semaphore_mem>>
      %dma_start3A = arith.constant 0 : i32
      %dma_start3A_22 = tpu.memref_slice %arg5[%arg0, %mul3A_21, %dma_start3A] : memref<2x10240x128xf32, #tpu.memory_space<hbm>> -> memref<1x640x128xf32, #tpu.memory_space<hbm>>
      %dma_start3A_23 = tpu.memref_squeeze %dma_start3A_22 : memref<1x640x128xf32, #tpu.memory_space<hbm>> -> memref<640x128xf32, #tpu.memory_space<hbm>>
      %dma_start3A_24 = arith.constant 0 : i32
      %dma_start3A_25 = tpu.memref_slice %arg8[%mul3A_19, %dma_start3A_24] : memref<10240x128xf32, #tpu.memory_space<vmem_shared>> -> memref<640x128xf32, #tpu.memory_space<vmem_shared>>
      tpu.enqueue_dma source(%dma_start3A_25 : memref<640x128xf32, #tpu.memory_space<vmem_shared>>) target(%dma_start3A_23 : memref<640x128xf32, #tpu.memory_space<hbm>>) target_semaphore(%run_scoped3A : memref<!tpu.dma_semaphore, #tpu.memory_space<semaphore_mem>>)
      %dma_wait3A = arith.constant 0 : i32
      %dma_wait3A_26 = tpu.memref_slice %arg5[%arg0, %mul3A_21, %dma_wait3A] : memref<2x10240x128xf32, #tpu.memory_space<hbm>> -> memref<1x640x128xf32, #tpu.memory_space<hbm>>
      %dma_wait3A_27 = tpu.memref_squeeze %dma_wait3A_26 : memref<1x640x128xf32, #tpu.memory_space<hbm>> -> memref<640x128xf32, #tpu.memory_space<hbm>>
      %dma_wait3A_28 = arith.constant 0 : i32
      %dma_wait3A_29 = tpu.memref_slice %arg8[%mul3A_19, %dma_wait3A_28] : memref<10240x128xf32, #tpu.memory_space<vmem_shared>> -> memref<640x128xf32, #tpu.memory_space<vmem_shared>>
      tpu.wait_dma2 semaphore(%run_scoped3A : memref<!tpu.dma_semaphore, #tpu.memory_space<semaphore_mem>>) src(%dma_wait3A_29 : memref<640x128xf32, #tpu.memory_space<vmem_shared>>) dst(%dma_wait3A_27 : memref<640x128xf32, #tpu.memory_space<hbm>>)
      tpu.yield
    }) : () -> ()
    return
  }
}

module attributes {stable_mosaic.version = 14 : i64} {
  func.func @_dense0_body(%arg0: i32, %arg1: memref<2x1024x128xf32, #tpu.memory_space<vmem>>, %arg2: memref<2x1024x128xf32, #tpu.memory_space<vmem>>, %arg3: memref<1024x128xf32, #tpu.memory_space<vmem>>, %arg4: memref<128x128xf32, #tpu.memory_space<vmem>>, %arg5: memref<1x128xf32, #tpu.memory_space<vmem>>, %arg6: memref<128x128xf32, #tpu.memory_space<vmem>>, %arg7: memref<1024x128xf32, #tpu.memory_space<vmem>>, %arg8: memref<1024x1xf32, #tpu.memory_space<vmem>>) attributes {dimension_semantics = [#tpu.dimension_semantics<arbitrary>], iteration_bounds = array<i64: 10>, scalar_prefetch = 0 : i64, scratch_operands = 0 : i64, tpu.core_type = #tpu.core_type<tc>, window_params = [{transform_indices = @transform_0, window_bounds = array<i64: 2, 1024, 128>}, {transform_indices = @transform_1, window_bounds = array<i64: 2, 1024, 128>}, {transform_indices = @transform_2, window_bounds = array<i64: 1024, 128>}, {pipeline_mode = #tpu.pipeline_mode<synchronous>, transform_indices = @transform_3, window_bounds = array<i64: 128, 128>}, {pipeline_mode = #tpu.pipeline_mode<synchronous>, transform_indices = @transform_4, window_bounds = array<i64: 1, 128>}, {pipeline_mode = #tpu.pipeline_mode<synchronous>, transform_indices = @transform_5, window_bounds = array<i64: 128, 128>}, {transform_indices = @transform_6, window_bounds = array<i64: 1024, 128>}, {transform_indices = @transform_7, window_bounds = array<i64: 1024, 1>}]} {
    %get3A = arith.constant 0 : index
    %get3A_0 = arith.constant 0 : index
    %get3A_1 = arith.constant 0 : index
    %get3A_2 = vector.load %arg2[%get3A, %get3A_0, %get3A_1] : memref<2x1024x128xf32, #tpu.memory_space<vmem>>, vector<1x1024x128xf32>
    %get3A_3 = vector.shape_cast %get3A_2 : vector<1x1024x128xf32> to vector<1024x128xf32>
    %slice3A = vector.extract_strided_slice %get3A_3 {offsets = [0, 0], sizes = [1024, 1], strides = [1, 1]} : vector<1024x128xf32> to vector<1024x1xf32>
    %get3A_4 = arith.constant 1 : index
    %get3A_5 = arith.constant 0 : index
    %get3A_6 = arith.constant 0 : index
    %get3A_7 = vector.load %arg2[%get3A_4, %get3A_5, %get3A_6] : memref<2x1024x128xf32, #tpu.memory_space<vmem>>, vector<1x1024x128xf32>
    %get3A_8 = vector.shape_cast %get3A_7 : vector<1x1024x128xf32> to vector<1024x128xf32>
    %slice3A_9 = vector.extract_strided_slice %get3A_8 {offsets = [0, 0], sizes = [1024, 1], strides = [1, 1]} : vector<1024x128xf32> to vector<1024x1xf32>
    %add3A = arith.addf %slice3A, %slice3A_9 : vector<1024x1xf32>
    %max3A = arith.constant 1.000000e+00 : f32
    %max3A_10 = vector.broadcast %max3A : f32 to vector<1024x1xf32>
    %max3A_11 = arith.maximumf %add3A, %max3A_10 : vector<1024x1xf32>
    %div3A = arith.constant 1.000000e+00 : f32
    %div3A_12 = vector.broadcast %div3A : f32 to vector<1024x1xf32>
    %div3A_13 = arith.divf %div3A_12, %max3A_11 : vector<1024x1xf32>
    %swap3A = arith.constant 0 : index
    %swap3A_14 = arith.constant 0 : index
    %swap3A_15 = vector.load %arg8[%swap3A, %swap3A_14] : memref<1024x1xf32, #tpu.memory_space<vmem>>, vector<1024x1xf32>
    tpu.vector_store %arg8[%swap3A, %swap3A_14], %div3A_13 {strides = array<i32>} : memref<1024x1xf32, #tpu.memory_space<vmem>>, vector<1024x1xf32>,
    %get3A_16 = arith.constant 0 : index
    %get3A_17 = arith.constant 0 : index
    %get3A_18 = arith.constant 0 : index
    %get3A_19 = vector.load %arg1[%get3A_16, %get3A_17, %get3A_18] : memref<2x1024x128xf32, #tpu.memory_space<vmem>>, vector<1x1024x128xf32>
    %get3A_20 = vector.shape_cast %get3A_19 : vector<1x1024x128xf32> to vector<1024x128xf32>
    %get3A_21 = arith.constant 1 : index
    %get3A_22 = arith.constant 0 : index
    %get3A_23 = arith.constant 0 : index
    %get3A_24 = vector.load %arg1[%get3A_21, %get3A_22, %get3A_23] : memref<2x1024x128xf32, #tpu.memory_space<vmem>>, vector<1x1024x128xf32>
    %get3A_25 = vector.shape_cast %get3A_24 : vector<1x1024x128xf32> to vector<1024x128xf32>
    %add3A_26 = arith.addf %get3A_20, %get3A_25 : vector<1024x128xf32>
    %mul3A = vector.broadcast %div3A_13 : vector<1024x1xf32> to vector<1024x128xf32>
    %mul3A_27 = arith.mulf %add3A_26, %mul3A : vector<1024x128xf32>
    %get3A_28 = arith.constant 0 : index
    %get3A_29 = arith.constant 0 : index
    %get3A_30 = vector.load %arg4[%get3A_28, %get3A_29] : memref<128x128xf32, #tpu.memory_space<vmem>>, vector<128x128xf32>
    %dot_general3A = arith.constant dense<0.000000e+00> : vector<1024x128xf32>
    %dot_general3A_31 = tpu.matmul %mul3A_27, %get3A_30, %dot_general3A {dimension_numbers = #tpu.dot_dimension_numbers<[1], [1], [0], [0], [0, 0, 1, 0], [], []>, precision = #tpu.contract_precision<fp32>, transpose_lhs_hint = false} : vector<1024x128xf32>, vector<128x128xf32>, vector<1024x128xf32> -> vector<1024x128xf32>
    %get3A_32 = arith.constant 0 : index
    %get3A_33 = arith.constant 0 : index
    %get3A_34 = vector.load %arg3[%get3A_32, %get3A_33] : memref<1024x128xf32, #tpu.memory_space<vmem>>, vector<1024x128xf32>
    %get3A_35 = arith.constant 0 : index
    %get3A_36 = arith.constant 0 : index
    %get3A_37 = vector.load %arg6[%get3A_35, %get3A_36] : memref<128x128xf32, #tpu.memory_space<vmem>>, vector<128x128xf32>
    %dot_general3A_38 = arith.constant dense<0.000000e+00> : vector<1024x128xf32>
    %dot_general3A_39 = tpu.matmul %get3A_34, %get3A_37, %dot_general3A_38 {dimension_numbers = #tpu.dot_dimension_numbers<[1], [1], [0], [0], [0, 0, 1, 0], [], []>, precision = #tpu.contract_precision<fp32>, transpose_lhs_hint = false} : vector<1024x128xf32>, vector<128x128xf32>, vector<1024x128xf32> -> vector<1024x128xf32>
    %add3A_40 = arith.addf %dot_general3A_31, %dot_general3A_39 : vector<1024x128xf32>
    %get3A_41 = arith.constant 0 : index
    %get3A_42 = arith.constant 0 : index
    %get3A_43 = vector.load %arg5[%get3A_41, %get3A_42] : memref<1x128xf32, #tpu.memory_space<vmem>>, vector<1x128xf32>
    %add3A_44 = vector.broadcast %get3A_43 : vector<1x128xf32> to vector<1024x128xf32>
    %add3A_45 = arith.addf %add3A_40, %add3A_44 : vector<1024x128xf32>
    %max3A_46 = arith.constant 0.000000e+00 : f32
    %max3A_47 = vector.broadcast %max3A_46 : f32 to vector<1024x128xf32>
    %max3A_48 = arith.maximumf %add3A_45, %max3A_47 : vector<1024x128xf32>
    %swap3A_49 = arith.constant 0 : index
    %swap3A_50 = arith.constant 0 : index
    %swap3A_51 = vector.load %arg7[%swap3A_49, %swap3A_50] : memref<1024x128xf32, #tpu.memory_space<vmem>>, vector<1024x128xf32>
    tpu.vector_store %arg7[%swap3A_49, %swap3A_50], %max3A_48 {strides = array<i32>} : memref<1024x128xf32, #tpu.memory_space<vmem>>, vector<1024x128xf32>,
    return
  }
  func.func @transform_0(%arg0: i32) -> (i32, i32, i32) {
    %c0_i32 = arith.constant 0 : i32
    %c0_i32_0 = arith.constant 0 : i32
    %c0_i32_1 = arith.constant 0 : i32
    return %c0_i32, %arg0, %c0_i32_0 : i32, i32, i32
  }
  func.func @transform_1(%arg0: i32) -> (i32, i32, i32) {
    %c0_i32 = arith.constant 0 : i32
    %c0_i32_0 = arith.constant 0 : i32
    %c0_i32_1 = arith.constant 0 : i32
    return %c0_i32, %arg0, %c0_i32_0 : i32, i32, i32
  }
  func.func @transform_2(%arg0: i32) -> (i32, i32) {
    %c0_i32 = arith.constant 0 : i32
    %c0_i32_0 = arith.constant 0 : i32
    return %arg0, %c0_i32 : i32, i32
  }
  func.func @transform_3(%arg0: i32) -> (i32, i32) {
    %c0_i32 = arith.constant 0 : i32
    %c0_i32_0 = arith.constant 0 : i32
    %c0_i32_1 = arith.constant 0 : i32
    return %c0_i32, %c0_i32_0 : i32, i32
  }
  func.func @transform_4(%arg0: i32) -> (i32, i32) {
    %c0_i32 = arith.constant 0 : i32
    %c0_i32_0 = arith.constant 0 : i32
    %c0_i32_1 = arith.constant 0 : i32
    return %c0_i32, %c0_i32_0 : i32, i32
  }
  func.func @transform_5(%arg0: i32) -> (i32, i32) {
    %c0_i32 = arith.constant 0 : i32
    %c0_i32_0 = arith.constant 0 : i32
    %c0_i32_1 = arith.constant 0 : i32
    return %c0_i32, %c0_i32_0 : i32, i32
  }
  func.func @transform_6(%arg0: i32) -> (i32, i32) {
    %c0_i32 = arith.constant 0 : i32
    %c0_i32_0 = arith.constant 0 : i32
    return %arg0, %c0_i32 : i32, i32
  }
  func.func @transform_7(%arg0: i32) -> (i32, i32) {
    %c0_i32 = arith.constant 0 : i32
    %c0_i32_0 = arith.constant 0 : i32
    return %arg0, %c0_i32 : i32, i32
  }
}

module attributes {stable_mosaic.version = 14 : i64} {
  func.func @_dense_body(%arg0: i32, %arg1: memref<2x1024x128xf32, #tpu.memory_space<vmem>>, %arg2: memref<1024x1xf32, #tpu.memory_space<vmem>>, %arg3: memref<1024x128xf32, #tpu.memory_space<vmem>>, %arg4: memref<128x128xf32, #tpu.memory_space<vmem>>, %arg5: memref<1x128xf32, #tpu.memory_space<vmem>>, %arg6: memref<128x128xf32, #tpu.memory_space<vmem>>, %arg7: memref<1024x128xf32, #tpu.memory_space<vmem>>) attributes {dimension_semantics = [#tpu.dimension_semantics<arbitrary>], iteration_bounds = array<i64: 10>, scalar_prefetch = 0 : i64, scratch_operands = 0 : i64, tpu.core_type = #tpu.core_type<tc>, window_params = [{transform_indices = @transform_0, window_bounds = array<i64: 2, 1024, 128>}, {transform_indices = @transform_1, window_bounds = array<i64: 1024, 1>}, {transform_indices = @transform_2, window_bounds = array<i64: 1024, 128>}, {pipeline_mode = #tpu.pipeline_mode<synchronous>, transform_indices = @transform_3, window_bounds = array<i64: 128, 128>}, {pipeline_mode = #tpu.pipeline_mode<synchronous>, transform_indices = @transform_4, window_bounds = array<i64: 1, 128>}, {pipeline_mode = #tpu.pipeline_mode<synchronous>, transform_indices = @transform_5, window_bounds = array<i64: 128, 128>}, {transform_indices = @transform_6, window_bounds = array<i64: 1024, 128>}]} {
    %get3A = arith.constant 0 : index
    %get3A_0 = arith.constant 0 : index
    %get3A_1 = arith.constant 0 : index
    %get3A_2 = vector.load %arg1[%get3A, %get3A_0, %get3A_1] : memref<2x1024x128xf32, #tpu.memory_space<vmem>>, vector<1x1024x128xf32>
    %get3A_3 = vector.shape_cast %get3A_2 : vector<1x1024x128xf32> to vector<1024x128xf32>
    %get3A_4 = arith.constant 1 : index
    %get3A_5 = arith.constant 0 : index
    %get3A_6 = arith.constant 0 : index
    %get3A_7 = vector.load %arg1[%get3A_4, %get3A_5, %get3A_6] : memref<2x1024x128xf32, #tpu.memory_space<vmem>>, vector<1x1024x128xf32>
    %get3A_8 = vector.shape_cast %get3A_7 : vector<1x1024x128xf32> to vector<1024x128xf32>
    %add3A = arith.addf %get3A_3, %get3A_8 : vector<1024x128xf32>
    %get3A_9 = arith.constant 0 : index
    %get3A_10 = arith.constant 0 : index
    %get3A_11 = vector.load %arg2[%get3A_9, %get3A_10] : memref<1024x1xf32, #tpu.memory_space<vmem>>, vector<1024x1xf32>
    %mul3A = vector.broadcast %get3A_11 : vector<1024x1xf32> to vector<1024x128xf32>
    %mul3A_12 = arith.mulf %add3A, %mul3A : vector<1024x128xf32>
    %get3A_13 = arith.constant 0 : index
    %get3A_14 = arith.constant 0 : index
    %get3A_15 = vector.load %arg4[%get3A_13, %get3A_14] : memref<128x128xf32, #tpu.memory_space<vmem>>, vector<128x128xf32>
    %dot_general3A = arith.constant dense<0.000000e+00> : vector<1024x128xf32>
    %dot_general3A_16 = tpu.matmul %mul3A_12, %get3A_15, %dot_general3A {dimension_numbers = #tpu.dot_dimension_numbers<[1], [1], [0], [0], [0, 0, 1, 0], [], []>, precision = #tpu.contract_precision<fp32>, transpose_lhs_hint = false} : vector<1024x128xf32>, vector<128x128xf32>, vector<1024x128xf32> -> vector<1024x128xf32>
    %get3A_17 = arith.constant 0 : index
    %get3A_18 = arith.constant 0 : index
    %get3A_19 = vector.load %arg3[%get3A_17, %get3A_18] : memref<1024x128xf32, #tpu.memory_space<vmem>>, vector<1024x128xf32>
    %get3A_20 = arith.constant 0 : index
    %get3A_21 = arith.constant 0 : index
    %get3A_22 = vector.load %arg6[%get3A_20, %get3A_21] : memref<128x128xf32, #tpu.memory_space<vmem>>, vector<128x128xf32>
    %dot_general3A_23 = arith.constant dense<0.000000e+00> : vector<1024x128xf32>
    %dot_general3A_24 = tpu.matmul %get3A_19, %get3A_22, %dot_general3A_23 {dimension_numbers = #tpu.dot_dimension_numbers<[1], [1], [0], [0], [0, 0, 1, 0], [], []>, precision = #tpu.contract_precision<fp32>, transpose_lhs_hint = false} : vector<1024x128xf32>, vector<128x128xf32>, vector<1024x128xf32> -> vector<1024x128xf32>
    %add3A_25 = arith.addf %dot_general3A_16, %dot_general3A_24 : vector<1024x128xf32>
    %get3A_26 = arith.constant 0 : index
    %get3A_27 = arith.constant 0 : index
    %get3A_28 = vector.load %arg5[%get3A_26, %get3A_27] : memref<1x128xf32, #tpu.memory_space<vmem>>, vector<1x128xf32>
    %add3A_29 = vector.broadcast %get3A_28 : vector<1x128xf32> to vector<1024x128xf32>
    %add3A_30 = arith.addf %add3A_25, %add3A_29 : vector<1024x128xf32>
    %max3A = arith.constant 0.000000e+00 : f32
    %max3A_31 = vector.broadcast %max3A : f32 to vector<1024x128xf32>
    %max3A_32 = arith.maximumf %add3A_30, %max3A_31 : vector<1024x128xf32>
    %swap3A = arith.constant 0 : index
    %swap3A_33 = arith.constant 0 : index
    %swap3A_34 = vector.load %arg7[%swap3A, %swap3A_33] : memref<1024x128xf32, #tpu.memory_space<vmem>>, vector<1024x128xf32>
    tpu.vector_store %arg7[%swap3A, %swap3A_33], %max3A_32 {strides = array<i32>} : memref<1024x128xf32, #tpu.memory_space<vmem>>, vector<1024x128xf32>,
    return
  }
  func.func @transform_0(%arg0: i32) -> (i32, i32, i32) {
    %c0_i32 = arith.constant 0 : i32
    %c0_i32_0 = arith.constant 0 : i32
    %c0_i32_1 = arith.constant 0 : i32
    return %c0_i32, %arg0, %c0_i32_0 : i32, i32, i32
  }
  func.func @transform_1(%arg0: i32) -> (i32, i32) {
    %c0_i32 = arith.constant 0 : i32
    %c0_i32_0 = arith.constant 0 : i32
    return %arg0, %c0_i32 : i32, i32
  }
  func.func @transform_2(%arg0: i32) -> (i32, i32) {
    %c0_i32 = arith.constant 0 : i32
    %c0_i32_0 = arith.constant 0 : i32
    return %arg0, %c0_i32 : i32, i32
  }
  func.func @transform_3(%arg0: i32) -> (i32, i32) {
    %c0_i32 = arith.constant 0 : i32
    %c0_i32_0 = arith.constant 0 : i32
    %c0_i32_1 = arith.constant 0 : i32
    return %c0_i32, %c0_i32_0 : i32, i32
  }
  func.func @transform_4(%arg0: i32) -> (i32, i32) {
    %c0_i32 = arith.constant 0 : i32
    %c0_i32_0 = arith.constant 0 : i32
    %c0_i32_1 = arith.constant 0 : i32
    return %c0_i32, %c0_i32_0 : i32, i32
  }
  func.func @transform_5(%arg0: i32) -> (i32, i32) {
    %c0_i32 = arith.constant 0 : i32
    %c0_i32_0 = arith.constant 0 : i32
    %c0_i32_1 = arith.constant 0 : i32
    return %c0_i32, %c0_i32_0 : i32, i32
  }
  func.func @transform_6(%arg0: i32) -> (i32, i32) {
    %c0_i32 = arith.constant 0 : i32
    %c0_i32_0 = arith.constant 0 : i32
    return %arg0, %c0_i32 : i32, i32
  }
}

module attributes {stable_mosaic.version = 14 : i64} {
  func.func @_final_body(%arg0: i32, %arg1: memref<2x1024x128xf32, #tpu.memory_space<vmem>>, %arg2: memref<1024x1xf32, #tpu.memory_space<vmem>>, %arg3: memref<1024x128xf32, #tpu.memory_space<vmem>>, %arg4: memref<128x128xf32, #tpu.memory_space<vmem>>, %arg5: memref<1x128xf32, #tpu.memory_space<vmem>>, %arg6: memref<128x128xf32, #tpu.memory_space<vmem>>, %arg7: memref<2x128xf32, #tpu.memory_space<vmem>>, %arg8: memref<1x2xf32, #tpu.memory_space<vmem>>, %arg9: memref<1024x2xf32, #tpu.memory_space<vmem>>) attributes {dimension_semantics = [#tpu.dimension_semantics<arbitrary>], iteration_bounds = array<i64: 10>, scalar_prefetch = 0 : i64, scratch_operands = 0 : i64, tpu.core_type = #tpu.core_type<tc>, window_params = [{transform_indices = @transform_0, window_bounds = array<i64: 2, 1024, 128>}, {transform_indices = @transform_1, window_bounds = array<i64: 1024, 1>}, {transform_indices = @transform_2, window_bounds = array<i64: 1024, 128>}, {pipeline_mode = #tpu.pipeline_mode<synchronous>, transform_indices = @transform_3, window_bounds = array<i64: 128, 128>}, {pipeline_mode = #tpu.pipeline_mode<synchronous>, transform_indices = @transform_4, window_bounds = array<i64: 1, 128>}, {pipeline_mode = #tpu.pipeline_mode<synchronous>, transform_indices = @transform_5, window_bounds = array<i64: 128, 128>}, {pipeline_mode = #tpu.pipeline_mode<synchronous>, transform_indices = @transform_6, window_bounds = array<i64: 2, 128>}, {pipeline_mode = #tpu.pipeline_mode<synchronous>, transform_indices = @transform_7, window_bounds = array<i64: 1, 2>}, {transform_indices = @transform_8, window_bounds = array<i64: 1024, 2>}]} {
    %get3A = arith.constant 0 : index
    %get3A_0 = arith.constant 0 : index
    %get3A_1 = arith.constant 0 : index
    %get3A_2 = vector.load %arg1[%get3A, %get3A_0, %get3A_1] : memref<2x1024x128xf32, #tpu.memory_space<vmem>>, vector<1x1024x128xf32>
    %get3A_3 = vector.shape_cast %get3A_2 : vector<1x1024x128xf32> to vector<1024x128xf32>
    %get3A_4 = arith.constant 1 : index
    %get3A_5 = arith.constant 0 : index
    %get3A_6 = arith.constant 0 : index
    %get3A_7 = vector.load %arg1[%get3A_4, %get3A_5, %get3A_6] : memref<2x1024x128xf32, #tpu.memory_space<vmem>>, vector<1x1024x128xf32>
    %get3A_8 = vector.shape_cast %get3A_7 : vector<1x1024x128xf32> to vector<1024x128xf32>
    %add3A = arith.addf %get3A_3, %get3A_8 : vector<1024x128xf32>
    %get3A_9 = arith.constant 0 : index
    %get3A_10 = arith.constant 0 : index
    %get3A_11 = vector.load %arg2[%get3A_9, %get3A_10] : memref<1024x1xf32, #tpu.memory_space<vmem>>, vector<1024x1xf32>
    %mul3A = vector.broadcast %get3A_11 : vector<1024x1xf32> to vector<1024x128xf32>
    %mul3A_12 = arith.mulf %add3A, %mul3A : vector<1024x128xf32>
    %get3A_13 = arith.constant 0 : index
    %get3A_14 = arith.constant 0 : index
    %get3A_15 = vector.load %arg4[%get3A_13, %get3A_14] : memref<128x128xf32, #tpu.memory_space<vmem>>, vector<128x128xf32>
    %dot_general3A = arith.constant dense<0.000000e+00> : vector<1024x128xf32>
    %dot_general3A_16 = tpu.matmul %mul3A_12, %get3A_15, %dot_general3A {dimension_numbers = #tpu.dot_dimension_numbers<[1], [1], [0], [0], [0, 0, 1, 0], [], []>, precision = #tpu.contract_precision<fp32>, transpose_lhs_hint = false} : vector<1024x128xf32>, vector<128x128xf32>, vector<1024x128xf32> -> vector<1024x128xf32>
    %get3A_17 = arith.constant 0 : index
    %get3A_18 = arith.constant 0 : index
    %get3A_19 = vector.load %arg3[%get3A_17, %get3A_18] : memref<1024x128xf32, #tpu.memory_space<vmem>>, vector<1024x128xf32>
    %get3A_20 = arith.constant 0 : index
    %get3A_21 = arith.constant 0 : index
    %get3A_22 = vector.load %arg6[%get3A_20, %get3A_21] : memref<128x128xf32, #tpu.memory_space<vmem>>, vector<128x128xf32>
    %dot_general3A_23 = arith.constant dense<0.000000e+00> : vector<1024x128xf32>
    %dot_general3A_24 = tpu.matmul %get3A_19, %get3A_22, %dot_general3A_23 {dimension_numbers = #tpu.dot_dimension_numbers<[1], [1], [0], [0], [0, 0, 1, 0], [], []>, precision = #tpu.contract_precision<fp32>, transpose_lhs_hint = false} : vector<1024x128xf32>, vector<128x128xf32>, vector<1024x128xf32> -> vector<1024x128xf32>
    %add3A_25 = arith.addf %dot_general3A_16, %dot_general3A_24 : vector<1024x128xf32>
    %get3A_26 = arith.constant 0 : index
    %get3A_27 = arith.constant 0 : index
    %get3A_28 = vector.load %arg5[%get3A_26, %get3A_27] : memref<1x128xf32, #tpu.memory_space<vmem>>, vector<1x128xf32>
    %add3A_29 = vector.broadcast %get3A_28 : vector<1x128xf32> to vector<1024x128xf32>
    %add3A_30 = arith.addf %add3A_25, %add3A_29 : vector<1024x128xf32>
    %get3A_31 = arith.constant 0 : index
    %get3A_32 = arith.constant 0 : index
    %get3A_33 = vector.load %arg7[%get3A_31, %get3A_32] : memref<2x128xf32, #tpu.memory_space<vmem>>, vector<2x128xf32>
    %dot_general3A_34 = arith.constant dense<0.000000e+00> : vector<1024x2xf32>
    %dot_general3A_35 = tpu.matmul %add3A_30, %get3A_33, %dot_general3A_34 {dimension_numbers = #tpu.dot_dimension_numbers<[1], [1], [0], [0], [0, 0, 1, 0], [], []>, precision = #tpu.contract_precision<fp32>, transpose_lhs_hint = false} : vector<1024x128xf32>, vector<2x128xf32>, vector<1024x2xf32> -> vector<1024x2xf32>
    %get3A_36 = arith.constant 0 : index
    %get3A_37 = arith.constant 0 : index
    %get3A_38 = vector.load %arg8[%get3A_36, %get3A_37] : memref<1x2xf32, #tpu.memory_space<vmem>>, vector<1x2xf32>
    %add3A_39 = vector.broadcast %get3A_38 : vector<1x2xf32> to vector<1024x2xf32>
    %add3A_40 = arith.addf %dot_general3A_35, %add3A_39 : vector<1024x2xf32>
    %swap3A = arith.constant 0 : index
    %swap3A_41 = arith.constant 0 : index
    %swap3A_42 = vector.load %arg9[%swap3A, %swap3A_41] : memref<1024x2xf32, #tpu.memory_space<vmem>>, vector<1024x2xf32>
    tpu.vector_store %arg9[%swap3A, %swap3A_41], %add3A_40 {strides = array<i32>} : memref<1024x2xf32, #tpu.memory_space<vmem>>, vector<1024x2xf32>,
    return
  }
  func.func @transform_0(%arg0: i32) -> (i32, i32, i32) {
    %c0_i32 = arith.constant 0 : i32
    %c0_i32_0 = arith.constant 0 : i32
    %c0_i32_1 = arith.constant 0 : i32
    return %c0_i32, %arg0, %c0_i32_0 : i32, i32, i32
  }
  func.func @transform_1(%arg0: i32) -> (i32, i32) {
    %c0_i32 = arith.constant 0 : i32
    %c0_i32_0 = arith.constant 0 : i32
    return %arg0, %c0_i32 : i32, i32
  }
  func.func @transform_2(%arg0: i32) -> (i32, i32) {
    %c0_i32 = arith.constant 0 : i32
    %c0_i32_0 = arith.constant 0 : i32
    return %arg0, %c0_i32 : i32, i32
  }
  func.func @transform_3(%arg0: i32) -> (i32, i32) {
    %c0_i32 = arith.constant 0 : i32
    %c0_i32_0 = arith.constant 0 : i32
    %c0_i32_1 = arith.constant 0 : i32
    return %c0_i32, %c0_i32_0 : i32, i32
  }
  func.func @transform_4(%arg0: i32) -> (i32, i32) {
    %c0_i32 = arith.constant 0 : i32
    %c0_i32_0 = arith.constant 0 : i32
    %c0_i32_1 = arith.constant 0 : i32
    return %c0_i32, %c0_i32_0 : i32, i32
  }
  func.func @transform_5(%arg0: i32) -> (i32, i32) {
    %c0_i32 = arith.constant 0 : i32
    %c0_i32_0 = arith.constant 0 : i32
    %c0_i32_1 = arith.constant 0 : i32
    return %c0_i32, %c0_i32_0 : i32, i32
  }
  func.func @transform_6(%arg0: i32) -> (i32, i32) {
    %c0_i32 = arith.constant 0 : i32
    %c0_i32_0 = arith.constant 0 : i32
    %c0_i32_1 = arith.constant 0 : i32
    return %c0_i32, %c0_i32_0 : i32, i32
  }
  func.func @transform_7(%arg0: i32) -> (i32, i32) {
    %c0_i32 = arith.constant 0 : i32
    %c0_i32_0 = arith.constant 0 : i32
    %c0_i32_1 = arith.constant 0 : i32
    return %c0_i32, %c0_i32_0 : i32, i32
  }
  func.func @transform_8(%arg0: i32) -> (i32, i32) {
    %c0_i32 = arith.constant 0 : i32
    %c0_i32_0 = arith.constant 0 : i32
    return %arg0, %c0_i32 : i32, i32
  }
}

</mosaic_0001>

<sc_bundles>
// kernel: kernel.12.cloned.1.call-start
scs
__scs_entry_jumppad:
0x0: {  	(pc) =	sbr.rel $0x88, $3  }
0x1: {  	(tag) =	ssettag $0x0;
	lr =	simm.s32 $0x1  }
0x2: {  	[smem:$0x3F94] =	sst lr;
	_ =	strace $0xD0000000  }
0x3: {  	_ = 	snop  }
0x4: {  	_ = 	snop  }
0x5: {  	_ = 	snop  }
0x6: {  	_ = 	snop  }
0x7: {  	_ = 	snop  }
__scs_overlays_trampoline_lowered:
0x8: {  	[smem:$0x3FA3] =	sst s0  }
0x9: {  	[smem:$0x3FA4] =	sst s1  }
0xa: {  	[smem:$0x3FA5] =	sst s2  }
0xb: {  	[smem:$0x3FA6] =	sst s3  }
0xc: {  	[smem:$0x3FA7] =	sst s4  }
0xd: {  	[smem:$0x3FA8] =	sst s5  }
0xe: {  	[smem:$0x3FA9] =	sst s6  }
0xf: {  	[smem:$0x3FAA] =	sst s7  }
0x10: {  	[smem:$0x3FAB] =	sst s8  }
0x11: {  	[smem:$0x3FAC] =	sst s9;
	s0 =	simm.s32 @!p0 $0x0  }
0x12: {  	s1 =	sld [smem:$0x3F92];
	s0 =	simm.s32 @p0 $0x1  }
0x13: {  	[smem:$0x3FAD] =	sst s0;
	s0 =	simm.s32 @!p1 $0x0  }
0x14: {  	s2 =	sld [smem:$0x3F91];
	s0 =	simm.s32 @p1 $0x1  }
0x15: {  	[smem:$0x3FAE] =	sst s0;
	s0 =	simm.s32 @!p2 $0x0  }
0x16: {  	s3 =	sld [smem:$0x3FDB];
	s0 =	simm.s32 @p2 $0x1  }
0x17: {  	s4 =	simm.s32 $0x1BF5;
	[smem:$0x3FB0] =	sst s0  }
0x18: {  	s0 =	sld [smem:$0x3F93];
	_ =	swait.ge [sflag:s4], $0x0  }
0x19: {  	s7 =	sld [smem:$0x3F94]  }
0x1a: {  	s8 =	sadd.s32 $0xFFFFE003, lr  }
0x1b: {  	s9 =	sadd.s32 $0xFFFFFEF7, lr;
	s5 =	simm.s32 $0xFFFFFFFF;
	p2 =	slt.u32 s8, $0xFFFFF086  }
0x1c: {  	p1 =	slt.u32 s9, $0xF7A;
	s5 =	simm.s32 @!p2 $0x0  }
0x1d: {  	s5 =	simm.s32 @p1 $0x1;
	p0 =	seq.s32 s7, s2  }
0x1e: {  	s7 =	smul.u32 @!p0 $0xF7A, s2;
	p2 =	seq.s32 @!p0 s5, $0x0  }
0x1f: {  	s9 =	smul.u32 $0xF7A, s1;
	s8 =	simm.s32 @!p0 $0x1BF5;
	p2 =	por !p2, p0  }
0x20: {  	[sflag:s8] =	ssyncset.s32 @!p0 $0xFFFFF086;
	s6 =	sadd.s32 @!p0 s3, s7;
	s7 =	simm.s32 @!p0 $0x108  }
0x21: {  	s3 =	sadd.s32 s3, s9;
	s6 =	sadd.s32 @!p0 $0x88, s6;
	s7 =	simm.s32 @p2 $0x1082  }
0x22: {  	[simem:s7], [sflag:s8] =	dma.local @!p0 [hbm:s6], $0xF7A  }
0x23: {  	s9 =	sor.u32 $0xD0000000, s2;
	s6 =	simm.s32 $0x108;
	_ =	swait.ge @!p0 [sflag:s8], $0x0  }
0x24: {  	s3 =	sadd.s32 $0x88, s3;
	s6 =	simm.s32 @!p1 $0x1082;
	[sflag:s4] =	ssyncset.s32 $0xFFFFF086  }
0x25: {  	[simem:s6], [sflag:s4] =	dma.local [hbm:s3], $0xF7A  }
0x26: {  	[smem:$0x3F94] =	sst s1;
	(tag) =	ssettag s2;
	_ =	strace s9  }
0x27: {  	s1 =	sld [smem:$0x3FA4]  }
0x28: {  	s2 =	sld [smem:$0x3FA5]  }
0x29: {  	s4 =	sld [smem:$0x3FA7]  }
0x2a: {  	p0 =	seq.s32 s5, $0x0;
	s5 =	sld [smem:$0x3FA8]  }
0x2b: {  	s6 =	sld [smem:$0x3FA9]  }
0x2c: {  	s7 =	sld [smem:$0x3FAA]  }
0x2d: {  	s3 =	simm.s32 $0x108;
	s8 =	sld [smem:$0x3FAB]  }
0x2e: {  	s3 =	simm.s32 @!p0 $0x1082;
	s9 =	sld [smem:$0x3FAC]  }
0x2f: {  	lr =	sadd.s32 s0, s3;
	s0 =	sld [smem:$0x3FA3]  }
0x30: {  	s3 =	sld [smem:$0x3FA6]  }
0x31: {  	[smem:$0x3FAF] =	sst s10  }
0x32: {  	s10 =	sld [smem:$0x3FAD];
	_ =	sdelay $0x3  }
0x33: {  	p0 =	seq.s32 s10, $0x1;
	s10 =	sld [smem:$0x3FAF];
	_ =	sdelay $0x3  }
0x34: {  	[smem:$0x3FAF] =	sst s10  }
0x35: {  	s10 =	sld [smem:$0x3FAE];
	_ =	sdelay $0x3  }
0x36: {  	p1 =	seq.s32 s10, $0x1;
	s10 =	sld [smem:$0x3FAF];
	_ =	sdelay $0x3  }
0x37: {  	[smem:$0x3FAF] =	sst s10  }
0x38: {  	s10 =	sld [smem:$0x3FB0]  }
0x39: {  	_ = 	snop;
	(pc) =	sbr.ind lr, $3  }
0x3a: {  	_ = 	snop  }
0x3b: {  	_ = 	snop  }
0x3c: {  	p2 =	seq.s32 s10, $0x1;
	s10 =	sld [smem:$0x3FAF]  }
0x3d: {  	_ =	shalt  }
0x3e: {  	_ =	shalt  }
0x3f: {  	_ =	shalt  }
0x40: {  	_ =	shalt  }
0x41: {  	_ =	shalt  }
0x42: {  	_ =	shalt  }
0x43: {  	_ =	shalt  }
0x44: {  	_ =	shalt  }
0x45: {  	_ =	shalt  }
0x46: {  	_ =	shalt  }
0x47: {  	_ =	shalt  }
0x48: {  	_ =	shalt  }
0x49: {  	_ =	shalt  }
0x4a: {  	_ =	shalt  }
0x4b: {  	_ =	shalt  }
0x4c: {  	_ =	shalt  }
0x4d: {  	_ =	shalt  }
0x4e: {  	_ =	shalt  }
0x4f: {  	_ =	shalt  }
0x50: {  	_ =	shalt  }
0x51: {  	_ =	shalt  }
0x52: {  	_ =	shalt  }
0x53: {  	_ =	shalt  }
0x54: {  	_ =	shalt  }
0x55: {  	_ =	shalt  }
0x56: {  	_ =	shalt  }
0x57: {  	_ =	shalt  }
0x58: {  	_ =	shalt  }
0x59: {  	_ =	shalt  }
0x5a: {  	_ =	shalt  }
0x5b: {  	_ =	shalt  }
0x5c: {  	_ =	shalt  }
0x5d: {  	_ =	shalt  }
0x5e: {  	_ =	shalt  }
0x5f: {  	_ =	shalt  }
0x60: {  	_ =	shalt  }
0x61: {  	_ =	shalt  }
0x62: {  	_ =	shalt  }
0x63: {  	_ =	shalt  }
0x64: {  	_ =	shalt  }
0x65: {  	_ =	shalt  }
0x66: {  	_ =	shalt  }
0x67: {  	_ =	shalt  }
0x68: {  	_ =	shalt  }
0x69: {  	_ =	shalt  }
0x6a: {  	_ =	shalt  }
0x6b: {  	_ =	shalt  }
0x6c: {  	_ =	shalt  }
0x6d: {  	_ =	shalt  }
0x6e: {  	_ =	shalt  }
0x6f: {  	_ =	shalt  }
0x70: {  	_ =	shalt  }
0x71: {  	_ =	shalt  }
0x72: {  	_ =	shalt  }
0x73: {  	_ =	shalt  }
0x74: {  	_ =	shalt  }
0x75: {  	_ =	shalt  }
0x76: {  	_ =	shalt  }
0x77: {  	_ =	shalt  }
0x78: {  	_ =	shalt  }
0x79: {  	_ =	shalt  }
0x7a: {  	_ =	shalt  }
0x7b: {  	_ =	shalt  }
0x7c: {  	_ =	shalt  }
0x7d: {  	_ =	shalt  }
0x7e: {  	_ =	shalt  }
0x7f: {  	_ =	shalt  }
0x80: {  	_ =	shalt  }
0x81: {  	_ =	shalt  }
0x82: {  	_ =	shalt  }
0x83: {  	_ =	shalt  }
0x84: {  	_ =	shalt  }
0x85: {  	_ =	shalt  }
0x86: {  	_ =	shalt  }
0x87: {  	_ =	shalt  }
.Lfunc_end0:
.L_simem_size_0:
called_computation.1_lowered:
.L_overlay_start_0:
0x88: {  	s2 =	sld [smem:$0x3FD9]  }
0x89: {  	s3 =	sld [smem:$0x3FFE];
	_ =	sdelay $0x1  }
0x8a: {  	s1 =	srdreg.scid  }
0x8b: {  	s0 =	sand.u32 $0x1, s1  }
0x8c: {  	s16 =	sshll.u32 s0, $0xA;
	s2 =	sadd.s32 s3, s2  }
0x8d: {  	s2 =	sadd.s32 s2, s16  }
0x8e: {  	[smem:$0x3FBB] =	sst s2  }
0x8f: {  	_ = 	snop  }
0x90: {  	(tm) =	ssettm $0x1  }
0x91: {  	s17 =	sld [smem:$0x3FFB];
	_ =	sdelay $0x3  }
0x92: {  	_ =	strace s17  }
0x93: {  	s2 =	sld [smem:$0x3FFC];
	_ =	sdelay $0x3  }
0x94: {  	_ =	strace s2  }
0x95: {  	s2 =	sld [smem:$0x3FFD];
	_ =	sdelay $0x3  }
0x96: {  	_ =	strace s2  }
0x97: {  	_ =	strace $0x8FFFFFFF  }
0x98: {  	s18 =	sld [smem:$0x3FDB];
	_ =	sdelay $0x1  }
0x99: {  	s19 =	simm.s32 $_scs_section_size  }
0x9a: {  	s4 =	simm.s32 $_size__tile_overlayer_lowered;
	s5 =	simm.s32 $_tile_overlayer_lowered  }
0x9b: {  	s22 =	simm.s32 $0x1BFF;
	s21 =	sshll.u32 s5, $0x1;
	s2 =	sadd.s32 s19, s18  }
0x9c: {  	s6 =	simm.s32 $0x0;
	s20 =	sshll.u32 s4, $0x1;
	s4 =	sadd.s32 s21, s2  }
0x9d: {  	[timem:s6], [sflag:s22] =	dma.local [hbm:s4], s20  }
0x9e: {  	_ =	swait.ge [sflag:s22], s20  }
0x9f: {  	s3 =	ssub.s32 $0x0, s20;
	[sflag:s22] =	ssyncset.done $0x0  }
0xa0: {  	[sflag:s22] =	ssyncadd.s32 s3;
	_ =	sdelay $0x1  }
0xa1: {  	s23 =	simm.s32 $0x1B8B  }
0xa2: {  	_ =	swait.ge [sflag:s23], $0x1  }
0xa3: {  	[sflag:s23] =	ssyncset.done $0x0  }
0xa4: {  	s25 =	simm.s32 $0x1B8E;
	s24 =	sld [smem:$0x3FFE];
	[sflag:s23] =	ssyncadd.s32 $0xFFFFFFFF  }
0xa5: {  	s26 =	simm.s32 $execute0_lowered;
	[smem:$0x3FD2] =	sst s25  }
0xa6: {  	s4 =	sshll.u32 s26, $0x1;
	_ =	strace $0x80000046;
	[dreg:$0x1] =	wrdreg $0xFFFFFFFF  }
0xa7: {  	s28 =	simm.s32 $_size_execute0_lowered;
	s2 =	sadd.s32 s2, s4;
	[dreg:$0x0] =	wrdreg $0x0  }
0xa8: {  	s4 =	sshll.u32 s28, $0x1;
	[dreg:$0x2] =	wrdreg s2  }
0xa9: {  	[dreg:$0x3] =	wrdreg s4  }
0xaa: {  	[dreg:$0x4] =	wrdreg $0xC0  }
0xab: {  	_ =	task [dreg:s6], $0x5FFFF  }
0xac: {  	[dreg:$0x1] =	wrdreg $0xFFFFFFFF  }
0xad: {  	[dreg:$0x0] =	wrdreg $0x60  }
0xae: {  	[dreg:$0x2] =	wrdreg s24  }
0xaf: {  	[dreg:$0x3] =	wrdreg $0x90000  }
0xb0: {  	[dreg:$0x4] =	wrdreg $0xA  }
0xb1: {  	_ =	task.clear_ibuf [dreg:s6], $0x5FFFF;
	_ =	strace $0x90000046  }
0xb2: {  	s29 =	simm.s32 $0xA;
	_ =	strace $0x80000048  }
0xb3: {  	_ =	swait.ge [sflag:s29], $0x1  }
0xb4: {  	[sflag:s29] =	ssyncadd.s32 $0xFFFFFFFF  }
0xb5: {  	_ =	strace $0x90000048  }
0xb6: {  	_ =	sfence  }
0xb7: {  	s30 =	sld [smem:$0x0];
	_ =	sdelay $0x2  }
0xb8: {  	s31 =	sshll.u32 s1, $0xD;
	s1 =	sshrl.u32 s1, $0x2  }
0xb9: {  	s3 =	sand.u32 $0x4000, s31;
	s1 =	sadd.s32 s1, s30  }
0xba: {  	s0 =	sor.u32 s3, s0;
	s1 =	sshll.u32 s1, $0x11  }
0xbb: {  	s0 =	sor.u32 s1, s0  }
0xbc: {  	s0 =	sadd.s32 $0x8F2B, s0  }
0xbd: {  	[sflag:s0] =	ssyncadd.remote.s32 $0x1  }
0xbe: {  	_ =	sfence.sel $0xFFFF  }
0xbf: {  	[dreg:$0x0] =	wrdreg $0xFFFFFFFF;
	(pc) =	sbr.abs _section_cstart, $3  }
0xc0: {  	[dreg:$0x1] =	wrdreg $0xFFFFFFFF  }
0xc1: {  	_ =	task.clear_ibuf [dreg:s6], $0x2FFFF;
	_ =	strace $0x9FFFFFFF  }
0xc2: {  	(tm) =	ssettm $0x7FFFFFFF  }
0xc3: {  	_ =	shalt  }
tec
execute0_lowered:
.L_overlay_start_1:
0x0: {  	(tag) =	ssettag $0x1  }
0x1: {  	s0 =	rddreg [dreg:$0x0]  }
0x2: {  	s1 =	rddreg [dreg:$0x1];
	s2 =	srdreg.scid  }
0x3: {  	s4 =	simm.s32 $0x0;
	s3 =	stileid.u32;
	s19 =	simm.s32 $0x4000  }
0x4: {  	s20 =	simm.s32 $0x3;
	s21 =	simm.s32 $0x2000;
	s22 =	simm.s32 $0x50  }
0x5: {  	s23 =	simm.s32 $0x6800;
	s24 =	simm.s32 $0x1;
	s25 =	simm.s32 $0x2  }
0x6: {  	s28 =	simm.s32 $0x3F00;
	s29 =	simm.s32 $0x3F80;
	s30 =	simm.s32 $0x0  }
0x7: {  	s2 =	sand.u32 $0x1, s2;
	[smem:$0x7FF] =	sst s4;
	s6 =	smul.u32 $0x14000, s3  }
0x8: {  	s7 =	smul.u32 $0x50000, s3;
	s4 =	sadd.s32 $0x23E00, s0;
	s15 =	sadd.s32 $0x3E00, s0  }
0x9: {  	s16 =	sadd.s32 $0x13E00, s0;
	s13 =	sshll.u32 s3, $0xB;
	s5 =	smul.u32 $0x140000, s2  }
0xa: {  	_ =	strace $0x80000047;
	s26 =	ssub.s32 $0x2, s2;
	s2 =	sshll.u32 s2, $0xF  }
0xb: {  	s7 =	sshrl.u32 s7, $0x2;
	s9 =	sshrl.u32 s26, $0x1;
	s2 =	sor.u32 s13, s2  }
0xc: {  	s5 =	sadd.s32 s6, s5;
	s18 =	ssub.s32 s26, s9;
	s13 =	sadd.s32 s15, s2  }
0xd: {  	s14 =	sadd.s32 s16, s2;
	s2 =	sor.u32 $0x400, s2;
	s26 =	simm.s32 $0x1F80  }
0xe: {  	s8 =	sshrl.u32 s5, $0x3;
	s5 =	sadd.s32 s7, s1;
	s15 =	sadd.s32 s15, s2  }
0xf: {  	s16 =	sadd.s32 s16, s2;
	s18 =	smax.u32 s18, $0x1;
	s0 =	sadd.s32 s8, s0  }
0x10: {  	s31 =	sadd.s32 $0x2800, s5;
	s7 =	sadd.s32 $0x5000, s5;
	s8 =	sadd.s32 $0x7800, s5  }
0x11: {  	s9 =	sadd.s32 $0xA000, s5;
	s10 =	sadd.s32 $0xC800, s5;
	s11 =	sadd.s32 $0xF000, s5  }
0x12: {  	v0 =	vimm.f32 $0.0e+00;
	s12 =	sadd.s32 $0x11800, s5;
	[dreg:$0x3] =	wrdreg s31;
	s17 =	sadd.s32 $0x4BE00, s0  }
.LBB2_1:
0x13: {  	s2 =	simm.s32 $0x0  }
0x14: {  	s0 =	sand.u32 $0xFE00, s2  }
0x15: {  	s2 =	sand.u32 $0x70, s2;
	s0 =	sshrl.u32 s0, $0x2  }
0x16: {  	s31 =	simm.s32 $0x40;
	s2 =	sor.u32 s2, s0;
	s0 =	simm.s32 $0x0  }
.LBB2_2:
0x17: {  	p0 =	sne.s32 s31, $0x9FC0  }
0x18: {  	[tilespmem:s2+$0x4000] =	vst v0;
	s0 =	sadd.s32 $0x10, s0;
	s2 =	smov.u32 s31;
	s31 =	sadd.s32 $0x40, s31  }
.Ltmp0:
0x19: {  	(pc) =	sbr.rel @p0 .LBB2_2-.Ltmp0, $4  }
0x1a: {  	_ = 	snop  }
0x1b: {  	s2 =	sand.u32 $0xFE00, s2  }
0x1c: {  	s3 =	sand.u32 $0x70, s0;
	s2 =	sshrl.u32 s2, $0x2  }
0x1d: {  	s2 =	sor.u32 s3, s2  }
0x1e: {  	[tilespmem:s2+$0x4000] =	vst v0  }
0x1f: {  	[spmem:s5] =	stream.linear.scatter [tilespmem:s19], [sflag:$0x3], $0x2800, $0x38;
	[tilespmem:$0x1D000] =	vst v63  }
0x20: {  	_ =	swait.ge [sflag:s20], $0x2800  }
0x21: {  	[sflag:s20] =	ssyncset.done $0x0  }
0x22: {  	s0 =	rddreg [dreg:$0x3];
	[sflag:s20] =	ssyncadd.s32 $0xFFFFD800  }
0x23: {  	[spmem:s0] =	stream.linear.scatter [tilespmem:s19], [sflag:$0x3], $0x2800, $0x38;
	[tilespmem:$0x1D000] =	vst v63  }
0x24: {  	_ =	swait.ge [sflag:s20], $0x2800  }
0x25: {  	[sflag:s20] =	ssyncset.done $0x0  }
0x26: {  	[sflag:s20] =	ssyncadd.s32 $0xFFFFD800  }
0x27: {  	[spmem:s7] =	stream.linear.scatter [tilespmem:s19], [sflag:$0x3], $0x2800, $0x38;
	[tilespmem:$0x1D000] =	vst v63  }
0x28: {  	_ =	swait.ge [sflag:s20], $0x2800  }
0x29: {  	[sflag:s20] =	ssyncset.done $0x0  }
0x2a: {  	[sflag:s20] =	ssyncadd.s32 $0xFFFFD800  }
0x2b: {  	[spmem:s8] =	stream.linear.scatter [tilespmem:s19], [sflag:$0x3], $0x2800, $0x38;
	[tilespmem:$0x1D000] =	vst v63  }
0x2c: {  	_ =	swait.ge [sflag:s20], $0x2800  }
0x2d: {  	[sflag:s20] =	ssyncset.done $0x0  }
0x2e: {  	[sflag:s20] =	ssyncadd.s32 $0xFFFFD800  }
0x2f: {  	[spmem:s9] =	stream.linear.scatter [tilespmem:s19], [sflag:$0x3], $0x2800, $0x38;
	[tilespmem:$0x1D000] =	vst v63  }
0x30: {  	_ =	swait.ge [sflag:s20], $0x2800  }
0x31: {  	[sflag:s20] =	ssyncset.done $0x0  }
0x32: {  	[sflag:s20] =	ssyncadd.s32 $0xFFFFD800  }
0x33: {  	[spmem:s10] =	stream.linear.scatter [tilespmem:s19], [sflag:$0x3], $0x2800, $0x38;
	[tilespmem:$0x1D000] =	vst v63  }
0x34: {  	_ =	swait.ge [sflag:s20], $0x2800  }
0x35: {  	[sflag:s20] =	ssyncset.done $0x0  }
0x36: {  	[sflag:s20] =	ssyncadd.s32 $0xFFFFD800  }
0x37: {  	[spmem:s11] =	stream.linear.scatter [tilespmem:s19], [sflag:$0x3], $0x2800, $0x38;
	[tilespmem:$0x1D000] =	vst v63  }
0x38: {  	_ =	swait.ge [sflag:s20], $0x2800  }
0x39: {  	[sflag:s20] =	ssyncset.done $0x0  }
0x3a: {  	[sflag:s20] =	ssyncadd.s32 $0xFFFFD800  }
0x3b: {  	[spmem:s12] =	stream.linear.scatter [tilespmem:s19], [sflag:$0x3], $0x2800, $0x38;
	[tilespmem:$0x1D000] =	vst v63  }
0x3c: {  	_ =	swait.ge [sflag:s20], $0x2800  }
0x3d: {  	[sflag:s20] =	ssyncset.done $0x0  }
0x3e: {  	[sflag:s20] =	ssyncadd.s32 $0xFFFFD800  }
0x3f: {  	s3 =	simm.s32 $0x0;
	[bflag:$0x0] =	sbarrier.arrive $0xFFFF  }
0x40: {  	[tilespmem:s3], [sflag:$0x3] =	stream.linear.gather [hbm4b:s13+s3], $0x2000, $0x38;
	[tilespmem:$0x1D000] =	vst v63  }
0x41: {  	_ =	swait.ge [sflag:s20], $0x2000  }
0x42: {  	[sflag:s20] =	ssyncset.done $0x0  }
0x43: {  	[sflag:s20] =	ssyncadd.s32 $0xFFFFE000  }
0x44: {  	[tilespmem:s21], [sflag:$0x3] =	stream.linear.gather [hbm4b:s14+s3], $0x2000, $0x38;
	[tilespmem:$0x1D000] =	vst v63  }
0x45: {  	_ =	swait.ge [sflag:s20], $0x2000  }
0x46: {  	[sflag:s20] =	ssyncset.done $0x0  }
0x47: {  	[sflag:s20] =	ssyncadd.s32 $0xFFFFE000  }
0x48: {  	[tilespmem:s19], [sflag:$0x1] =	stream.indirect.gather [hbm4b:s4+s22], $0x80, s3, s22, $0xb8;
	[tilespmem:$0x1D000] =	vst v63  }
0x49: {  	s6 =	simm.s32 $0x80  }
0x4a: {  	[tilespmem:s23], [sflag:$0x2] =	stream.indirect.gather [hbm4b:s4+s22], $0x80, s6, s22, $0xb8;
	[tilespmem:$0x1D000] =	vst v63  }
0x4b: {  	_ =	swait.ge [sflag:s24], $0x2800  }
0x4c: {  	[sflag:s24] =	ssyncset.done $0x0  }
0x4d: {  	s2 =	simm.s32 $0x2000;
	[sflag:s24] =	ssyncadd.s32 $0xFFFFD800  }
0x4e: {  	[spmem:s1] =	stream.indirect.scatter.add.f32 [tilespmem:s19], [sflag:$0x3], $0x80, s2, s22, $0xb8;
	[tilespmem:$0x1D000] =	vst v63  }
0x4f: {  	_ =	swait.ge [sflag:s20], $0x2800  }
0x50: {  	[sflag:s20] =	ssyncset.done $0x0  }
0x51: {  	s3 =	simm.s32 $0x100;
	[sflag:s20] =	ssyncadd.s32 $0xFFFFD800  }
0x52: {  	[tilespmem:s19], [sflag:$0x1] =	stream.indirect.gather [hbm4b:s4+s22], $0x80, s3, s22, $0xb8;
	[tilespmem:$0x1D000] =	vst v63  }
0x53: {  	_ =	swait.ge [sflag:s25], $0x2800  }
0x54: {  	[sflag:s25] =	ssyncset.done $0x0  }
0x55: {  	s6 =	simm.s32 $0x2080;
	[sflag:s25] =	ssyncadd.s32 $0xFFFFD800  }
0x56: {  	[spmem:s1] =	stream.indirect.scatter.add.f32 [tilespmem:s23], [sflag:$0x3], $0x80, s6, s22, $0xb8;
	[tilespmem:$0x1D000] =	vst v63  }
0x57: {  	_ =	swait.ge [sflag:s20], $0x2800  }
0x58: {  	s31 =	simm.s32 $0x100;
	s0 =	simm.s32 $0x800;
	[sflag:s20] =	ssyncset.done $0x0  }
.LBB2_4:
0x59: {  	s2 =	sadd.s32 $0x80, s31  }
0x5a: {  	[sflag:s20] =	ssyncadd.s32 $0xFFFFD800;
	s3 =	smov.u32 s0;
	s6 =	sadd.s32 $0x400, s0  }
0x5b: {  	[tilespmem:s23], [sflag:$0x2] =	stream.indirect.gather [hbm4b:s4+s22], $0x80, s2, s22, $0xb8;
	[tilespmem:$0x1D000] =	vst v63  }
0x5c: {  	p0 =	sne.s32 s0, $0x7800;
	_ =	swait.ge [sflag:s24], $0x2800  }
0x5d: {  	[sflag:s24] =	ssyncset.done $0x0  }
0x5e: {  	s0 =	sadd.s32 $0x2000, s31;
	[sflag:s24] =	ssyncadd.s32 $0xFFFFD800  }
0x5f: {  	[spmem:s1] =	stream.indirect.scatter.add.f32 [tilespmem:s19], [sflag:$0x3], $0x80, s0, s22, $0xb8;
	[tilespmem:$0x1D000] =	vst v63  }
0x60: {  	_ =	swait.ge [sflag:s20], $0x2800  }
0x61: {  	[sflag:s20] =	ssyncset.done $0x0  }
0x62: {  	s0 =	sadd.s32 $0x100, s31;
	[sflag:s20] =	ssyncadd.s32 $0xFFFFD800  }
0x63: {  	[tilespmem:s19], [sflag:$0x1] =	stream.indirect.gather [hbm4b:s4+s22], $0x80, s0, s22, $0xb8;
	[tilespmem:$0x1D000] =	vst v63  }
0x64: {  	_ =	swait.ge [sflag:s25], $0x2800  }
.Ltmp1:
0x65: {  	[sflag:s25] =	ssyncset.done $0x0;
	(pc) =	sbr.rel @p0 .LBB2_4-.Ltmp1, $4  }
0x66: {  	s0 =	sadd.s32 $0x2080, s31;
	[sflag:s25] =	ssyncadd.s32 $0xFFFFD800  }
0x67: {  	[spmem:s1] =	stream.indirect.scatter.add.f32 [tilespmem:s23], [sflag:$0x3], $0x80, s0, s22, $0xb8;
	[tilespmem:$0x1D000] =	vst v63  }
0x68: {  	_ =	swait.ge [sflag:s20], $0x2800  }
0x69: {  	s31 =	sshra.s32 s3, $0x2;
	s0 =	smov.u32 s6;
	[sflag:s20] =	ssyncset.done $0x0  }
0x6a: {  	s0 =	sadd.s32 $0x80, s31;
	[sflag:s20] =	ssyncadd.s32 $0xFFFFD800  }
0x6b: {  	[tilespmem:s23], [sflag:$0x2] =	stream.indirect.gather [hbm4b:s4+s22], $0x80, s0, s22, $0xb8;
	[tilespmem:$0x1D000] =	vst v63  }
0x6c: {  	_ =	swait.ge [sflag:s24], $0x2800  }
0x6d: {  	[sflag:s24] =	ssyncset.done $0x0  }
0x6e: {  	s3 =	sadd.s32 $0x2000, s31;
	[sflag:s24] =	ssyncadd.s32 $0xFFFFD800  }
0x6f: {  	[spmem:s1] =	stream.indirect.scatter.add.f32 [tilespmem:s19], [sflag:$0x3], $0x80, s3, s22, $0xb8;
	[tilespmem:$0x1D000] =	vst v63  }
0x70: {  	_ =	swait.ge [sflag:s20], $0x2800  }
0x71: {  	[sflag:s20] =	ssyncset.done $0x0  }
0x72: {  	s6 =	sadd.s32 $0x100, s31;
	[sflag:s20] =	ssyncadd.s32 $0xFFFFD800  }
0x73: {  	[tilespmem:s19], [sflag:$0x1] =	stream.indirect.gather [hbm4b:s4+s22], $0x80, s6, s22, $0xb8;
	[tilespmem:$0x1D000] =	vst v63  }
0x74: {  	_ =	swait.ge [sflag:s25], $0x2800  }
0x75: {  	[sflag:s25] =	ssyncset.done $0x0  }
0x76: {  	s2 =	sadd.s32 $0x2080, s31;
	[sflag:s25] =	ssyncadd.s32 $0xFFFFD800  }
0x77: {  	[spmem:s1] =	stream.indirect.scatter.add.f32 [tilespmem:s23], [sflag:$0x3], $0x80, s2, s22, $0xb8;
	[tilespmem:$0x1D000] =	vst v63  }
0x78: {  	_ =	swait.ge [sflag:s20], $0x2800  }
0x79: {  	[sflag:s20] =	ssyncset.done $0x0  }
0x7a: {  	[sflag:s20] =	ssyncadd.s32 $0xFFFFD800  }
0x7b: {  	[tilespmem:s23], [sflag:$0x2] =	stream.indirect.gather [hbm4b:s4+s22], $0x80, s26, s22, $0xb8;
	[tilespmem:$0x1D000] =	vst v63  }
0x7c: {  	_ =	swait.ge [sflag:s24], $0x2800  }
0x7d: {  	[sflag:s24] =	ssyncset.done $0x0  }
0x7e: {  	[sflag:s24] =	ssyncadd.s32 $0xFFFFD800  }
0x7f: {  	[spmem:s1] =	stream.indirect.scatter.add.f32 [tilespmem:s19], [sflag:$0x3], $0x80, s28, s22, $0xb8;
	[tilespmem:$0x1D000] =	vst v63  }
0x80: {  	_ =	swait.ge [sflag:s20], $0x2800  }
0x81: {  	[sflag:s20] =	ssyncset.done $0x0  }
0x82: {  	[sflag:s20] =	ssyncadd.s32 $0xFFFFD800  }
0x83: {  	_ =	swait.ge [sflag:s25], $0x2800  }
0x84: {  	[sflag:s25] =	ssyncset.done $0x0  }
0x85: {  	[sflag:s25] =	ssyncadd.s32 $0xFFFFD800  }
0x86: {  	[spmem:s1] =	stream.indirect.scatter.add.f32 [tilespmem:s23], [sflag:$0x3], $0x80, s29, s22, $0xb8;
	[tilespmem:$0x1D000] =	vst v63  }
0x87: {  	_ =	swait.ge [sflag:s20], $0x2800  }
0x88: {  	[sflag:s20] =	ssyncset.done $0x0  }
0x89: {  	s3 =	simm.s32 $0x0;
	[sflag:s20] =	ssyncadd.s32 $0xFFFFD800  }
0x8a: {  	[tilespmem:s3], [sflag:$0x3] =	stream.linear.gather [hbm4b:s15+s3], $0x2000, $0x38;
	[tilespmem:$0x1D000] =	vst v63  }
0x8b: {  	_ =	swait.ge [sflag:s20], $0x2000  }
0x8c: {  	[sflag:s20] =	ssyncset.done $0x0  }
0x8d: {  	[sflag:s20] =	ssyncadd.s32 $0xFFFFE000  }
0x8e: {  	[tilespmem:s21], [sflag:$0x3] =	stream.linear.gather [hbm4b:s16+s3], $0x2000, $0x38;
	[tilespmem:$0x1D000] =	vst v63  }
0x8f: {  	_ =	swait.ge [sflag:s20], $0x2000  }
0x90: {  	[sflag:s20] =	ssyncset.done $0x0  }
0x91: {  	[sflag:s20] =	ssyncadd.s32 $0xFFFFE000  }
0x92: {  	[tilespmem:s19], [sflag:$0x1] =	stream.indirect.gather [hbm4b:s4+s22], $0x80, s3, s22, $0xb8;
	[tilespmem:$0x1D000] =	vst v63  }
0x93: {  	s6 =	simm.s32 $0x80  }
0x94: {  	[tilespmem:s23], [sflag:$0x2] =	stream.indirect.gather [hbm4b:s4+s22], $0x80, s6, s22, $0xb8;
	[tilespmem:$0x1D000] =	vst v63  }
0x95: {  	_ =	swait.ge [sflag:s24], $0x2800  }
0x96: {  	[sflag:s24] =	ssyncset.done $0x0  }
0x97: {  	s2 =	simm.s32 $0x2000;
	[sflag:s24] =	ssyncadd.s32 $0xFFFFD800  }
0x98: {  	[spmem:s1] =	stream.indirect.scatter.add.f32 [tilespmem:s19], [sflag:$0x3], $0x80, s2, s22, $0xb8;
	[tilespmem:$0x1D000] =	vst v63  }
0x99: {  	_ =	swait.ge [sflag:s20], $0x2800  }
0x9a: {  	[sflag:s20] =	ssyncset.done $0x0  }
0x9b: {  	s3 =	simm.s32 $0x100;
	[sflag:s20] =	ssyncadd.s32 $0xFFFFD800  }
0x9c: {  	[tilespmem:s19], [sflag:$0x1] =	stream.indirect.gather [hbm4b:s4+s22], $0x80, s3, s22, $0xb8;
	[tilespmem:$0x1D000] =	vst v63  }
0x9d: {  	_ =	swait.ge [sflag:s25], $0x2800  }
0x9e: {  	[sflag:s25] =	ssyncset.done $0x0  }
0x9f: {  	s6 =	simm.s32 $0x2080;
	[sflag:s25] =	ssyncadd.s32 $0xFFFFD800  }
0xa0: {  	[spmem:s1] =	stream.indirect.scatter.add.f32 [tilespmem:s23], [sflag:$0x3], $0x80, s6, s22, $0xb8;
	[tilespmem:$0x1D000] =	vst v63  }
0xa1: {  	_ =	swait.ge [sflag:s20], $0x2800  }
0xa2: {  	s31 =	simm.s32 $0x100;
	s0 =	simm.s32 $0x800;
	[sflag:s20] =	ssyncset.done $0x0  }
.LBB2_6:
0xa3: {  	s2 =	sadd.s32 $0x80, s31  }
0xa4: {  	[sflag:s20] =	ssyncadd.s32 $0xFFFFD800;
	s3 =	smov.u32 s0;
	s6 =	sadd.s32 $0x400, s0  }
0xa5: {  	[tilespmem:s23], [sflag:$0x2] =	stream.indirect.gather [hbm4b:s4+s22], $0x80, s2, s22, $0xb8;
	[tilespmem:$0x1D000] =	vst v63  }
0xa6: {  	p0 =	sne.s32 s0, $0x7800;
	_ =	swait.ge [sflag:s24], $0x2800  }
0xa7: {  	[sflag:s24] =	ssyncset.done $0x0  }
0xa8: {  	s0 =	sadd.s32 $0x2000, s31;
	[sflag:s24] =	ssyncadd.s32 $0xFFFFD800  }
0xa9: {  	[spmem:s1] =	stream.indirect.scatter.add.f32 [tilespmem:s19], [sflag:$0x3], $0x80, s0, s22, $0xb8;
	[tilespmem:$0x1D000] =	vst v63  }
0xaa: {  	_ =	swait.ge [sflag:s20], $0x2800  }
0xab: {  	[sflag:s20] =	ssyncset.done $0x0  }
0xac: {  	s0 =	sadd.s32 $0x100, s31;
	[sflag:s20] =	ssyncadd.s32 $0xFFFFD800  }
0xad: {  	[tilespmem:s19], [sflag:$0x1] =	stream.indirect.gather [hbm4b:s4+s22], $0x80, s0, s22, $0xb8;
	[tilespmem:$0x1D000] =	vst v63  }
0xae: {  	_ =	swait.ge [sflag:s25], $0x2800  }
.Ltmp2:
0xaf: {  	[sflag:s25] =	ssyncset.done $0x0;
	(pc) =	sbr.rel @p0 .LBB2_6-.Ltmp2, $4  }
0xb0: {  	s0 =	sadd.s32 $0x2080, s31;
	[sflag:s25] =	ssyncadd.s32 $0xFFFFD800  }
0xb1: {  	[spmem:s1] =	stream.indirect.scatter.add.f32 [tilespmem:s23], [sflag:$0x3], $0x80, s0, s22, $0xb8;
	[tilespmem:$0x1D000] =	vst v63  }
0xb2: {  	_ =	swait.ge [sflag:s20], $0x2800  }
0xb3: {  	s31 =	sshra.s32 s3, $0x2;
	s0 =	smov.u32 s6;
	[sflag:s20] =	ssyncset.done $0x0  }
0xb4: {  	s0 =	sadd.s32 $0x80, s31;
	[sflag:s20] =	ssyncadd.s32 $0xFFFFD800  }
0xb5: {  	[tilespmem:s23], [sflag:$0x2] =	stream.indirect.gather [hbm4b:s4+s22], $0x80, s0, s22, $0xb8;
	[tilespmem:$0x1D000] =	vst v63  }
0xb6: {  	_ =	swait.ge [sflag:s24], $0x2800  }
0xb7: {  	[sflag:s24] =	ssyncset.done $0x0  }
0xb8: {  	s2 =	sadd.s32 $0x2000, s31;
	[sflag:s24] =	ssyncadd.s32 $0xFFFFD800  }
0xb9: {  	[spmem:s1] =	stream.indirect.scatter.add.f32 [tilespmem:s19], [sflag:$0x3], $0x80, s2, s22, $0xb8;
	[tilespmem:$0x1D000] =	vst v63  }
0xba: {  	_ =	swait.ge [sflag:s20], $0x2800  }
0xbb: {  	[sflag:s20] =	ssyncset.done $0x0  }
0xbc: {  	s3 =	sadd.s32 $0x100, s31;
	[sflag:s20] =	ssyncadd.s32 $0xFFFFD800  }
0xbd: {  	[tilespmem:s19], [sflag:$0x1] =	stream.indirect.gather [hbm4b:s4+s22], $0x80, s3, s22, $0xb8;
	[tilespmem:$0x1D000] =	vst v63  }
0xbe: {  	_ =	swait.ge [sflag:s25], $0x2800  }
0xbf: {  	[sflag:s25] =	ssyncset.done $0x0  }
0xc0: {  	s6 =	sadd.s32 $0x2080, s31;
	[sflag:s25] =	ssyncadd.s32 $0xFFFFD800  }
0xc1: {  	[spmem:s1] =	stream.indirect.scatter.add.f32 [tilespmem:s23], [sflag:$0x3], $0x80, s6, s22, $0xb8;
	[tilespmem:$0x1D000] =	vst v63  }
0xc2: {  	_ =	swait.ge [sflag:s20], $0x2800  }
0xc3: {  	[sflag:s20] =	ssyncset.done $0x0  }
0xc4: {  	[sflag:s20] =	ssyncadd.s32 $0xFFFFD800  }
0xc5: {  	[tilespmem:s23], [sflag:$0x2] =	stream.indirect.gather [hbm4b:s4+s22], $0x80, s26, s22, $0xb8;
	[tilespmem:$0x1D000] =	vst v63  }
0xc6: {  	_ =	swait.ge [sflag:s24], $0x2800  }
0xc7: {  	[sflag:s24] =	ssyncset.done $0x0  }
0xc8: {  	[sflag:s24] =	ssyncadd.s32 $0xFFFFD800  }
0xc9: {  	[spmem:s1] =	stream.indirect.scatter.add.f32 [tilespmem:s19], [sflag:$0x3], $0x80, s28, s22, $0xb8;
	[tilespmem:$0x1D000] =	vst v63  }
0xca: {  	_ =	swait.ge [sflag:s20], $0x2800  }
0xcb: {  	[sflag:s20] =	ssyncset.done $0x0  }
0xcc: {  	[sflag:s20] =	ssyncadd.s32 $0xFFFFD800  }
0xcd: {  	_ =	swait.ge [sflag:s25], $0x2800  }
0xce: {  	[sflag:s25] =	ssyncset.done $0x0  }
0xcf: {  	[sflag:s25] =	ssyncadd.s32 $0xFFFFD800  }
0xd0: {  	[spmem:s1] =	stream.indirect.scatter.add.f32 [tilespmem:s23], [sflag:$0x3], $0x80, s29, s22, $0xb8;
	[tilespmem:$0x1D000] =	vst v63  }
0xd1: {  	s31 =	stileid.u32;
	_ =	swait.ge [sflag:s20], $0x2800  }
0xd2: {  	s30 =	sadd.s32 $0x1, s30;
	s0 =	sshll.u32 s31, $0x6;
	[sflag:s20] =	ssyncset.done $0x0  }
0xd3: {  	p0 =	sne.s32 s30, s18;
	s0 =	sor.u32 $0x1C03, s0;
	[sflag:s20] =	ssyncadd.s32 $0xFFFFD800  }
.Ltmp3:
0xd4: {  	s2 =	sshrl.u32 s5, $0x3;
	[bflag:$0x0] =	sbarrier.arrive $0xFFFF;
	(pc) =	sbr.rel @p0 .LBB2_1-.Ltmp3, $4  }
0xd5: {  	[hbm:s17], [sflag:s0] =	dma.local [spmem:s2], $0x2800  }
0xd6: {  	_ =	swait.ge [sflag:s20], $0x2800  }
0xd7: {  	[sflag:s20] =	ssyncset.done $0x0  }
0xd8: {  	[sflag:s20] =	ssyncadd.s32 $0xFFFFD800  }
0xd9: {  	_ =	sfence.sel $0x180000  }
0xda: {  	[bflag:$0x0] =	sbarrier.arrive $0xFFFF  }
0xdb: {  	_ =	strace $0x90000047  }
0xdc: {  	s0 =	stileid.u32;
	[bflag:$0x2] =	sbarrier.arrive $0xFFFF  }
0xdd: {  	p0 =	sne.s32 s0, $0x0;
	s0 =	rddreg [dreg:$0x2]  }
0xde: {  	s0 =	sadd.s32 @!p0 $0x100000, s0  }
0xdf: {  	[sflag:s0] =	ssyncadd.tile.s32 @!p0 $0x1;
	_ =	shalt  }
.Lfunc_end2:
_tile_overlayer_lowered:
.L_overlay_start_2:
0xe0: {  	(tag) =	ssettag $0x2  }
0xe1: {  	s0 =	rddreg [dreg:$0x0];
	s2 =	stileid.u32  }
0xe2: {  	s1 =	rddreg [dreg:$0x1];
	p0 =	sne.s32 s2, $0x0  }
0xe3: {  	s3 =	rddreg [dreg:$0x2];
	[bflag:$0x3] =	sbarrier.arrive $0xFFFF;
	s2 =	simm.s32 @!p0 $0x1C03  }
0xe4: {  	[timem:s3], [sflag:s2] =	dma.local @!p0 [hbm:s0], s1  }
0xe5: {  	s0 =	simm.s32 @!p0 $0x3  }
0xe6: {  	_ =	swait.ge @!p0 [sflag:s0], s1  }
0xe7: {  	s1 =	ssub.s32 @!p0 $0x0, s1;
	[sflag:s0] =	ssyncset.done @!p0 $0x0  }
0xe8: {  	[sflag:s0] =	ssyncadd.s32 @!p0 s1  }
0xe9: {  	[bflag:$0x3] =	sbarrier.arrive $0xFFFF  }
0xea: {  	_ =	shalt  }

// kernel: kernel.15.cloned.1.call-start
scs
__scs_entry_jumppad:
0x0: {  	(pc) =	sbr.rel $0x88, $3  }
0x1: {  	(tag) =	ssettag $0x0;
	lr =	simm.s32 $0x1  }
0x2: {  	[smem:$0x3F94] =	sst lr;
	_ =	strace $0xD0000000  }
0x3: {  	_ = 	snop  }
0x4: {  	_ = 	snop  }
0x5: {  	_ = 	snop  }
0x6: {  	_ = 	snop  }
0x7: {  	_ = 	snop  }
__scs_overlays_trampoline_lowered:
0x8: {  	[smem:$0x3FA3] =	sst s0  }
0x9: {  	[smem:$0x3FA4] =	sst s1  }
0xa: {  	[smem:$0x3FA5] =	sst s2  }
0xb: {  	[smem:$0x3FA6] =	sst s3  }
0xc: {  	[smem:$0x3FA7] =	sst s4  }
0xd: {  	[smem:$0x3FA8] =	sst s5  }
0xe: {  	[smem:$0x3FA9] =	sst s6  }
0xf: {  	[smem:$0x3FAA] =	sst s7  }
0x10: {  	[smem:$0x3FAB] =	sst s8  }
0x11: {  	[smem:$0x3FAC] =	sst s9;
	s0 =	simm.s32 @!p0 $0x0  }
0x12: {  	s1 =	sld [smem:$0x3F92];
	s0 =	simm.s32 @p0 $0x1  }
0x13: {  	[smem:$0x3FAD] =	sst s0;
	s0 =	simm.s32 @!p1 $0x0  }
0x14: {  	s2 =	sld [smem:$0x3F91];
	s0 =	simm.s32 @p1 $0x1  }
0x15: {  	[smem:$0x3FAE] =	sst s0;
	s0 =	simm.s32 @!p2 $0x0  }
0x16: {  	s3 =	sld [smem:$0x3FDB];
	s0 =	simm.s32 @p2 $0x1  }
0x17: {  	s4 =	simm.s32 $0x1BF5;
	[smem:$0x3FB0] =	sst s0  }
0x18: {  	s0 =	sld [smem:$0x3F93];
	_ =	swait.ge [sflag:s4], $0x0  }
0x19: {  	s7 =	sld [smem:$0x3F94]  }
0x1a: {  	s8 =	sadd.s32 $0xFFFFE003, lr  }
0x1b: {  	s9 =	sadd.s32 $0xFFFFFEF7, lr;
	s5 =	simm.s32 $0xFFFFFFFF;
	p2 =	slt.u32 s8, $0xFFFFF086  }
0x1c: {  	p1 =	slt.u32 s9, $0xF7A;
	s5 =	simm.s32 @!p2 $0x0  }
0x1d: {  	s5 =	simm.s32 @p1 $0x1;
	p0 =	seq.s32 s7, s2  }
0x1e: {  	s7 =	smul.u32 @!p0 $0xF7A, s2;
	p2 =	seq.s32 @!p0 s5, $0x0  }
0x1f: {  	s9 =	smul.u32 $0xF7A, s1;
	s8 =	simm.s32 @!p0 $0x1BF5;
	p2 =	por !p2, p0  }
0x20: {  	[sflag:s8] =	ssyncset.s32 @!p0 $0xFFFFF086;
	s6 =	sadd.s32 @!p0 s3, s7;
	s7 =	simm.s32 @!p0 $0x108  }
0x21: {  	s3 =	sadd.s32 s3, s9;
	s6 =	sadd.s32 @!p0 $0x88, s6;
	s7 =	simm.s32 @p2 $0x1082  }
0x22: {  	[simem:s7], [sflag:s8] =	dma.local @!p0 [hbm:s6], $0xF7A  }
0x23: {  	s9 =	sor.u32 $0xD0000000, s2;
	s6 =	simm.s32 $0x108;
	_ =	swait.ge @!p0 [sflag:s8], $0x0  }
0x24: {  	s3 =	sadd.s32 $0x88, s3;
	s6 =	simm.s32 @!p1 $0x1082;
	[sflag:s4] =	ssyncset.s32 $0xFFFFF086  }
0x25: {  	[simem:s6], [sflag:s4] =	dma.local [hbm:s3], $0xF7A  }
0x26: {  	[smem:$0x3F94] =	sst s1;
	(tag) =	ssettag s2;
	_ =	strace s9  }
0x27: {  	s1 =	sld [smem:$0x3FA4]  }
0x28: {  	s2 =	sld [smem:$0x3FA5]  }
0x29: {  	s4 =	sld [smem:$0x3FA7]  }
0x2a: {  	p0 =	seq.s32 s5, $0x0;
	s5 =	sld [smem:$0x3FA8]  }
0x2b: {  	s6 =	sld [smem:$0x3FA9]  }
0x2c: {  	s7 =	sld [smem:$0x3FAA]  }
0x2d: {  	s3 =	simm.s32 $0x108;
	s8 =	sld [smem:$0x3FAB]  }
0x2e: {  	s3 =	simm.s32 @!p0 $0x1082;
	s9 =	sld [smem:$0x3FAC]  }
0x2f: {  	lr =	sadd.s32 s0, s3;
	s0 =	sld [smem:$0x3FA3]  }
0x30: {  	s3 =	sld [smem:$0x3FA6]  }
0x31: {  	[smem:$0x3FAF] =	sst s10  }
0x32: {  	s10 =	sld [smem:$0x3FAD];
	_ =	sdelay $0x3  }
0x33: {  	p0 =	seq.s32 s10, $0x1;
	s10 =	sld [smem:$0x3FAF];
	_ =	sdelay $0x3  }
0x34: {  	[smem:$0x3FAF] =	sst s10  }
0x35: {  	s10 =	sld [smem:$0x3FAE];
	_ =	sdelay $0x3  }
0x36: {  	p1 =	seq.s32 s10, $0x1;
	s10 =	sld [smem:$0x3FAF];
	_ =	sdelay $0x3  }
0x37: {  	[smem:$0x3FAF] =	sst s10  }
0x38: {  	s10 =	sld [smem:$0x3FB0]  }
0x39: {  	_ = 	snop;
	(pc) =	sbr.ind lr, $3  }
0x3a: {  	_ = 	snop  }
0x3b: {  	_ = 	snop  }
0x3c: {  	p2 =	seq.s32 s10, $0x1;
	s10 =	sld [smem:$0x3FAF]  }
0x3d: {  	_ =	shalt  }
0x3e: {  	_ =	shalt  }
0x3f: {  	_ =	shalt  }
0x40: {  	_ =	shalt  }
0x41: {  	_ =	shalt  }
0x42: {  	_ =	shalt  }
0x43: {  	_ =	shalt  }
0x44: {  	_ =	shalt  }
0x45: {  	_ =	shalt  }
0x46: {  	_ =	shalt  }
0x47: {  	_ =	shalt  }
0x48: {  	_ =	shalt  }
0x49: {  	_ =	shalt  }
0x4a: {  	_ =	shalt  }
0x4b: {  	_ =	shalt  }
0x4c: {  	_ =	shalt  }
0x4d: {  	_ =	shalt  }
0x4e: {  	_ =	shalt  }
0x4f: {  	_ =	shalt  }
0x50: {  	_ =	shalt  }
0x51: {  	_ =	shalt  }
0x52: {  	_ =	shalt  }
0x53: {  	_ =	shalt  }
0x54: {  	_ =	shalt  }
0x55: {  	_ =	shalt  }
0x56: {  	_ =	shalt  }
0x57: {  	_ =	shalt  }
0x58: {  	_ =	shalt  }
0x59: {  	_ =	shalt  }
0x5a: {  	_ =	shalt  }
0x5b: {  	_ =	shalt  }
0x5c: {  	_ =	shalt  }
0x5d: {  	_ =	shalt  }
0x5e: {  	_ =	shalt  }
0x5f: {  	_ =	shalt  }
0x60: {  	_ =	shalt  }
0x61: {  	_ =	shalt  }
0x62: {  	_ =	shalt  }
0x63: {  	_ =	shalt  }
0x64: {  	_ =	shalt  }
0x65: {  	_ =	shalt  }
0x66: {  	_ =	shalt  }
0x67: {  	_ =	shalt  }
0x68: {  	_ =	shalt  }
0x69: {  	_ =	shalt  }
0x6a: {  	_ =	shalt  }
0x6b: {  	_ =	shalt  }
0x6c: {  	_ =	shalt  }
0x6d: {  	_ =	shalt  }
0x6e: {  	_ =	shalt  }
0x6f: {  	_ =	shalt  }
0x70: {  	_ =	shalt  }
0x71: {  	_ =	shalt  }
0x72: {  	_ =	shalt  }
0x73: {  	_ =	shalt  }
0x74: {  	_ =	shalt  }
0x75: {  	_ =	shalt  }
0x76: {  	_ =	shalt  }
0x77: {  	_ =	shalt  }
0x78: {  	_ =	shalt  }
0x79: {  	_ =	shalt  }
0x7a: {  	_ =	shalt  }
0x7b: {  	_ =	shalt  }
0x7c: {  	_ =	shalt  }
0x7d: {  	_ =	shalt  }
0x7e: {  	_ =	shalt  }
0x7f: {  	_ =	shalt  }
0x80: {  	_ =	shalt  }
0x81: {  	_ =	shalt  }
0x82: {  	_ =	shalt  }
0x83: {  	_ =	shalt  }
0x84: {  	_ =	shalt  }
0x85: {  	_ =	shalt  }
0x86: {  	_ =	shalt  }
0x87: {  	_ =	shalt  }
.Lfunc_end0:
.L_simem_size_0:
called_computation.2_lowered:
.L_overlay_start_0:
0x88: {  	s2 =	sld [smem:$0x3FD9]  }
0x89: {  	s3 =	sld [smem:$0x3FFE];
	_ =	sdelay $0x1  }
0x8a: {  	s1 =	srdreg.scid  }
0x8b: {  	s0 =	sand.u32 $0x1, s1  }
0x8c: {  	s16 =	sshll.u32 s0, $0xA;
	s2 =	sadd.s32 s3, s2  }
0x8d: {  	s2 =	sadd.s32 s2, s16  }
0x8e: {  	[smem:$0x3FBB] =	sst s2  }
0x8f: {  	_ = 	snop  }
0x90: {  	(tm) =	ssettm $0x1  }
0x91: {  	s17 =	sld [smem:$0x3FFB];
	_ =	sdelay $0x3  }
0x92: {  	_ =	strace s17  }
0x93: {  	s2 =	sld [smem:$0x3FFC];
	_ =	sdelay $0x3  }
0x94: {  	_ =	strace s2  }
0x95: {  	s2 =	sld [smem:$0x3FFD];
	_ =	sdelay $0x3  }
0x96: {  	_ =	strace s2  }
0x97: {  	_ =	strace $0x8FFFFFFF  }
0x98: {  	s18 =	sld [smem:$0x3FDB];
	_ =	sdelay $0x1  }
0x99: {  	s19 =	simm.s32 $_scs_section_size  }
0x9a: {  	s4 =	simm.s32 $_size__tile_overlayer_lowered;
	s5 =	simm.s32 $_tile_overlayer_lowered  }
0x9b: {  	s22 =	simm.s32 $0x1BFF;
	s21 =	sshll.u32 s5, $0x1;
	s2 =	sadd.s32 s19, s18  }
0x9c: {  	s6 =	simm.s32 $0x0;
	s20 =	sshll.u32 s4, $0x1;
	s4 =	sadd.s32 s21, s2  }
0x9d: {  	[timem:s6], [sflag:s22] =	dma.local [hbm:s4], s20  }
0x9e: {  	_ =	swait.ge [sflag:s22], s20  }
0x9f: {  	s3 =	ssub.s32 $0x0, s20;
	[sflag:s22] =	ssyncset.done $0x0  }
0xa0: {  	[sflag:s22] =	ssyncadd.s32 s3;
	_ =	sdelay $0x1  }
0xa1: {  	s23 =	simm.s32 $0x1B8B  }
0xa2: {  	_ =	swait.ge [sflag:s23], $0x1  }
0xa3: {  	[sflag:s23] =	ssyncset.done $0x0  }
0xa4: {  	s25 =	simm.s32 $0x1B8E;
	s24 =	sld [smem:$0x3FFE];
	[sflag:s23] =	ssyncadd.s32 $0xFFFFFFFF  }
0xa5: {  	s26 =	simm.s32 $execute0_lowered;
	[smem:$0x3FD2] =	sst s25  }
0xa6: {  	s4 =	sshll.u32 s26, $0x1;
	_ =	strace $0x8000004C;
	[dreg:$0x1] =	wrdreg $0xFFFFFFFF  }
0xa7: {  	s28 =	simm.s32 $_size_execute0_lowered;
	s2 =	sadd.s32 s2, s4;
	[dreg:$0x0] =	wrdreg $0x0  }
0xa8: {  	s4 =	sshll.u32 s28, $0x1;
	[dreg:$0x2] =	wrdreg s2  }
0xa9: {  	[dreg:$0x3] =	wrdreg s4  }
0xaa: {  	[dreg:$0x4] =	wrdreg $0xC0  }
0xab: {  	_ =	task [dreg:s6], $0x5FFFF  }
0xac: {  	[dreg:$0x1] =	wrdreg $0xFFFFFFFF  }
0xad: {  	[dreg:$0x0] =	wrdreg $0x60  }
0xae: {  	[dreg:$0x2] =	wrdreg s24  }
0xaf: {  	[dreg:$0x3] =	wrdreg $0x90000  }
0xb0: {  	[dreg:$0x4] =	wrdreg $0x9  }
0xb1: {  	_ =	task.clear_ibuf [dreg:s6], $0x5FFFF;
	_ =	strace $0x9000004C  }
0xb2: {  	s29 =	simm.s32 $0x9;
	_ =	strace $0x8000004E  }
0xb3: {  	_ =	swait.ge [sflag:s29], $0x1  }
0xb4: {  	[sflag:s29] =	ssyncadd.s32 $0xFFFFFFFF  }
0xb5: {  	_ =	strace $0x9000004E  }
0xb6: {  	_ =	sfence  }
0xb7: {  	s30 =	sld [smem:$0x0];
	_ =	sdelay $0x2  }
0xb8: {  	s31 =	sshll.u32 s1, $0xD;
	s1 =	sshrl.u32 s1, $0x2  }
0xb9: {  	s3 =	sand.u32 $0x4000, s31;
	s1 =	sadd.s32 s1, s30  }
0xba: {  	s0 =	sor.u32 s3, s0;
	s1 =	sshll.u32 s1, $0x11  }
0xbb: {  	s0 =	sor.u32 s1, s0  }
0xbc: {  	s0 =	sadd.s32 $0x8F2B, s0  }
0xbd: {  	[sflag:s0] =	ssyncadd.remote.s32 $0x1  }
0xbe: {  	_ =	sfence.sel $0xFFFF  }
0xbf: {  	[dreg:$0x0] =	wrdreg $0xFFFFFFFF;
	(pc) =	sbr.abs _section_cstart, $3  }
0xc0: {  	[dreg:$0x1] =	wrdreg $0xFFFFFFFF  }
0xc1: {  	_ =	task.clear_ibuf [dreg:s6], $0x2FFFF;
	_ =	strace $0x9FFFFFFF  }
0xc2: {  	(tm) =	ssettm $0x7FFFFFFF  }
0xc3: {  	_ =	shalt  }
tec
execute0_lowered:
.L_overlay_start_1:
0x0: {  	(tag) =	ssettag $0x1  }
0x1: {  	s0 =	rddreg [dreg:$0x0]  }
0x2: {  	s1 =	rddreg [dreg:$0x1];
	s2 =	srdreg.scid  }
0x3: {  	s4 =	simm.s32 $0x0;
	s3 =	stileid.u32;
	s19 =	simm.s32 $0x4000  }
0x4: {  	s20 =	simm.s32 $0x3;
	s21 =	simm.s32 $0x2000;
	s22 =	simm.s32 $0x50  }
0x5: {  	s23 =	simm.s32 $0x6800;
	s24 =	simm.s32 $0x1;
	s25 =	simm.s32 $0x2  }
0x6: {  	s28 =	simm.s32 $0x3F00;
	s29 =	simm.s32 $0x3F80;
	s30 =	simm.s32 $0x0  }
0x7: {  	s2 =	sand.u32 $0x1, s2;
	[smem:$0x7FF] =	sst s4;
	s6 =	smul.u32 $0x14000, s3  }
0x8: {  	s7 =	smul.u32 $0x50000, s3;
	s4 =	sadd.s32 $0x23E00, s0;
	s15 =	sadd.s32 $0x3E00, s0  }
0x9: {  	s16 =	sadd.s32 $0x13E00, s0;
	s13 =	sshll.u32 s3, $0xB;
	s5 =	smul.u32 $0x140000, s2  }
0xa: {  	_ =	strace $0x8000004D;
	s26 =	ssub.s32 $0x2, s2;
	s2 =	sshll.u32 s2, $0xF  }
0xb: {  	s7 =	sshrl.u32 s7, $0x2;
	s9 =	sshrl.u32 s26, $0x1;
	s2 =	sor.u32 s13, s2  }
0xc: {  	s5 =	sadd.s32 s6, s5;
	s18 =	ssub.s32 s26, s9;
	s13 =	sadd.s32 s15, s2  }
0xd: {  	s14 =	sadd.s32 s16, s2;
	s2 =	sor.u32 $0x400, s2;
	s26 =	simm.s32 $0x1F80  }
0xe: {  	s8 =	sshrl.u32 s5, $0x3;
	s5 =	sadd.s32 s7, s1;
	s15 =	sadd.s32 s15, s2  }
0xf: {  	s16 =	sadd.s32 s16, s2;
	s18 =	smax.u32 s18, $0x1;
	s0 =	sadd.s32 s8, s0  }
0x10: {  	s31 =	sadd.s32 $0x2800, s5;
	s7 =	sadd.s32 $0x5000, s5;
	s8 =	sadd.s32 $0x7800, s5  }
0x11: {  	s9 =	sadd.s32 $0xA000, s5;
	s10 =	sadd.s32 $0xC800, s5;
	s11 =	sadd.s32 $0xF000, s5  }
0x12: {  	v0 =	vimm.f32 $0.0e+00;
	s12 =	sadd.s32 $0x11800, s5;
	[dreg:$0x3] =	wrdreg s31;
	s17 =	sadd.s32 $0x4BE00, s0  }
.LBB2_1:
0x13: {  	s2 =	simm.s32 $0x0  }
0x14: {  	s0 =	sand.u32 $0xFE00, s2  }
0x15: {  	s2 =	sand.u32 $0x70, s2;
	s0 =	sshrl.u32 s0, $0x2  }
0x16: {  	s31 =	simm.s32 $0x40;
	s2 =	sor.u32 s2, s0;
	s0 =	simm.s32 $0x0  }
.LBB2_2:
0x17: {  	p0 =	sne.s32 s31, $0x9FC0  }
0x18: {  	[tilespmem:s2+$0x4000] =	vst v0;
	s0 =	sadd.s32 $0x10, s0;
	s2 =	smov.u32 s31;
	s31 =	sadd.s32 $0x40, s31  }
.Ltmp0:
0x19: {  	(pc) =	sbr.rel @p0 .LBB2_2-.Ltmp0, $4  }
0x1a: {  	_ = 	snop  }
0x1b: {  	s2 =	sand.u32 $0xFE00, s2  }
0x1c: {  	s3 =	sand.u32 $0x70, s0;
	s2 =	sshrl.u32 s2, $0x2  }
0x1d: {  	s2 =	sor.u32 s3, s2  }
0x1e: {  	[tilespmem:s2+$0x4000] =	vst v0  }
0x1f: {  	[spmem:s5] =	stream.linear.scatter [tilespmem:s19], [sflag:$0x3], $0x2800, $0x38;
	[tilespmem:$0x1D000] =	vst v63  }
0x20: {  	_ =	swait.ge [sflag:s20], $0x2800  }
0x21: {  	[sflag:s20] =	ssyncset.done $0x0  }
0x22: {  	s0 =	rddreg [dreg:$0x3];
	[sflag:s20] =	ssyncadd.s32 $0xFFFFD800  }
0x23: {  	[spmem:s0] =	stream.linear.scatter [tilespmem:s19], [sflag:$0x3], $0x2800, $0x38;
	[tilespmem:$0x1D000] =	vst v63  }
0x24: {  	_ =	swait.ge [sflag:s20], $0x2800  }
0x25: {  	[sflag:s20] =	ssyncset.done $0x0  }
0x26: {  	[sflag:s20] =	ssyncadd.s32 $0xFFFFD800  }
0x27: {  	[spmem:s7] =	stream.linear.scatter [tilespmem:s19], [sflag:$0x3], $0x2800, $0x38;
	[tilespmem:$0x1D000] =	vst v63  }
0x28: {  	_ =	swait.ge [sflag:s20], $0x2800  }
0x29: {  	[sflag:s20] =	ssyncset.done $0x0  }
0x2a: {  	[sflag:s20] =	ssyncadd.s32 $0xFFFFD800  }
0x2b: {  	[spmem:s8] =	stream.linear.scatter [tilespmem:s19], [sflag:$0x3], $0x2800, $0x38;
	[tilespmem:$0x1D000] =	vst v63  }
0x2c: {  	_ =	swait.ge [sflag:s20], $0x2800  }
0x2d: {  	[sflag:s20] =	ssyncset.done $0x0  }
0x2e: {  	[sflag:s20] =	ssyncadd.s32 $0xFFFFD800  }
0x2f: {  	[spmem:s9] =	stream.linear.scatter [tilespmem:s19], [sflag:$0x3], $0x2800, $0x38;
	[tilespmem:$0x1D000] =	vst v63  }
0x30: {  	_ =	swait.ge [sflag:s20], $0x2800  }
0x31: {  	[sflag:s20] =	ssyncset.done $0x0  }
0x32: {  	[sflag:s20] =	ssyncadd.s32 $0xFFFFD800  }
0x33: {  	[spmem:s10] =	stream.linear.scatter [tilespmem:s19], [sflag:$0x3], $0x2800, $0x38;
	[tilespmem:$0x1D000] =	vst v63  }
0x34: {  	_ =	swait.ge [sflag:s20], $0x2800  }
0x35: {  	[sflag:s20] =	ssyncset.done $0x0  }
0x36: {  	[sflag:s20] =	ssyncadd.s32 $0xFFFFD800  }
0x37: {  	[spmem:s11] =	stream.linear.scatter [tilespmem:s19], [sflag:$0x3], $0x2800, $0x38;
	[tilespmem:$0x1D000] =	vst v63  }
0x38: {  	_ =	swait.ge [sflag:s20], $0x2800  }
0x39: {  	[sflag:s20] =	ssyncset.done $0x0  }
0x3a: {  	[sflag:s20] =	ssyncadd.s32 $0xFFFFD800  }
0x3b: {  	[spmem:s12] =	stream.linear.scatter [tilespmem:s19], [sflag:$0x3], $0x2800, $0x38;
	[tilespmem:$0x1D000] =	vst v63  }
0x3c: {  	_ =	swait.ge [sflag:s20], $0x2800  }
0x3d: {  	[sflag:s20] =	ssyncset.done $0x0  }
0x3e: {  	[sflag:s20] =	ssyncadd.s32 $0xFFFFD800  }
0x3f: {  	s3 =	simm.s32 $0x0;
	[bflag:$0x0] =	sbarrier.arrive $0xFFFF  }
0x40: {  	[tilespmem:s3], [sflag:$0x3] =	stream.linear.gather [hbm4b:s13+s3], $0x2000, $0x38;
	[tilespmem:$0x1D000] =	vst v63  }
0x41: {  	_ =	swait.ge [sflag:s20], $0x2000  }
0x42: {  	[sflag:s20] =	ssyncset.done $0x0  }
0x43: {  	[sflag:s20] =	ssyncadd.s32 $0xFFFFE000  }
0x44: {  	[tilespmem:s21], [sflag:$0x3] =	stream.linear.gather [hbm4b:s14+s3], $0x2000, $0x38;
	[tilespmem:$0x1D000] =	vst v63  }
0x45: {  	_ =	swait.ge [sflag:s20], $0x2000  }
0x46: {  	[sflag:s20] =	ssyncset.done $0x0  }
0x47: {  	[sflag:s20] =	ssyncadd.s32 $0xFFFFE000  }
0x48: {  	[tilespmem:s19], [sflag:$0x1] =	stream.indirect.gather [hbm4b:s4+s22], $0x80, s3, s22, $0xb8;
	[tilespmem:$0x1D000] =	vst v63  }
0x49: {  	s6 =	simm.s32 $0x80  }
0x4a: {  	[tilespmem:s23], [sflag:$0x2] =	stream.indirect.gather [hbm4b:s4+s22], $0x80, s6, s22, $0xb8;
	[tilespmem:$0x1D000] =	vst v63  }
0x4b: {  	_ =	swait.ge [sflag:s24], $0x2800  }
0x4c: {  	[sflag:s24] =	ssyncset.done $0x0  }
0x4d: {  	s2 =	simm.s32 $0x2000;
	[sflag:s24] =	ssyncadd.s32 $0xFFFFD800  }
0x4e: {  	[spmem:s1] =	stream.indirect.scatter.add.f32 [tilespmem:s19], [sflag:$0x3], $0x80, s2, s22, $0xb8;
	[tilespmem:$0x1D000] =	vst v63  }
0x4f: {  	_ =	swait.ge [sflag:s20], $0x2800  }
0x50: {  	[sflag:s20] =	ssyncset.done $0x0  }
0x51: {  	s3 =	simm.s32 $0x100;
	[sflag:s20] =	ssyncadd.s32 $0xFFFFD800  }
0x52: {  	[tilespmem:s19], [sflag:$0x1] =	stream.indirect.gather [hbm4b:s4+s22], $0x80, s3, s22, $0xb8;
	[tilespmem:$0x1D000] =	vst v63  }
0x53: {  	_ =	swait.ge [sflag:s25], $0x2800  }
0x54: {  	[sflag:s25] =	ssyncset.done $0x0  }
0x55: {  	s6 =	simm.s32 $0x2080;
	[sflag:s25] =	ssyncadd.s32 $0xFFFFD800  }
0x56: {  	[spmem:s1] =	stream.indirect.scatter.add.f32 [tilespmem:s23], [sflag:$0x3], $0x80, s6, s22, $0xb8;
	[tilespmem:$0x1D000] =	vst v63  }
0x57: {  	_ =	swait.ge [sflag:s20], $0x2800  }
0x58: {  	s31 =	simm.s32 $0x100;
	s0 =	simm.s32 $0x800;
	[sflag:s20] =	ssyncset.done $0x0  }
.LBB2_4:
0x59: {  	s2 =	sadd.s32 $0x80, s31  }
0x5a: {  	[sflag:s20] =	ssyncadd.s32 $0xFFFFD800;
	s3 =	smov.u32 s0;
	s6 =	sadd.s32 $0x400, s0  }
0x5b: {  	[tilespmem:s23], [sflag:$0x2] =	stream.indirect.gather [hbm4b:s4+s22], $0x80, s2, s22, $0xb8;
	[tilespmem:$0x1D000] =	vst v63  }
0x5c: {  	p0 =	sne.s32 s0, $0x7800;
	_ =	swait.ge [sflag:s24], $0x2800  }
0x5d: {  	[sflag:s24] =	ssyncset.done $0x0  }
0x5e: {  	s0 =	sadd.s32 $0x2000, s31;
	[sflag:s24] =	ssyncadd.s32 $0xFFFFD800  }
0x5f: {  	[spmem:s1] =	stream.indirect.scatter.add.f32 [tilespmem:s19], [sflag:$0x3], $0x80, s0, s22, $0xb8;
	[tilespmem:$0x1D000] =	vst v63  }
0x60: {  	_ =	swait.ge [sflag:s20], $0x2800  }
0x61: {  	[sflag:s20] =	ssyncset.done $0x0  }
0x62: {  	s0 =	sadd.s32 $0x100, s31;
	[sflag:s20] =	ssyncadd.s32 $0xFFFFD800  }
0x63: {  	[tilespmem:s19], [sflag:$0x1] =	stream.indirect.gather [hbm4b:s4+s22], $0x80, s0, s22, $0xb8;
	[tilespmem:$0x1D000] =	vst v63  }
0x64: {  	_ =	swait.ge [sflag:s25], $0x2800  }
.Ltmp1:
0x65: {  	[sflag:s25] =	ssyncset.done $0x0;
	(pc) =	sbr.rel @p0 .LBB2_4-.Ltmp1, $4  }
0x66: {  	s0 =	sadd.s32 $0x2080, s31;
	[sflag:s25] =	ssyncadd.s32 $0xFFFFD800  }
0x67: {  	[spmem:s1] =	stream.indirect.scatter.add.f32 [tilespmem:s23], [sflag:$0x3], $0x80, s0, s22, $0xb8;
	[tilespmem:$0x1D000] =	vst v63  }
0x68: {  	_ =	swait.ge [sflag:s20], $0x2800  }
0x69: {  	s31 =	sshra.s32 s3, $0x2;
	s0 =	smov.u32 s6;
	[sflag:s20] =	ssyncset.done $0x0  }
0x6a: {  	s0 =	sadd.s32 $0x80, s31;
	[sflag:s20] =	ssyncadd.s32 $0xFFFFD800  }
0x6b: {  	[tilespmem:s23], [sflag:$0x2] =	stream.indirect.gather [hbm4b:s4+s22], $0x80, s0, s22, $0xb8;
	[tilespmem:$0x1D000] =	vst v63  }
0x6c: {  	_ =	swait.ge [sflag:s24], $0x2800  }
0x6d: {  	[sflag:s24] =	ssyncset.done $0x0  }
0x6e: {  	s3 =	sadd.s32 $0x2000, s31;
	[sflag:s24] =	ssyncadd.s32 $0xFFFFD800  }
0x6f: {  	[spmem:s1] =	stream.indirect.scatter.add.f32 [tilespmem:s19], [sflag:$0x3], $0x80, s3, s22, $0xb8;
	[tilespmem:$0x1D000] =	vst v63  }
0x70: {  	_ =	swait.ge [sflag:s20], $0x2800  }
0x71: {  	[sflag:s20] =	ssyncset.done $0x0  }
0x72: {  	s6 =	sadd.s32 $0x100, s31;
	[sflag:s20] =	ssyncadd.s32 $0xFFFFD800  }
0x73: {  	[tilespmem:s19], [sflag:$0x1] =	stream.indirect.gather [hbm4b:s4+s22], $0x80, s6, s22, $0xb8;
	[tilespmem:$0x1D000] =	vst v63  }
0x74: {  	_ =	swait.ge [sflag:s25], $0x2800  }
0x75: {  	[sflag:s25] =	ssyncset.done $0x0  }
0x76: {  	s2 =	sadd.s32 $0x2080, s31;
	[sflag:s25] =	ssyncadd.s32 $0xFFFFD800  }
0x77: {  	[spmem:s1] =	stream.indirect.scatter.add.f32 [tilespmem:s23], [sflag:$0x3], $0x80, s2, s22, $0xb8;
	[tilespmem:$0x1D000] =	vst v63  }
0x78: {  	_ =	swait.ge [sflag:s20], $0x2800  }
0x79: {  	[sflag:s20] =	ssyncset.done $0x0  }
0x7a: {  	[sflag:s20] =	ssyncadd.s32 $0xFFFFD800  }
0x7b: {  	[tilespmem:s23], [sflag:$0x2] =	stream.indirect.gather [hbm4b:s4+s22], $0x80, s26, s22, $0xb8;
	[tilespmem:$0x1D000] =	vst v63  }
0x7c: {  	_ =	swait.ge [sflag:s24], $0x2800  }
0x7d: {  	[sflag:s24] =	ssyncset.done $0x0  }
0x7e: {  	[sflag:s24] =	ssyncadd.s32 $0xFFFFD800  }
0x7f: {  	[spmem:s1] =	stream.indirect.scatter.add.f32 [tilespmem:s19], [sflag:$0x3], $0x80, s28, s22, $0xb8;
	[tilespmem:$0x1D000] =	vst v63  }
0x80: {  	_ =	swait.ge [sflag:s20], $0x2800  }
0x81: {  	[sflag:s20] =	ssyncset.done $0x0  }
0x82: {  	[sflag:s20] =	ssyncadd.s32 $0xFFFFD800  }
0x83: {  	_ =	swait.ge [sflag:s25], $0x2800  }
0x84: {  	[sflag:s25] =	ssyncset.done $0x0  }
0x85: {  	[sflag:s25] =	ssyncadd.s32 $0xFFFFD800  }
0x86: {  	[spmem:s1] =	stream.indirect.scatter.add.f32 [tilespmem:s23], [sflag:$0x3], $0x80, s29, s22, $0xb8;
	[tilespmem:$0x1D000] =	vst v63  }
0x87: {  	_ =	swait.ge [sflag:s20], $0x2800  }
0x88: {  	[sflag:s20] =	ssyncset.done $0x0  }
0x89: {  	s3 =	simm.s32 $0x0;
	[sflag:s20] =	ssyncadd.s32 $0xFFFFD800  }
0x8a: {  	[tilespmem:s3], [sflag:$0x3] =	stream.linear.gather [hbm4b:s15+s3], $0x2000, $0x38;
	[tilespmem:$0x1D000] =	vst v63  }
0x8b: {  	_ =	swait.ge [sflag:s20], $0x2000  }
0x8c: {  	[sflag:s20] =	ssyncset.done $0x0  }
0x8d: {  	[sflag:s20] =	ssyncadd.s32 $0xFFFFE000  }
0x8e: {  	[tilespmem:s21], [sflag:$0x3] =	stream.linear.gather [hbm4b:s16+s3], $0x2000, $0x38;
	[tilespmem:$0x1D000] =	vst v63  }
0x8f: {  	_ =	swait.ge [sflag:s20], $0x2000  }
0x90: {  	[sflag:s20] =	ssyncset.done $0x0  }
0x91: {  	[sflag:s20] =	ssyncadd.s32 $0xFFFFE000  }
0x92: {  	[tilespmem:s19], [sflag:$0x1] =	stream.indirect.gather [hbm4b:s4+s22], $0x80, s3, s22, $0xb8;
	[tilespmem:$0x1D000] =	vst v63  }
0x93: {  	s6 =	simm.s32 $0x80  }
0x94: {  	[tilespmem:s23], [sflag:$0x2] =	stream.indirect.gather [hbm4b:s4+s22], $0x80, s6, s22, $0xb8;
	[tilespmem:$0x1D000] =	vst v63  }
0x95: {  	_ =	swait.ge [sflag:s24], $0x2800  }
0x96: {  	[sflag:s24] =	ssyncset.done $0x0  }
0x97: {  	s2 =	simm.s32 $0x2000;
	[sflag:s24] =	ssyncadd.s32 $0xFFFFD800  }
0x98: {  	[spmem:s1] =	stream.indirect.scatter.add.f32 [tilespmem:s19], [sflag:$0x3], $0x80, s2, s22, $0xb8;
	[tilespmem:$0x1D000] =	vst v63  }
0x99: {  	_ =	swait.ge [sflag:s20], $0x2800  }
0x9a: {  	[sflag:s20] =	ssyncset.done $0x0  }
0x9b: {  	s3 =	simm.s32 $0x100;
	[sflag:s20] =	ssyncadd.s32 $0xFFFFD800  }
0x9c: {  	[tilespmem:s19], [sflag:$0x1] =	stream.indirect.gather [hbm4b:s4+s22], $0x80, s3, s22, $0xb8;
	[tilespmem:$0x1D000] =	vst v63  }
0x9d: {  	_ =	swait.ge [sflag:s25], $0x2800  }
0x9e: {  	[sflag:s25] =	ssyncset.done $0x0  }
0x9f: {  	s6 =	simm.s32 $0x2080;
	[sflag:s25] =	ssyncadd.s32 $0xFFFFD800  }
0xa0: {  	[spmem:s1] =	stream.indirect.scatter.add.f32 [tilespmem:s23], [sflag:$0x3], $0x80, s6, s22, $0xb8;
	[tilespmem:$0x1D000] =	vst v63  }
0xa1: {  	_ =	swait.ge [sflag:s20], $0x2800  }
0xa2: {  	s31 =	simm.s32 $0x100;
	s0 =	simm.s32 $0x800;
	[sflag:s20] =	ssyncset.done $0x0  }
.LBB2_6:
0xa3: {  	s2 =	sadd.s32 $0x80, s31  }
0xa4: {  	[sflag:s20] =	ssyncadd.s32 $0xFFFFD800;
	s3 =	smov.u32 s0;
	s6 =	sadd.s32 $0x400, s0  }
0xa5: {  	[tilespmem:s23], [sflag:$0x2] =	stream.indirect.gather [hbm4b:s4+s22], $0x80, s2, s22, $0xb8;
	[tilespmem:$0x1D000] =	vst v63  }
0xa6: {  	p0 =	sne.s32 s0, $0x7800;
	_ =	swait.ge [sflag:s24], $0x2800  }
0xa7: {  	[sflag:s24] =	ssyncset.done $0x0  }
0xa8: {  	s0 =	sadd.s32 $0x2000, s31;
	[sflag:s24] =	ssyncadd.s32 $0xFFFFD800  }
0xa9: {  	[spmem:s1] =	stream.indirect.scatter.add.f32 [tilespmem:s19], [sflag:$0x3], $0x80, s0, s22, $0xb8;
	[tilespmem:$0x1D000] =	vst v63  }
0xaa: {  	_ =	swait.ge [sflag:s20], $0x2800  }
0xab: {  	[sflag:s20] =	ssyncset.done $0x0  }
0xac: {  	s0 =	sadd.s32 $0x100, s31;
	[sflag:s20] =	ssyncadd.s32 $0xFFFFD800  }
0xad: {  	[tilespmem:s19], [sflag:$0x1] =	stream.indirect.gather [hbm4b:s4+s22], $0x80, s0, s22, $0xb8;
	[tilespmem:$0x1D000] =	vst v63  }
0xae: {  	_ =	swait.ge [sflag:s25], $0x2800  }
.Ltmp2:
0xaf: {  	[sflag:s25] =	ssyncset.done $0x0;
	(pc) =	sbr.rel @p0 .LBB2_6-.Ltmp2, $4  }
0xb0: {  	s0 =	sadd.s32 $0x2080, s31;
	[sflag:s25] =	ssyncadd.s32 $0xFFFFD800  }
0xb1: {  	[spmem:s1] =	stream.indirect.scatter.add.f32 [tilespmem:s23], [sflag:$0x3], $0x80, s0, s22, $0xb8;
	[tilespmem:$0x1D000] =	vst v63  }
0xb2: {  	_ =	swait.ge [sflag:s20], $0x2800  }
0xb3: {  	s31 =	sshra.s32 s3, $0x2;
	s0 =	smov.u32 s6;
	[sflag:s20] =	ssyncset.done $0x0  }
0xb4: {  	s0 =	sadd.s32 $0x80, s31;
	[sflag:s20] =	ssyncadd.s32 $0xFFFFD800  }
0xb5: {  	[tilespmem:s23], [sflag:$0x2] =	stream.indirect.gather [hbm4b:s4+s22], $0x80, s0, s22, $0xb8;
	[tilespmem:$0x1D000] =	vst v63  }
0xb6: {  	_ =	swait.ge [sflag:s24], $0x2800  }
0xb7: {  	[sflag:s24] =	ssyncset.done $0x0  }
0xb8: {  	s2 =	sadd.s32 $0x2000, s31;
	[sflag:s24] =	ssyncadd.s32 $0xFFFFD800  }
0xb9: {  	[spmem:s1] =	stream.indirect.scatter.add.f32 [tilespmem:s19], [sflag:$0x3], $0x80, s2, s22, $0xb8;
	[tilespmem:$0x1D000] =	vst v63  }
0xba: {  	_ =	swait.ge [sflag:s20], $0x2800  }
0xbb: {  	[sflag:s20] =	ssyncset.done $0x0  }
0xbc: {  	s3 =	sadd.s32 $0x100, s31;
	[sflag:s20] =	ssyncadd.s32 $0xFFFFD800  }
0xbd: {  	[tilespmem:s19], [sflag:$0x1] =	stream.indirect.gather [hbm4b:s4+s22], $0x80, s3, s22, $0xb8;
	[tilespmem:$0x1D000] =	vst v63  }
0xbe: {  	_ =	swait.ge [sflag:s25], $0x2800  }
0xbf: {  	[sflag:s25] =	ssyncset.done $0x0  }
0xc0: {  	s6 =	sadd.s32 $0x2080, s31;
	[sflag:s25] =	ssyncadd.s32 $0xFFFFD800  }
0xc1: {  	[spmem:s1] =	stream.indirect.scatter.add.f32 [tilespmem:s23], [sflag:$0x3], $0x80, s6, s22, $0xb8;
	[tilespmem:$0x1D000] =	vst v63  }
0xc2: {  	_ =	swait.ge [sflag:s20], $0x2800  }
0xc3: {  	[sflag:s20] =	ssyncset.done $0x0  }
0xc4: {  	[sflag:s20] =	ssyncadd.s32 $0xFFFFD800  }
0xc5: {  	[tilespmem:s23], [sflag:$0x2] =	stream.indirect.gather [hbm4b:s4+s22], $0x80, s26, s22, $0xb8;
	[tilespmem:$0x1D000] =	vst v63  }
0xc6: {  	_ =	swait.ge [sflag:s24], $0x2800  }
0xc7: {  	[sflag:s24] =	ssyncset.done $0x0  }
0xc8: {  	[sflag:s24] =	ssyncadd.s32 $0xFFFFD800  }
0xc9: {  	[spmem:s1] =	stream.indirect.scatter.add.f32 [tilespmem:s19], [sflag:$0x3], $0x80, s28, s22, $0xb8;
	[tilespmem:$0x1D000] =	vst v63  }
0xca: {  	_ =	swait.ge [sflag:s20], $0x2800  }
0xcb: {  	[sflag:s20] =	ssyncset.done $0x0  }
0xcc: {  	[sflag:s20] =	ssyncadd.s32 $0xFFFFD800  }
0xcd: {  	_ =	swait.ge [sflag:s25], $0x2800  }
0xce: {  	[sflag:s25] =	ssyncset.done $0x0  }
0xcf: {  	[sflag:s25] =	ssyncadd.s32 $0xFFFFD800  }
0xd0: {  	[spmem:s1] =	stream.indirect.scatter.add.f32 [tilespmem:s23], [sflag:$0x3], $0x80, s29, s22, $0xb8;
	[tilespmem:$0x1D000] =	vst v63  }
0xd1: {  	s31 =	stileid.u32;
	_ =	swait.ge [sflag:s20], $0x2800  }
0xd2: {  	s30 =	sadd.s32 $0x1, s30;
	s0 =	sshll.u32 s31, $0x6;
	[sflag:s20] =	ssyncset.done $0x0  }
0xd3: {  	p0 =	sne.s32 s30, s18;
	s0 =	sor.u32 $0x1C03, s0;
	[sflag:s20] =	ssyncadd.s32 $0xFFFFD800  }
.Ltmp3:
0xd4: {  	s2 =	sshrl.u32 s5, $0x3;
	[bflag:$0x0] =	sbarrier.arrive $0xFFFF;
	(pc) =	sbr.rel @p0 .LBB2_1-.Ltmp3, $4  }
0xd5: {  	[hbm:s17], [sflag:s0] =	dma.local [spmem:s2], $0x2800  }
0xd6: {  	_ =	swait.ge [sflag:s20], $0x2800  }
0xd7: {  	[sflag:s20] =	ssyncset.done $0x0  }
0xd8: {  	[sflag:s20] =	ssyncadd.s32 $0xFFFFD800  }
0xd9: {  	_ =	sfence.sel $0x180000  }
0xda: {  	[bflag:$0x0] =	sbarrier.arrive $0xFFFF  }
0xdb: {  	_ =	strace $0x9000004D  }
0xdc: {  	s0 =	stileid.u32;
	[bflag:$0x2] =	sbarrier.arrive $0xFFFF  }
0xdd: {  	p0 =	sne.s32 s0, $0x0;
	s0 =	rddreg [dreg:$0x2]  }
0xde: {  	s0 =	sadd.s32 @!p0 $0x100000, s0  }
0xdf: {  	[sflag:s0] =	ssyncadd.tile.s32 @!p0 $0x1;
	_ =	shalt  }
.Lfunc_end2:
_tile_overlayer_lowered:
.L_overlay_start_2:
0xe0: {  	(tag) =	ssettag $0x2  }
0xe1: {  	s0 =	rddreg [dreg:$0x0];
	s2 =	stileid.u32  }
0xe2: {  	s1 =	rddreg [dreg:$0x1];
	p0 =	sne.s32 s2, $0x0  }
0xe3: {  	s3 =	rddreg [dreg:$0x2];
	[bflag:$0x3] =	sbarrier.arrive $0xFFFF;
	s2 =	simm.s32 @!p0 $0x1C03  }
0xe4: {  	[timem:s3], [sflag:s2] =	dma.local @!p0 [hbm:s0], s1  }
0xe5: {  	s0 =	simm.s32 @!p0 $0x3  }
0xe6: {  	_ =	swait.ge @!p0 [sflag:s0], s1  }
0xe7: {  	s1 =	ssub.s32 @!p0 $0x0, s1;
	[sflag:s0] =	ssyncset.done @!p0 $0x0  }
0xe8: {  	[sflag:s0] =	ssyncadd.s32 @!p0 s1  }
0xe9: {  	[bflag:$0x3] =	sbarrier.arrive $0xFFFF  }
0xea: {  	_ =	shalt  }

// kernel: kernel.18.cloned.1.call-start
scs
__scs_entry_jumppad:
0x0: {  	(pc) =	sbr.rel $0x88, $3  }
0x1: {  	(tag) =	ssettag $0x0;
	lr =	simm.s32 $0x1  }
0x2: {  	[smem:$0x3F94] =	sst lr;
	_ =	strace $0xD0000000  }
0x3: {  	_ = 	snop  }
0x4: {  	_ = 	snop  }
0x5: {  	_ = 	snop  }
0x6: {  	_ = 	snop  }
0x7: {  	_ = 	snop  }
__scs_overlays_trampoline_lowered:
0x8: {  	[smem:$0x3FA3] =	sst s0  }
0x9: {  	[smem:$0x3FA4] =	sst s1  }
0xa: {  	[smem:$0x3FA5] =	sst s2  }
0xb: {  	[smem:$0x3FA6] =	sst s3  }
0xc: {  	[smem:$0x3FA7] =	sst s4  }
0xd: {  	[smem:$0x3FA8] =	sst s5  }
0xe: {  	[smem:$0x3FA9] =	sst s6  }
0xf: {  	[smem:$0x3FAA] =	sst s7  }
0x10: {  	[smem:$0x3FAB] =	sst s8  }
0x11: {  	[smem:$0x3FAC] =	sst s9;
	s0 =	simm.s32 @!p0 $0x0  }
0x12: {  	s1 =	sld [smem:$0x3F92];
	s0 =	simm.s32 @p0 $0x1  }
0x13: {  	[smem:$0x3FAD] =	sst s0;
	s0 =	simm.s32 @!p1 $0x0  }
0x14: {  	s2 =	sld [smem:$0x3F91];
	s0 =	simm.s32 @p1 $0x1  }
0x15: {  	[smem:$0x3FAE] =	sst s0;
	s0 =	simm.s32 @!p2 $0x0  }
0x16: {  	s3 =	sld [smem:$0x3FDB];
	s0 =	simm.s32 @p2 $0x1  }
0x17: {  	s4 =	simm.s32 $0x1BF5;
	[smem:$0x3FB0] =	sst s0  }
0x18: {  	s0 =	sld [smem:$0x3F93];
	_ =	swait.ge [sflag:s4], $0x0  }
0x19: {  	s7 =	sld [smem:$0x3F94]  }
0x1a: {  	s8 =	sadd.s32 $0xFFFFE003, lr  }
0x1b: {  	s9 =	sadd.s32 $0xFFFFFEF7, lr;
	s5 =	simm.s32 $0xFFFFFFFF;
	p2 =	slt.u32 s8, $0xFFFFF086  }
0x1c: {  	p1 =	slt.u32 s9, $0xF7A;
	s5 =	simm.s32 @!p2 $0x0  }
0x1d: {  	s5 =	simm.s32 @p1 $0x1;
	p0 =	seq.s32 s7, s2  }
0x1e: {  	s7 =	smul.u32 @!p0 $0xF7A, s2;
	p2 =	seq.s32 @!p0 s5, $0x0  }
0x1f: {  	s9 =	smul.u32 $0xF7A, s1;
	s8 =	simm.s32 @!p0 $0x1BF5;
	p2 =	por !p2, p0  }
0x20: {  	[sflag:s8] =	ssyncset.s32 @!p0 $0xFFFFF086;
	s6 =	sadd.s32 @!p0 s3, s7;
	s7 =	simm.s32 @!p0 $0x108  }
0x21: {  	s3 =	sadd.s32 s3, s9;
	s6 =	sadd.s32 @!p0 $0x88, s6;
	s7 =	simm.s32 @p2 $0x1082  }
0x22: {  	[simem:s7], [sflag:s8] =	dma.local @!p0 [hbm:s6], $0xF7A  }
0x23: {  	s9 =	sor.u32 $0xD0000000, s2;
	s6 =	simm.s32 $0x108;
	_ =	swait.ge @!p0 [sflag:s8], $0x0  }
0x24: {  	s3 =	sadd.s32 $0x88, s3;
	s6 =	simm.s32 @!p1 $0x1082;
	[sflag:s4] =	ssyncset.s32 $0xFFFFF086  }
0x25: {  	[simem:s6], [sflag:s4] =	dma.local [hbm:s3], $0xF7A  }
0x26: {  	[smem:$0x3F94] =	sst s1;
	(tag) =	ssettag s2;
	_ =	strace s9  }
0x27: {  	s1 =	sld [smem:$0x3FA4]  }
0x28: {  	s2 =	sld [smem:$0x3FA5]  }
0x29: {  	s4 =	sld [smem:$0x3FA7]  }
0x2a: {  	p0 =	seq.s32 s5, $0x0;
	s5 =	sld [smem:$0x3FA8]  }
0x2b: {  	s6 =	sld [smem:$0x3FA9]  }
0x2c: {  	s7 =	sld [smem:$0x3FAA]  }
0x2d: {  	s3 =	simm.s32 $0x108;
	s8 =	sld [smem:$0x3FAB]  }
0x2e: {  	s3 =	simm.s32 @!p0 $0x1082;
	s9 =	sld [smem:$0x3FAC]  }
0x2f: {  	lr =	sadd.s32 s0, s3;
	s0 =	sld [smem:$0x3FA3]  }
0x30: {  	s3 =	sld [smem:$0x3FA6]  }
0x31: {  	[smem:$0x3FAF] =	sst s10  }
0x32: {  	s10 =	sld [smem:$0x3FAD];
	_ =	sdelay $0x3  }
0x33: {  	p0 =	seq.s32 s10, $0x1;
	s10 =	sld [smem:$0x3FAF];
	_ =	sdelay $0x3  }
0x34: {  	[smem:$0x3FAF] =	sst s10  }
0x35: {  	s10 =	sld [smem:$0x3FAE];
	_ =	sdelay $0x3  }
0x36: {  	p1 =	seq.s32 s10, $0x1;
	s10 =	sld [smem:$0x3FAF];
	_ =	sdelay $0x3  }
0x37: {  	[smem:$0x3FAF] =	sst s10  }
0x38: {  	s10 =	sld [smem:$0x3FB0]  }
0x39: {  	_ = 	snop;
	(pc) =	sbr.ind lr, $3  }
0x3a: {  	_ = 	snop  }
0x3b: {  	_ = 	snop  }
0x3c: {  	p2 =	seq.s32 s10, $0x1;
	s10 =	sld [smem:$0x3FAF]  }
0x3d: {  	_ =	shalt  }
0x3e: {  	_ =	shalt  }
0x3f: {  	_ =	shalt  }
0x40: {  	_ =	shalt  }
0x41: {  	_ =	shalt  }
0x42: {  	_ =	shalt  }
0x43: {  	_ =	shalt  }
0x44: {  	_ =	shalt  }
0x45: {  	_ =	shalt  }
0x46: {  	_ =	shalt  }
0x47: {  	_ =	shalt  }
0x48: {  	_ =	shalt  }
0x49: {  	_ =	shalt  }
0x4a: {  	_ =	shalt  }
0x4b: {  	_ =	shalt  }
0x4c: {  	_ =	shalt  }
0x4d: {  	_ =	shalt  }
0x4e: {  	_ =	shalt  }
0x4f: {  	_ =	shalt  }
0x50: {  	_ =	shalt  }
0x51: {  	_ =	shalt  }
0x52: {  	_ =	shalt  }
0x53: {  	_ =	shalt  }
0x54: {  	_ =	shalt  }
0x55: {  	_ =	shalt  }
0x56: {  	_ =	shalt  }
0x57: {  	_ =	shalt  }
0x58: {  	_ =	shalt  }
0x59: {  	_ =	shalt  }
0x5a: {  	_ =	shalt  }
0x5b: {  	_ =	shalt  }
0x5c: {  	_ =	shalt  }
0x5d: {  	_ =	shalt  }
0x5e: {  	_ =	shalt  }
0x5f: {  	_ =	shalt  }
0x60: {  	_ =	shalt  }
0x61: {  	_ =	shalt  }
0x62: {  	_ =	shalt  }
0x63: {  	_ =	shalt  }
0x64: {  	_ =	shalt  }
0x65: {  	_ =	shalt  }
0x66: {  	_ =	shalt  }
0x67: {  	_ =	shalt  }
0x68: {  	_ =	shalt  }
0x69: {  	_ =	shalt  }
0x6a: {  	_ =	shalt  }
0x6b: {  	_ =	shalt  }
0x6c: {  	_ =	shalt  }
0x6d: {  	_ =	shalt  }
0x6e: {  	_ =	shalt  }
0x6f: {  	_ =	shalt  }
0x70: {  	_ =	shalt  }
0x71: {  	_ =	shalt  }
0x72: {  	_ =	shalt  }
0x73: {  	_ =	shalt  }
0x74: {  	_ =	shalt  }
0x75: {  	_ =	shalt  }
0x76: {  	_ =	shalt  }
0x77: {  	_ =	shalt  }
0x78: {  	_ =	shalt  }
0x79: {  	_ =	shalt  }
0x7a: {  	_ =	shalt  }
0x7b: {  	_ =	shalt  }
0x7c: {  	_ =	shalt  }
0x7d: {  	_ =	shalt  }
0x7e: {  	_ =	shalt  }
0x7f: {  	_ =	shalt  }
0x80: {  	_ =	shalt  }
0x81: {  	_ =	shalt  }
0x82: {  	_ =	shalt  }
0x83: {  	_ =	shalt  }
0x84: {  	_ =	shalt  }
0x85: {  	_ =	shalt  }
0x86: {  	_ =	shalt  }
0x87: {  	_ =	shalt  }
.Lfunc_end0:
.L_simem_size_0:
called_computation.3_lowered:
.L_overlay_start_0:
0x88: {  	s2 =	sld [smem:$0x3FD9]  }
0x89: {  	s3 =	sld [smem:$0x3FFE];
	_ =	sdelay $0x1  }
0x8a: {  	s1 =	srdreg.scid  }
0x8b: {  	s0 =	sand.u32 $0x1, s1  }
0x8c: {  	s16 =	sshll.u32 s0, $0xA;
	s2 =	sadd.s32 s3, s2  }
0x8d: {  	s2 =	sadd.s32 s2, s16  }
0x8e: {  	[smem:$0x3FBB] =	sst s2  }
0x8f: {  	_ = 	snop  }
0x90: {  	(tm) =	ssettm $0x1  }
0x91: {  	s17 =	sld [smem:$0x3FFB];
	_ =	sdelay $0x3  }
0x92: {  	_ =	strace s17  }
0x93: {  	s2 =	sld [smem:$0x3FFC];
	_ =	sdelay $0x3  }
0x94: {  	_ =	strace s2  }
0x95: {  	s2 =	sld [smem:$0x3FFD];
	_ =	sdelay $0x3  }
0x96: {  	_ =	strace s2  }
0x97: {  	_ =	strace $0x8FFFFFFF  }
0x98: {  	s18 =	sld [smem:$0x3FDB];
	_ =	sdelay $0x1  }
0x99: {  	s19 =	simm.s32 $_scs_section_size  }
0x9a: {  	s4 =	simm.s32 $_size__tile_overlayer_lowered;
	s5 =	simm.s32 $_tile_overlayer_lowered  }
0x9b: {  	s22 =	simm.s32 $0x1BFF;
	s21 =	sshll.u32 s5, $0x1;
	s2 =	sadd.s32 s19, s18  }
0x9c: {  	s6 =	simm.s32 $0x0;
	s20 =	sshll.u32 s4, $0x1;
	s4 =	sadd.s32 s21, s2  }
0x9d: {  	[timem:s6], [sflag:s22] =	dma.local [hbm:s4], s20  }
0x9e: {  	_ =	swait.ge [sflag:s22], s20  }
0x9f: {  	s3 =	ssub.s32 $0x0, s20;
	[sflag:s22] =	ssyncset.done $0x0  }
0xa0: {  	[sflag:s22] =	ssyncadd.s32 s3;
	_ =	sdelay $0x1  }
0xa1: {  	s23 =	simm.s32 $0x1B8B  }
0xa2: {  	_ =	swait.ge [sflag:s23], $0x1  }
0xa3: {  	[sflag:s23] =	ssyncset.done $0x0  }
0xa4: {  	s25 =	simm.s32 $0x1B8E;
	s24 =	sld [smem:$0x3FFE];
	[sflag:s23] =	ssyncadd.s32 $0xFFFFFFFF  }
0xa5: {  	s26 =	simm.s32 $execute0_lowered;
	[smem:$0x3FD2] =	sst s25  }
0xa6: {  	s4 =	sshll.u32 s26, $0x1;
	_ =	strace $0x8000004F;
	[dreg:$0x1] =	wrdreg $0xFFFFFFFF  }
0xa7: {  	s28 =	simm.s32 $_size_execute0_lowered;
	s2 =	sadd.s32 s2, s4;
	[dreg:$0x0] =	wrdreg $0x0  }
0xa8: {  	s4 =	sshll.u32 s28, $0x1;
	[dreg:$0x2] =	wrdreg s2  }
0xa9: {  	[dreg:$0x3] =	wrdreg s4  }
0xaa: {  	[dreg:$0x4] =	wrdreg $0xC0  }
0xab: {  	_ =	task [dreg:s6], $0x5FFFF  }
0xac: {  	[dreg:$0x1] =	wrdreg $0xFFFFFFFF  }
0xad: {  	[dreg:$0x0] =	wrdreg $0x60  }
0xae: {  	[dreg:$0x2] =	wrdreg s24  }
0xaf: {  	[dreg:$0x3] =	wrdreg $0x90000  }
0xb0: {  	[dreg:$0x4] =	wrdreg $0x9  }
0xb1: {  	_ =	task.clear_ibuf [dreg:s6], $0x5FFFF;
	_ =	strace $0x9000004F  }
0xb2: {  	s29 =	simm.s32 $0x9;
	_ =	strace $0x80000051  }
0xb3: {  	_ =	swait.ge [sflag:s29], $0x1  }
0xb4: {  	[sflag:s29] =	ssyncadd.s32 $0xFFFFFFFF  }
0xb5: {  	_ =	strace $0x90000051  }
0xb6: {  	_ =	sfence  }
0xb7: {  	s30 =	sld [smem:$0x0];
	_ =	sdelay $0x2  }
0xb8: {  	s31 =	sshll.u32 s1, $0xD;
	s1 =	sshrl.u32 s1, $0x2  }
0xb9: {  	s3 =	sand.u32 $0x4000, s31;
	s1 =	sadd.s32 s1, s30  }
0xba: {  	s0 =	sor.u32 s3, s0;
	s1 =	sshll.u32 s1, $0x11  }
0xbb: {  	s0 =	sor.u32 s1, s0  }
0xbc: {  	s0 =	sadd.s32 $0x8F2B, s0  }
0xbd: {  	[sflag:s0] =	ssyncadd.remote.s32 $0x1  }
0xbe: {  	_ =	sfence.sel $0xFFFF  }
0xbf: {  	[dreg:$0x0] =	wrdreg $0xFFFFFFFF;
	(pc) =	sbr.abs _section_cstart, $3  }
0xc0: {  	[dreg:$0x1] =	wrdreg $0xFFFFFFFF  }
0xc1: {  	_ =	task.clear_ibuf [dreg:s6], $0x2FFFF;
	_ =	strace $0x9FFFFFFF  }
0xc2: {  	(tm) =	ssettm $0x7FFFFFFF  }
0xc3: {  	_ =	shalt  }
tec
execute0_lowered:
.L_overlay_start_1:
0x0: {  	(tag) =	ssettag $0x1  }
0x1: {  	s0 =	rddreg [dreg:$0x0]  }
0x2: {  	s1 =	rddreg [dreg:$0x1];
	s2 =	srdreg.scid  }
0x3: {  	s4 =	simm.s32 $0x0;
	s3 =	stileid.u32;
	s19 =	simm.s32 $0x4000  }
0x4: {  	s20 =	simm.s32 $0x3;
	s21 =	simm.s32 $0x2000;
	s22 =	simm.s32 $0x50  }
0x5: {  	s23 =	simm.s32 $0x6800;
	s24 =	simm.s32 $0x1;
	s25 =	simm.s32 $0x2  }
0x6: {  	s28 =	simm.s32 $0x3F00;
	s29 =	simm.s32 $0x3F80;
	s30 =	simm.s32 $0x0  }
0x7: {  	s2 =	sand.u32 $0x1, s2;
	[smem:$0x7FF] =	sst s4;
	s6 =	smul.u32 $0x14000, s3  }
0x8: {  	s7 =	smul.u32 $0x50000, s3;
	s4 =	sadd.s32 $0x23E00, s0;
	s15 =	sadd.s32 $0x3E00, s0  }
0x9: {  	s16 =	sadd.s32 $0x13E00, s0;
	s13 =	sshll.u32 s3, $0xB;
	s5 =	smul.u32 $0x140000, s2  }
0xa: {  	_ =	strace $0x80000050;
	s26 =	ssub.s32 $0x2, s2;
	s2 =	sshll.u32 s2, $0xF  }
0xb: {  	s7 =	sshrl.u32 s7, $0x2;
	s9 =	sshrl.u32 s26, $0x1;
	s2 =	sor.u32 s13, s2  }
0xc: {  	s5 =	sadd.s32 s6, s5;
	s18 =	ssub.s32 s26, s9;
	s13 =	sadd.s32 s15, s2  }
0xd: {  	s14 =	sadd.s32 s16, s2;
	s2 =	sor.u32 $0x400, s2;
	s26 =	simm.s32 $0x1F80  }
0xe: {  	s8 =	sshrl.u32 s5, $0x3;
	s5 =	sadd.s32 s7, s1;
	s15 =	sadd.s32 s15, s2  }
0xf: {  	s16 =	sadd.s32 s16, s2;
	s18 =	smax.u32 s18, $0x1;
	s0 =	sadd.s32 s8, s0  }
0x10: {  	s31 =	sadd.s32 $0x2800, s5;
	s7 =	sadd.s32 $0x5000, s5;
	s8 =	sadd.s32 $0x7800, s5  }
0x11: {  	s9 =	sadd.s32 $0xA000, s5;
	s10 =	sadd.s32 $0xC800, s5;
	s11 =	sadd.s32 $0xF000, s5  }
0x12: {  	v0 =	vimm.f32 $0.0e+00;
	s12 =	sadd.s32 $0x11800, s5;
	[dreg:$0x3] =	wrdreg s31;
	s17 =	sadd.s32 $0x4BE00, s0  }
.LBB2_1:
0x13: {  	s2 =	simm.s32 $0x0  }
0x14: {  	s0 =	sand.u32 $0xFE00, s2  }
0x15: {  	s2 =	sand.u32 $0x70, s2;
	s0 =	sshrl.u32 s0, $0x2  }
0x16: {  	s31 =	simm.s32 $0x40;
	s2 =	sor.u32 s2, s0;
	s0 =	simm.s32 $0x0  }
.LBB2_2:
0x17: {  	p0 =	sne.s32 s31, $0x9FC0  }
0x18: {  	[tilespmem:s2+$0x4000] =	vst v0;
	s0 =	sadd.s32 $0x10, s0;
	s2 =	smov.u32 s31;
	s31 =	sadd.s32 $0x40, s31  }
.Ltmp0:
0x19: {  	(pc) =	sbr.rel @p0 .LBB2_2-.Ltmp0, $4  }
0x1a: {  	_ = 	snop  }
0x1b: {  	s2 =	sand.u32 $0xFE00, s2  }
0x1c: {  	s3 =	sand.u32 $0x70, s0;
	s2 =	sshrl.u32 s2, $0x2  }
0x1d: {  	s2 =	sor.u32 s3, s2  }
0x1e: {  	[tilespmem:s2+$0x4000] =	vst v0  }
0x1f: {  	[spmem:s5] =	stream.linear.scatter [tilespmem:s19], [sflag:$0x3], $0x2800, $0x38;
	[tilespmem:$0x1D000] =	vst v63  }
0x20: {  	_ =	swait.ge [sflag:s20], $0x2800  }
0x21: {  	[sflag:s20] =	ssyncset.done $0x0  }
0x22: {  	s0 =	rddreg [dreg:$0x3];
	[sflag:s20] =	ssyncadd.s32 $0xFFFFD800  }
0x23: {  	[spmem:s0] =	stream.linear.scatter [tilespmem:s19], [sflag:$0x3], $0x2800, $0x38;
	[tilespmem:$0x1D000] =	vst v63  }
0x24: {  	_ =	swait.ge [sflag:s20], $0x2800  }
0x25: {  	[sflag:s20] =	ssyncset.done $0x0  }
0x26: {  	[sflag:s20] =	ssyncadd.s32 $0xFFFFD800  }
0x27: {  	[spmem:s7] =	stream.linear.scatter [tilespmem:s19], [sflag:$0x3], $0x2800, $0x38;
	[tilespmem:$0x1D000] =	vst v63  }
0x28: {  	_ =	swait.ge [sflag:s20], $0x2800  }
0x29: {  	[sflag:s20] =	ssyncset.done $0x0  }
0x2a: {  	[sflag:s20] =	ssyncadd.s32 $0xFFFFD800  }
0x2b: {  	[spmem:s8] =	stream.linear.scatter [tilespmem:s19], [sflag:$0x3], $0x2800, $0x38;
	[tilespmem:$0x1D000] =	vst v63  }
0x2c: {  	_ =	swait.ge [sflag:s20], $0x2800  }
0x2d: {  	[sflag:s20] =	ssyncset.done $0x0  }
0x2e: {  	[sflag:s20] =	ssyncadd.s32 $0xFFFFD800  }
0x2f: {  	[spmem:s9] =	stream.linear.scatter [tilespmem:s19], [sflag:$0x3], $0x2800, $0x38;
	[tilespmem:$0x1D000] =	vst v63  }
0x30: {  	_ =	swait.ge [sflag:s20], $0x2800  }
0x31: {  	[sflag:s20] =	ssyncset.done $0x0  }
0x32: {  	[sflag:s20] =	ssyncadd.s32 $0xFFFFD800  }
0x33: {  	[spmem:s10] =	stream.linear.scatter [tilespmem:s19], [sflag:$0x3], $0x2800, $0x38;
	[tilespmem:$0x1D000] =	vst v63  }
0x34: {  	_ =	swait.ge [sflag:s20], $0x2800  }
0x35: {  	[sflag:s20] =	ssyncset.done $0x0  }
0x36: {  	[sflag:s20] =	ssyncadd.s32 $0xFFFFD800  }
0x37: {  	[spmem:s11] =	stream.linear.scatter [tilespmem:s19], [sflag:$0x3], $0x2800, $0x38;
	[tilespmem:$0x1D000] =	vst v63  }
0x38: {  	_ =	swait.ge [sflag:s20], $0x2800  }
0x39: {  	[sflag:s20] =	ssyncset.done $0x0  }
0x3a: {  	[sflag:s20] =	ssyncadd.s32 $0xFFFFD800  }
0x3b: {  	[spmem:s12] =	stream.linear.scatter [tilespmem:s19], [sflag:$0x3], $0x2800, $0x38;
	[tilespmem:$0x1D000] =	vst v63  }
0x3c: {  	_ =	swait.ge [sflag:s20], $0x2800  }
0x3d: {  	[sflag:s20] =	ssyncset.done $0x0  }
0x3e: {  	[sflag:s20] =	ssyncadd.s32 $0xFFFFD800  }
0x3f: {  	s3 =	simm.s32 $0x0;
	[bflag:$0x0] =	sbarrier.arrive $0xFFFF  }
0x40: {  	[tilespmem:s3], [sflag:$0x3] =	stream.linear.gather [hbm4b:s13+s3], $0x2000, $0x38;
	[tilespmem:$0x1D000] =	vst v63  }
0x41: {  	_ =	swait.ge [sflag:s20], $0x2000  }
0x42: {  	[sflag:s20] =	ssyncset.done $0x0  }
0x43: {  	[sflag:s20] =	ssyncadd.s32 $0xFFFFE000  }
0x44: {  	[tilespmem:s21], [sflag:$0x3] =	stream.linear.gather [hbm4b:s14+s3], $0x2000, $0x38;
	[tilespmem:$0x1D000] =	vst v63  }
0x45: {  	_ =	swait.ge [sflag:s20], $0x2000  }
0x46: {  	[sflag:s20] =	ssyncset.done $0x0  }
0x47: {  	[sflag:s20] =	ssyncadd.s32 $0xFFFFE000  }
0x48: {  	[tilespmem:s19], [sflag:$0x1] =	stream.indirect.gather [hbm4b:s4+s22], $0x80, s3, s22, $0xb8;
	[tilespmem:$0x1D000] =	vst v63  }
0x49: {  	s6 =	simm.s32 $0x80  }
0x4a: {  	[tilespmem:s23], [sflag:$0x2] =	stream.indirect.gather [hbm4b:s4+s22], $0x80, s6, s22, $0xb8;
	[tilespmem:$0x1D000] =	vst v63  }
0x4b: {  	_ =	swait.ge [sflag:s24], $0x2800  }
0x4c: {  	[sflag:s24] =	ssyncset.done $0x0  }
0x4d: {  	s2 =	simm.s32 $0x2000;
	[sflag:s24] =	ssyncadd.s32 $0xFFFFD800  }
0x4e: {  	[spmem:s1] =	stream.indirect.scatter.add.f32 [tilespmem:s19], [sflag:$0x3], $0x80, s2, s22, $0xb8;
	[tilespmem:$0x1D000] =	vst v63  }
0x4f: {  	_ =	swait.ge [sflag:s20], $0x2800  }
0x50: {  	[sflag:s20] =	ssyncset.done $0x0  }
0x51: {  	s3 =	simm.s32 $0x100;
	[sflag:s20] =	ssyncadd.s32 $0xFFFFD800  }
0x52: {  	[tilespmem:s19], [sflag:$0x1] =	stream.indirect.gather [hbm4b:s4+s22], $0x80, s3, s22, $0xb8;
	[tilespmem:$0x1D000] =	vst v63  }
0x53: {  	_ =	swait.ge [sflag:s25], $0x2800  }
0x54: {  	[sflag:s25] =	ssyncset.done $0x0  }
0x55: {  	s6 =	simm.s32 $0x2080;
	[sflag:s25] =	ssyncadd.s32 $0xFFFFD800  }
0x56: {  	[spmem:s1] =	stream.indirect.scatter.add.f32 [tilespmem:s23], [sflag:$0x3], $0x80, s6, s22, $0xb8;
	[tilespmem:$0x1D000] =	vst v63  }
0x57: {  	_ =	swait.ge [sflag:s20], $0x2800  }
0x58: {  	s31 =	simm.s32 $0x100;
	s0 =	simm.s32 $0x800;
	[sflag:s20] =	ssyncset.done $0x0  }
.LBB2_4:
0x59: {  	s2 =	sadd.s32 $0x80, s31  }
0x5a: {  	[sflag:s20] =	ssyncadd.s32 $0xFFFFD800;
	s3 =	smov.u32 s0;
	s6 =	sadd.s32 $0x400, s0  }
0x5b: {  	[tilespmem:s23], [sflag:$0x2] =	stream.indirect.gather [hbm4b:s4+s22], $0x80, s2, s22, $0xb8;
	[tilespmem:$0x1D000] =	vst v63  }
0x5c: {  	p0 =	sne.s32 s0, $0x7800;
	_ =	swait.ge [sflag:s24], $0x2800  }
0x5d: {  	[sflag:s24] =	ssyncset.done $0x0  }
0x5e: {  	s0 =	sadd.s32 $0x2000, s31;
	[sflag:s24] =	ssyncadd.s32 $0xFFFFD800  }
0x5f: {  	[spmem:s1] =	stream.indirect.scatter.add.f32 [tilespmem:s19], [sflag:$0x3], $0x80, s0, s22, $0xb8;
	[tilespmem:$0x1D000] =	vst v63  }
0x60: {  	_ =	swait.ge [sflag:s20], $0x2800  }
0x61: {  	[sflag:s20] =	ssyncset.done $0x0  }
0x62: {  	s0 =	sadd.s32 $0x100, s31;
	[sflag:s20] =	ssyncadd.s32 $0xFFFFD800  }
0x63: {  	[tilespmem:s19], [sflag:$0x1] =	stream.indirect.gather [hbm4b:s4+s22], $0x80, s0, s22, $0xb8;
	[tilespmem:$0x1D000] =	vst v63  }
0x64: {  	_ =	swait.ge [sflag:s25], $0x2800  }
.Ltmp1:
0x65: {  	[sflag:s25] =	ssyncset.done $0x0;
	(pc) =	sbr.rel @p0 .LBB2_4-.Ltmp1, $4  }
0x66: {  	s0 =	sadd.s32 $0x2080, s31;
	[sflag:s25] =	ssyncadd.s32 $0xFFFFD800  }
0x67: {  	[spmem:s1] =	stream.indirect.scatter.add.f32 [tilespmem:s23], [sflag:$0x3], $0x80, s0, s22, $0xb8;
	[tilespmem:$0x1D000] =	vst v63  }
0x68: {  	_ =	swait.ge [sflag:s20], $0x2800  }
0x69: {  	s31 =	sshra.s32 s3, $0x2;
	s0 =	smov.u32 s6;
	[sflag:s20] =	ssyncset.done $0x0  }
0x6a: {  	s0 =	sadd.s32 $0x80, s31;
	[sflag:s20] =	ssyncadd.s32 $0xFFFFD800  }
0x6b: {  	[tilespmem:s23], [sflag:$0x2] =	stream.indirect.gather [hbm4b:s4+s22], $0x80, s0, s22, $0xb8;
	[tilespmem:$0x1D000] =	vst v63  }
0x6c: {  	_ =	swait.ge [sflag:s24], $0x2800  }
0x6d: {  	[sflag:s24] =	ssyncset.done $0x0  }
0x6e: {  	s3 =	sadd.s32 $0x2000, s31;
	[sflag:s24] =	ssyncadd.s32 $0xFFFFD800  }
0x6f: {  	[spmem:s1] =	stream.indirect.scatter.add.f32 [tilespmem:s19], [sflag:$0x3], $0x80, s3, s22, $0xb8;
	[tilespmem:$0x1D000] =	vst v63  }
0x70: {  	_ =	swait.ge [sflag:s20], $0x2800  }
0x71: {  	[sflag:s20] =	ssyncset.done $0x0  }
0x72: {  	s6 =	sadd.s32 $0x100, s31;
	[sflag:s20] =	ssyncadd.s32 $0xFFFFD800  }
0x73: {  	[tilespmem:s19], [sflag:$0x1] =	stream.indirect.gather [hbm4b:s4+s22], $0x80, s6, s22, $0xb8;
	[tilespmem:$0x1D000] =	vst v63  }
0x74: {  	_ =	swait.ge [sflag:s25], $0x2800  }
0x75: {  	[sflag:s25] =	ssyncset.done $0x0  }
0x76: {  	s2 =	sadd.s32 $0x2080, s31;
	[sflag:s25] =	ssyncadd.s32 $0xFFFFD800  }
0x77: {  	[spmem:s1] =	stream.indirect.scatter.add.f32 [tilespmem:s23], [sflag:$0x3], $0x80, s2, s22, $0xb8;
	[tilespmem:$0x1D000] =	vst v63  }
0x78: {  	_ =	swait.ge [sflag:s20], $0x2800  }
0x79: {  	[sflag:s20] =	ssyncset.done $0x0  }
0x7a: {  	[sflag:s20] =	ssyncadd.s32 $0xFFFFD800  }
0x7b: {  	[tilespmem:s23], [sflag:$0x2] =	stream.indirect.gather [hbm4b:s4+s22], $0x80, s26, s22, $0xb8;
	[tilespmem:$0x1D000] =	vst v63  }
0x7c: {  	_ =	swait.ge [sflag:s24], $0x2800  }
0x7d: {  	[sflag:s24] =	ssyncset.done $0x0  }
0x7e: {  	[sflag:s24] =	ssyncadd.s32 $0xFFFFD800  }
0x7f: {  	[spmem:s1] =	stream.indirect.scatter.add.f32 [tilespmem:s19], [sflag:$0x3], $0x80, s28, s22, $0xb8;
	[tilespmem:$0x1D000] =	vst v63  }
0x80: {  	_ =	swait.ge [sflag:s20], $0x2800  }
0x81: {  	[sflag:s20] =	ssyncset.done $0x0  }
0x82: {  	[sflag:s20] =	ssyncadd.s32 $0xFFFFD800  }
0x83: {  	_ =	swait.ge [sflag:s25], $0x2800  }
0x84: {  	[sflag:s25] =	ssyncset.done $0x0  }
0x85: {  	[sflag:s25] =	ssyncadd.s32 $0xFFFFD800  }
0x86: {  	[spmem:s1] =	stream.indirect.scatter.add.f32 [tilespmem:s23], [sflag:$0x3], $0x80, s29, s22, $0xb8;
	[tilespmem:$0x1D000] =	vst v63  }
0x87: {  	_ =	swait.ge [sflag:s20], $0x2800  }
0x88: {  	[sflag:s20] =	ssyncset.done $0x0  }
0x89: {  	s3 =	simm.s32 $0x0;
	[sflag:s20] =	ssyncadd.s32 $0xFFFFD800  }
0x8a: {  	[tilespmem:s3], [sflag:$0x3] =	stream.linear.gather [hbm4b:s15+s3], $0x2000, $0x38;
	[tilespmem:$0x1D000] =	vst v63  }
0x8b: {  	_ =	swait.ge [sflag:s20], $0x2000  }
0x8c: {  	[sflag:s20] =	ssyncset.done $0x0  }
0x8d: {  	[sflag:s20] =	ssyncadd.s32 $0xFFFFE000  }
0x8e: {  	[tilespmem:s21], [sflag:$0x3] =	stream.linear.gather [hbm4b:s16+s3], $0x2000, $0x38;
	[tilespmem:$0x1D000] =	vst v63  }
0x8f: {  	_ =	swait.ge [sflag:s20], $0x2000  }
0x90: {  	[sflag:s20] =	ssyncset.done $0x0  }
0x91: {  	[sflag:s20] =	ssyncadd.s32 $0xFFFFE000  }
0x92: {  	[tilespmem:s19], [sflag:$0x1] =	stream.indirect.gather [hbm4b:s4+s22], $0x80, s3, s22, $0xb8;
	[tilespmem:$0x1D000] =	vst v63  }
0x93: {  	s6 =	simm.s32 $0x80  }
0x94: {  	[tilespmem:s23], [sflag:$0x2] =	stream.indirect.gather [hbm4b:s4+s22], $0x80, s6, s22, $0xb8;
	[tilespmem:$0x1D000] =	vst v63  }
0x95: {  	_ =	swait.ge [sflag:s24], $0x2800  }
0x96: {  	[sflag:s24] =	ssyncset.done $0x0  }
0x97: {  	s2 =	simm.s32 $0x2000;
	[sflag:s24] =	ssyncadd.s32 $0xFFFFD800  }
0x98: {  	[spmem:s1] =	stream.indirect.scatter.add.f32 [tilespmem:s19], [sflag:$0x3], $0x80, s2, s22, $0xb8;
	[tilespmem:$0x1D000] =	vst v63  }
0x99: {  	_ =	swait.ge [sflag:s20], $0x2800  }
0x9a: {  	[sflag:s20] =	ssyncset.done $0x0  }
0x9b: {  	s3 =	simm.s32 $0x100;
	[sflag:s20] =	ssyncadd.s32 $0xFFFFD800  }
0x9c: {  	[tilespmem:s19], [sflag:$0x1] =	stream.indirect.gather [hbm4b:s4+s22], $0x80, s3, s22, $0xb8;
	[tilespmem:$0x1D000] =	vst v63  }
0x9d: {  	_ =	swait.ge [sflag:s25], $0x2800  }
0x9e: {  	[sflag:s25] =	ssyncset.done $0x0  }
0x9f: {  	s6 =	simm.s32 $0x2080;
	[sflag:s25] =	ssyncadd.s32 $0xFFFFD800  }
0xa0: {  	[spmem:s1] =	stream.indirect.scatter.add.f32 [tilespmem:s23], [sflag:$0x3], $0x80, s6, s22, $0xb8;
	[tilespmem:$0x1D000] =	vst v63  }
0xa1: {  	_ =	swait.ge [sflag:s20], $0x2800  }
0xa2: {  	s31 =	simm.s32 $0x100;
	s0 =	simm.s32 $0x800;
	[sflag:s20] =	ssyncset.done $0x0  }
.LBB2_6:
0xa3: {  	s2 =	sadd.s32 $0x80, s31  }
0xa4: {  	[sflag:s20] =	ssyncadd.s32 $0xFFFFD800;
	s3 =	smov.u32 s0;
	s6 =	sadd.s32 $0x400, s0  }
0xa5: {  	[tilespmem:s23], [sflag:$0x2] =	stream.indirect.gather [hbm4b:s4+s22], $0x80, s2, s22, $0xb8;
	[tilespmem:$0x1D000] =	vst v63  }
0xa6: {  	p0 =	sne.s32 s0, $0x7800;
	_ =	swait.ge [sflag:s24], $0x2800  }
0xa7: {  	[sflag:s24] =	ssyncset.done $0x0  }
0xa8: {  	s0 =	sadd.s32 $0x2000, s31;
	[sflag:s24] =	ssyncadd.s32 $0xFFFFD800  }
0xa9: {  	[spmem:s1] =	stream.indirect.scatter.add.f32 [tilespmem:s19], [sflag:$0x3], $0x80, s0, s22, $0xb8;
	[tilespmem:$0x1D000] =	vst v63  }
0xaa: {  	_ =	swait.ge [sflag:s20], $0x2800  }
0xab: {  	[sflag:s20] =	ssyncset.done $0x0  }
0xac: {  	s0 =	sadd.s32 $0x100, s31;
	[sflag:s20] =	ssyncadd.s32 $0xFFFFD800  }
0xad: {  	[tilespmem:s19], [sflag:$0x1] =	stream.indirect.gather [hbm4b:s4+s22], $0x80, s0, s22, $0xb8;
	[tilespmem:$0x1D000] =	vst v63  }
0xae: {  	_ =	swait.ge [sflag:s25], $0x2800  }
.Ltmp2:
0xaf: {  	[sflag:s25] =	ssyncset.done $0x0;
	(pc) =	sbr.rel @p0 .LBB2_6-.Ltmp2, $4  }
0xb0: {  	s0 =	sadd.s32 $0x2080, s31;
	[sflag:s25] =	ssyncadd.s32 $0xFFFFD800  }
0xb1: {  	[spmem:s1] =	stream.indirect.scatter.add.f32 [tilespmem:s23], [sflag:$0x3], $0x80, s0, s22, $0xb8;
	[tilespmem:$0x1D000] =	vst v63  }
0xb2: {  	_ =	swait.ge [sflag:s20], $0x2800  }
0xb3: {  	s31 =	sshra.s32 s3, $0x2;
	s0 =	smov.u32 s6;
	[sflag:s20] =	ssyncset.done $0x0  }
0xb4: {  	s0 =	sadd.s32 $0x80, s31;
	[sflag:s20] =	ssyncadd.s32 $0xFFFFD800  }
0xb5: {  	[tilespmem:s23], [sflag:$0x2] =	stream.indirect.gather [hbm4b:s4+s22], $0x80, s0, s22, $0xb8;
	[tilespmem:$0x1D000] =	vst v63  }
0xb6: {  	_ =	swait.ge [sflag:s24], $0x2800  }
0xb7: {  	[sflag:s24] =	ssyncset.done $0x0  }
0xb8: {  	s2 =	sadd.s32 $0x2000, s31;
	[sflag:s24] =	ssyncadd.s32 $0xFFFFD800  }
0xb9: {  	[spmem:s1] =	stream.indirect.scatter.add.f32 [tilespmem:s19], [sflag:$0x3], $0x80, s2, s22, $0xb8;
	[tilespmem:$0x1D000] =	vst v63  }
0xba: {  	_ =	swait.ge [sflag:s20], $0x2800  }
0xbb: {  	[sflag:s20] =	ssyncset.done $0x0  }
0xbc: {  	s3 =	sadd.s32 $0x100, s31;
	[sflag:s20] =	ssyncadd.s32 $0xFFFFD800  }
0xbd: {  	[tilespmem:s19], [sflag:$0x1] =	stream.indirect.gather [hbm4b:s4+s22], $0x80, s3, s22, $0xb8;
	[tilespmem:$0x1D000] =	vst v63  }
0xbe: {  	_ =	swait.ge [sflag:s25], $0x2800  }
0xbf: {  	[sflag:s25] =	ssyncset.done $0x0  }
0xc0: {  	s6 =	sadd.s32 $0x2080, s31;
	[sflag:s25] =	ssyncadd.s32 $0xFFFFD800  }
0xc1: {  	[spmem:s1] =	stream.indirect.scatter.add.f32 [tilespmem:s23], [sflag:$0x3], $0x80, s6, s22, $0xb8;
	[tilespmem:$0x1D000] =	vst v63  }
0xc2: {  	_ =	swait.ge [sflag:s20], $0x2800  }
0xc3: {  	[sflag:s20] =	ssyncset.done $0x0  }
0xc4: {  	[sflag:s20] =	ssyncadd.s32 $0xFFFFD800  }
0xc5: {  	[tilespmem:s23], [sflag:$0x2] =	stream.indirect.gather [hbm4b:s4+s22], $0x80, s26, s22, $0xb8;
	[tilespmem:$0x1D000] =	vst v63  }
0xc6: {  	_ =	swait.ge [sflag:s24], $0x2800  }
0xc7: {  	[sflag:s24] =	ssyncset.done $0x0  }
0xc8: {  	[sflag:s24] =	ssyncadd.s32 $0xFFFFD800  }
0xc9: {  	[spmem:s1] =	stream.indirect.scatter.add.f32 [tilespmem:s19], [sflag:$0x3], $0x80, s28, s22, $0xb8;
	[tilespmem:$0x1D000] =	vst v63  }
0xca: {  	_ =	swait.ge [sflag:s20], $0x2800  }
0xcb: {  	[sflag:s20] =	ssyncset.done $0x0  }
0xcc: {  	[sflag:s20] =	ssyncadd.s32 $0xFFFFD800  }
0xcd: {  	_ =	swait.ge [sflag:s25], $0x2800  }
0xce: {  	[sflag:s25] =	ssyncset.done $0x0  }
0xcf: {  	[sflag:s25] =	ssyncadd.s32 $0xFFFFD800  }
0xd0: {  	[spmem:s1] =	stream.indirect.scatter.add.f32 [tilespmem:s23], [sflag:$0x3], $0x80, s29, s22, $0xb8;
	[tilespmem:$0x1D000] =	vst v63  }
0xd1: {  	s31 =	stileid.u32;
	_ =	swait.ge [sflag:s20], $0x2800  }
0xd2: {  	s30 =	sadd.s32 $0x1, s30;
	s0 =	sshll.u32 s31, $0x6;
	[sflag:s20] =	ssyncset.done $0x0  }
0xd3: {  	p0 =	sne.s32 s30, s18;
	s0 =	sor.u32 $0x1C03, s0;
	[sflag:s20] =	ssyncadd.s32 $0xFFFFD800  }
.Ltmp3:
0xd4: {  	s2 =	sshrl.u32 s5, $0x3;
	[bflag:$0x0] =	sbarrier.arrive $0xFFFF;
	(pc) =	sbr.rel @p0 .LBB2_1-.Ltmp3, $4  }
0xd5: {  	[hbm:s17], [sflag:s0] =	dma.local [spmem:s2], $0x2800  }
0xd6: {  	_ =	swait.ge [sflag:s20], $0x2800  }
0xd7: {  	[sflag:s20] =	ssyncset.done $0x0  }
0xd8: {  	[sflag:s20] =	ssyncadd.s32 $0xFFFFD800  }
0xd9: {  	_ =	sfence.sel $0x180000  }
0xda: {  	[bflag:$0x0] =	sbarrier.arrive $0xFFFF  }
0xdb: {  	_ =	strace $0x90000050  }
0xdc: {  	s0 =	stileid.u32;
	[bflag:$0x2] =	sbarrier.arrive $0xFFFF  }
0xdd: {  	p0 =	sne.s32 s0, $0x0;
	s0 =	rddreg [dreg:$0x2]  }
0xde: {  	s0 =	sadd.s32 @!p0 $0x100000, s0  }
0xdf: {  	[sflag:s0] =	ssyncadd.tile.s32 @!p0 $0x1;
	_ =	shalt  }
.Lfunc_end2:
_tile_overlayer_lowered:
.L_overlay_start_2:
0xe0: {  	(tag) =	ssettag $0x2  }
0xe1: {  	s0 =	rddreg [dreg:$0x0];
	s2 =	stileid.u32  }
0xe2: {  	s1 =	rddreg [dreg:$0x1];
	p0 =	sne.s32 s2, $0x0  }
0xe3: {  	s3 =	rddreg [dreg:$0x2];
	[bflag:$0x3] =	sbarrier.arrive $0xFFFF;
	s2 =	simm.s32 @!p0 $0x1C03  }
0xe4: {  	[timem:s3], [sflag:s2] =	dma.local @!p0 [hbm:s0], s1  }
0xe5: {  	s0 =	simm.s32 @!p0 $0x3  }
0xe6: {  	_ =	swait.ge @!p0 [sflag:s0], s1  }
0xe7: {  	s1 =	ssub.s32 @!p0 $0x0, s1;
	[sflag:s0] =	ssyncset.done @!p0 $0x0  }
0xe8: {  	[sflag:s0] =	ssyncadd.s32 @!p0 s1  }
0xe9: {  	[bflag:$0x3] =	sbarrier.arrive $0xFFFF  }
0xea: {  	_ =	shalt  }

// kernel: kernel.9.cloned.1.call-start
scs
__scs_entry_jumppad:
0x0: {  	(pc) =	sbr.rel $0x88, $3  }
0x1: {  	(tag) =	ssettag $0x0;
	lr =	simm.s32 $0x1  }
0x2: {  	[smem:$0x3F94] =	sst lr;
	_ =	strace $0xD0000000  }
0x3: {  	_ = 	snop  }
0x4: {  	_ = 	snop  }
0x5: {  	_ = 	snop  }
0x6: {  	_ = 	snop  }
0x7: {  	_ = 	snop  }
__scs_overlays_trampoline_lowered:
0x8: {  	[smem:$0x3FA3] =	sst s0  }
0x9: {  	[smem:$0x3FA4] =	sst s1  }
0xa: {  	[smem:$0x3FA5] =	sst s2  }
0xb: {  	[smem:$0x3FA6] =	sst s3  }
0xc: {  	[smem:$0x3FA7] =	sst s4  }
0xd: {  	[smem:$0x3FA8] =	sst s5  }
0xe: {  	[smem:$0x3FA9] =	sst s6  }
0xf: {  	[smem:$0x3FAA] =	sst s7  }
0x10: {  	[smem:$0x3FAB] =	sst s8  }
0x11: {  	[smem:$0x3FAC] =	sst s9;
	s0 =	simm.s32 @!p0 $0x0  }
0x12: {  	s1 =	sld [smem:$0x3F92];
	s0 =	simm.s32 @p0 $0x1  }
0x13: {  	[smem:$0x3FAD] =	sst s0;
	s0 =	simm.s32 @!p1 $0x0  }
0x14: {  	s2 =	sld [smem:$0x3F91];
	s0 =	simm.s32 @p1 $0x1  }
0x15: {  	[smem:$0x3FAE] =	sst s0;
	s0 =	simm.s32 @!p2 $0x0  }
0x16: {  	s3 =	sld [smem:$0x3FDB];
	s0 =	simm.s32 @p2 $0x1  }
0x17: {  	s4 =	simm.s32 $0x1BF5;
	[smem:$0x3FB0] =	sst s0  }
0x18: {  	s0 =	sld [smem:$0x3F93];
	_ =	swait.ge [sflag:s4], $0x0  }
0x19: {  	s7 =	sld [smem:$0x3F94]  }
0x1a: {  	s8 =	sadd.s32 $0xFFFFE003, lr  }
0x1b: {  	s9 =	sadd.s32 $0xFFFFFEF7, lr;
	s5 =	simm.s32 $0xFFFFFFFF;
	p2 =	slt.u32 s8, $0xFFFFF086  }
0x1c: {  	p1 =	slt.u32 s9, $0xF7A;
	s5 =	simm.s32 @!p2 $0x0  }
0x1d: {  	s5 =	simm.s32 @p1 $0x1;
	p0 =	seq.s32 s7, s2  }
0x1e: {  	s7 =	smul.u32 @!p0 $0xF7A, s2;
	p2 =	seq.s32 @!p0 s5, $0x0  }
0x1f: {  	s9 =	smul.u32 $0xF7A, s1;
	s8 =	simm.s32 @!p0 $0x1BF5;
	p2 =	por !p2, p0  }
0x20: {  	[sflag:s8] =	ssyncset.s32 @!p0 $0xFFFFF086;
	s6 =	sadd.s32 @!p0 s3, s7;
	s7 =	simm.s32 @!p0 $0x108  }
0x21: {  	s3 =	sadd.s32 s3, s9;
	s6 =	sadd.s32 @!p0 $0x88, s6;
	s7 =	simm.s32 @p2 $0x1082  }
0x22: {  	[simem:s7], [sflag:s8] =	dma.local @!p0 [hbm:s6], $0xF7A  }
0x23: {  	s9 =	sor.u32 $0xD0000000, s2;
	s6 =	simm.s32 $0x108;
	_ =	swait.ge @!p0 [sflag:s8], $0x0  }
0x24: {  	s3 =	sadd.s32 $0x88, s3;
	s6 =	simm.s32 @!p1 $0x1082;
	[sflag:s4] =	ssyncset.s32 $0xFFFFF086  }
0x25: {  	[simem:s6], [sflag:s4] =	dma.local [hbm:s3], $0xF7A  }
0x26: {  	[smem:$0x3F94] =	sst s1;
	(tag) =	ssettag s2;
	_ =	strace s9  }
0x27: {  	s1 =	sld [smem:$0x3FA4]  }
0x28: {  	s2 =	sld [smem:$0x3FA5]  }
0x29: {  	s4 =	sld [smem:$0x3FA7]  }
0x2a: {  	p0 =	seq.s32 s5, $0x0;
	s5 =	sld [smem:$0x3FA8]  }
0x2b: {  	s6 =	sld [smem:$0x3FA9]  }
0x2c: {  	s7 =	sld [smem:$0x3FAA]  }
0x2d: {  	s3 =	simm.s32 $0x108;
	s8 =	sld [smem:$0x3FAB]  }
0x2e: {  	s3 =	simm.s32 @!p0 $0x1082;
	s9 =	sld [smem:$0x3FAC]  }
0x2f: {  	lr =	sadd.s32 s0, s3;
	s0 =	sld [smem:$0x3FA3]  }
0x30: {  	s3 =	sld [smem:$0x3FA6]  }
0x31: {  	[smem:$0x3FAF] =	sst s10  }
0x32: {  	s10 =	sld [smem:$0x3FAD];
	_ =	sdelay $0x3  }
0x33: {  	p0 =	seq.s32 s10, $0x1;
	s10 =	sld [smem:$0x3FAF];
	_ =	sdelay $0x3  }
0x34: {  	[smem:$0x3FAF] =	sst s10  }
0x35: {  	s10 =	sld [smem:$0x3FAE];
	_ =	sdelay $0x3  }
0x36: {  	p1 =	seq.s32 s10, $0x1;
	s10 =	sld [smem:$0x3FAF];
	_ =	sdelay $0x3  }
0x37: {  	[smem:$0x3FAF] =	sst s10  }
0x38: {  	s10 =	sld [smem:$0x3FB0]  }
0x39: {  	_ = 	snop;
	(pc) =	sbr.ind lr, $3  }
0x3a: {  	_ = 	snop  }
0x3b: {  	_ = 	snop  }
0x3c: {  	p2 =	seq.s32 s10, $0x1;
	s10 =	sld [smem:$0x3FAF]  }
0x3d: {  	_ =	shalt  }
0x3e: {  	_ =	shalt  }
0x3f: {  	_ =	shalt  }
0x40: {  	_ =	shalt  }
0x41: {  	_ =	shalt  }
0x42: {  	_ =	shalt  }
0x43: {  	_ =	shalt  }
0x44: {  	_ =	shalt  }
0x45: {  	_ =	shalt  }
0x46: {  	_ =	shalt  }
0x47: {  	_ =	shalt  }
0x48: {  	_ =	shalt  }
0x49: {  	_ =	shalt  }
0x4a: {  	_ =	shalt  }
0x4b: {  	_ =	shalt  }
0x4c: {  	_ =	shalt  }
0x4d: {  	_ =	shalt  }
0x4e: {  	_ =	shalt  }
0x4f: {  	_ =	shalt  }
0x50: {  	_ =	shalt  }
0x51: {  	_ =	shalt  }
0x52: {  	_ =	shalt  }
0x53: {  	_ =	shalt  }
0x54: {  	_ =	shalt  }
0x55: {  	_ =	shalt  }
0x56: {  	_ =	shalt  }
0x57: {  	_ =	shalt  }
0x58: {  	_ =	shalt  }
0x59: {  	_ =	shalt  }
0x5a: {  	_ =	shalt  }
0x5b: {  	_ =	shalt  }
0x5c: {  	_ =	shalt  }
0x5d: {  	_ =	shalt  }
0x5e: {  	_ =	shalt  }
0x5f: {  	_ =	shalt  }
0x60: {  	_ =	shalt  }
0x61: {  	_ =	shalt  }
0x62: {  	_ =	shalt  }
0x63: {  	_ =	shalt  }
0x64: {  	_ =	shalt  }
0x65: {  	_ =	shalt  }
0x66: {  	_ =	shalt  }
0x67: {  	_ =	shalt  }
0x68: {  	_ =	shalt  }
0x69: {  	_ =	shalt  }
0x6a: {  	_ =	shalt  }
0x6b: {  	_ =	shalt  }
0x6c: {  	_ =	shalt  }
0x6d: {  	_ =	shalt  }
0x6e: {  	_ =	shalt  }
0x6f: {  	_ =	shalt  }
0x70: {  	_ =	shalt  }
0x71: {  	_ =	shalt  }
0x72: {  	_ =	shalt  }
0x73: {  	_ =	shalt  }
0x74: {  	_ =	shalt  }
0x75: {  	_ =	shalt  }
0x76: {  	_ =	shalt  }
0x77: {  	_ =	shalt  }
0x78: {  	_ =	shalt  }
0x79: {  	_ =	shalt  }
0x7a: {  	_ =	shalt  }
0x7b: {  	_ =	shalt  }
0x7c: {  	_ =	shalt  }
0x7d: {  	_ =	shalt  }
0x7e: {  	_ =	shalt  }
0x7f: {  	_ =	shalt  }
0x80: {  	_ =	shalt  }
0x81: {  	_ =	shalt  }
0x82: {  	_ =	shalt  }
0x83: {  	_ =	shalt  }
0x84: {  	_ =	shalt  }
0x85: {  	_ =	shalt  }
0x86: {  	_ =	shalt  }
0x87: {  	_ =	shalt  }
.Lfunc_end0:
.L_simem_size_0:
called_computation_lowered:
.L_overlay_start_0:
0x88: {  	s2 =	sld [smem:$0x3FD9]  }
0x89: {  	s3 =	sld [smem:$0x3FFE];
	_ =	sdelay $0x1  }
0x8a: {  	s1 =	srdreg.scid  }
0x8b: {  	s0 =	sand.u32 $0x1, s1  }
0x8c: {  	s17 =	sshll.u32 s0, $0xA;
	s2 =	sadd.s32 s3, s2  }
0x8d: {  	s2 =	sadd.s32 s2, s17  }
0x8e: {  	[smem:$0x3FBB] =	sst s2  }
0x8f: {  	_ = 	snop  }
0x90: {  	s18 =	sld [smem:$0x3FD0];
	(tm) =	ssettm $0x1  }
0x91: {  	s19 =	sld [smem:$0x3FFB];
	_ =	sdelay $0x3  }
0x92: {  	_ =	strace s19  }
0x93: {  	s2 =	sld [smem:$0x3FFC];
	_ =	sdelay $0x3  }
0x94: {  	_ =	strace s2  }
0x95: {  	s2 =	sld [smem:$0x3FFD];
	_ =	sdelay $0x3  }
0x96: {  	_ =	strace s2  }
0x97: {  	_ =	strace $0x8FFFFFFF  }
0x98: {  	s20 =	sld [smem:$0x3FDB];
	_ =	sdelay $0x1  }
0x99: {  	s4 =	simm.s32 $_scs_section_size  }
0x9a: {  	s5 =	simm.s32 $_size__tile_overlayer_lowered;
	s6 =	simm.s32 $_tile_overlayer_lowered  }
0x9b: {  	s7 =	simm.s32 $0x1BFF;
	s21 =	sshll.u32 s6, $0x1;
	s4 =	sadd.s32 s4, s20  }
0x9c: {  	s22 =	simm.s32 $0x0;
	s5 =	sshll.u32 s5, $0x1;
	s6 =	sadd.s32 s21, s4  }
0x9d: {  	[timem:s22], [sflag:s7] =	dma.local [hbm:s6], s5  }
0x9e: {  	_ =	swait.ge [sflag:s7], s5  }
0x9f: {  	s5 =	ssub.s32 $0x0, s5;
	[sflag:s7] =	ssyncset.done $0x0  }
0xa0: {  	[sflag:s7] =	ssyncadd.s32 s5;
	_ =	sdelay $0x1  }
0xa1: {  	s23 =	simm.s32 $0x1B8B  }
0xa2: {  	_ =	swait.ge [sflag:s23], $0x1  }
0xa3: {  	[sflag:s23] =	ssyncset.done $0x0  }
0xa4: {  	[sflag:s23] =	ssyncadd.s32 $0xFFFFFFFF  }
0xa5: {  	s5 =	sld [smem:$0x0]  }
0xa6: {  	s6 =	sand.u32 $0xFFFFFFFE, s1  }
0xa7: {  	p0 =	sne.s32 s1, s6  }
0xa8: {  	s6 =	sshll.u32 @p0 s6, $0xE  }
0xa9: {  	s6 =	sadd.s32 @p0 $0x11B8D, s6;
	s7 =	sshll.u32 @p0 s5, $0x11  }
0xaa: {  	s6 =	sor.u32 @p0 s7, s6  }
0xab: {  	[sflag:s6] =	ssyncadd.remote.s32 @p0 $0x1;
	_ =	sdelay $0x1  }
0xac: {  	s6 =	simm.s32 @p0 $0x1B8D  }
0xad: {  	_ =	swait.eq @p0 [sflag:s6], $0x1  }
0xae: {  	[sflag:s6] =	ssyncadd.s32 @p0 $0xFFFFFFFF  }
0xaf: {  	s7 =	sshll.u32 @!p0 s1, $0xE  }
0xb0: {  	s7 =	sor.u32 @!p0 $0x4000, s7;
	s6 =	simm.s32 @!p0 $0x1B8D  }
0xb1: {  	s5 =	sshll.u32 @!p0 s5, $0x11;
	s7 =	sadd.s32 @!p0 $0x11B8D, s7;
	_ =	swait.eq @!p0 [sflag:s6], $0x1  }
0xb2: {  	s5 =	sor.u32 @!p0 s5, s7;
	[sflag:s6] =	ssyncadd.s32 @!p0 $0xFFFFFFFF  }
0xb3: {  	s25 =	simm.s32 $0x1B8E;
	s24 =	sld [smem:$0x3FFE];
	[sflag:s5] =	ssyncadd.remote.s32 @!p0 $0x1  }
0xb4: {  	s26 =	simm.s32 $execute0_lowered;
	[smem:$0x3FD2] =	sst s25  }
0xb5: {  	s6 =	sshll.u32 s26, $0x1;
	_ =	strace $0x80000049;
	[dreg:$0x1] =	wrdreg $0xFFFFFFFF  }
0xb6: {  	s28 =	simm.s32 $_size_execute0_lowered;
	s4 =	sadd.s32 s4, s6;
	[dreg:$0x0] =	wrdreg $0x0  }
0xb7: {  	s6 =	sshll.u32 s28, $0x1;
	[dreg:$0x2] =	wrdreg s4  }
0xb8: {  	[dreg:$0x3] =	wrdreg s6  }
0xb9: {  	[dreg:$0x4] =	wrdreg $0xC0  }
0xba: {  	_ =	task [dreg:s22], $0x5FFFF  }
0xbb: {  	[dreg:$0x1] =	wrdreg $0xFFFFFFFF  }
0xbc: {  	[dreg:$0x0] =	wrdreg $0x60  }
0xbd: {  	[dreg:$0x2] =	wrdreg s24  }
0xbe: {  	[dreg:$0x3] =	wrdreg s18  }
0xbf: {  	[dreg:$0x4] =	wrdreg $0x68000  }
0xc0: {  	[dreg:$0x5] =	wrdreg $0x9  }
0xc1: {  	_ =	task.clear_ibuf [dreg:s22], $0x6FFFF;
	_ =	strace $0x90000049  }
0xc2: {  	s29 =	simm.s32 $0x9;
	_ =	strace $0x8000004B  }
0xc3: {  	_ =	swait.ge [sflag:s29], $0x1  }
0xc4: {  	[sflag:s29] =	ssyncadd.s32 $0xFFFFFFFF  }
0xc5: {  	_ =	strace $0x9000004B  }
0xc6: {  	_ =	sfence  }
0xc7: {  	s30 =	sld [smem:$0x0];
	_ =	sdelay $0x2  }
0xc8: {  	s31 =	sshll.u32 s1, $0xD;
	s1 =	sshrl.u32 s1, $0x2  }
0xc9: {  	s4 =	sand.u32 $0x4000, s31;
	s1 =	sadd.s32 s1, s30  }
0xca: {  	s0 =	sor.u32 s4, s0;
	s1 =	sshll.u32 s1, $0x11  }
0xcb: {  	s0 =	sor.u32 s1, s0  }
0xcc: {  	s0 =	sadd.s32 $0x8F2B, s0  }
0xcd: {  	[sflag:s0] =	ssyncadd.remote.s32 $0x1  }
0xce: {  	_ =	sfence.sel $0xFFFF  }
0xcf: {  	[dreg:$0x0] =	wrdreg $0xFFFFFFFF;
	(pc) =	sbr.abs _section_cstart, $3  }
0xd0: {  	[dreg:$0x1] =	wrdreg $0xFFFFFFFF  }
0xd1: {  	_ =	task.clear_ibuf [dreg:s22], $0x2FFFF;
	_ =	strace $0x9FFFFFFF  }
0xd2: {  	(tm) =	ssettm $0x7FFFFFFF  }
0xd3: {  	_ =	shalt  }
tec
execute0_lowered:
.L_overlay_start_1:
0x0: {  	(tag) =	ssettag $0x1  }
0x1: {  	s6 =	rddreg [dreg:$0x0]  }
0x2: {  	s2 =	rddreg [dreg:$0x1];
	s0 =	srdreg.scid  }
0x3: {  	s3 =	rddreg [dreg:$0x2];
	s1 =	stileid.u32  }
0x4: {  	s4 =	simm.s32 $0x0;
	s12 =	simm.s32 $0x4000;
	s13 =	simm.s32 $0x50  }
0x5: {  	s14 =	simm.s32 $0x80;
	s15 =	simm.s32 $0x100;
	s16 =	simm.s32 $0x180  }
0x6: {  	s17 =	simm.s32 $0x200;
	s18 =	simm.s32 $0x280;
	s19 =	simm.s32 $0x300  }
0x7: {  	s20 =	simm.s32 $0x380;
	s21 =	simm.s32 $0x1;
	s22 =	simm.s32 $0x0  }
0x8: {  	s7 =	sand.u32 $0x1, s0;
	s0 =	rddreg [dreg:$0x3];
	s8 =	smul.u32 $0x14000, s1  }
0x9: {  	[smem:$0x7FF] =	sst s4;
	s9 =	sshll.u32 s1, $0xB;
	s11 =	smul.u32 $0x50000, s1  }
0xa: {  	s31 =	sshll.u32 s1, $0x6;
	s5 =	smul.u32 $0x140000, s7;
	_ =	strace $0x8000004A  }
0xb: {  	s9 =	sadd.s32 s9, s6;
	s10 =	ssub.s32 $0x2, s7;
	s7 =	sshll.u32 s7, $0xF  }
0xc: {  	s28 =	sshrl.u32 s10, $0x1;
	s7 =	sadd.s32 s7, s9;
	s30 =	sshrl.u32 s11, $0x2  }
0xd: {  	s9 =	simm.s32 $0x2;
	s8 =	sadd.s32 s8, s5;
	s5 =	sadd.s32 $0xABE00, s6  }
0xe: {  	s29 =	ssub.s32 s10, s28;
	s11 =	sadd.s32 s30, s3;
	s8 =	sshrl.u32 s8, $0x3  }
0xf: {  	s10 =	sor.u32 $0x1C02, s31;
	s11 =	sshrl.u32 s11, $0x3;
	s8 =	sadd.s32 s8, s6  }
0x10: {  	s6 =	sadd.s32 $0x9BE00, s7;
	s7 =	sadd.s32 $0xAE600, s8;
	s8 =	smax.u32 s29, $0x1  }
.LBB2_1:
0x11: {  	[tilespmem:s4], [sflag:$0x2] =	stream.linear.gather [hbm4b:s6+s4], $0x3E80, $0x38;
	[tilespmem:$0x1A800] =	vst v63  }
0x12: {  	_ =	swait.ge [sflag:s9], $0x3E80  }
0x13: {  	[sflag:s9] =	ssyncset.done $0x0  }
0x14: {  	[sflag:s9] =	ssyncadd.s32 $0xFFFFC180  }
0x15: {  	[spmem:s11], [sflag:s10] =	dma.local [hbm:s5], $0x2800  }
0x16: {  	_ =	swait.ge [sflag:s9], $0x2800  }
0x17: {  	[sflag:s9] =	ssyncset.done $0x0  }
0x18: {  	[sflag:s9] =	ssyncadd.s32 $0xFFFFD800  }
0x19: {  	[tilespmem:s12], [sflag:$0x2] =	stream.linear.gather [hbm4b:s2+s4], $0x2800, $0x38;
	[tilespmem:$0x1A800] =	vst v63  }
0x1a: {  	_ =	swait.ge [sflag:s9], $0x2800  }
0x1b: {  	[sflag:s9] =	ssyncset.done $0x0  }
0x1c: {  	[sflag:s9] =	ssyncadd.s32 $0xFFFFD800  }
0x1d: {  	[bflag:$0x0] =	sbarrier.arrive $0xFFFF  }
0x1e: {  	[spmem:s3] =	stream.indirect.scatter.add.f32 [tilespmem:s12], [sflag:$0x1], $0x80, s4, s13, $0xb8;
	[tilespmem:$0x1A800] =	vst v63  }
0x1f: {  	_ = 	snop  }
0x20: {  	[spmem:s3] =	stream.indirect.scatter.add.f32 [tilespmem:s12], [sflag:$0x1], $0x80, s14, s13, $0xb8;
	[tilespmem:$0x1A800] =	vst v63  }
0x21: {  	_ = 	snop  }
0x22: {  	[spmem:s3] =	stream.indirect.scatter.add.f32 [tilespmem:s12], [sflag:$0x1], $0x80, s15, s13, $0xb8;
	[tilespmem:$0x1A800] =	vst v63  }
0x23: {  	_ = 	snop  }
0x24: {  	[spmem:s3] =	stream.indirect.scatter.add.f32 [tilespmem:s12], [sflag:$0x1], $0x80, s16, s13, $0xb8;
	[tilespmem:$0x1A800] =	vst v63  }
0x25: {  	_ = 	snop  }
0x26: {  	[spmem:s3] =	stream.indirect.scatter.add.f32 [tilespmem:s12], [sflag:$0x1], $0x80, s17, s13, $0xb8;
	[tilespmem:$0x1A800] =	vst v63  }
0x27: {  	_ = 	snop  }
0x28: {  	[spmem:s3] =	stream.indirect.scatter.add.f32 [tilespmem:s12], [sflag:$0x1], $0x80, s18, s13, $0xb8;
	[tilespmem:$0x1A800] =	vst v63  }
0x29: {  	_ = 	snop  }
0x2a: {  	[spmem:s3] =	stream.indirect.scatter.add.f32 [tilespmem:s12], [sflag:$0x1], $0x80, s19, s13, $0xb8;
	[tilespmem:$0x1A800] =	vst v63  }
0x2b: {  	_ = 	snop  }
0x2c: {  	[spmem:s3] =	stream.indirect.scatter.add.f32 [tilespmem:s12], [sflag:$0x1], $0x80, s20, s13, $0xb8;
	[tilespmem:$0x1A800] =	vst v63  }
0x2d: {  	s23 =	simm.s32 $0x400  }
0x2e: {  	[spmem:s3] =	stream.indirect.scatter.add.f32 [tilespmem:s12], [sflag:$0x1], $0x80, s23, s13, $0xb8;
	[tilespmem:$0x1A800] =	vst v63  }
0x2f: {  	_ =	swait.ge [sflag:s21], $0x2800  }
0x30: {  	s23 =	simm.s32 $0x1200;
	[sflag:s21] =	ssyncset.done $0x0  }
.LBB2_2:
0x31: {  	s24 =	sshra.s32 s23, $0x2;
	[sflag:s21] =	ssyncadd.s32 $0xFFFFD800;
	p0 =	sne.s32 s23, $0xF800  }
0x32: {  	[spmem:s3] =	stream.indirect.scatter.add.f32 [tilespmem:s12], [sflag:$0x1], $0x80, s24, s13, $0xb8;
	[tilespmem:$0x1A800] =	vst v63  }
.Ltmp0:
0x33: {  	_ = 	snop;
	(pc) =	sbr.rel @p0 .LBB2_2-.Ltmp0, $4  }
0x34: {  	_ = 	snop  }
0x35: {  	s23 =	sadd.s32 $0x200, s23  }
0x36: {  	_ =	swait.ge [sflag:s21], $0x2800  }
0x37: {  	[sflag:s21] =	ssyncset.done $0x0  }
0x38: {  	[sflag:s21] =	ssyncadd.s32 $0xFFFFD800  }
0x39: {  	_ =	swait.ge [sflag:s21], $0x2800  }
0x3a: {  	[sflag:s21] =	ssyncset.done $0x0  }
0x3b: {  	[sflag:s21] =	ssyncadd.s32 $0xFFFFD800  }
0x3c: {  	_ =	swait.ge [sflag:s21], $0x2800  }
0x3d: {  	[sflag:s21] =	ssyncset.done $0x0  }
0x3e: {  	[sflag:s21] =	ssyncadd.s32 $0xFFFFD800  }
0x3f: {  	_ =	swait.ge [sflag:s21], $0x2800  }
0x40: {  	[sflag:s21] =	ssyncset.done $0x0  }
0x41: {  	[sflag:s21] =	ssyncadd.s32 $0xFFFFD800  }
0x42: {  	_ =	swait.ge [sflag:s21], $0x2800  }
0x43: {  	[sflag:s21] =	ssyncset.done $0x0  }
0x44: {  	[sflag:s21] =	ssyncadd.s32 $0xFFFFD800  }
0x45: {  	_ =	swait.ge [sflag:s21], $0x2800  }
0x46: {  	[sflag:s21] =	ssyncset.done $0x0  }
0x47: {  	[sflag:s21] =	ssyncadd.s32 $0xFFFFD800  }
0x48: {  	_ =	swait.ge [sflag:s21], $0x2800  }
0x49: {  	[sflag:s21] =	ssyncset.done $0x0  }
0x4a: {  	[sflag:s21] =	ssyncadd.s32 $0xFFFFD800  }
0x4b: {  	_ =	swait.ge [sflag:s21], $0x2800  }
0x4c: {  	[sflag:s21] =	ssyncset.done $0x0  }
0x4d: {  	[sflag:s21] =	ssyncadd.s32 $0xFFFFD800  }
0x4e: {  	_ =	swait.ge [sflag:s21], $0x2800  }
0x4f: {  	s22 =	sadd.s32 $0x1, s22;
	[sflag:s21] =	ssyncset.done $0x0  }
0x50: {  	p0 =	sne.s32 s22, s8;
	[sflag:s21] =	ssyncadd.s32 $0xFFFFD800  }
.Ltmp1:
0x51: {  	[bflag:$0x0] =	sbarrier.arrive $0xFFFF;
	(pc) =	sbr.rel @p0 .LBB2_1-.Ltmp1, $4  }
0x52: {  	[hbm:s7], [sflag:s10] =	dma.local [spmem:s11], $0x2800  }
0x53: {  	_ =	swait.ge [sflag:s9], $0x2800  }
0x54: {  	[sflag:s9] =	ssyncset.done $0x0  }
0x55: {  	[sflag:s9] =	ssyncadd.s32 $0xFFFFD800  }
0x56: {  	_ =	sfence.sel $0x180000  }
0x57: {  	[bflag:$0x0] =	sbarrier.arrive $0xFFFF  }
0x58: {  	p0 =	sne.s32 s1, $0x0;
	_ =	strace $0x9000004A  }
0x59: {  	s0 =	sadd.s32 @!p0 $0x100000, s0;
	[bflag:$0x2] =	sbarrier.arrive $0xFFFF  }
0x5a: {  	[sflag:s0] =	ssyncadd.tile.s32 @!p0 $0x1;
	_ =	shalt  }
.Lfunc_end2:
_tile_overlayer_lowered:
.L_overlay_start_2:
0x5b: {  	(tag) =	ssettag $0x2  }
0x5c: {  	s0 =	rddreg [dreg:$0x0];
	s2 =	stileid.u32  }
0x5d: {  	s1 =	rddreg [dreg:$0x1];
	p0 =	sne.s32 s2, $0x0  }
0x5e: {  	s3 =	rddreg [dreg:$0x2];
	[bflag:$0x3] =	sbarrier.arrive $0xFFFF;
	s2 =	simm.s32 @!p0 $0x1C02  }
0x5f: {  	[timem:s3], [sflag:s2] =	dma.local @!p0 [hbm:s0], s1  }
0x60: {  	s0 =	simm.s32 @!p0 $0x2  }
0x61: {  	_ =	swait.ge @!p0 [sflag:s0], s1  }
0x62: {  	s1 =	ssub.s32 @!p0 $0x0, s1;
	[sflag:s0] =	ssyncset.done @!p0 $0x0  }
0x63: {  	[sflag:s0] =	ssyncadd.s32 @!p0 s1  }
0x64: {  	[bflag:$0x3] =	sbarrier.arrive $0xFFFF  }
0x65: {  	_ =	shalt  }

</sc_bundles>
